<compile_context>
chip_gen: v7x
topology: tpu7x:2x2x1
jax: 0.10.2.dev20260603
libtpu: 0.0.44.dev20260713+nightly
codegen_flags: <defaults>
</compile_context>

<pallas_src>
import functools

import jax
import jax.numpy as jnp
from jax import lax
from jax.experimental import pallas as pl
from jax.experimental.pallas import tpu as pltpu
from jax.experimental.pallas import tpu_sc as plsc

N = 10000
D = 128
E = 320000
NP = 10240
NR = NP // 128
NCORES = 1
NW = NCORES * 16
CHUNK = 64
SUP = 8
NSUP = -(-(E + N) // (NW * SUP * CHUNK))
PER_W = NSUP * SUP * CHUNK
ROWS_PER_TILE = NP // 16

_f32 = jnp.float32
_i32 = jnp.int32



def _sc_conv_body(h_h, xnb_h, src_h, dst_h, zz_h, acc_out, s_out,
                  sidx, didx, xnda, ysa, xndb, ysb, swacc, acc_sh,
                  sem1, sem2, sem3, sem4):
    cid = lax.axis_index("c")
    sid = lax.axis_index("s")
    wid = sid * NCORES + cid

    pltpu.sync_copy(zz_h.at[pl.ds(0, NR)], swacc)
    row0 = sid * ROWS_PER_TILE
    pltpu.sync_copy(zz_h.at[pl.ds(row0, ROWS_PER_TILE)],
                    acc_sh.at[pl.ds(row0, ROWS_PER_TILE)])
    plsc.subcore_barrier()

    lanes = jnp.arange(16, dtype=_i32)
    seven = jnp.full((16,), 7, _i32)
    low7 = jnp.full((16,), 127, _i32)
    magic = jnp.full((16,), 0x5F3759DF, _i32)
    half = jnp.full((16,), 0.5, _f32)
    threehalf = jnp.full((16,), 1.5, _f32)
    onehot = [lanes == jnp.full((16,), k, _i32) for k in range(16)]

    def compute_chunk(c, xnd, ys):
        def group_body(g, gg):
            rows = lanes + g * 16
            dvals = didx[c, pl.ds(g * 16, 16)]

            def dot_step(t, a):
                accs = list(a)
                for k in range(8):
                    dv = (jnp.full((16,), t * 8 + k, dtype=_i32)
                          + lanes) & low7
                    xs = plsc.load_gather(ys, [rows, dv])
                    xd = plsc.load_gather(xnd, [rows, dv])
                    p = k % 2
                    accs[p] = accs[p] + xs * xd
                    accs[2 + p] = accs[2 + p] + xs * xs
                return tuple(accs)
            z16 = jnp.zeros((16,), _f32)
            d0, d1, n0, n1 = lax.fori_loop(
                0, 16, dot_step, (z16, z16, z16, z16), unroll=2)
            dotv = d0 + d1
            nrmv = n0 + n1

            y = plsc.bitcast(
                magic - lax.shift_right_logical(
                    plsc.bitcast(nrmv, _i32), jnp.full((16,), 1, _i32)),
                _f32)
            hn = half * nrmv
            for _ in range(3):
                y = y * (threehalf - hn * y * y)
            w = jnp.exp(dotv * y)

            dr = dvals >> seven
            dc = dvals & low7
            for k in range(16):
                plsc.addupdate_scatter(swacc, [dr, dc], w, mask=onehot[k])

            def scale_step(t, ss):
                for k in range(8):
                    dv = (jnp.full((16,), t * 8 + k, dtype=_i32)
                          + lanes) & low7
                    v = plsc.load_gather(ys, [rows, dv])
                    plsc.store_scatter(ys, [rows, dv], v * w)
                return ss
            lax.fori_loop(0, 16, scale_step, 0, unroll=2)
            return gg
        lax.fori_loop(0, CHUNK // 16, group_body, 0, unroll=False)
        pltpu.sync_copy(ys, acc_sh.at[didx.at[c]], add=True)

    def start_chunk(c, xnd, ys, s1, s2):
        pltpu.async_copy(xnb_h.at[didx.at[c]], xnd, s1)
        pltpu.async_copy(h_h.at[sidx.at[c]], ys, s2)

    def wait_chunk(xnd, ys, s1, s2):
        pltpu.make_async_copy(xnb_h.at[didx.at[0]], xnd, s1).wait()
        pltpu.make_async_copy(h_h.at[sidx.at[0]], ys, s2).wait()

    def sup_body(sj, carry):
        pltpu.sync_copy(src_h.at[wid, sj], sidx)
        pltpu.sync_copy(dst_h.at[wid, sj], didx)
        start_chunk(0, xnda, ysa, sem1, sem2)

        def pair_body(pp, cc):
            c0 = 2 * pp
            wait_chunk(xnda, ysa, sem1, sem2)
            start_chunk(c0 + 1, xndb, ysb, sem3, sem4)
            compute_chunk(c0, xnda, ysa)
            wait_chunk(xndb, ysb, sem3, sem4)
            start_chunk(c0 + 2, xnda, ysa, sem1, sem2)
            compute_chunk(c0 + 1, xndb, ysb)
            return cc
        lax.fori_loop(0, SUP // 2 - 1, pair_body, 0, unroll=False)

        wait_chunk(xnda, ysa, sem1, sem2)
        start_chunk(SUP - 1, xndb, ysb, sem3, sem4)
        compute_chunk(SUP - 2, xnda, ysa)
        wait_chunk(xndb, ysb, sem3, sem4)
        compute_chunk(SUP - 1, xndb, ysb)
        return carry

    lax.fori_loop(0, NSUP, sup_body, 0, unroll=False)
    plsc.subcore_barrier()

    pltpu.sync_copy(acc_sh.at[pl.ds(row0, ROWS_PER_TILE)],
                    acc_out.at[cid, pl.ds(row0, ROWS_PER_TILE)])
    pltpu.sync_copy(swacc, s_out.at[cid, sid])


_sc_conv = functools.partial(
    pl.kernel,
    out_type=(jax.ShapeDtypeStruct((NCORES, NP, D), _f32),
              jax.ShapeDtypeStruct((NCORES, 16, NR, 128), _f32)),
    mesh=plsc.VectorSubcoreMesh(core_axis_name="c", subcore_axis_name="s",
                                num_cores=NCORES),
    compiler_params=pltpu.CompilerParams(needs_layout_passes=False),
    scratch_types=[
        pltpu.VMEM((SUP, CHUNK), _i32),
        pltpu.VMEM((SUP, CHUNK), _i32),
        pltpu.VMEM((CHUNK, D), _f32),
        pltpu.VMEM((CHUNK, D), _f32),
        pltpu.VMEM((CHUNK, D), _f32),
        pltpu.VMEM((CHUNK, D), _f32),
        pltpu.VMEM((NR, 128), _f32),
        pltpu.VMEM_SHARED((NP, D), _f32),
        pltpu.SemaphoreType.DMA,
        pltpu.SemaphoreType.DMA,
        pltpu.SemaphoreType.DMA,
        pltpu.SemaphoreType.DMA,
    ],
)(_sc_conv_body)



def _norm_outputs(hv, beta_ref, y_ref, xnb_ref):
    n2 = jnp.sum(hv * hv, axis=1, keepdims=True)
    rn = 1.0 / jnp.maximum(jnp.sqrt(n2), 1e-12)
    y_ref[...] = hv
    xnb_ref[...] = hv * (rn * beta_ref[0:1, 0:1])


def _prep_body(beta_ref, x_ref, wt_ref, b_ref, res_ref, y_ref, xnb_ref):
    x = x_ref[...]
    res_ref[...] = (jnp.dot(x, wt_ref[...], preferred_element_type=_f32)
                    + b_ref[...])
    _norm_outputs(x, beta_ref, y_ref, xnb_ref)


def _combine(acc_ref, s_ref):
    a = acc_ref[0]
    for c in range(1, NCORES):
        a = a + acc_ref[c]
    i = pl.program_id(0)
    off = (i % 4) * 2
    sblk = s_ref[0, :, pl.ds(off, 2), :]
    for c in range(1, NCORES):
        sblk = sblk + s_ref[c, :, pl.ds(off, 2), :]
    ssum = jnp.sum(sblk, axis=0)
    eye = jnp.eye(128, dtype=_f32)
    cols = [lax.dot_general(eye, ssum[r:r + 1], (((1,), (1,)), ((), ())),
                            preferred_element_type=_f32)
            for r in range(2)]
    s = jnp.concatenate(cols, axis=0)
    return a / s


def _mid_body(beta_ref, rflag_ref, acc_ref, s_ref, y_ref, xnb_ref):
    hv = _combine(acc_ref, s_ref)
    hv = jnp.where(rflag_ref[0:1, 0:1] > 0.0, jnp.maximum(hv, 0.0), hv)
    _norm_outputs(hv, beta_ref, y_ref, xnb_ref)


def _final_body(acc_ref, s_ref, res_ref, out_ref):
    hv = _combine(acc_ref, s_ref)
    out_ref[...] = jnp.maximum(hv + res_ref[...], 0.0)


_ROWS = 256
_GRID = NP // _ROWS

_norm_out_shapes = [
    jax.ShapeDtypeStruct((NP, D), _f32),
    jax.ShapeDtypeStruct((NP, D), _f32),
]
_norm_out_specs = [
    pl.BlockSpec((_ROWS, D), lambda i: (i, 0)),
    pl.BlockSpec((_ROWS, D), lambda i: (i, 0)),
]
_beta_spec = pl.BlockSpec((1, 128), lambda i: (0, 0))
_acc_spec = pl.BlockSpec((NCORES, _ROWS, D), lambda i: (0, i, 0))
_s_spec = pl.BlockSpec((NCORES, 16, 8, 128), lambda i: (0, 0, i // 4, 0))

_tc_prep = pl.pallas_call(
    _prep_body,
    grid=(_GRID,),
    in_specs=[
        _beta_spec,
        pl.BlockSpec((_ROWS, D), lambda i: (i, 0)),
        pl.BlockSpec((D, D), lambda i: (0, 0)),
        pl.BlockSpec((1, D), lambda i: (0, 0)),
    ],
    out_specs=[pl.BlockSpec((_ROWS, D), lambda i: (i, 0))] + _norm_out_specs,
    out_shape=[jax.ShapeDtypeStruct((NP, D), _f32)] + _norm_out_shapes,
)

_tc_mid = pl.pallas_call(
    _mid_body,
    grid=(_GRID,),
    in_specs=[_beta_spec, _beta_spec, _acc_spec, _s_spec],
    out_specs=_norm_out_specs,
    out_shape=_norm_out_shapes,
)

_tc_final = pl.pallas_call(
    _final_body,
    grid=(_GRID,),
    in_specs=[_acc_spec, _s_spec, pl.BlockSpec((_ROWS, D), lambda i: (i, 0))],
    out_specs=pl.BlockSpec((_ROWS, D), lambda i: (i, 0)),
    out_shape=jax.ShapeDtypeStruct((NP, D), _f32),
)



def kernel(x, edge_index, W, b, betas):
    x = x.astype(_f32)
    xp = jnp.zeros((NP, D), _f32).at[:N].set(x)

    loops = jnp.arange(N, dtype=_i32)
    src = jnp.concatenate([edge_index[0].astype(_i32), loops])
    dst = jnp.concatenate([edge_index[1].astype(_i32), loops])
    pad = NW * PER_W - src.shape[0]
    padv = jnp.full((pad,), N, dtype=_i32)
    srcp = jnp.concatenate([src, padv]).reshape(NW, NSUP, SUP, CHUNK)
    dstp = jnp.concatenate([dst, padv]).reshape(NW, NSUP, SUP, CHUNK)

    wt = W.astype(_f32).T
    b2 = b.astype(_f32).reshape(1, D)
    zz = jnp.zeros((NP, D), _f32)
    brow = [jnp.broadcast_to(betas[i].astype(_f32), (1, 128)) for i in range(3)]

    res, y, xnb = _tc_prep(brow[0], xp, wt, b2)

    def layer(carry, xs):
        y, xnb, _, _ = carry
        brow_next, rflag = xs
        acc, s = _sc_conv(y, xnb, srcp, dstp, zz)
        y2, xnb2 = _tc_mid(brow_next, rflag, acc, s)
        return (y2, xnb2, acc, s), None

    ones = jnp.ones((1, 128), _f32)
    brow_next = jnp.stack([brow[1], brow[2], brow[2]])
    rflags = jnp.stack([ones, 0.0 * ones, 0.0 * ones])
    acc0 = jnp.zeros((NCORES, NP, D), _f32)
    s0 = jnp.zeros((NCORES, 16, NR, 128), _f32)
    carry0 = (y, xnb, acc0, s0)
    (_, _, acc, s), _ = lax.scan(layer, carry0, (brow_next, rflags))
    out = _tc_final(acc, s, res)
    return out[:N]

# --- scband reference (transcript-rebuilt; emitter-appended) ---
"""Pipeline reference for scband-agnnmodel-35639638622732 (READ-ONLY COPY).

The authoritative reference and input builder live on the scoring server;
editing this copy changes nothing except your own understanding.
"""

import jax, jax.numpy as jnp
import numpy as np

N = 10000
D = 128
E = 320000
NUM_LAYERS = 3


def setup_inputs(seed: int = 0):
    key = jax.random.key(seed)
    k1, k2, k3 = jax.random.split(key, 3)
    x = jax.random.normal(k1, (N, D), dtype=jnp.float32)
    edge_index = jax.random.randint(k2, (2, E), 0, N)
    # Learned params: Linear(in=D, out=D) and one learnable beta scalar per AGNNConv
    W = jax.random.normal(k3, (D, D), dtype=jnp.float32) * (1.0 / np.sqrt(D))
    b = jnp.zeros((D,), dtype=jnp.float32)
    betas = jnp.ones((NUM_LAYERS,), dtype=jnp.float32)  # AGNNConv resets beta to 1
    return {"x": x, "edge_index": edge_index, "W": W, "b": b, "betas": betas}


def _agnn_conv(x, src, dst, beta, n):
    # F.normalize(x, p=2, dim=-1) with eps=1e-12
    norm = jnp.maximum(jnp.linalg.norm(x, axis=-1, keepdims=True), 1e-12)
    xn = x / norm
    # alpha_e = beta * <x_norm_i, x_norm_j>, i = dst, j = src
    logits = beta * jnp.sum(xn[dst] * xn[src], axis=-1)
    # softmax over incoming edges grouped by dst node
    m = jax.ops.segment_max(logits, dst, num_segments=n)
    e = jnp.exp(logits - m[dst])
    s = jax.ops.segment_sum(e, dst, num_segments=n)
    alpha = e / s[dst]
    # out_i = sum_j alpha_ij * x_j
    return jax.ops.segment_sum(x[src] * alpha[:, None], dst, num_segments=n)


def reference(x, edge_index, W, b, betas):
    n = x.shape[0]
    # AGNNConv adds self-loops by default
    loops = jnp.arange(n, dtype=edge_index.dtype)
    src = jnp.concatenate([edge_index[0], loops])
    dst = jnp.concatenate([edge_index[1], loops])

    res = x @ W.T + b
    h = _agnn_conv(x, src, dst, betas[0], n)
    h = jax.nn.relu(h)
    for l in range(1, NUM_LAYERS - 1):
        h = _agnn_conv(h, src, dst, betas[l], n)
    h = _agnn_conv(h, src, dst, betas[NUM_LAYERS - 1], n)
    return jax.nn.relu(h + res)

if __name__ == "__main__":
    import jax
    _d = setup_inputs()
    print(jax.jit(kernel)(*tuple(_d.values())))

</pallas_src>

<mosaic_0001>
#map = affine_map<(d0, d1) -> (0, 0)>
#map1 = affine_map<(d0, d1) -> (0, 0, 0, 0)>
#map2 = affine_map<(d0, d1) -> (0, 0, 0)>
module attributes {stable_mosaic.version = 14 : i64} {
  func.func @_sc_conv_body(%arg0: i32, %arg1: i32, %arg2: memref<10240x128xf32, #tpu.memory_space<hbm>>, %arg3: memref<10240x128xf32, #tpu.memory_space<hbm>>, %arg4: memref<16x41x8x64xi32, #tpu.memory_space<hbm>>, %arg5: memref<16x41x8x64xi32, #tpu.memory_space<hbm>>, %arg6: memref<10240x128xf32, #tpu.memory_space<hbm>>, %arg7: memref<1x10240x128xf32, #tpu.memory_space<hbm>>, %arg8: memref<1x16x80x128xf32, #tpu.memory_space<hbm>>, %arg9: memref<8x64xi32, #tpu.memory_space<vmem>>, %arg10: memref<8x64xi32, #tpu.memory_space<vmem>>, %arg11: memref<64x128xf32, #tpu.memory_space<vmem>>, %arg12: memref<64x128xf32, #tpu.memory_space<vmem>>, %arg13: memref<64x128xf32, #tpu.memory_space<vmem>>, %arg14: memref<64x128xf32, #tpu.memory_space<vmem>>, %arg15: memref<80x128xf32, #tpu.memory_space<vmem>>, %arg16: memref<10240x128xf32, #tpu.memory_space<vmem_shared>>, %arg17: memref<!tpu.dma_semaphore, #tpu.memory_space<semaphore_mem>>, %arg18: memref<!tpu.dma_semaphore, #tpu.memory_space<semaphore_mem>>, %arg19: memref<!tpu.dma_semaphore, #tpu.memory_space<semaphore_mem>>, %arg20: memref<!tpu.dma_semaphore, #tpu.memory_space<semaphore_mem>>) attributes {dimension_semantics = [#tpu.dimension_semantics<core_parallel>, #tpu.dimension_semantics<subcore_parallel>], iteration_bounds = array<i64: 1, 16>, scalar_prefetch = 0 : i64, scratch_operands = 12 : i64, tpu.core_type = #tpu.core_type<sc_vector_subcore>, window_params = [{transform_indices = #map}, {transform_indices = #map}, {transform_indices = #map1}, {transform_indices = #map1}, {transform_indices = #map}, {transform_indices = #map2}, {transform_indices = #map1}]} {
    %mul3A = arith.constant 1 : i32
    %mul3A_0 = arith.muli %arg1, %mul3A : i32
    %add3A = arith.addi %mul3A_0, %arg0 : i32
    "tpu.region"() ({
      %run_scoped3A = tpu.sem_alloc : memref<!tpu.dma_semaphore, #tpu.memory_space<semaphore_mem>>
      %dma_start3A = arith.constant 0 : i32
      %dma_start3A_65 = arith.constant 0 : i32
      %dma_start3A_66 = tpu.memref_slice %arg6[%dma_start3A, %dma_start3A_65] : memref<10240x128xf32, #tpu.memory_space<hbm>> -> memref<80x128xf32, #tpu.memory_space<hbm>>
      %dma_start3A_67 = arith.constant 0 : i32
      %dma_start3A_68 = arith.constant 0 : i32
      %dma_start3A_69 = tpu.memref_slice %arg6[%dma_start3A_67, %dma_start3A_68] : memref<10240x128xf32, #tpu.memory_space<hbm>> -> memref<80x128xf32, #tpu.memory_space<hbm>>
      tpu.enqueue_dma source(%dma_start3A_69 : memref<80x128xf32, #tpu.memory_space<hbm>>) target(%arg15 : memref<80x128xf32, #tpu.memory_space<vmem>>) target_semaphore(%run_scoped3A : memref<!tpu.dma_semaphore, #tpu.memory_space<semaphore_mem>>)
      %dma_wait3A = arith.constant 0 : i32
      %dma_wait3A_70 = arith.constant 0 : i32
      %dma_wait3A_71 = tpu.memref_slice %arg6[%dma_wait3A, %dma_wait3A_70] : memref<10240x128xf32, #tpu.memory_space<hbm>> -> memref<80x128xf32, #tpu.memory_space<hbm>>
      %dma_wait3A_72 = arith.constant 0 : i32
      %dma_wait3A_73 = arith.constant 0 : i32
      %dma_wait3A_74 = tpu.memref_slice %arg6[%dma_wait3A_72, %dma_wait3A_73] : memref<10240x128xf32, #tpu.memory_space<hbm>> -> memref<80x128xf32, #tpu.memory_space<hbm>>
      tpu.wait_dma2 semaphore(%run_scoped3A : memref<!tpu.dma_semaphore, #tpu.memory_space<semaphore_mem>>) src(%dma_wait3A_74 : memref<80x128xf32, #tpu.memory_space<hbm>>) dst(%arg15 : memref<80x128xf32, #tpu.memory_space<vmem>>)
      tpu.yield
    }) : () -> ()
    %mul3A_1 = arith.constant 640 : i32
    %mul3A_2 = arith.muli %arg1, %mul3A_1 : i32
    "tpu.region"() ({
      %run_scoped3A = tpu.sem_alloc : memref<!tpu.dma_semaphore, #tpu.memory_space<semaphore_mem>>
      %dma_start3A = arith.constant 0 : i32
      %dma_start3A_65 = tpu.memref_slice %arg16[%mul3A_2, %dma_start3A] : memref<10240x128xf32, #tpu.memory_space<vmem_shared>> -> memref<640x128xf32, #tpu.memory_space<vmem_shared>>
      %dma_start3A_66 = arith.constant 0 : i32
      %dma_start3A_67 = tpu.memref_slice %arg6[%mul3A_2, %dma_start3A_66] : memref<10240x128xf32, #tpu.memory_space<hbm>> -> memref<640x128xf32, #tpu.memory_space<hbm>>
      tpu.enqueue_dma source(%dma_start3A_67 : memref<640x128xf32, #tpu.memory_space<hbm>>) target(%dma_start3A_65 : memref<640x128xf32, #tpu.memory_space<vmem_shared>>) target_semaphore(%run_scoped3A : memref<!tpu.dma_semaphore, #tpu.memory_space<semaphore_mem>>)
      %dma_wait3A = arith.constant 0 : i32
      %dma_wait3A_68 = tpu.memref_slice %arg16[%mul3A_2, %dma_wait3A] : memref<10240x128xf32, #tpu.memory_space<vmem_shared>> -> memref<640x128xf32, #tpu.memory_space<vmem_shared>>
      %dma_wait3A_69 = arith.constant 0 : i32
      %dma_wait3A_70 = tpu.memref_slice %arg6[%mul3A_2, %dma_wait3A_69] : memref<10240x128xf32, #tpu.memory_space<hbm>> -> memref<640x128xf32, #tpu.memory_space<hbm>>
      tpu.wait_dma2 semaphore(%run_scoped3A : memref<!tpu.dma_semaphore, #tpu.memory_space<semaphore_mem>>) src(%dma_wait3A_70 : memref<640x128xf32, #tpu.memory_space<hbm>>) dst(%dma_wait3A_68 : memref<640x128xf32, #tpu.memory_space<vmem_shared>>)
      tpu.yield
    }) : () -> ()
    %barrier3A = arith.constant 0 : index
    tpu.barrier barrier_id(%barrier3A)
    %iota3A = tpu.iota {dimensions = array<i32: 0>} : vector<16xi32>
    %broadcast_in_dim3A = arith.constant 7 : i32
    %broadcast_in_dim3A_3 = vector.broadcast %broadcast_in_dim3A : i32 to vector<16xi32>
    %broadcast_in_dim3A_4 = arith.constant 127 : i32
    %broadcast_in_dim3A_5 = vector.broadcast %broadcast_in_dim3A_4 : i32 to vector<16xi32>
    %broadcast_in_dim3A_6 = arith.constant 1597463007 : i32
    %broadcast_in_dim3A_7 = vector.broadcast %broadcast_in_dim3A_6 : i32 to vector<16xi32>
    %broadcast_in_dim3A_8 = arith.constant 5.000000e-01 : f32
    %broadcast_in_dim3A_9 = vector.broadcast %broadcast_in_dim3A_8 : f32 to vector<16xf32>
    %broadcast_in_dim3A_10 = arith.constant 1.500000e+00 : f32
    %broadcast_in_dim3A_11 = vector.broadcast %broadcast_in_dim3A_10 : f32 to vector<16xf32>
    %broadcast_in_dim3A_12 = arith.constant 0 : i32
    %broadcast_in_dim3A_13 = vector.broadcast %broadcast_in_dim3A_12 : i32 to vector<16xi32>
    %eq3A = arith.cmpi eq, %iota3A, %broadcast_in_dim3A_13 : vector<16xi32>
    %broadcast_in_dim3A_14 = arith.constant 1 : i32
    %broadcast_in_dim3A_15 = vector.broadcast %broadcast_in_dim3A_14 : i32 to vector<16xi32>
    %eq3A_16 = arith.cmpi eq, %iota3A, %broadcast_in_dim3A_15 : vector<16xi32>
    %broadcast_in_dim3A_17 = arith.constant 2 : i32
    %broadcast_in_dim3A_18 = vector.broadcast %broadcast_in_dim3A_17 : i32 to vector<16xi32>
    %eq3A_19 = arith.cmpi eq, %iota3A, %broadcast_in_dim3A_18 : vector<16xi32>
    %broadcast_in_dim3A_20 = arith.constant 3 : i32
    %broadcast_in_dim3A_21 = vector.broadcast %broadcast_in_dim3A_20 : i32 to vector<16xi32>
    %eq3A_22 = arith.cmpi eq, %iota3A, %broadcast_in_dim3A_21 : vector<16xi32>
    %broadcast_in_dim3A_23 = arith.constant 4 : i32
    %broadcast_in_dim3A_24 = vector.broadcast %broadcast_in_dim3A_23 : i32 to vector<16xi32>
    %eq3A_25 = arith.cmpi eq, %iota3A, %broadcast_in_dim3A_24 : vector<16xi32>
    %broadcast_in_dim3A_26 = arith.constant 5 : i32
    %broadcast_in_dim3A_27 = vector.broadcast %broadcast_in_dim3A_26 : i32 to vector<16xi32>
    %eq3A_28 = arith.cmpi eq, %iota3A, %broadcast_in_dim3A_27 : vector<16xi32>
    %broadcast_in_dim3A_29 = arith.constant 6 : i32
    %broadcast_in_dim3A_30 = vector.broadcast %broadcast_in_dim3A_29 : i32 to vector<16xi32>
    %eq3A_31 = arith.cmpi eq, %iota3A, %broadcast_in_dim3A_30 : vector<16xi32>
    %broadcast_in_dim3A_32 = arith.constant 7 : i32
    %broadcast_in_dim3A_33 = vector.broadcast %broadcast_in_dim3A_32 : i32 to vector<16xi32>
    %eq3A_34 = arith.cmpi eq, %iota3A, %broadcast_in_dim3A_33 : vector<16xi32>
    %broadcast_in_dim3A_35 = arith.constant 8 : i32
    %broadcast_in_dim3A_36 = vector.broadcast %broadcast_in_dim3A_35 : i32 to vector<16xi32>
    %eq3A_37 = arith.cmpi eq, %iota3A, %broadcast_in_dim3A_36 : vector<16xi32>
    %broadcast_in_dim3A_38 = arith.constant 9 : i32
    %broadcast_in_dim3A_39 = vector.broadcast %broadcast_in_dim3A_38 : i32 to vector<16xi32>
    %eq3A_40 = arith.cmpi eq, %iota3A, %broadcast_in_dim3A_39 : vector<16xi32>
    %broadcast_in_dim3A_41 = arith.constant 10 : i32
    %broadcast_in_dim3A_42 = vector.broadcast %broadcast_in_dim3A_41 : i32 to vector<16xi32>
    %eq3A_43 = arith.cmpi eq, %iota3A, %broadcast_in_dim3A_42 : vector<16xi32>
    %broadcast_in_dim3A_44 = arith.constant 11 : i32
    %broadcast_in_dim3A_45 = vector.broadcast %broadcast_in_dim3A_44 : i32 to vector<16xi32>
    %eq3A_46 = arith.cmpi eq, %iota3A, %broadcast_in_dim3A_45 : vector<16xi32>
    %broadcast_in_dim3A_47 = arith.constant 12 : i32
    %broadcast_in_dim3A_48 = vector.broadcast %broadcast_in_dim3A_47 : i32 to vector<16xi32>
    %eq3A_49 = arith.cmpi eq, %iota3A, %broadcast_in_dim3A_48 : vector<16xi32>
    %broadcast_in_dim3A_50 = arith.constant 13 : i32
    %broadcast_in_dim3A_51 = vector.broadcast %broadcast_in_dim3A_50 : i32 to vector<16xi32>
    %eq3A_52 = arith.cmpi eq, %iota3A, %broadcast_in_dim3A_51 : vector<16xi32>
    %broadcast_in_dim3A_53 = arith.constant 14 : i32
    %broadcast_in_dim3A_54 = vector.broadcast %broadcast_in_dim3A_53 : i32 to vector<16xi32>
    %eq3A_55 = arith.cmpi eq, %iota3A, %broadcast_in_dim3A_54 : vector<16xi32>
    %broadcast_in_dim3A_56 = arith.constant 15 : i32
    %broadcast_in_dim3A_57 = vector.broadcast %broadcast_in_dim3A_56 : i32 to vector<16xi32>
    %eq3A_58 = arith.cmpi eq, %iota3A, %broadcast_in_dim3A_57 : vector<16xi32>
    %scan3A = arith.constant 0 : i32
    %scan3A_59 = arith.constant 0 : i32
    %scan3A_60 = arith.constant 41 : i32
    %scan3A_61 = arith.addi %scan3A_59, %scan3A_60 : i32
    %scan3A_62 = arith.constant 1 : i32
    scf.for %scan3A_65 = %scan3A_59 to %scan3A_61 step %scan3A_62  : i32 {
      "tpu.region"() ({
        %run_scoped3A_139 = tpu.sem_alloc : memref<!tpu.dma_semaphore, #tpu.memory_space<semaphore_mem>>
        %dma_start3A_140 = arith.constant 0 : i32
        %dma_start3A_141 = arith.constant 0 : i32
        %dma_start3A_142 = tpu.memref_slice %arg4[%add3A, %scan3A_65, %dma_start3A_140, %dma_start3A_141] : memref<16x41x8x64xi32, #tpu.memory_space<hbm>> -> memref<1x1x8x64xi32, #tpu.memory_space<hbm>>
        %dma_start3A_143 = tpu.memref_squeeze %dma_start3A_142 : memref<1x1x8x64xi32, #tpu.memory_space<hbm>> -> memref<8x64xi32, #tpu.memory_space<hbm>>
        %dma_start3A_144 = arith.constant 0 : i32
        %dma_start3A_145 = arith.constant 0 : i32
        %dma_start3A_146 = tpu.memref_slice %arg4[%add3A, %scan3A_65, %dma_start3A_144, %dma_start3A_145] : memref<16x41x8x64xi32, #tpu.memory_space<hbm>> -> memref<1x1x8x64xi32, #tpu.memory_space<hbm>>
        %dma_start3A_147 = tpu.memref_squeeze %dma_start3A_146 : memref<1x1x8x64xi32, #tpu.memory_space<hbm>> -> memref<8x64xi32, #tpu.memory_space<hbm>>
        tpu.enqueue_dma source(%dma_start3A_147 : memref<8x64xi32, #tpu.memory_space<hbm>>) target(%arg9 : memref<8x64xi32, #tpu.memory_space<vmem>>) target_semaphore(%run_scoped3A_139 : memref<!tpu.dma_semaphore, #tpu.memory_space<semaphore_mem>>)
        %dma_wait3A_148 = arith.constant 0 : i32
        %dma_wait3A_149 = arith.constant 0 : i32
        %dma_wait3A_150 = tpu.memref_slice %arg4[%add3A, %scan3A_65, %dma_wait3A_148, %dma_wait3A_149] : memref<16x41x8x64xi32, #tpu.memory_space<hbm>> -> memref<1x1x8x64xi32, #tpu.memory_space<hbm>>
        %dma_wait3A_151 = tpu.memref_squeeze %dma_wait3A_150 : memref<1x1x8x64xi32, #tpu.memory_space<hbm>> -> memref<8x64xi32, #tpu.memory_space<hbm>>
        %dma_wait3A_152 = arith.constant 0 : i32
        %dma_wait3A_153 = arith.constant 0 : i32
        %dma_wait3A_154 = tpu.memref_slice %arg4[%add3A, %scan3A_65, %dma_wait3A_152, %dma_wait3A_153] : memref<16x41x8x64xi32, #tpu.memory_space<hbm>> -> memref<1x1x8x64xi32, #tpu.memory_space<hbm>>
        %dma_wait3A_155 = tpu.memref_squeeze %dma_wait3A_154 : memref<1x1x8x64xi32, #tpu.memory_space<hbm>> -> memref<8x64xi32, #tpu.memory_space<hbm>>
        tpu.wait_dma2 semaphore(%run_scoped3A_139 : memref<!tpu.dma_semaphore, #tpu.memory_space<semaphore_mem>>) src(%dma_wait3A_155 : memref<8x64xi32, #tpu.memory_space<hbm>>) dst(%arg9 : memref<8x64xi32, #tpu.memory_space<vmem>>)
        tpu.yield
      }) : () -> ()
      "tpu.region"() ({
        %run_scoped3A_139 = tpu.sem_alloc : memref<!tpu.dma_semaphore, #tpu.memory_space<semaphore_mem>>
        %dma_start3A_140 = arith.constant 0 : i32
        %dma_start3A_141 = arith.constant 0 : i32
        %dma_start3A_142 = tpu.memref_slice %arg5[%add3A, %scan3A_65, %dma_start3A_140, %dma_start3A_141] : memref<16x41x8x64xi32, #tpu.memory_space<hbm>> -> memref<1x1x8x64xi32, #tpu.memory_space<hbm>>
        %dma_start3A_143 = tpu.memref_squeeze %dma_start3A_142 : memref<1x1x8x64xi32, #tpu.memory_space<hbm>> -> memref<8x64xi32, #tpu.memory_space<hbm>>
        %dma_start3A_144 = arith.constant 0 : i32
        %dma_start3A_145 = arith.constant 0 : i32
        %dma_start3A_146 = tpu.memref_slice %arg5[%add3A, %scan3A_65, %dma_start3A_144, %dma_start3A_145] : memref<16x41x8x64xi32, #tpu.memory_space<hbm>> -> memref<1x1x8x64xi32, #tpu.memory_space<hbm>>
        %dma_start3A_147 = tpu.memref_squeeze %dma_start3A_146 : memref<1x1x8x64xi32, #tpu.memory_space<hbm>> -> memref<8x64xi32, #tpu.memory_space<hbm>>
        tpu.enqueue_dma source(%dma_start3A_147 : memref<8x64xi32, #tpu.memory_space<hbm>>) target(%arg10 : memref<8x64xi32, #tpu.memory_space<vmem>>) target_semaphore(%run_scoped3A_139 : memref<!tpu.dma_semaphore, #tpu.memory_space<semaphore_mem>>)
        %dma_wait3A_148 = arith.constant 0 : i32
        %dma_wait3A_149 = arith.constant 0 : i32
        %dma_wait3A_150 = tpu.memref_slice %arg5[%add3A, %scan3A_65, %dma_wait3A_148, %dma_wait3A_149] : memref<16x41x8x64xi32, #tpu.memory_space<hbm>> -> memref<1x1x8x64xi32, #tpu.memory_space<hbm>>
        %dma_wait3A_151 = tpu.memref_squeeze %dma_wait3A_150 : memref<1x1x8x64xi32, #tpu.memory_space<hbm>> -> memref<8x64xi32, #tpu.memory_space<hbm>>
        %dma_wait3A_152 = arith.constant 0 : i32
        %dma_wait3A_153 = arith.constant 0 : i32
        %dma_wait3A_154 = tpu.memref_slice %arg5[%add3A, %scan3A_65, %dma_wait3A_152, %dma_wait3A_153] : memref<16x41x8x64xi32, #tpu.memory_space<hbm>> -> memref<1x1x8x64xi32, #tpu.memory_space<hbm>>
        %dma_wait3A_155 = tpu.memref_squeeze %dma_wait3A_154 : memref<1x1x8x64xi32, #tpu.memory_space<hbm>> -> memref<8x64xi32, #tpu.memory_space<hbm>>
        tpu.wait_dma2 semaphore(%run_scoped3A_139 : memref<!tpu.dma_semaphore, #tpu.memory_space<semaphore_mem>>) src(%dma_wait3A_155 : memref<8x64xi32, #tpu.memory_space<hbm>>) dst(%arg10 : memref<8x64xi32, #tpu.memory_space<vmem>>)
        tpu.yield
      }) : () -> ()
      %dma_start3A = arith.constant 0 : i32
      %dma_start3A_66 = arith.constant 0 : i32
      %dma_start3A_67 = tpu.memref_slice %arg10[%dma_start3A, %dma_start3A_66] : memref<8x64xi32, #tpu.memory_space<vmem>> -> memref<1x64xi32, #tpu.memory_space<vmem>>
      %dma_start3A_68 = tpu.memref_squeeze %dma_start3A_67 : memref<1x64xi32, #tpu.memory_space<vmem>> -> memref<64xi32, #tpu.memory_space<vmem>>
      %dma_start3A_69 = arith.constant 0 : i32
      %dma_start3A_70 = arith.constant 0 : i32
      %dma_start3A_71 = tpu.memref_slice %arg3[%dma_start3A_69, %dma_start3A_70] : memref<10240x128xf32, #tpu.memory_space<hbm>> -> memref<10240x128xf32, #tpu.memory_space<hbm>>
      tpu.enqueue_indirect_dma source(%dma_start3A_71 : memref<10240x128xf32, #tpu.memory_space<hbm>>) target(%arg11 : memref<64x128xf32, #tpu.memory_space<vmem>>) offsets(%dma_start3A_68 : memref<64xi32, #tpu.memory_space<vmem>>) semaphore(%arg17 : memref<!tpu.dma_semaphore, #tpu.memory_space<semaphore_mem>>)
      %dma_start3A_72 = arith.constant 0 : i32
      %dma_start3A_73 = arith.constant 0 : i32
      %dma_start3A_74 = tpu.memref_slice %arg9[%dma_start3A_72, %dma_start3A_73] : memref<8x64xi32, #tpu.memory_space<vmem>> -> memref<1x64xi32, #tpu.memory_space<vmem>>
      %dma_start3A_75 = tpu.memref_squeeze %dma_start3A_74 : memref<1x64xi32, #tpu.memory_space<vmem>> -> memref<64xi32, #tpu.memory_space<vmem>>
      %dma_start3A_76 = arith.constant 0 : i32
      %dma_start3A_77 = arith.constant 0 : i32
      %dma_start3A_78 = tpu.memref_slice %arg2[%dma_start3A_76, %dma_start3A_77] : memref<10240x128xf32, #tpu.memory_space<hbm>> -> memref<10240x128xf32, #tpu.memory_space<hbm>>
      tpu.enqueue_indirect_dma source(%dma_start3A_78 : memref<10240x128xf32, #tpu.memory_space<hbm>>) target(%arg12 : memref<64x128xf32, #tpu.memory_space<vmem>>) offsets(%dma_start3A_75 : memref<64xi32, #tpu.memory_space<vmem>>) semaphore(%arg18 : memref<!tpu.dma_semaphore, #tpu.memory_space<semaphore_mem>>)
      %scan3A_79 = arith.constant 0 : i32
      %scan3A_80 = arith.constant 0 : i32
      %scan3A_81 = arith.constant 3 : i32
      %scan3A_82 = arith.addi %scan3A_80, %scan3A_81 : i32
      %scan3A_83 = arith.constant 1 : i32
      scf.for %scan3A_139 = %scan3A_80 to %scan3A_82 step %scan3A_83  : i32 {
        %mul3A_140 = arith.constant 2 : i32
        %mul3A_141 = arith.muli %mul3A_140, %scan3A_139 : i32
        %dma_wait3A_142 = arith.constant 0 : i32
        %dma_wait3A_143 = arith.constant 0 : i32
        %dma_wait3A_144 = tpu.memref_slice %arg10[%dma_wait3A_142, %dma_wait3A_143] : memref<8x64xi32, #tpu.memory_space<vmem>> -> memref<1x64xi32, #tpu.memory_space<vmem>>
        %dma_wait3A_145 = tpu.memref_squeeze %dma_wait3A_144 : memref<1x64xi32, #tpu.memory_space<vmem>> -> memref<64xi32, #tpu.memory_space<vmem>>
        %dma_wait3A_146 = arith.constant 0 : i32
        %dma_wait3A_147 = arith.constant 0 : i32
        %dma_wait3A_148 = tpu.memref_slice %arg3[%dma_wait3A_146, %dma_wait3A_147] : memref<10240x128xf32, #tpu.memory_space<hbm>> -> memref<10240x128xf32, #tpu.memory_space<hbm>>
        tpu.wait_indirect_dma semaphore(%arg17 : memref<!tpu.dma_semaphore, #tpu.memory_space<semaphore_mem>>) src(%dma_wait3A_148 : memref<10240x128xf32, #tpu.memory_space<hbm>>) dst(%arg11 : memref<64x128xf32, #tpu.memory_space<vmem>>)
        %dma_wait3A_149 = arith.constant 0 : i32
        %dma_wait3A_150 = arith.constant 0 : i32
        %dma_wait3A_151 = tpu.memref_slice %arg9[%dma_wait3A_149, %dma_wait3A_150] : memref<8x64xi32, #tpu.memory_space<vmem>> -> memref<1x64xi32, #tpu.memory_space<vmem>>
        %dma_wait3A_152 = tpu.memref_squeeze %dma_wait3A_151 : memref<1x64xi32, #tpu.memory_space<vmem>> -> memref<64xi32, #tpu.memory_space<vmem>>
        %dma_wait3A_153 = arith.constant 0 : i32
        %dma_wait3A_154 = arith.constant 0 : i32
        %dma_wait3A_155 = tpu.memref_slice %arg2[%dma_wait3A_153, %dma_wait3A_154] : memref<10240x128xf32, #tpu.memory_space<hbm>> -> memref<10240x128xf32, #tpu.memory_space<hbm>>
        tpu.wait_indirect_dma semaphore(%arg18 : memref<!tpu.dma_semaphore, #tpu.memory_space<semaphore_mem>>) src(%dma_wait3A_155 : memref<10240x128xf32, #tpu.memory_space<hbm>>) dst(%arg12 : memref<64x128xf32, #tpu.memory_space<vmem>>)
        %add3A_156 = arith.constant 1 : i32
        %add3A_157 = arith.addi %mul3A_141, %add3A_156 : i32
        %dma_start3A_158 = arith.constant 0 : i32
        %dma_start3A_159 = tpu.memref_slice %arg10[%add3A_157, %dma_start3A_158] : memref<8x64xi32, #tpu.memory_space<vmem>> -> memref<1x64xi32, #tpu.memory_space<vmem>>
        %dma_start3A_160 = tpu.memref_squeeze %dma_start3A_159 : memref<1x64xi32, #tpu.memory_space<vmem>> -> memref<64xi32, #tpu.memory_space<vmem>>
        %dma_start3A_161 = arith.constant 0 : i32
        %dma_start3A_162 = arith.constant 0 : i32
        %dma_start3A_163 = tpu.memref_slice %arg3[%dma_start3A_161, %dma_start3A_162] : memref<10240x128xf32, #tpu.memory_space<hbm>> -> memref<10240x128xf32, #tpu.memory_space<hbm>>
        tpu.enqueue_indirect_dma source(%dma_start3A_163 : memref<10240x128xf32, #tpu.memory_space<hbm>>) target(%arg13 : memref<64x128xf32, #tpu.memory_space<vmem>>) offsets(%dma_start3A_160 : memref<64xi32, #tpu.memory_space<vmem>>) semaphore(%arg19 : memref<!tpu.dma_semaphore, #tpu.memory_space<semaphore_mem>>)
        %dma_start3A_164 = arith.constant 0 : i32
        %dma_start3A_165 = tpu.memref_slice %arg9[%add3A_157, %dma_start3A_164] : memref<8x64xi32, #tpu.memory_space<vmem>> -> memref<1x64xi32, #tpu.memory_space<vmem>>
        %dma_start3A_166 = tpu.memref_squeeze %dma_start3A_165 : memref<1x64xi32, #tpu.memory_space<vmem>> -> memref<64xi32, #tpu.memory_space<vmem>>
        %dma_start3A_167 = arith.constant 0 : i32
        %dma_start3A_168 = arith.constant 0 : i32
        %dma_start3A_169 = tpu.memref_slice %arg2[%dma_start3A_167, %dma_start3A_168] : memref<10240x128xf32, #tpu.memory_space<hbm>> -> memref<10240x128xf32, #tpu.memory_space<hbm>>
        tpu.enqueue_indirect_dma source(%dma_start3A_169 : memref<10240x128xf32, #tpu.memory_space<hbm>>) target(%arg14 : memref<64x128xf32, #tpu.memory_space<vmem>>) offsets(%dma_start3A_166 : memref<64xi32, #tpu.memory_space<vmem>>) semaphore(%arg20 : memref<!tpu.dma_semaphore, #tpu.memory_space<semaphore_mem>>)
        %scan3A_170 = arith.constant 0 : i32
        %scan3A_171 = arith.constant 0 : i32
        %scan3A_172 = arith.constant 4 : i32
        %scan3A_173 = arith.addi %scan3A_171, %scan3A_172 : i32
        %scan3A_174 = arith.constant 1 : i32
        scf.for %scan3A_212 = %scan3A_171 to %scan3A_173 step %scan3A_174  : i32 {
          %mul3A_213 = arith.constant 16 : i32
          %mul3A_214 = arith.muli %scan3A_212, %mul3A_213 : i32
          %add3A_215 = vector.broadcast %mul3A_214 : i32 to vector<16xi32>
          %add3A_216 = arith.addi %iota3A, %add3A_215 : vector<16xi32>
          %mul3A_217 = arith.constant 16 : i32
          %mul3A_218 = arith.muli %scan3A_212, %mul3A_217 : i32
          %get3A = arith.index_cast %mul3A_141 : i32 to index
          %get3A_219 = arith.index_cast %mul3A_218 : i32 to index
          %get3A_220 = tpu.vector_load %arg10[%get3A, %get3A_219] {strides = array<i32>} : memref<8x64xi32, #tpu.memory_space<vmem>>, vector<16xi32>,
          %broadcast_in_dim3A_221 = arith.constant 0.000000e+00 : f32
          %broadcast_in_dim3A_222 = vector.broadcast %broadcast_in_dim3A_221 : f32 to vector<16xf32>
          %scan3A_223 = arith.constant 0 : i32
          %scan3A_224 = arith.constant 16 : i32
          %scan3A_225 = arith.addi %scan3A_223, %scan3A_224 : i32
          %scan3A_226 = arith.constant 2 : i32
          %scan3A_227:4 = scf.for %scan3A_254 = %scan3A_223 to %scan3A_225 step %scan3A_226 iter_args(%scan3A_255 = %broadcast_in_dim3A_222, %scan3A_256 = %broadcast_in_dim3A_222, %scan3A_257 = %broadcast_in_dim3A_222, %scan3A_258 = %broadcast_in_dim3A_222) -> (vector<16xf32>, vector<16xf32>, vector<16xf32>, vector<16xf32>)  : i32 {
            %mul3A_259 = arith.constant 8 : i32
            %mul3A_260 = arith.muli %scan3A_254, %mul3A_259 : i32
            %add3A_261 = arith.constant 0 : i32
            %add3A_262 = arith.addi %mul3A_260, %add3A_261 : i32
            %broadcast_in_dim3A_263 = vector.broadcast %add3A_262 : i32 to vector<16xi32>
            %add3A_264 = arith.addi %broadcast_in_dim3A_263, %iota3A : vector<16xi32>
            %and3A_265 = arith.andi %add3A_264, %broadcast_in_dim3A_5 : vector<16xi32>
            %gather3A = tpu.vector_load_idx %arg12[%add3A_216, %and3A_265] : memref<64x128xf32, #tpu.memory_space<vmem>>[vector<16xi32>, vector<16xi32>], vector<16xf32>,
            %gather3A_266 = tpu.vector_load_idx %arg11[%add3A_216, %and3A_265] : memref<64x128xf32, #tpu.memory_space<vmem>>[vector<16xi32>, vector<16xi32>], vector<16xf32>,
            %mul3A_267 = arith.mulf %gather3A, %gather3A_266 : vector<16xf32>
            %add3A_268 = arith.addf %scan3A_255, %mul3A_267 : vector<16xf32>
            %mul3A_269 = arith.mulf %gather3A, %gather3A : vector<16xf32>
            %add3A_270 = arith.addf %scan3A_257, %mul3A_269 : vector<16xf32>
            %mul3A_271 = arith.constant 8 : i32
            %mul3A_272 = arith.muli %scan3A_254, %mul3A_271 : i32
            %add3A_273 = arith.constant 1 : i32
            %add3A_274 = arith.addi %mul3A_272, %add3A_273 : i32
            %broadcast_in_dim3A_275 = vector.broadcast %add3A_274 : i32 to vector<16xi32>
            %add3A_276 = arith.addi %broadcast_in_dim3A_275, %iota3A : vector<16xi32>
            %and3A_277 = arith.andi %add3A_276, %broadcast_in_dim3A_5 : vector<16xi32>
            %gather3A_278 = tpu.vector_load_idx %arg12[%add3A_216, %and3A_277] : memref<64x128xf32, #tpu.memory_space<vmem>>[vector<16xi32>, vector<16xi32>], vector<16xf32>,
            %gather3A_279 = tpu.vector_load_idx %arg11[%add3A_216, %and3A_277] : memref<64x128xf32, #tpu.memory_space<vmem>>[vector<16xi32>, vector<16xi32>], vector<16xf32>,
            %mul3A_280 = arith.mulf %gather3A_278, %gather3A_279 : vector<16xf32>
            %add3A_281 = arith.addf %scan3A_256, %mul3A_280 : vector<16xf32>
            %mul3A_282 = arith.mulf %gather3A_278, %gather3A_278 : vector<16xf32>
            %add3A_283 = arith.addf %scan3A_258, %mul3A_282 : vector<16xf32>
            %mul3A_284 = arith.constant 8 : i32
            %mul3A_285 = arith.muli %scan3A_254, %mul3A_284 : i32
            %add3A_286 = arith.constant 2 : i32
            %add3A_287 = arith.addi %mul3A_285, %add3A_286 : i32
            %broadcast_in_dim3A_288 = vector.broadcast %add3A_287 : i32 to vector<16xi32>
            %add3A_289 = arith.addi %broadcast_in_dim3A_288, %iota3A : vector<16xi32>
            %and3A_290 = arith.andi %add3A_289, %broadcast_in_dim3A_5 : vector<16xi32>
            %gather3A_291 = tpu.vector_load_idx %arg12[%add3A_216, %and3A_290] : memref<64x128xf32, #tpu.memory_space<vmem>>[vector<16xi32>, vector<16xi32>], vector<16xf32>,
            %gather3A_292 = tpu.vector_load_idx %arg11[%add3A_216, %and3A_290] : memref<64x128xf32, #tpu.memory_space<vmem>>[vector<16xi32>, vector<16xi32>], vector<16xf32>,
            %mul3A_293 = arith.mulf %gather3A_291, %gather3A_292 : vector<16xf32>
            %add3A_294 = arith.addf %add3A_268, %mul3A_293 : vector<16xf32>
            %mul3A_295 = arith.mulf %gather3A_291, %gather3A_291 : vector<16xf32>
            %add3A_296 = arith.addf %add3A_270, %mul3A_295 : vector<16xf32>
            %mul3A_297 = arith.constant 8 : i32
            %mul3A_298 = arith.muli %scan3A_254, %mul3A_297 : i32
            %add3A_299 = arith.constant 3 : i32
            %add3A_300 = arith.addi %mul3A_298, %add3A_299 : i32
            %broadcast_in_dim3A_301 = vector.broadcast %add3A_300 : i32 to vector<16xi32>
            %add3A_302 = arith.addi %broadcast_in_dim3A_301, %iota3A : vector<16xi32>
            %and3A_303 = arith.andi %add3A_302, %broadcast_in_dim3A_5 : vector<16xi32>
            %gather3A_304 = tpu.vector_load_idx %arg12[%add3A_216, %and3A_303] : memref<64x128xf32, #tpu.memory_space<vmem>>[vector<16xi32>, vector<16xi32>], vector<16xf32>,
            %gather3A_305 = tpu.vector_load_idx %arg11[%add3A_216, %and3A_303] : memref<64x128xf32, #tpu.memory_space<vmem>>[vector<16xi32>, vector<16xi32>], vector<16xf32>,
            %mul3A_306 = arith.mulf %gather3A_304, %gather3A_305 : vector<16xf32>
            %add3A_307 = arith.addf %add3A_281, %mul3A_306 : vector<16xf32>
            %mul3A_308 = arith.mulf %gather3A_304, %gather3A_304 : vector<16xf32>
            %add3A_309 = arith.addf %add3A_283, %mul3A_308 : vector<16xf32>
            %mul3A_310 = arith.constant 8 : i32
            %mul3A_311 = arith.muli %scan3A_254, %mul3A_310 : i32
            %add3A_312 = arith.constant 4 : i32
            %add3A_313 = arith.addi %mul3A_311, %add3A_312 : i32
            %broadcast_in_dim3A_314 = vector.broadcast %add3A_313 : i32 to vector<16xi32>
            %add3A_315 = arith.addi %broadcast_in_dim3A_314, %iota3A : vector<16xi32>
            %and3A_316 = arith.andi %add3A_315, %broadcast_in_dim3A_5 : vector<16xi32>
            %gather3A_317 = tpu.vector_load_idx %arg12[%add3A_216, %and3A_316] : memref<64x128xf32, #tpu.memory_space<vmem>>[vector<16xi32>, vector<16xi32>], vector<16xf32>,
            %gather3A_318 = tpu.vector_load_idx %arg11[%add3A_216, %and3A_316] : memref<64x128xf32, #tpu.memory_space<vmem>>[vector<16xi32>, vector<16xi32>], vector<16xf32>,
            %mul3A_319 = arith.mulf %gather3A_317, %gather3A_318 : vector<16xf32>
            %add3A_320 = arith.addf %add3A_294, %mul3A_319 : vector<16xf32>
            %mul3A_321 = arith.mulf %gather3A_317, %gather3A_317 : vector<16xf32>
            %add3A_322 = arith.addf %add3A_296, %mul3A_321 : vector<16xf32>
            %mul3A_323 = arith.constant 8 : i32
            %mul3A_324 = arith.muli %scan3A_254, %mul3A_323 : i32
            %add3A_325 = arith.constant 5 : i32
            %add3A_326 = arith.addi %mul3A_324, %add3A_325 : i32
            %broadcast_in_dim3A_327 = vector.broadcast %add3A_326 : i32 to vector<16xi32>
            %add3A_328 = arith.addi %broadcast_in_dim3A_327, %iota3A : vector<16xi32>
            %and3A_329 = arith.andi %add3A_328, %broadcast_in_dim3A_5 : vector<16xi32>
            %gather3A_330 = tpu.vector_load_idx %arg12[%add3A_216, %and3A_329] : memref<64x128xf32, #tpu.memory_space<vmem>>[vector<16xi32>, vector<16xi32>], vector<16xf32>,
            %gather3A_331 = tpu.vector_load_idx %arg11[%add3A_216, %and3A_329] : memref<64x128xf32, #tpu.memory_space<vmem>>[vector<16xi32>, vector<16xi32>], vector<16xf32>,
            %mul3A_332 = arith.mulf %gather3A_330, %gather3A_331 : vector<16xf32>
            %add3A_333 = arith.addf %add3A_307, %mul3A_332 : vector<16xf32>
            %mul3A_334 = arith.mulf %gather3A_330, %gather3A_330 : vector<16xf32>
            %add3A_335 = arith.addf %add3A_309, %mul3A_334 : vector<16xf32>
            %mul3A_336 = arith.constant 8 : i32
            %mul3A_337 = arith.muli %scan3A_254, %mul3A_336 : i32
            %add3A_338 = arith.constant 6 : i32
            %add3A_339 = arith.addi %mul3A_337, %add3A_338 : i32
            %broadcast_in_dim3A_340 = vector.broadcast %add3A_339 : i32 to vector<16xi32>
            %add3A_341 = arith.addi %broadcast_in_dim3A_340, %iota3A : vector<16xi32>
            %and3A_342 = arith.andi %add3A_341, %broadcast_in_dim3A_5 : vector<16xi32>
            %gather3A_343 = tpu.vector_load_idx %arg12[%add3A_216, %and3A_342] : memref<64x128xf32, #tpu.memory_space<vmem>>[vector<16xi32>, vector<16xi32>], vector<16xf32>,
            %gather3A_344 = tpu.vector_load_idx %arg11[%add3A_216, %and3A_342] : memref<64x128xf32, #tpu.memory_space<vmem>>[vector<16xi32>, vector<16xi32>], vector<16xf32>,
            %mul3A_345 = arith.mulf %gather3A_343, %gather3A_344 : vector<16xf32>
            %add3A_346 = arith.addf %add3A_320, %mul3A_345 : vector<16xf32>
            %mul3A_347 = arith.mulf %gather3A_343, %gather3A_343 : vector<16xf32>
            %add3A_348 = arith.addf %add3A_322, %mul3A_347 : vector<16xf32>
            %mul3A_349 = arith.constant 8 : i32
            %mul3A_350 = arith.muli %scan3A_254, %mul3A_349 : i32
            %add3A_351 = arith.constant 7 : i32
            %add3A_352 = arith.addi %mul3A_350, %add3A_351 : i32
            %broadcast_in_dim3A_353 = vector.broadcast %add3A_352 : i32 to vector<16xi32>
            %add3A_354 = arith.addi %broadcast_in_dim3A_353, %iota3A : vector<16xi32>
            %and3A_355 = arith.andi %add3A_354, %broadcast_in_dim3A_5 : vector<16xi32>
            %gather3A_356 = tpu.vector_load_idx %arg12[%add3A_216, %and3A_355] : memref<64x128xf32, #tpu.memory_space<vmem>>[vector<16xi32>, vector<16xi32>], vector<16xf32>,
            %gather3A_357 = tpu.vector_load_idx %arg11[%add3A_216, %and3A_355] : memref<64x128xf32, #tpu.memory_space<vmem>>[vector<16xi32>, vector<16xi32>], vector<16xf32>,
            %mul3A_358 = arith.mulf %gather3A_356, %gather3A_357 : vector<16xf32>
            %add3A_359 = arith.addf %add3A_333, %mul3A_358 : vector<16xf32>
            %mul3A_360 = arith.mulf %gather3A_356, %gather3A_356 : vector<16xf32>
            %add3A_361 = arith.addf %add3A_335, %mul3A_360 : vector<16xf32>
            %scan3A_362 = arith.constant 1 : i32
            %scan3A_363 = arith.addi %scan3A_254, %scan3A_362 : i32
            %mul3A_364 = arith.constant 8 : i32
            %mul3A_365 = arith.muli %scan3A_363, %mul3A_364 : i32
            %add3A_366 = arith.constant 0 : i32
            %add3A_367 = arith.addi %mul3A_365, %add3A_366 : i32
            %broadcast_in_dim3A_368 = vector.broadcast %add3A_367 : i32 to vector<16xi32>
            %add3A_369 = arith.addi %broadcast_in_dim3A_368, %iota3A : vector<16xi32>
            %and3A_370 = arith.andi %add3A_369, %broadcast_in_dim3A_5 : vector<16xi32>
            %gather3A_371 = tpu.vector_load_idx %arg12[%add3A_216, %and3A_370] : memref<64x128xf32, #tpu.memory_space<vmem>>[vector<16xi32>, vector<16xi32>], vector<16xf32>,
            %gather3A_372 = tpu.vector_load_idx %arg11[%add3A_216, %and3A_370] : memref<64x128xf32, #tpu.memory_space<vmem>>[vector<16xi32>, vector<16xi32>], vector<16xf32>,
            %mul3A_373 = arith.mulf %gather3A_371, %gather3A_372 : vector<16xf32>
            %add3A_374 = arith.addf %add3A_346, %mul3A_373 : vector<16xf32>
            %mul3A_375 = arith.mulf %gather3A_371, %gather3A_371 : vector<16xf32>
            %add3A_376 = arith.addf %add3A_348, %mul3A_375 : vector<16xf32>
            %mul3A_377 = arith.constant 8 : i32
            %mul3A_378 = arith.muli %scan3A_363, %mul3A_377 : i32
            %add3A_379 = arith.constant 1 : i32
            %add3A_380 = arith.addi %mul3A_378, %add3A_379 : i32
            %broadcast_in_dim3A_381 = vector.broadcast %add3A_380 : i32 to vector<16xi32>
            %add3A_382 = arith.addi %broadcast_in_dim3A_381, %iota3A : vector<16xi32>
            %and3A_383 = arith.andi %add3A_382, %broadcast_in_dim3A_5 : vector<16xi32>
            %gather3A_384 = tpu.vector_load_idx %arg12[%add3A_216, %and3A_383] : memref<64x128xf32, #tpu.memory_space<vmem>>[vector<16xi32>, vector<16xi32>], vector<16xf32>,
            %gather3A_385 = tpu.vector_load_idx %arg11[%add3A_216, %and3A_383] : memref<64x128xf32, #tpu.memory_space<vmem>>[vector<16xi32>, vector<16xi32>], vector<16xf32>,
            %mul3A_386 = arith.mulf %gather3A_384, %gather3A_385 : vector<16xf32>
            %add3A_387 = arith.addf %add3A_359, %mul3A_386 : vector<16xf32>
            %mul3A_388 = arith.mulf %gather3A_384, %gather3A_384 : vector<16xf32>
            %add3A_389 = arith.addf %add3A_361, %mul3A_388 : vector<16xf32>
            %mul3A_390 = arith.constant 8 : i32
            %mul3A_391 = arith.muli %scan3A_363, %mul3A_390 : i32
            %add3A_392 = arith.constant 2 : i32
            %add3A_393 = arith.addi %mul3A_391, %add3A_392 : i32
            %broadcast_in_dim3A_394 = vector.broadcast %add3A_393 : i32 to vector<16xi32>
            %add3A_395 = arith.addi %broadcast_in_dim3A_394, %iota3A : vector<16xi32>
            %and3A_396 = arith.andi %add3A_395, %broadcast_in_dim3A_5 : vector<16xi32>
            %gather3A_397 = tpu.vector_load_idx %arg12[%add3A_216, %and3A_396] : memref<64x128xf32, #tpu.memory_space<vmem>>[vector<16xi32>, vector<16xi32>], vector<16xf32>,
            %gather3A_398 = tpu.vector_load_idx %arg11[%add3A_216, %and3A_396] : memref<64x128xf32, #tpu.memory_space<vmem>>[vector<16xi32>, vector<16xi32>], vector<16xf32>,
            %mul3A_399 = arith.mulf %gather3A_397, %gather3A_398 : vector<16xf32>
            %add3A_400 = arith.addf %add3A_374, %mul3A_399 : vector<16xf32>
            %mul3A_401 = arith.mulf %gather3A_397, %gather3A_397 : vector<16xf32>
            %add3A_402 = arith.addf %add3A_376, %mul3A_401 : vector<16xf32>
            %mul3A_403 = arith.constant 8 : i32
            %mul3A_404 = arith.muli %scan3A_363, %mul3A_403 : i32
            %add3A_405 = arith.constant 3 : i32
            %add3A_406 = arith.addi %mul3A_404, %add3A_405 : i32
            %broadcast_in_dim3A_407 = vector.broadcast %add3A_406 : i32 to vector<16xi32>
            %add3A_408 = arith.addi %broadcast_in_dim3A_407, %iota3A : vector<16xi32>
            %and3A_409 = arith.andi %add3A_408, %broadcast_in_dim3A_5 : vector<16xi32>
            %gather3A_410 = tpu.vector_load_idx %arg12[%add3A_216, %and3A_409] : memref<64x128xf32, #tpu.memory_space<vmem>>[vector<16xi32>, vector<16xi32>], vector<16xf32>,
            %gather3A_411 = tpu.vector_load_idx %arg11[%add3A_216, %and3A_409] : memref<64x128xf32, #tpu.memory_space<vmem>>[vector<16xi32>, vector<16xi32>], vector<16xf32>,
            %mul3A_412 = arith.mulf %gather3A_410, %gather3A_411 : vector<16xf32>
            %add3A_413 = arith.addf %add3A_387, %mul3A_412 : vector<16xf32>
            %mul3A_414 = arith.mulf %gather3A_410, %gather3A_410 : vector<16xf32>
            %add3A_415 = arith.addf %add3A_389, %mul3A_414 : vector<16xf32>
            %mul3A_416 = arith.constant 8 : i32
            %mul3A_417 = arith.muli %scan3A_363, %mul3A_416 : i32
            %add3A_418 = arith.constant 4 : i32
            %add3A_419 = arith.addi %mul3A_417, %add3A_418 : i32
            %broadcast_in_dim3A_420 = vector.broadcast %add3A_419 : i32 to vector<16xi32>
            %add3A_421 = arith.addi %broadcast_in_dim3A_420, %iota3A : vector<16xi32>
            %and3A_422 = arith.andi %add3A_421, %broadcast_in_dim3A_5 : vector<16xi32>
            %gather3A_423 = tpu.vector_load_idx %arg12[%add3A_216, %and3A_422] : memref<64x128xf32, #tpu.memory_space<vmem>>[vector<16xi32>, vector<16xi32>], vector<16xf32>,
            %gather3A_424 = tpu.vector_load_idx %arg11[%add3A_216, %and3A_422] : memref<64x128xf32, #tpu.memory_space<vmem>>[vector<16xi32>, vector<16xi32>], vector<16xf32>,
            %mul3A_425 = arith.mulf %gather3A_423, %gather3A_424 : vector<16xf32>
            %add3A_426 = arith.addf %add3A_400, %mul3A_425 : vector<16xf32>
            %mul3A_427 = arith.mulf %gather3A_423, %gather3A_423 : vector<16xf32>
            %add3A_428 = arith.addf %add3A_402, %mul3A_427 : vector<16xf32>
            %mul3A_429 = arith.constant 8 : i32
            %mul3A_430 = arith.muli %scan3A_363, %mul3A_429 : i32
            %add3A_431 = arith.constant 5 : i32
            %add3A_432 = arith.addi %mul3A_430, %add3A_431 : i32
            %broadcast_in_dim3A_433 = vector.broadcast %add3A_432 : i32 to vector<16xi32>
            %add3A_434 = arith.addi %broadcast_in_dim3A_433, %iota3A : vector<16xi32>
            %and3A_435 = arith.andi %add3A_434, %broadcast_in_dim3A_5 : vector<16xi32>
            %gather3A_436 = tpu.vector_load_idx %arg12[%add3A_216, %and3A_435] : memref<64x128xf32, #tpu.memory_space<vmem>>[vector<16xi32>, vector<16xi32>], vector<16xf32>,
            %gather3A_437 = tpu.vector_load_idx %arg11[%add3A_216, %and3A_435] : memref<64x128xf32, #tpu.memory_space<vmem>>[vector<16xi32>, vector<16xi32>], vector<16xf32>,
            %mul3A_438 = arith.mulf %gather3A_436, %gather3A_437 : vector<16xf32>
            %add3A_439 = arith.addf %add3A_413, %mul3A_438 : vector<16xf32>
            %mul3A_440 = arith.mulf %gather3A_436, %gather3A_436 : vector<16xf32>
            %add3A_441 = arith.addf %add3A_415, %mul3A_440 : vector<16xf32>
            %mul3A_442 = arith.constant 8 : i32
            %mul3A_443 = arith.muli %scan3A_363, %mul3A_442 : i32
            %add3A_444 = arith.constant 6 : i32
            %add3A_445 = arith.addi %mul3A_443, %add3A_444 : i32
            %broadcast_in_dim3A_446 = vector.broadcast %add3A_445 : i32 to vector<16xi32>
            %add3A_447 = arith.addi %broadcast_in_dim3A_446, %iota3A : vector<16xi32>
            %and3A_448 = arith.andi %add3A_447, %broadcast_in_dim3A_5 : vector<16xi32>
            %gather3A_449 = tpu.vector_load_idx %arg12[%add3A_216, %and3A_448] : memref<64x128xf32, #tpu.memory_space<vmem>>[vector<16xi32>, vector<16xi32>], vector<16xf32>,
            %gather3A_450 = tpu.vector_load_idx %arg11[%add3A_216, %and3A_448] : memref<64x128xf32, #tpu.memory_space<vmem>>[vector<16xi32>, vector<16xi32>], vector<16xf32>,
            %mul3A_451 = arith.mulf %gather3A_449, %gather3A_450 : vector<16xf32>
            %add3A_452 = arith.addf %add3A_426, %mul3A_451 : vector<16xf32>
            %mul3A_453 = arith.mulf %gather3A_449, %gather3A_449 : vector<16xf32>
            %add3A_454 = arith.addf %add3A_428, %mul3A_453 : vector<16xf32>
            %mul3A_455 = arith.constant 8 : i32
            %mul3A_456 = arith.muli %scan3A_363, %mul3A_455 : i32
            %add3A_457 = arith.constant 7 : i32
            %add3A_458 = arith.addi %mul3A_456, %add3A_457 : i32
            %broadcast_in_dim3A_459 = vector.broadcast %add3A_458 : i32 to vector<16xi32>
            %add3A_460 = arith.addi %broadcast_in_dim3A_459, %iota3A : vector<16xi32>
            %and3A_461 = arith.andi %add3A_460, %broadcast_in_dim3A_5 : vector<16xi32>
            %gather3A_462 = tpu.vector_load_idx %arg12[%add3A_216, %and3A_461] : memref<64x128xf32, #tpu.memory_space<vmem>>[vector<16xi32>, vector<16xi32>], vector<16xf32>,
            %gather3A_463 = tpu.vector_load_idx %arg11[%add3A_216, %and3A_461] : memref<64x128xf32, #tpu.memory_space<vmem>>[vector<16xi32>, vector<16xi32>], vector<16xf32>,
            %mul3A_464 = arith.mulf %gather3A_462, %gather3A_463 : vector<16xf32>
            %add3A_465 = arith.addf %add3A_439, %mul3A_464 : vector<16xf32>
            %mul3A_466 = arith.mulf %gather3A_462, %gather3A_462 : vector<16xf32>
            %add3A_467 = arith.addf %add3A_441, %mul3A_466 : vector<16xf32>
            scf.yield %add3A_452, %add3A_465, %add3A_454, %add3A_467 : vector<16xf32>, vector<16xf32>, vector<16xf32>, vector<16xf32>
          }
          %scan3A_228 = arith.constant 16 : i32
          %add3A_229 = arith.addf %scan3A_227#0, %scan3A_227#1 : vector<16xf32>
          %add3A_230 = arith.addf %scan3A_227#2, %scan3A_227#3 : vector<16xf32>
          %bitcast3A = vector.bitcast %add3A_230 : vector<16xf32> to vector<16xi32>
          %broadcast_in_dim3A_231 = arith.constant 1 : i32
          %broadcast_in_dim3A_232 = vector.broadcast %broadcast_in_dim3A_231 : i32 to vector<16xi32>
          %shift_right_logical3A = arith.shrui %bitcast3A, %broadcast_in_dim3A_232 : vector<16xi32>
          %sub3A = arith.subi %broadcast_in_dim3A_7, %shift_right_logical3A : vector<16xi32>
          %bitcast3A_233 = vector.bitcast %sub3A : vector<16xi32> to vector<16xf32>
          %mul3A_234 = arith.mulf %broadcast_in_dim3A_9, %add3A_230 : vector<16xf32>
          %mul3A_235 = arith.mulf %mul3A_234, %bitcast3A_233 : vector<16xf32>
          %mul3A_236 = arith.mulf %mul3A_235, %bitcast3A_233 : vector<16xf32>
          %sub3A_237 = arith.subf %broadcast_in_dim3A_11, %mul3A_236 : vector<16xf32>
          %mul3A_238 = arith.mulf %bitcast3A_233, %sub3A_237 : vector<16xf32>
          %mul3A_239 = arith.mulf %mul3A_234, %mul3A_238 : vector<16xf32>
          %mul3A_240 = arith.mulf %mul3A_239, %mul3A_238 : vector<16xf32>
          %sub3A_241 = arith.subf %broadcast_in_dim3A_11, %mul3A_240 : vector<16xf32>
          %mul3A_242 = arith.mulf %mul3A_238, %sub3A_241 : vector<16xf32>
          %mul3A_243 = arith.mulf %mul3A_234, %mul3A_242 : vector<16xf32>
          %mul3A_244 = arith.mulf %mul3A_243, %mul3A_242 : vector<16xf32>
          %sub3A_245 = arith.subf %broadcast_in_dim3A_11, %mul3A_244 : vector<16xf32>
          %mul3A_246 = arith.mulf %mul3A_242, %sub3A_245 : vector<16xf32>
          %mul3A_247 = arith.mulf %add3A_229, %mul3A_246 : vector<16xf32>
          %exp3A = math.exp %mul3A_247 : vector<16xf32>
          %shift_right_arithmetic3A = arith.shrsi %get3A_220, %broadcast_in_dim3A_3 : vector<16xi32>
          %and3A = arith.andi %get3A_220, %broadcast_in_dim3A_5 : vector<16xi32>
          tpu.vector_store_idx %arg15[%shift_right_arithmetic3A, %and3A], %exp3A masked %eq3A {add = true} : memref<80x128xf32, #tpu.memory_space<vmem>>[vector<16xi32>, vector<16xi32>], vector<16xf32>, vector<16xi1>
          tpu.vector_store_idx %arg15[%shift_right_arithmetic3A, %and3A], %exp3A masked %eq3A_16 {add = true} : memref<80x128xf32, #tpu.memory_space<vmem>>[vector<16xi32>, vector<16xi32>], vector<16xf32>, vector<16xi1>
          tpu.vector_store_idx %arg15[%shift_right_arithmetic3A, %and3A], %exp3A masked %eq3A_19 {add = true} : memref<80x128xf32, #tpu.memory_space<vmem>>[vector<16xi32>, vector<16xi32>], vector<16xf32>, vector<16xi1>
          tpu.vector_store_idx %arg15[%shift_right_arithmetic3A, %and3A], %exp3A masked %eq3A_22 {add = true} : memref<80x128xf32, #tpu.memory_space<vmem>>[vector<16xi32>, vector<16xi32>], vector<16xf32>, vector<16xi1>
          tpu.vector_store_idx %arg15[%shift_right_arithmetic3A, %and3A], %exp3A masked %eq3A_25 {add = true} : memref<80x128xf32, #tpu.memory_space<vmem>>[vector<16xi32>, vector<16xi32>], vector<16xf32>, vector<16xi1>
          tpu.vector_store_idx %arg15[%shift_right_arithmetic3A, %and3A], %exp3A masked %eq3A_28 {add = true} : memref<80x128xf32, #tpu.memory_space<vmem>>[vector<16xi32>, vector<16xi32>], vector<16xf32>, vector<16xi1>
          tpu.vector_store_idx %arg15[%shift_right_arithmetic3A, %and3A], %exp3A masked %eq3A_31 {add = true} : memref<80x128xf32, #tpu.memory_space<vmem>>[vector<16xi32>, vector<16xi32>], vector<16xf32>, vector<16xi1>
          tpu.vector_store_idx %arg15[%shift_right_arithmetic3A, %and3A], %exp3A masked %eq3A_34 {add = true} : memref<80x128xf32, #tpu.memory_space<vmem>>[vector<16xi32>, vector<16xi32>], vector<16xf32>, vector<16xi1>
          tpu.vector_store_idx %arg15[%shift_right_arithmetic3A, %and3A], %exp3A masked %eq3A_37 {add = true} : memref<80x128xf32, #tpu.memory_space<vmem>>[vector<16xi32>, vector<16xi32>], vector<16xf32>, vector<16xi1>
          tpu.vector_store_idx %arg15[%shift_right_arithmetic3A, %and3A], %exp3A masked %eq3A_40 {add = true} : memref<80x128xf32, #tpu.memory_space<vmem>>[vector<16xi32>, vector<16xi32>], vector<16xf32>, vector<16xi1>
          tpu.vector_store_idx %arg15[%shift_right_arithmetic3A, %and3A], %exp3A masked %eq3A_43 {add = true} : memref<80x128xf32, #tpu.memory_space<vmem>>[vector<16xi32>, vector<16xi32>], vector<16xf32>, vector<16xi1>
          tpu.vector_store_idx %arg15[%shift_right_arithmetic3A, %and3A], %exp3A masked %eq3A_46 {add = true} : memref<80x128xf32, #tpu.memory_space<vmem>>[vector<16xi32>, vector<16xi32>], vector<16xf32>, vector<16xi1>
          tpu.vector_store_idx %arg15[%shift_right_arithmetic3A, %and3A], %exp3A masked %eq3A_49 {add = true} : memref<80x128xf32, #tpu.memory_space<vmem>>[vector<16xi32>, vector<16xi32>], vector<16xf32>, vector<16xi1>
          tpu.vector_store_idx %arg15[%shift_right_arithmetic3A, %and3A], %exp3A masked %eq3A_52 {add = true} : memref<80x128xf32, #tpu.memory_space<vmem>>[vector<16xi32>, vector<16xi32>], vector<16xf32>, vector<16xi1>
          tpu.vector_store_idx %arg15[%shift_right_arithmetic3A, %and3A], %exp3A masked %eq3A_55 {add = true} : memref<80x128xf32, #tpu.memory_space<vmem>>[vector<16xi32>, vector<16xi32>], vector<16xf32>, vector<16xi1>
          tpu.vector_store_idx %arg15[%shift_right_arithmetic3A, %and3A], %exp3A masked %eq3A_58 {add = true} : memref<80x128xf32, #tpu.memory_space<vmem>>[vector<16xi32>, vector<16xi32>], vector<16xf32>, vector<16xi1>
          %scan3A_248 = arith.constant 0 : i32
          %scan3A_249 = arith.constant 0 : i32
          %scan3A_250 = arith.constant 16 : i32
          %scan3A_251 = arith.addi %scan3A_249, %scan3A_250 : i32
          %scan3A_252 = arith.constant 2 : i32
          scf.for %scan3A_254 = %scan3A_249 to %scan3A_251 step %scan3A_252  : i32 {
            %mul3A_255 = arith.constant 8 : i32
            %mul3A_256 = arith.muli %scan3A_254, %mul3A_255 : i32
            %add3A_257 = arith.constant 0 : i32
            %add3A_258 = arith.addi %mul3A_256, %add3A_257 : i32
            %broadcast_in_dim3A_259 = vector.broadcast %add3A_258 : i32 to vector<16xi32>
            %add3A_260 = arith.addi %broadcast_in_dim3A_259, %iota3A : vector<16xi32>
            %and3A_261 = arith.andi %add3A_260, %broadcast_in_dim3A_5 : vector<16xi32>
            %gather3A = tpu.vector_load_idx %arg12[%add3A_216, %and3A_261] : memref<64x128xf32, #tpu.memory_space<vmem>>[vector<16xi32>, vector<16xi32>], vector<16xf32>,
            %mul3A_262 = arith.mulf %gather3A, %exp3A : vector<16xf32>
            tpu.vector_store_idx %arg12[%add3A_216, %and3A_261], %mul3A_262 : memref<64x128xf32, #tpu.memory_space<vmem>>[vector<16xi32>, vector<16xi32>], vector<16xf32>,
            %mul3A_263 = arith.constant 8 : i32
            %mul3A_264 = arith.muli %scan3A_254, %mul3A_263 : i32
            %add3A_265 = arith.constant 1 : i32
            %add3A_266 = arith.addi %mul3A_264, %add3A_265 : i32
            %broadcast_in_dim3A_267 = vector.broadcast %add3A_266 : i32 to vector<16xi32>
            %add3A_268 = arith.addi %broadcast_in_dim3A_267, %iota3A : vector<16xi32>
            %and3A_269 = arith.andi %add3A_268, %broadcast_in_dim3A_5 : vector<16xi32>
            %gather3A_270 = tpu.vector_load_idx %arg12[%add3A_216, %and3A_269] : memref<64x128xf32, #tpu.memory_space<vmem>>[vector<16xi32>, vector<16xi32>], vector<16xf32>,
            %mul3A_271 = arith.mulf %gather3A_270, %exp3A : vector<16xf32>
            tpu.vector_store_idx %arg12[%add3A_216, %and3A_269], %mul3A_271 : memref<64x128xf32, #tpu.memory_space<vmem>>[vector<16xi32>, vector<16xi32>], vector<16xf32>,
            %mul3A_272 = arith.constant 8 : i32
            %mul3A_273 = arith.muli %scan3A_254, %mul3A_272 : i32
            %add3A_274 = arith.constant 2 : i32
            %add3A_275 = arith.addi %mul3A_273, %add3A_274 : i32
            %broadcast_in_dim3A_276 = vector.broadcast %add3A_275 : i32 to vector<16xi32>
            %add3A_277 = arith.addi %broadcast_in_dim3A_276, %iota3A : vector<16xi32>
            %and3A_278 = arith.andi %add3A_277, %broadcast_in_dim3A_5 : vector<16xi32>
            %gather3A_279 = tpu.vector_load_idx %arg12[%add3A_216, %and3A_278] : memref<64x128xf32, #tpu.memory_space<vmem>>[vector<16xi32>, vector<16xi32>], vector<16xf32>,
            %mul3A_280 = arith.mulf %gather3A_279, %exp3A : vector<16xf32>
            tpu.vector_store_idx %arg12[%add3A_216, %and3A_278], %mul3A_280 : memref<64x128xf32, #tpu.memory_space<vmem>>[vector<16xi32>, vector<16xi32>], vector<16xf32>,
            %mul3A_281 = arith.constant 8 : i32
            %mul3A_282 = arith.muli %scan3A_254, %mul3A_281 : i32
            %add3A_283 = arith.constant 3 : i32
            %add3A_284 = arith.addi %mul3A_282, %add3A_283 : i32
            %broadcast_in_dim3A_285 = vector.broadcast %add3A_284 : i32 to vector<16xi32>
            %add3A_286 = arith.addi %broadcast_in_dim3A_285, %iota3A : vector<16xi32>
            %and3A_287 = arith.andi %add3A_286, %broadcast_in_dim3A_5 : vector<16xi32>
            %gather3A_288 = tpu.vector_load_idx %arg12[%add3A_216, %and3A_287] : memref<64x128xf32, #tpu.memory_space<vmem>>[vector<16xi32>, vector<16xi32>], vector<16xf32>,
            %mul3A_289 = arith.mulf %gather3A_288, %exp3A : vector<16xf32>
            tpu.vector_store_idx %arg12[%add3A_216, %and3A_287], %mul3A_289 : memref<64x128xf32, #tpu.memory_space<vmem>>[vector<16xi32>, vector<16xi32>], vector<16xf32>,
            %mul3A_290 = arith.constant 8 : i32
            %mul3A_291 = arith.muli %scan3A_254, %mul3A_290 : i32
            %add3A_292 = arith.constant 4 : i32
            %add3A_293 = arith.addi %mul3A_291, %add3A_292 : i32
            %broadcast_in_dim3A_294 = vector.broadcast %add3A_293 : i32 to vector<16xi32>
            %add3A_295 = arith.addi %broadcast_in_dim3A_294, %iota3A : vector<16xi32>
            %and3A_296 = arith.andi %add3A_295, %broadcast_in_dim3A_5 : vector<16xi32>
            %gather3A_297 = tpu.vector_load_idx %arg12[%add3A_216, %and3A_296] : memref<64x128xf32, #tpu.memory_space<vmem>>[vector<16xi32>, vector<16xi32>], vector<16xf32>,
            %mul3A_298 = arith.mulf %gather3A_297, %exp3A : vector<16xf32>
            tpu.vector_store_idx %arg12[%add3A_216, %and3A_296], %mul3A_298 : memref<64x128xf32, #tpu.memory_space<vmem>>[vector<16xi32>, vector<16xi32>], vector<16xf32>,
            %mul3A_299 = arith.constant 8 : i32
            %mul3A_300 = arith.muli %scan3A_254, %mul3A_299 : i32
            %add3A_301 = arith.constant 5 : i32
            %add3A_302 = arith.addi %mul3A_300, %add3A_301 : i32
            %broadcast_in_dim3A_303 = vector.broadcast %add3A_302 : i32 to vector<16xi32>
            %add3A_304 = arith.addi %broadcast_in_dim3A_303, %iota3A : vector<16xi32>
            %and3A_305 = arith.andi %add3A_304, %broadcast_in_dim3A_5 : vector<16xi32>
            %gather3A_306 = tpu.vector_load_idx %arg12[%add3A_216, %and3A_305] : memref<64x128xf32, #tpu.memory_space<vmem>>[vector<16xi32>, vector<16xi32>], vector<16xf32>,
            %mul3A_307 = arith.mulf %gather3A_306, %exp3A : vector<16xf32>
            tpu.vector_store_idx %arg12[%add3A_216, %and3A_305], %mul3A_307 : memref<64x128xf32, #tpu.memory_space<vmem>>[vector<16xi32>, vector<16xi32>], vector<16xf32>,
            %mul3A_308 = arith.constant 8 : i32
            %mul3A_309 = arith.muli %scan3A_254, %mul3A_308 : i32
            %add3A_310 = arith.constant 6 : i32
            %add3A_311 = arith.addi %mul3A_309, %add3A_310 : i32
            %broadcast_in_dim3A_312 = vector.broadcast %add3A_311 : i32 to vector<16xi32>
            %add3A_313 = arith.addi %broadcast_in_dim3A_312, %iota3A : vector<16xi32>
            %and3A_314 = arith.andi %add3A_313, %broadcast_in_dim3A_5 : vector<16xi32>
            %gather3A_315 = tpu.vector_load_idx %arg12[%add3A_216, %and3A_314] : memref<64x128xf32, #tpu.memory_space<vmem>>[vector<16xi32>, vector<16xi32>], vector<16xf32>,
            %mul3A_316 = arith.mulf %gather3A_315, %exp3A : vector<16xf32>
            tpu.vector_store_idx %arg12[%add3A_216, %and3A_314], %mul3A_316 : memref<64x128xf32, #tpu.memory_space<vmem>>[vector<16xi32>, vector<16xi32>], vector<16xf32>,
            %mul3A_317 = arith.constant 8 : i32
            %mul3A_318 = arith.muli %scan3A_254, %mul3A_317 : i32
            %add3A_319 = arith.constant 7 : i32
            %add3A_320 = arith.addi %mul3A_318, %add3A_319 : i32
            %broadcast_in_dim3A_321 = vector.broadcast %add3A_320 : i32 to vector<16xi32>
            %add3A_322 = arith.addi %broadcast_in_dim3A_321, %iota3A : vector<16xi32>
            %and3A_323 = arith.andi %add3A_322, %broadcast_in_dim3A_5 : vector<16xi32>
            %gather3A_324 = tpu.vector_load_idx %arg12[%add3A_216, %and3A_323] : memref<64x128xf32, #tpu.memory_space<vmem>>[vector<16xi32>, vector<16xi32>], vector<16xf32>,
            %mul3A_325 = arith.mulf %gather3A_324, %exp3A : vector<16xf32>
            tpu.vector_store_idx %arg12[%add3A_216, %and3A_323], %mul3A_325 : memref<64x128xf32, #tpu.memory_space<vmem>>[vector<16xi32>, vector<16xi32>], vector<16xf32>,
            %scan3A_326 = arith.constant 1 : i32
            %scan3A_327 = arith.addi %scan3A_254, %scan3A_326 : i32
            %mul3A_328 = arith.constant 8 : i32
            %mul3A_329 = arith.muli %scan3A_327, %mul3A_328 : i32
            %add3A_330 = arith.constant 0 : i32
            %add3A_331 = arith.addi %mul3A_329, %add3A_330 : i32
            %broadcast_in_dim3A_332 = vector.broadcast %add3A_331 : i32 to vector<16xi32>
            %add3A_333 = arith.addi %broadcast_in_dim3A_332, %iota3A : vector<16xi32>
            %and3A_334 = arith.andi %add3A_333, %broadcast_in_dim3A_5 : vector<16xi32>
            %gather3A_335 = tpu.vector_load_idx %arg12[%add3A_216, %and3A_334] : memref<64x128xf32, #tpu.memory_space<vmem>>[vector<16xi32>, vector<16xi32>], vector<16xf32>,
            %mul3A_336 = arith.mulf %gather3A_335, %exp3A : vector<16xf32>
            tpu.vector_store_idx %arg12[%add3A_216, %and3A_334], %mul3A_336 : memref<64x128xf32, #tpu.memory_space<vmem>>[vector<16xi32>, vector<16xi32>], vector<16xf32>,
            %mul3A_337 = arith.constant 8 : i32
            %mul3A_338 = arith.muli %scan3A_327, %mul3A_337 : i32
            %add3A_339 = arith.constant 1 : i32
            %add3A_340 = arith.addi %mul3A_338, %add3A_339 : i32
            %broadcast_in_dim3A_341 = vector.broadcast %add3A_340 : i32 to vector<16xi32>
            %add3A_342 = arith.addi %broadcast_in_dim3A_341, %iota3A : vector<16xi32>
            %and3A_343 = arith.andi %add3A_342, %broadcast_in_dim3A_5 : vector<16xi32>
            %gather3A_344 = tpu.vector_load_idx %arg12[%add3A_216, %and3A_343] : memref<64x128xf32, #tpu.memory_space<vmem>>[vector<16xi32>, vector<16xi32>], vector<16xf32>,
            %mul3A_345 = arith.mulf %gather3A_344, %exp3A : vector<16xf32>
            tpu.vector_store_idx %arg12[%add3A_216, %and3A_343], %mul3A_345 : memref<64x128xf32, #tpu.memory_space<vmem>>[vector<16xi32>, vector<16xi32>], vector<16xf32>,
            %mul3A_346 = arith.constant 8 : i32
            %mul3A_347 = arith.muli %scan3A_327, %mul3A_346 : i32
            %add3A_348 = arith.constant 2 : i32
            %add3A_349 = arith.addi %mul3A_347, %add3A_348 : i32
            %broadcast_in_dim3A_350 = vector.broadcast %add3A_349 : i32 to vector<16xi32>
            %add3A_351 = arith.addi %broadcast_in_dim3A_350, %iota3A : vector<16xi32>
            %and3A_352 = arith.andi %add3A_351, %broadcast_in_dim3A_5 : vector<16xi32>
            %gather3A_353 = tpu.vector_load_idx %arg12[%add3A_216, %and3A_352] : memref<64x128xf32, #tpu.memory_space<vmem>>[vector<16xi32>, vector<16xi32>], vector<16xf32>,
            %mul3A_354 = arith.mulf %gather3A_353, %exp3A : vector<16xf32>
            tpu.vector_store_idx %arg12[%add3A_216, %and3A_352], %mul3A_354 : memref<64x128xf32, #tpu.memory_space<vmem>>[vector<16xi32>, vector<16xi32>], vector<16xf32>,
            %mul3A_355 = arith.constant 8 : i32
            %mul3A_356 = arith.muli %scan3A_327, %mul3A_355 : i32
            %add3A_357 = arith.constant 3 : i32
            %add3A_358 = arith.addi %mul3A_356, %add3A_357 : i32
            %broadcast_in_dim3A_359 = vector.broadcast %add3A_358 : i32 to vector<16xi32>
            %add3A_360 = arith.addi %broadcast_in_dim3A_359, %iota3A : vector<16xi32>
            %and3A_361 = arith.andi %add3A_360, %broadcast_in_dim3A_5 : vector<16xi32>
            %gather3A_362 = tpu.vector_load_idx %arg12[%add3A_216, %and3A_361] : memref<64x128xf32, #tpu.memory_space<vmem>>[vector<16xi32>, vector<16xi32>], vector<16xf32>,
            %mul3A_363 = arith.mulf %gather3A_362, %exp3A : vector<16xf32>
            tpu.vector_store_idx %arg12[%add3A_216, %and3A_361], %mul3A_363 : memref<64x128xf32, #tpu.memory_space<vmem>>[vector<16xi32>, vector<16xi32>], vector<16xf32>,
            %mul3A_364 = arith.constant 8 : i32
            %mul3A_365 = arith.muli %scan3A_327, %mul3A_364 : i32
            %add3A_366 = arith.constant 4 : i32
            %add3A_367 = arith.addi %mul3A_365, %add3A_366 : i32
            %broadcast_in_dim3A_368 = vector.broadcast %add3A_367 : i32 to vector<16xi32>
            %add3A_369 = arith.addi %broadcast_in_dim3A_368, %iota3A : vector<16xi32>
            %and3A_370 = arith.andi %add3A_369, %broadcast_in_dim3A_5 : vector<16xi32>
            %gather3A_371 = tpu.vector_load_idx %arg12[%add3A_216, %and3A_370] : memref<64x128xf32, #tpu.memory_space<vmem>>[vector<16xi32>, vector<16xi32>], vector<16xf32>,
            %mul3A_372 = arith.mulf %gather3A_371, %exp3A : vector<16xf32>
            tpu.vector_store_idx %arg12[%add3A_216, %and3A_370], %mul3A_372 : memref<64x128xf32, #tpu.memory_space<vmem>>[vector<16xi32>, vector<16xi32>], vector<16xf32>,
            %mul3A_373 = arith.constant 8 : i32
            %mul3A_374 = arith.muli %scan3A_327, %mul3A_373 : i32
            %add3A_375 = arith.constant 5 : i32
            %add3A_376 = arith.addi %mul3A_374, %add3A_375 : i32
            %broadcast_in_dim3A_377 = vector.broadcast %add3A_376 : i32 to vector<16xi32>
            %add3A_378 = arith.addi %broadcast_in_dim3A_377, %iota3A : vector<16xi32>
            %and3A_379 = arith.andi %add3A_378, %broadcast_in_dim3A_5 : vector<16xi32>
            %gather3A_380 = tpu.vector_load_idx %arg12[%add3A_216, %and3A_379] : memref<64x128xf32, #tpu.memory_space<vmem>>[vector<16xi32>, vector<16xi32>], vector<16xf32>,
            %mul3A_381 = arith.mulf %gather3A_380, %exp3A : vector<16xf32>
            tpu.vector_store_idx %arg12[%add3A_216, %and3A_379], %mul3A_381 : memref<64x128xf32, #tpu.memory_space<vmem>>[vector<16xi32>, vector<16xi32>], vector<16xf32>,
            %mul3A_382 = arith.constant 8 : i32
            %mul3A_383 = arith.muli %scan3A_327, %mul3A_382 : i32
            %add3A_384 = arith.constant 6 : i32
            %add3A_385 = arith.addi %mul3A_383, %add3A_384 : i32
            %broadcast_in_dim3A_386 = vector.broadcast %add3A_385 : i32 to vector<16xi32>
            %add3A_387 = arith.addi %broadcast_in_dim3A_386, %iota3A : vector<16xi32>
            %and3A_388 = arith.andi %add3A_387, %broadcast_in_dim3A_5 : vector<16xi32>
            %gather3A_389 = tpu.vector_load_idx %arg12[%add3A_216, %and3A_388] : memref<64x128xf32, #tpu.memory_space<vmem>>[vector<16xi32>, vector<16xi32>], vector<16xf32>,
            %mul3A_390 = arith.mulf %gather3A_389, %exp3A : vector<16xf32>
            tpu.vector_store_idx %arg12[%add3A_216, %and3A_388], %mul3A_390 : memref<64x128xf32, #tpu.memory_space<vmem>>[vector<16xi32>, vector<16xi32>], vector<16xf32>,
            %mul3A_391 = arith.constant 8 : i32
            %mul3A_392 = arith.muli %scan3A_327, %mul3A_391 : i32
            %add3A_393 = arith.constant 7 : i32
            %add3A_394 = arith.addi %mul3A_392, %add3A_393 : i32
            %broadcast_in_dim3A_395 = vector.broadcast %add3A_394 : i32 to vector<16xi32>
            %add3A_396 = arith.addi %broadcast_in_dim3A_395, %iota3A : vector<16xi32>
            %and3A_397 = arith.andi %add3A_396, %broadcast_in_dim3A_5 : vector<16xi32>
            %gather3A_398 = tpu.vector_load_idx %arg12[%add3A_216, %and3A_397] : memref<64x128xf32, #tpu.memory_space<vmem>>[vector<16xi32>, vector<16xi32>], vector<16xf32>,
            %mul3A_399 = arith.mulf %gather3A_398, %exp3A : vector<16xf32>
            tpu.vector_store_idx %arg12[%add3A_216, %and3A_397], %mul3A_399 : memref<64x128xf32, #tpu.memory_space<vmem>>[vector<16xi32>, vector<16xi32>], vector<16xf32>,
          }
          %scan3A_253 = arith.constant 16 : i32
        }
        %scan3A_175 = arith.constant 4 : i32
        "tpu.region"() ({
          %run_scoped3A_212 = tpu.sem_alloc : memref<!tpu.dma_semaphore, #tpu.memory_space<semaphore_mem>>
          %dma_start3A_213 = arith.constant 0 : i32
          %dma_start3A_214 = tpu.memref_slice %arg10[%mul3A_141, %dma_start3A_213] : memref<8x64xi32, #tpu.memory_space<vmem>> -> memref<1x64xi32, #tpu.memory_space<vmem>>
          %dma_start3A_215 = tpu.memref_squeeze %dma_start3A_214 : memref<1x64xi32, #tpu.memory_space<vmem>> -> memref<64xi32, #tpu.memory_space<vmem>>
          %dma_start3A_216 = arith.constant 0 : i32
          %dma_start3A_217 = arith.constant 0 : i32
          %dma_start3A_218 = tpu.memref_slice %arg16[%dma_start3A_216, %dma_start3A_217] : memref<10240x128xf32, #tpu.memory_space<vmem_shared>> -> memref<10240x128xf32, #tpu.memory_space<vmem_shared>>
          tpu.enqueue_indirect_dma source(%arg12 : memref<64x128xf32, #tpu.memory_space<vmem>>) target(%dma_start3A_218 : memref<10240x128xf32, #tpu.memory_space<vmem_shared>>) offsets(%dma_start3A_215 : memref<64xi32, #tpu.memory_space<vmem>>) semaphore(%run_scoped3A_212 : memref<!tpu.dma_semaphore, #tpu.memory_space<semaphore_mem>>) {add = true}
          %dma_wait3A_219 = arith.constant 0 : i32
          %dma_wait3A_220 = tpu.memref_slice %arg10[%mul3A_141, %dma_wait3A_219] : memref<8x64xi32, #tpu.memory_space<vmem>> -> memref<1x64xi32, #tpu.memory_space<vmem>>
          %dma_wait3A_221 = tpu.memref_squeeze %dma_wait3A_220 : memref<1x64xi32, #tpu.memory_space<vmem>> -> memref<64xi32, #tpu.memory_space<vmem>>
          %dma_wait3A_222 = arith.constant 0 : i32
          %dma_wait3A_223 = arith.constant 0 : i32
          %dma_wait3A_224 = tpu.memref_slice %arg16[%dma_wait3A_222, %dma_wait3A_223] : memref<10240x128xf32, #tpu.memory_space<vmem_shared>> -> memref<10240x128xf32, #tpu.memory_space<vmem_shared>>
          tpu.wait_indirect_dma semaphore(%run_scoped3A_212 : memref<!tpu.dma_semaphore, #tpu.memory_space<semaphore_mem>>) src(%arg12 : memref<64x128xf32, #tpu.memory_space<vmem>>) dst(%dma_wait3A_224 : memref<10240x128xf32, #tpu.memory_space<vmem_shared>>)
          tpu.yield
        }) : () -> ()
        %dma_wait3A_176 = arith.constant 0 : i32
        %dma_wait3A_177 = arith.constant 0 : i32
        %dma_wait3A_178 = tpu.memref_slice %arg10[%dma_wait3A_176, %dma_wait3A_177] : memref<8x64xi32, #tpu.memory_space<vmem>> -> memref<1x64xi32, #tpu.memory_space<vmem>>
        %dma_wait3A_179 = tpu.memref_squeeze %dma_wait3A_178 : memref<1x64xi32, #tpu.memory_space<vmem>> -> memref<64xi32, #tpu.memory_space<vmem>>
        %dma_wait3A_180 = arith.constant 0 : i32
        %dma_wait3A_181 = arith.constant 0 : i32
        %dma_wait3A_182 = tpu.memref_slice %arg3[%dma_wait3A_180, %dma_wait3A_181] : memref<10240x128xf32, #tpu.memory_space<hbm>> -> memref<10240x128xf32, #tpu.memory_space<hbm>>
        tpu.wait_indirect_dma semaphore(%arg19 : memref<!tpu.dma_semaphore, #tpu.memory_space<semaphore_mem>>) src(%dma_wait3A_182 : memref<10240x128xf32, #tpu.memory_space<hbm>>) dst(%arg13 : memref<64x128xf32, #tpu.memory_space<vmem>>)
        %dma_wait3A_183 = arith.constant 0 : i32
        %dma_wait3A_184 = arith.constant 0 : i32
        %dma_wait3A_185 = tpu.memref_slice %arg9[%dma_wait3A_183, %dma_wait3A_184] : memref<8x64xi32, #tpu.memory_space<vmem>> -> memref<1x64xi32, #tpu.memory_space<vmem>>
        %dma_wait3A_186 = tpu.memref_squeeze %dma_wait3A_185 : memref<1x64xi32, #tpu.memory_space<vmem>> -> memref<64xi32, #tpu.memory_space<vmem>>
        %dma_wait3A_187 = arith.constant 0 : i32
        %dma_wait3A_188 = arith.constant 0 : i32
        %dma_wait3A_189 = tpu.memref_slice %arg2[%dma_wait3A_187, %dma_wait3A_188] : memref<10240x128xf32, #tpu.memory_space<hbm>> -> memref<10240x128xf32, #tpu.memory_space<hbm>>
        tpu.wait_indirect_dma semaphore(%arg20 : memref<!tpu.dma_semaphore, #tpu.memory_space<semaphore_mem>>) src(%dma_wait3A_189 : memref<10240x128xf32, #tpu.memory_space<hbm>>) dst(%arg14 : memref<64x128xf32, #tpu.memory_space<vmem>>)
        %add3A_190 = arith.constant 2 : i32
        %add3A_191 = arith.addi %mul3A_141, %add3A_190 : i32
        %dma_start3A_192 = arith.constant 0 : i32
        %dma_start3A_193 = tpu.memref_slice %arg10[%add3A_191, %dma_start3A_192] : memref<8x64xi32, #tpu.memory_space<vmem>> -> memref<1x64xi32, #tpu.memory_space<vmem>>
        %dma_start3A_194 = tpu.memref_squeeze %dma_start3A_193 : memref<1x64xi32, #tpu.memory_space<vmem>> -> memref<64xi32, #tpu.memory_space<vmem>>
        %dma_start3A_195 = arith.constant 0 : i32
        %dma_start3A_196 = arith.constant 0 : i32
        %dma_start3A_197 = tpu.memref_slice %arg3[%dma_start3A_195, %dma_start3A_196] : memref<10240x128xf32, #tpu.memory_space<hbm>> -> memref<10240x128xf32, #tpu.memory_space<hbm>>
        tpu.enqueue_indirect_dma source(%dma_start3A_197 : memref<10240x128xf32, #tpu.memory_space<hbm>>) target(%arg11 : memref<64x128xf32, #tpu.memory_space<vmem>>) offsets(%dma_start3A_194 : memref<64xi32, #tpu.memory_space<vmem>>) semaphore(%arg17 : memref<!tpu.dma_semaphore, #tpu.memory_space<semaphore_mem>>)
        %dma_start3A_198 = arith.constant 0 : i32
        %dma_start3A_199 = tpu.memref_slice %arg9[%add3A_191, %dma_start3A_198] : memref<8x64xi32, #tpu.memory_space<vmem>> -> memref<1x64xi32, #tpu.memory_space<vmem>>
        %dma_start3A_200 = tpu.memref_squeeze %dma_start3A_199 : memref<1x64xi32, #tpu.memory_space<vmem>> -> memref<64xi32, #tpu.memory_space<vmem>>
        %dma_start3A_201 = arith.constant 0 : i32
        %dma_start3A_202 = arith.constant 0 : i32
        %dma_start3A_203 = tpu.memref_slice %arg2[%dma_start3A_201, %dma_start3A_202] : memref<10240x128xf32, #tpu.memory_space<hbm>> -> memref<10240x128xf32, #tpu.memory_space<hbm>>
        tpu.enqueue_indirect_dma source(%dma_start3A_203 : memref<10240x128xf32, #tpu.memory_space<hbm>>) target(%arg12 : memref<64x128xf32, #tpu.memory_space<vmem>>) offsets(%dma_start3A_200 : memref<64xi32, #tpu.memory_space<vmem>>) semaphore(%arg18 : memref<!tpu.dma_semaphore, #tpu.memory_space<semaphore_mem>>)
        %add3A_204 = arith.constant 1 : i32
        %add3A_205 = arith.addi %mul3A_141, %add3A_204 : i32
        %scan3A_206 = arith.constant 0 : i32
        %scan3A_207 = arith.constant 0 : i32
        %scan3A_208 = arith.constant 4 : i32
        %scan3A_209 = arith.addi %scan3A_207, %scan3A_208 : i32
        %scan3A_210 = arith.constant 1 : i32
        scf.for %scan3A_212 = %scan3A_207 to %scan3A_209 step %scan3A_210  : i32 {
          %mul3A_213 = arith.constant 16 : i32
          %mul3A_214 = arith.muli %scan3A_212, %mul3A_213 : i32
          %add3A_215 = vector.broadcast %mul3A_214 : i32 to vector<16xi32>
          %add3A_216 = arith.addi %iota3A, %add3A_215 : vector<16xi32>
          %mul3A_217 = arith.constant 16 : i32
          %mul3A_218 = arith.muli %scan3A_212, %mul3A_217 : i32
          %get3A = arith.index_cast %add3A_205 : i32 to index
          %get3A_219 = arith.index_cast %mul3A_218 : i32 to index
          %get3A_220 = tpu.vector_load %arg10[%get3A, %get3A_219] {strides = array<i32>} : memref<8x64xi32, #tpu.memory_space<vmem>>, vector<16xi32>,
          %broadcast_in_dim3A_221 = arith.constant 0.000000e+00 : f32
          %broadcast_in_dim3A_222 = vector.broadcast %broadcast_in_dim3A_221 : f32 to vector<16xf32>
          %scan3A_223 = arith.constant 0 : i32
          %scan3A_224 = arith.constant 16 : i32
          %scan3A_225 = arith.addi %scan3A_223, %scan3A_224 : i32
          %scan3A_226 = arith.constant 2 : i32
          %scan3A_227:4 = scf.for %scan3A_254 = %scan3A_223 to %scan3A_225 step %scan3A_226 iter_args(%scan3A_255 = %broadcast_in_dim3A_222, %scan3A_256 = %broadcast_in_dim3A_222, %scan3A_257 = %broadcast_in_dim3A_222, %scan3A_258 = %broadcast_in_dim3A_222) -> (vector<16xf32>, vector<16xf32>, vector<16xf32>, vector<16xf32>)  : i32 {
            %mul3A_259 = arith.constant 8 : i32
            %mul3A_260 = arith.muli %scan3A_254, %mul3A_259 : i32
            %add3A_261 = arith.constant 0 : i32
            %add3A_262 = arith.addi %mul3A_260, %add3A_261 : i32
            %broadcast_in_dim3A_263 = vector.broadcast %add3A_262 : i32 to vector<16xi32>
            %add3A_264 = arith.addi %broadcast_in_dim3A_263, %iota3A : vector<16xi32>
            %and3A_265 = arith.andi %add3A_264, %broadcast_in_dim3A_5 : vector<16xi32>
            %gather3A = tpu.vector_load_idx %arg14[%add3A_216, %and3A_265] : memref<64x128xf32, #tpu.memory_space<vmem>>[vector<16xi32>, vector<16xi32>], vector<16xf32>,
            %gather3A_266 = tpu.vector_load_idx %arg13[%add3A_216, %and3A_265] : memref<64x128xf32, #tpu.memory_space<vmem>>[vector<16xi32>, vector<16xi32>], vector<16xf32>,
            %mul3A_267 = arith.mulf %gather3A, %gather3A_266 : vector<16xf32>
            %add3A_268 = arith.addf %scan3A_255, %mul3A_267 : vector<16xf32>
            %mul3A_269 = arith.mulf %gather3A, %gather3A : vector<16xf32>
            %add3A_270 = arith.addf %scan3A_257, %mul3A_269 : vector<16xf32>
            %mul3A_271 = arith.constant 8 : i32
            %mul3A_272 = arith.muli %scan3A_254, %mul3A_271 : i32
            %add3A_273 = arith.constant 1 : i32
            %add3A_274 = arith.addi %mul3A_272, %add3A_273 : i32
            %broadcast_in_dim3A_275 = vector.broadcast %add3A_274 : i32 to vector<16xi32>
            %add3A_276 = arith.addi %broadcast_in_dim3A_275, %iota3A : vector<16xi32>
            %and3A_277 = arith.andi %add3A_276, %broadcast_in_dim3A_5 : vector<16xi32>
            %gather3A_278 = tpu.vector_load_idx %arg14[%add3A_216, %and3A_277] : memref<64x128xf32, #tpu.memory_space<vmem>>[vector<16xi32>, vector<16xi32>], vector<16xf32>,
            %gather3A_279 = tpu.vector_load_idx %arg13[%add3A_216, %and3A_277] : memref<64x128xf32, #tpu.memory_space<vmem>>[vector<16xi32>, vector<16xi32>], vector<16xf32>,
            %mul3A_280 = arith.mulf %gather3A_278, %gather3A_279 : vector<16xf32>
            %add3A_281 = arith.addf %scan3A_256, %mul3A_280 : vector<16xf32>
            %mul3A_282 = arith.mulf %gather3A_278, %gather3A_278 : vector<16xf32>
            %add3A_283 = arith.addf %scan3A_258, %mul3A_282 : vector<16xf32>
            %mul3A_284 = arith.constant 8 : i32
            %mul3A_285 = arith.muli %scan3A_254, %mul3A_284 : i32
            %add3A_286 = arith.constant 2 : i32
            %add3A_287 = arith.addi %mul3A_285, %add3A_286 : i32
            %broadcast_in_dim3A_288 = vector.broadcast %add3A_287 : i32 to vector<16xi32>
            %add3A_289 = arith.addi %broadcast_in_dim3A_288, %iota3A : vector<16xi32>
            %and3A_290 = arith.andi %add3A_289, %broadcast_in_dim3A_5 : vector<16xi32>
            %gather3A_291 = tpu.vector_load_idx %arg14[%add3A_216, %and3A_290] : memref<64x128xf32, #tpu.memory_space<vmem>>[vector<16xi32>, vector<16xi32>], vector<16xf32>,
            %gather3A_292 = tpu.vector_load_idx %arg13[%add3A_216, %and3A_290] : memref<64x128xf32, #tpu.memory_space<vmem>>[vector<16xi32>, vector<16xi32>], vector<16xf32>,
            %mul3A_293 = arith.mulf %gather3A_291, %gather3A_292 : vector<16xf32>
            %add3A_294 = arith.addf %add3A_268, %mul3A_293 : vector<16xf32>
            %mul3A_295 = arith.mulf %gather3A_291, %gather3A_291 : vector<16xf32>
            %add3A_296 = arith.addf %add3A_270, %mul3A_295 : vector<16xf32>
            %mul3A_297 = arith.constant 8 : i32
            %mul3A_298 = arith.muli %scan3A_254, %mul3A_297 : i32
            %add3A_299 = arith.constant 3 : i32
            %add3A_300 = arith.addi %mul3A_298, %add3A_299 : i32
            %broadcast_in_dim3A_301 = vector.broadcast %add3A_300 : i32 to vector<16xi32>
            %add3A_302 = arith.addi %broadcast_in_dim3A_301, %iota3A : vector<16xi32>
            %and3A_303 = arith.andi %add3A_302, %broadcast_in_dim3A_5 : vector<16xi32>
            %gather3A_304 = tpu.vector_load_idx %arg14[%add3A_216, %and3A_303] : memref<64x128xf32, #tpu.memory_space<vmem>>[vector<16xi32>, vector<16xi32>], vector<16xf32>,
            %gather3A_305 = tpu.vector_load_idx %arg13[%add3A_216, %and3A_303] : memref<64x128xf32, #tpu.memory_space<vmem>>[vector<16xi32>, vector<16xi32>], vector<16xf32>,
            %mul3A_306 = arith.mulf %gather3A_304, %gather3A_305 : vector<16xf32>
            %add3A_307 = arith.addf %add3A_281, %mul3A_306 : vector<16xf32>
            %mul3A_308 = arith.mulf %gather3A_304, %gather3A_304 : vector<16xf32>
            %add3A_309 = arith.addf %add3A_283, %mul3A_308 : vector<16xf32>
            %mul3A_310 = arith.constant 8 : i32
            %mul3A_311 = arith.muli %scan3A_254, %mul3A_310 : i32
            %add3A_312 = arith.constant 4 : i32
            %add3A_313 = arith.addi %mul3A_311, %add3A_312 : i32
            %broadcast_in_dim3A_314 = vector.broadcast %add3A_313 : i32 to vector<16xi32>
            %add3A_315 = arith.addi %broadcast_in_dim3A_314, %iota3A : vector<16xi32>
            %and3A_316 = arith.andi %add3A_315, %broadcast_in_dim3A_5 : vector<16xi32>
            %gather3A_317 = tpu.vector_load_idx %arg14[%add3A_216, %and3A_316] : memref<64x128xf32, #tpu.memory_space<vmem>>[vector<16xi32>, vector<16xi32>], vector<16xf32>,
            %gather3A_318 = tpu.vector_load_idx %arg13[%add3A_216, %and3A_316] : memref<64x128xf32, #tpu.memory_space<vmem>>[vector<16xi32>, vector<16xi32>], vector<16xf32>,
            %mul3A_319 = arith.mulf %gather3A_317, %gather3A_318 : vector<16xf32>
            %add3A_320 = arith.addf %add3A_294, %mul3A_319 : vector<16xf32>
            %mul3A_321 = arith.mulf %gather3A_317, %gather3A_317 : vector<16xf32>
            %add3A_322 = arith.addf %add3A_296, %mul3A_321 : vector<16xf32>
            %mul3A_323 = arith.constant 8 : i32
            %mul3A_324 = arith.muli %scan3A_254, %mul3A_323 : i32
            %add3A_325 = arith.constant 5 : i32
            %add3A_326 = arith.addi %mul3A_324, %add3A_325 : i32
            %broadcast_in_dim3A_327 = vector.broadcast %add3A_326 : i32 to vector<16xi32>
            %add3A_328 = arith.addi %broadcast_in_dim3A_327, %iota3A : vector<16xi32>
            %and3A_329 = arith.andi %add3A_328, %broadcast_in_dim3A_5 : vector<16xi32>
            %gather3A_330 = tpu.vector_load_idx %arg14[%add3A_216, %and3A_329] : memref<64x128xf32, #tpu.memory_space<vmem>>[vector<16xi32>, vector<16xi32>], vector<16xf32>,
            %gather3A_331 = tpu.vector_load_idx %arg13[%add3A_216, %and3A_329] : memref<64x128xf32, #tpu.memory_space<vmem>>[vector<16xi32>, vector<16xi32>], vector<16xf32>,
            %mul3A_332 = arith.mulf %gather3A_330, %gather3A_331 : vector<16xf32>
            %add3A_333 = arith.addf %add3A_307, %mul3A_332 : vector<16xf32>
            %mul3A_334 = arith.mulf %gather3A_330, %gather3A_330 : vector<16xf32>
            %add3A_335 = arith.addf %add3A_309, %mul3A_334 : vector<16xf32>
            %mul3A_336 = arith.constant 8 : i32
            %mul3A_337 = arith.muli %scan3A_254, %mul3A_336 : i32
            %add3A_338 = arith.constant 6 : i32
            %add3A_339 = arith.addi %mul3A_337, %add3A_338 : i32
            %broadcast_in_dim3A_340 = vector.broadcast %add3A_339 : i32 to vector<16xi32>
            %add3A_341 = arith.addi %broadcast_in_dim3A_340, %iota3A : vector<16xi32>
            %and3A_342 = arith.andi %add3A_341, %broadcast_in_dim3A_5 : vector<16xi32>
            %gather3A_343 = tpu.vector_load_idx %arg14[%add3A_216, %and3A_342] : memref<64x128xf32, #tpu.memory_space<vmem>>[vector<16xi32>, vector<16xi32>], vector<16xf32>,
            %gather3A_344 = tpu.vector_load_idx %arg13[%add3A_216, %and3A_342] : memref<64x128xf32, #tpu.memory_space<vmem>>[vector<16xi32>, vector<16xi32>], vector<16xf32>,
            %mul3A_345 = arith.mulf %gather3A_343, %gather3A_344 : vector<16xf32>
            %add3A_346 = arith.addf %add3A_320, %mul3A_345 : vector<16xf32>
            %mul3A_347 = arith.mulf %gather3A_343, %gather3A_343 : vector<16xf32>
            %add3A_348 = arith.addf %add3A_322, %mul3A_347 : vector<16xf32>
            %mul3A_349 = arith.constant 8 : i32
            %mul3A_350 = arith.muli %scan3A_254, %mul3A_349 : i32
            %add3A_351 = arith.constant 7 : i32
            %add3A_352 = arith.addi %mul3A_350, %add3A_351 : i32
            %broadcast_in_dim3A_353 = vector.broadcast %add3A_352 : i32 to vector<16xi32>
            %add3A_354 = arith.addi %broadcast_in_dim3A_353, %iota3A : vector<16xi32>
            %and3A_355 = arith.andi %add3A_354, %broadcast_in_dim3A_5 : vector<16xi32>
            %gather3A_356 = tpu.vector_load_idx %arg14[%add3A_216, %and3A_355] : memref<64x128xf32, #tpu.memory_space<vmem>>[vector<16xi32>, vector<16xi32>], vector<16xf32>,
            %gather3A_357 = tpu.vector_load_idx %arg13[%add3A_216, %and3A_355] : memref<64x128xf32, #tpu.memory_space<vmem>>[vector<16xi32>, vector<16xi32>], vector<16xf32>,
            %mul3A_358 = arith.mulf %gather3A_356, %gather3A_357 : vector<16xf32>
            %add3A_359 = arith.addf %add3A_333, %mul3A_358 : vector<16xf32>
            %mul3A_360 = arith.mulf %gather3A_356, %gather3A_356 : vector<16xf32>
            %add3A_361 = arith.addf %add3A_335, %mul3A_360 : vector<16xf32>
            %scan3A_362 = arith.constant 1 : i32
            %scan3A_363 = arith.addi %scan3A_254, %scan3A_362 : i32
            %mul3A_364 = arith.constant 8 : i32
            %mul3A_365 = arith.muli %scan3A_363, %mul3A_364 : i32
            %add3A_366 = arith.constant 0 : i32
            %add3A_367 = arith.addi %mul3A_365, %add3A_366 : i32
            %broadcast_in_dim3A_368 = vector.broadcast %add3A_367 : i32 to vector<16xi32>
            %add3A_369 = arith.addi %broadcast_in_dim3A_368, %iota3A : vector<16xi32>
            %and3A_370 = arith.andi %add3A_369, %broadcast_in_dim3A_5 : vector<16xi32>
            %gather3A_371 = tpu.vector_load_idx %arg14[%add3A_216, %and3A_370] : memref<64x128xf32, #tpu.memory_space<vmem>>[vector<16xi32>, vector<16xi32>], vector<16xf32>,
            %gather3A_372 = tpu.vector_load_idx %arg13[%add3A_216, %and3A_370] : memref<64x128xf32, #tpu.memory_space<vmem>>[vector<16xi32>, vector<16xi32>], vector<16xf32>,
            %mul3A_373 = arith.mulf %gather3A_371, %gather3A_372 : vector<16xf32>
            %add3A_374 = arith.addf %add3A_346, %mul3A_373 : vector<16xf32>
            %mul3A_375 = arith.mulf %gather3A_371, %gather3A_371 : vector<16xf32>
            %add3A_376 = arith.addf %add3A_348, %mul3A_375 : vector<16xf32>
            %mul3A_377 = arith.constant 8 : i32
            %mul3A_378 = arith.muli %scan3A_363, %mul3A_377 : i32
            %add3A_379 = arith.constant 1 : i32
            %add3A_380 = arith.addi %mul3A_378, %add3A_379 : i32
            %broadcast_in_dim3A_381 = vector.broadcast %add3A_380 : i32 to vector<16xi32>
            %add3A_382 = arith.addi %broadcast_in_dim3A_381, %iota3A : vector<16xi32>
            %and3A_383 = arith.andi %add3A_382, %broadcast_in_dim3A_5 : vector<16xi32>
            %gather3A_384 = tpu.vector_load_idx %arg14[%add3A_216, %and3A_383] : memref<64x128xf32, #tpu.memory_space<vmem>>[vector<16xi32>, vector<16xi32>], vector<16xf32>,
            %gather3A_385 = tpu.vector_load_idx %arg13[%add3A_216, %and3A_383] : memref<64x128xf32, #tpu.memory_space<vmem>>[vector<16xi32>, vector<16xi32>], vector<16xf32>,
            %mul3A_386 = arith.mulf %gather3A_384, %gather3A_385 : vector<16xf32>
            %add3A_387 = arith.addf %add3A_359, %mul3A_386 : vector<16xf32>
            %mul3A_388 = arith.mulf %gather3A_384, %gather3A_384 : vector<16xf32>
            %add3A_389 = arith.addf %add3A_361, %mul3A_388 : vector<16xf32>
            %mul3A_390 = arith.constant 8 : i32
            %mul3A_391 = arith.muli %scan3A_363, %mul3A_390 : i32
            %add3A_392 = arith.constant 2 : i32
            %add3A_393 = arith.addi %mul3A_391, %add3A_392 : i32
            %broadcast_in_dim3A_394 = vector.broadcast %add3A_393 : i32 to vector<16xi32>
            %add3A_395 = arith.addi %broadcast_in_dim3A_394, %iota3A : vector<16xi32>
            %and3A_396 = arith.andi %add3A_395, %broadcast_in_dim3A_5 : vector<16xi32>
            %gather3A_397 = tpu.vector_load_idx %arg14[%add3A_216, %and3A_396] : memref<64x128xf32, #tpu.memory_space<vmem>>[vector<16xi32>, vector<16xi32>], vector<16xf32>,
            %gather3A_398 = tpu.vector_load_idx %arg13[%add3A_216, %and3A_396] : memref<64x128xf32, #tpu.memory_space<vmem>>[vector<16xi32>, vector<16xi32>], vector<16xf32>,
            %mul3A_399 = arith.mulf %gather3A_397, %gather3A_398 : vector<16xf32>
            %add3A_400 = arith.addf %add3A_374, %mul3A_399 : vector<16xf32>
            %mul3A_401 = arith.mulf %gather3A_397, %gather3A_397 : vector<16xf32>
            %add3A_402 = arith.addf %add3A_376, %mul3A_401 : vector<16xf32>
            %mul3A_403 = arith.constant 8 : i32
            %mul3A_404 = arith.muli %scan3A_363, %mul3A_403 : i32
            %add3A_405 = arith.constant 3 : i32
            %add3A_406 = arith.addi %mul3A_404, %add3A_405 : i32
            %broadcast_in_dim3A_407 = vector.broadcast %add3A_406 : i32 to vector<16xi32>
            %add3A_408 = arith.addi %broadcast_in_dim3A_407, %iota3A : vector<16xi32>
            %and3A_409 = arith.andi %add3A_408, %broadcast_in_dim3A_5 : vector<16xi32>
            %gather3A_410 = tpu.vector_load_idx %arg14[%add3A_216, %and3A_409] : memref<64x128xf32, #tpu.memory_space<vmem>>[vector<16xi32>, vector<16xi32>], vector<16xf32>,
            %gather3A_411 = tpu.vector_load_idx %arg13[%add3A_216, %and3A_409] : memref<64x128xf32, #tpu.memory_space<vmem>>[vector<16xi32>, vector<16xi32>], vector<16xf32>,
            %mul3A_412 = arith.mulf %gather3A_410, %gather3A_411 : vector<16xf32>
            %add3A_413 = arith.addf %add3A_387, %mul3A_412 : vector<16xf32>
            %mul3A_414 = arith.mulf %gather3A_410, %gather3A_410 : vector<16xf32>
            %add3A_415 = arith.addf %add3A_389, %mul3A_414 : vector<16xf32>
            %mul3A_416 = arith.constant 8 : i32
            %mul3A_417 = arith.muli %scan3A_363, %mul3A_416 : i32
            %add3A_418 = arith.constant 4 : i32
            %add3A_419 = arith.addi %mul3A_417, %add3A_418 : i32
            %broadcast_in_dim3A_420 = vector.broadcast %add3A_419 : i32 to vector<16xi32>
            %add3A_421 = arith.addi %broadcast_in_dim3A_420, %iota3A : vector<16xi32>
            %and3A_422 = arith.andi %add3A_421, %broadcast_in_dim3A_5 : vector<16xi32>
            %gather3A_423 = tpu.vector_load_idx %arg14[%add3A_216, %and3A_422] : memref<64x128xf32, #tpu.memory_space<vmem>>[vector<16xi32>, vector<16xi32>], vector<16xf32>,
            %gather3A_424 = tpu.vector_load_idx %arg13[%add3A_216, %and3A_422] : memref<64x128xf32, #tpu.memory_space<vmem>>[vector<16xi32>, vector<16xi32>], vector<16xf32>,
            %mul3A_425 = arith.mulf %gather3A_423, %gather3A_424 : vector<16xf32>
            %add3A_426 = arith.addf %add3A_400, %mul3A_425 : vector<16xf32>
            %mul3A_427 = arith.mulf %gather3A_423, %gather3A_423 : vector<16xf32>
            %add3A_428 = arith.addf %add3A_402, %mul3A_427 : vector<16xf32>
            %mul3A_429 = arith.constant 8 : i32
            %mul3A_430 = arith.muli %scan3A_363, %mul3A_429 : i32
            %add3A_431 = arith.constant 5 : i32
            %add3A_432 = arith.addi %mul3A_430, %add3A_431 : i32
            %broadcast_in_dim3A_433 = vector.broadcast %add3A_432 : i32 to vector<16xi32>
            %add3A_434 = arith.addi %broadcast_in_dim3A_433, %iota3A : vector<16xi32>
            %and3A_435 = arith.andi %add3A_434, %broadcast_in_dim3A_5 : vector<16xi32>
            %gather3A_436 = tpu.vector_load_idx %arg14[%add3A_216, %and3A_435] : memref<64x128xf32, #tpu.memory_space<vmem>>[vector<16xi32>, vector<16xi32>], vector<16xf32>,
            %gather3A_437 = tpu.vector_load_idx %arg13[%add3A_216, %and3A_435] : memref<64x128xf32, #tpu.memory_space<vmem>>[vector<16xi32>, vector<16xi32>], vector<16xf32>,
            %mul3A_438 = arith.mulf %gather3A_436, %gather3A_437 : vector<16xf32>
            %add3A_439 = arith.addf %add3A_413, %mul3A_438 : vector<16xf32>
            %mul3A_440 = arith.mulf %gather3A_436, %gather3A_436 : vector<16xf32>
            %add3A_441 = arith.addf %add3A_415, %mul3A_440 : vector<16xf32>
            %mul3A_442 = arith.constant 8 : i32
            %mul3A_443 = arith.muli %scan3A_363, %mul3A_442 : i32
            %add3A_444 = arith.constant 6 : i32
            %add3A_445 = arith.addi %mul3A_443, %add3A_444 : i32
            %broadcast_in_dim3A_446 = vector.broadcast %add3A_445 : i32 to vector<16xi32>
            %add3A_447 = arith.addi %broadcast_in_dim3A_446, %iota3A : vector<16xi32>
            %and3A_448 = arith.andi %add3A_447, %broadcast_in_dim3A_5 : vector<16xi32>
            %gather3A_449 = tpu.vector_load_idx %arg14[%add3A_216, %and3A_448] : memref<64x128xf32, #tpu.memory_space<vmem>>[vector<16xi32>, vector<16xi32>], vector<16xf32>,
            %gather3A_450 = tpu.vector_load_idx %arg13[%add3A_216, %and3A_448] : memref<64x128xf32, #tpu.memory_space<vmem>>[vector<16xi32>, vector<16xi32>], vector<16xf32>,
            %mul3A_451 = arith.mulf %gather3A_449, %gather3A_450 : vector<16xf32>
            %add3A_452 = arith.addf %add3A_426, %mul3A_451 : vector<16xf32>
            %mul3A_453 = arith.mulf %gather3A_449, %gather3A_449 : vector<16xf32>
            %add3A_454 = arith.addf %add3A_428, %mul3A_453 : vector<16xf32>
            %mul3A_455 = arith.constant 8 : i32
            %mul3A_456 = arith.muli %scan3A_363, %mul3A_455 : i32
            %add3A_457 = arith.constant 7 : i32
            %add3A_458 = arith.addi %mul3A_456, %add3A_457 : i32
            %broadcast_in_dim3A_459 = vector.broadcast %add3A_458 : i32 to vector<16xi32>
            %add3A_460 = arith.addi %broadcast_in_dim3A_459, %iota3A : vector<16xi32>
            %and3A_461 = arith.andi %add3A_460, %broadcast_in_dim3A_5 : vector<16xi32>
            %gather3A_462 = tpu.vector_load_idx %arg14[%add3A_216, %and3A_461] : memref<64x128xf32, #tpu.memory_space<vmem>>[vector<16xi32>, vector<16xi32>], vector<16xf32>,
            %gather3A_463 = tpu.vector_load_idx %arg13[%add3A_216, %and3A_461] : memref<64x128xf32, #tpu.memory_space<vmem>>[vector<16xi32>, vector<16xi32>], vector<16xf32>,
            %mul3A_464 = arith.mulf %gather3A_462, %gather3A_463 : vector<16xf32>
            %add3A_465 = arith.addf %add3A_439, %mul3A_464 : vector<16xf32>
            %mul3A_466 = arith.mulf %gather3A_462, %gather3A_462 : vector<16xf32>
            %add3A_467 = arith.addf %add3A_441, %mul3A_466 : vector<16xf32>
            scf.yield %add3A_452, %add3A_465, %add3A_454, %add3A_467 : vector<16xf32>, vector<16xf32>, vector<16xf32>, vector<16xf32>
          }
          %scan3A_228 = arith.constant 16 : i32
          %add3A_229 = arith.addf %scan3A_227#0, %scan3A_227#1 : vector<16xf32>
          %add3A_230 = arith.addf %scan3A_227#2, %scan3A_227#3 : vector<16xf32>
          %bitcast3A = vector.bitcast %add3A_230 : vector<16xf32> to vector<16xi32>
          %broadcast_in_dim3A_231 = arith.constant 1 : i32
          %broadcast_in_dim3A_232 = vector.broadcast %broadcast_in_dim3A_231 : i32 to vector<16xi32>
          %shift_right_logical3A = arith.shrui %bitcast3A, %broadcast_in_dim3A_232 : vector<16xi32>
          %sub3A = arith.subi %broadcast_in_dim3A_7, %shift_right_logical3A : vector<16xi32>
          %bitcast3A_233 = vector.bitcast %sub3A : vector<16xi32> to vector<16xf32>
          %mul3A_234 = arith.mulf %broadcast_in_dim3A_9, %add3A_230 : vector<16xf32>
          %mul3A_235 = arith.mulf %mul3A_234, %bitcast3A_233 : vector<16xf32>
          %mul3A_236 = arith.mulf %mul3A_235, %bitcast3A_233 : vector<16xf32>
          %sub3A_237 = arith.subf %broadcast_in_dim3A_11, %mul3A_236 : vector<16xf32>
          %mul3A_238 = arith.mulf %bitcast3A_233, %sub3A_237 : vector<16xf32>
          %mul3A_239 = arith.mulf %mul3A_234, %mul3A_238 : vector<16xf32>
          %mul3A_240 = arith.mulf %mul3A_239, %mul3A_238 : vector<16xf32>
          %sub3A_241 = arith.subf %broadcast_in_dim3A_11, %mul3A_240 : vector<16xf32>
          %mul3A_242 = arith.mulf %mul3A_238, %sub3A_241 : vector<16xf32>
          %mul3A_243 = arith.mulf %mul3A_234, %mul3A_242 : vector<16xf32>
          %mul3A_244 = arith.mulf %mul3A_243, %mul3A_242 : vector<16xf32>
          %sub3A_245 = arith.subf %broadcast_in_dim3A_11, %mul3A_244 : vector<16xf32>
          %mul3A_246 = arith.mulf %mul3A_242, %sub3A_245 : vector<16xf32>
          %mul3A_247 = arith.mulf %add3A_229, %mul3A_246 : vector<16xf32>
          %exp3A = math.exp %mul3A_247 : vector<16xf32>
          %shift_right_arithmetic3A = arith.shrsi %get3A_220, %broadcast_in_dim3A_3 : vector<16xi32>
          %and3A = arith.andi %get3A_220, %broadcast_in_dim3A_5 : vector<16xi32>
          tpu.vector_store_idx %arg15[%shift_right_arithmetic3A, %and3A], %exp3A masked %eq3A {add = true} : memref<80x128xf32, #tpu.memory_space<vmem>>[vector<16xi32>, vector<16xi32>], vector<16xf32>, vector<16xi1>
          tpu.vector_store_idx %arg15[%shift_right_arithmetic3A, %and3A], %exp3A masked %eq3A_16 {add = true} : memref<80x128xf32, #tpu.memory_space<vmem>>[vector<16xi32>, vector<16xi32>], vector<16xf32>, vector<16xi1>
          tpu.vector_store_idx %arg15[%shift_right_arithmetic3A, %and3A], %exp3A masked %eq3A_19 {add = true} : memref<80x128xf32, #tpu.memory_space<vmem>>[vector<16xi32>, vector<16xi32>], vector<16xf32>, vector<16xi1>
          tpu.vector_store_idx %arg15[%shift_right_arithmetic3A, %and3A], %exp3A masked %eq3A_22 {add = true} : memref<80x128xf32, #tpu.memory_space<vmem>>[vector<16xi32>, vector<16xi32>], vector<16xf32>, vector<16xi1>
          tpu.vector_store_idx %arg15[%shift_right_arithmetic3A, %and3A], %exp3A masked %eq3A_25 {add = true} : memref<80x128xf32, #tpu.memory_space<vmem>>[vector<16xi32>, vector<16xi32>], vector<16xf32>, vector<16xi1>
          tpu.vector_store_idx %arg15[%shift_right_arithmetic3A, %and3A], %exp3A masked %eq3A_28 {add = true} : memref<80x128xf32, #tpu.memory_space<vmem>>[vector<16xi32>, vector<16xi32>], vector<16xf32>, vector<16xi1>
          tpu.vector_store_idx %arg15[%shift_right_arithmetic3A, %and3A], %exp3A masked %eq3A_31 {add = true} : memref<80x128xf32, #tpu.memory_space<vmem>>[vector<16xi32>, vector<16xi32>], vector<16xf32>, vector<16xi1>
          tpu.vector_store_idx %arg15[%shift_right_arithmetic3A, %and3A], %exp3A masked %eq3A_34 {add = true} : memref<80x128xf32, #tpu.memory_space<vmem>>[vector<16xi32>, vector<16xi32>], vector<16xf32>, vector<16xi1>
          tpu.vector_store_idx %arg15[%shift_right_arithmetic3A, %and3A], %exp3A masked %eq3A_37 {add = true} : memref<80x128xf32, #tpu.memory_space<vmem>>[vector<16xi32>, vector<16xi32>], vector<16xf32>, vector<16xi1>
          tpu.vector_store_idx %arg15[%shift_right_arithmetic3A, %and3A], %exp3A masked %eq3A_40 {add = true} : memref<80x128xf32, #tpu.memory_space<vmem>>[vector<16xi32>, vector<16xi32>], vector<16xf32>, vector<16xi1>
          tpu.vector_store_idx %arg15[%shift_right_arithmetic3A, %and3A], %exp3A masked %eq3A_43 {add = true} : memref<80x128xf32, #tpu.memory_space<vmem>>[vector<16xi32>, vector<16xi32>], vector<16xf32>, vector<16xi1>
          tpu.vector_store_idx %arg15[%shift_right_arithmetic3A, %and3A], %exp3A masked %eq3A_46 {add = true} : memref<80x128xf32, #tpu.memory_space<vmem>>[vector<16xi32>, vector<16xi32>], vector<16xf32>, vector<16xi1>
          tpu.vector_store_idx %arg15[%shift_right_arithmetic3A, %and3A], %exp3A masked %eq3A_49 {add = true} : memref<80x128xf32, #tpu.memory_space<vmem>>[vector<16xi32>, vector<16xi32>], vector<16xf32>, vector<16xi1>
          tpu.vector_store_idx %arg15[%shift_right_arithmetic3A, %and3A], %exp3A masked %eq3A_52 {add = true} : memref<80x128xf32, #tpu.memory_space<vmem>>[vector<16xi32>, vector<16xi32>], vector<16xf32>, vector<16xi1>
          tpu.vector_store_idx %arg15[%shift_right_arithmetic3A, %and3A], %exp3A masked %eq3A_55 {add = true} : memref<80x128xf32, #tpu.memory_space<vmem>>[vector<16xi32>, vector<16xi32>], vector<16xf32>, vector<16xi1>
          tpu.vector_store_idx %arg15[%shift_right_arithmetic3A, %and3A], %exp3A masked %eq3A_58 {add = true} : memref<80x128xf32, #tpu.memory_space<vmem>>[vector<16xi32>, vector<16xi32>], vector<16xf32>, vector<16xi1>
          %scan3A_248 = arith.constant 0 : i32
          %scan3A_249 = arith.constant 0 : i32
          %scan3A_250 = arith.constant 16 : i32
          %scan3A_251 = arith.addi %scan3A_249, %scan3A_250 : i32
          %scan3A_252 = arith.constant 2 : i32
          scf.for %scan3A_254 = %scan3A_249 to %scan3A_251 step %scan3A_252  : i32 {
            %mul3A_255 = arith.constant 8 : i32
            %mul3A_256 = arith.muli %scan3A_254, %mul3A_255 : i32
            %add3A_257 = arith.constant 0 : i32
            %add3A_258 = arith.addi %mul3A_256, %add3A_257 : i32
            %broadcast_in_dim3A_259 = vector.broadcast %add3A_258 : i32 to vector<16xi32>
            %add3A_260 = arith.addi %broadcast_in_dim3A_259, %iota3A : vector<16xi32>
            %and3A_261 = arith.andi %add3A_260, %broadcast_in_dim3A_5 : vector<16xi32>
            %gather3A = tpu.vector_load_idx %arg14[%add3A_216, %and3A_261] : memref<64x128xf32, #tpu.memory_space<vmem>>[vector<16xi32>, vector<16xi32>], vector<16xf32>,
            %mul3A_262 = arith.mulf %gather3A, %exp3A : vector<16xf32>
            tpu.vector_store_idx %arg14[%add3A_216, %and3A_261], %mul3A_262 : memref<64x128xf32, #tpu.memory_space<vmem>>[vector<16xi32>, vector<16xi32>], vector<16xf32>,
            %mul3A_263 = arith.constant 8 : i32
            %mul3A_264 = arith.muli %scan3A_254, %mul3A_263 : i32
            %add3A_265 = arith.constant 1 : i32
            %add3A_266 = arith.addi %mul3A_264, %add3A_265 : i32
            %broadcast_in_dim3A_267 = vector.broadcast %add3A_266 : i32 to vector<16xi32>
            %add3A_268 = arith.addi %broadcast_in_dim3A_267, %iota3A : vector<16xi32>
            %and3A_269 = arith.andi %add3A_268, %broadcast_in_dim3A_5 : vector<16xi32>
            %gather3A_270 = tpu.vector_load_idx %arg14[%add3A_216, %and3A_269] : memref<64x128xf32, #tpu.memory_space<vmem>>[vector<16xi32>, vector<16xi32>], vector<16xf32>,
            %mul3A_271 = arith.mulf %gather3A_270, %exp3A : vector<16xf32>
            tpu.vector_store_idx %arg14[%add3A_216, %and3A_269], %mul3A_271 : memref<64x128xf32, #tpu.memory_space<vmem>>[vector<16xi32>, vector<16xi32>], vector<16xf32>,
            %mul3A_272 = arith.constant 8 : i32
            %mul3A_273 = arith.muli %scan3A_254, %mul3A_272 : i32
            %add3A_274 = arith.constant 2 : i32
            %add3A_275 = arith.addi %mul3A_273, %add3A_274 : i32
            %broadcast_in_dim3A_276 = vector.broadcast %add3A_275 : i32 to vector<16xi32>
            %add3A_277 = arith.addi %broadcast_in_dim3A_276, %iota3A : vector<16xi32>
            %and3A_278 = arith.andi %add3A_277, %broadcast_in_dim3A_5 : vector<16xi32>
            %gather3A_279 = tpu.vector_load_idx %arg14[%add3A_216, %and3A_278] : memref<64x128xf32, #tpu.memory_space<vmem>>[vector<16xi32>, vector<16xi32>], vector<16xf32>,
            %mul3A_280 = arith.mulf %gather3A_279, %exp3A : vector<16xf32>
            tpu.vector_store_idx %arg14[%add3A_216, %and3A_278], %mul3A_280 : memref<64x128xf32, #tpu.memory_space<vmem>>[vector<16xi32>, vector<16xi32>], vector<16xf32>,
            %mul3A_281 = arith.constant 8 : i32
            %mul3A_282 = arith.muli %scan3A_254, %mul3A_281 : i32
            %add3A_283 = arith.constant 3 : i32
            %add3A_284 = arith.addi %mul3A_282, %add3A_283 : i32
            %broadcast_in_dim3A_285 = vector.broadcast %add3A_284 : i32 to vector<16xi32>
            %add3A_286 = arith.addi %broadcast_in_dim3A_285, %iota3A : vector<16xi32>
            %and3A_287 = arith.andi %add3A_286, %broadcast_in_dim3A_5 : vector<16xi32>
            %gather3A_288 = tpu.vector_load_idx %arg14[%add3A_216, %and3A_287] : memref<64x128xf32, #tpu.memory_space<vmem>>[vector<16xi32>, vector<16xi32>], vector<16xf32>,
            %mul3A_289 = arith.mulf %gather3A_288, %exp3A : vector<16xf32>
            tpu.vector_store_idx %arg14[%add3A_216, %and3A_287], %mul3A_289 : memref<64x128xf32, #tpu.memory_space<vmem>>[vector<16xi32>, vector<16xi32>], vector<16xf32>,
            %mul3A_290 = arith.constant 8 : i32
            %mul3A_291 = arith.muli %scan3A_254, %mul3A_290 : i32
            %add3A_292 = arith.constant 4 : i32
            %add3A_293 = arith.addi %mul3A_291, %add3A_292 : i32
            %broadcast_in_dim3A_294 = vector.broadcast %add3A_293 : i32 to vector<16xi32>
            %add3A_295 = arith.addi %broadcast_in_dim3A_294, %iota3A : vector<16xi32>
            %and3A_296 = arith.andi %add3A_295, %broadcast_in_dim3A_5 : vector<16xi32>
            %gather3A_297 = tpu.vector_load_idx %arg14[%add3A_216, %and3A_296] : memref<64x128xf32, #tpu.memory_space<vmem>>[vector<16xi32>, vector<16xi32>], vector<16xf32>,
            %mul3A_298 = arith.mulf %gather3A_297, %exp3A : vector<16xf32>
            tpu.vector_store_idx %arg14[%add3A_216, %and3A_296], %mul3A_298 : memref<64x128xf32, #tpu.memory_space<vmem>>[vector<16xi32>, vector<16xi32>], vector<16xf32>,
            %mul3A_299 = arith.constant 8 : i32
            %mul3A_300 = arith.muli %scan3A_254, %mul3A_299 : i32
            %add3A_301 = arith.constant 5 : i32
            %add3A_302 = arith.addi %mul3A_300, %add3A_301 : i32
            %broadcast_in_dim3A_303 = vector.broadcast %add3A_302 : i32 to vector<16xi32>
            %add3A_304 = arith.addi %broadcast_in_dim3A_303, %iota3A : vector<16xi32>
            %and3A_305 = arith.andi %add3A_304, %broadcast_in_dim3A_5 : vector<16xi32>
            %gather3A_306 = tpu.vector_load_idx %arg14[%add3A_216, %and3A_305] : memref<64x128xf32, #tpu.memory_space<vmem>>[vector<16xi32>, vector<16xi32>], vector<16xf32>,
            %mul3A_307 = arith.mulf %gather3A_306, %exp3A : vector<16xf32>
            tpu.vector_store_idx %arg14[%add3A_216, %and3A_305], %mul3A_307 : memref<64x128xf32, #tpu.memory_space<vmem>>[vector<16xi32>, vector<16xi32>], vector<16xf32>,
            %mul3A_308 = arith.constant 8 : i32
            %mul3A_309 = arith.muli %scan3A_254, %mul3A_308 : i32
            %add3A_310 = arith.constant 6 : i32
            %add3A_311 = arith.addi %mul3A_309, %add3A_310 : i32
            %broadcast_in_dim3A_312 = vector.broadcast %add3A_311 : i32 to vector<16xi32>
            %add3A_313 = arith.addi %broadcast_in_dim3A_312, %iota3A : vector<16xi32>
            %and3A_314 = arith.andi %add3A_313, %broadcast_in_dim3A_5 : vector<16xi32>
            %gather3A_315 = tpu.vector_load_idx %arg14[%add3A_216, %and3A_314] : memref<64x128xf32, #tpu.memory_space<vmem>>[vector<16xi32>, vector<16xi32>], vector<16xf32>,
            %mul3A_316 = arith.mulf %gather3A_315, %exp3A : vector<16xf32>
            tpu.vector_store_idx %arg14[%add3A_216, %and3A_314], %mul3A_316 : memref<64x128xf32, #tpu.memory_space<vmem>>[vector<16xi32>, vector<16xi32>], vector<16xf32>,
            %mul3A_317 = arith.constant 8 : i32
            %mul3A_318 = arith.muli %scan3A_254, %mul3A_317 : i32
            %add3A_319 = arith.constant 7 : i32
            %add3A_320 = arith.addi %mul3A_318, %add3A_319 : i32
            %broadcast_in_dim3A_321 = vector.broadcast %add3A_320 : i32 to vector<16xi32>
            %add3A_322 = arith.addi %broadcast_in_dim3A_321, %iota3A : vector<16xi32>
            %and3A_323 = arith.andi %add3A_322, %broadcast_in_dim3A_5 : vector<16xi32>
            %gather3A_324 = tpu.vector_load_idx %arg14[%add3A_216, %and3A_323] : memref<64x128xf32, #tpu.memory_space<vmem>>[vector<16xi32>, vector<16xi32>], vector<16xf32>,
            %mul3A_325 = arith.mulf %gather3A_324, %exp3A : vector<16xf32>
            tpu.vector_store_idx %arg14[%add3A_216, %and3A_323], %mul3A_325 : memref<64x128xf32, #tpu.memory_space<vmem>>[vector<16xi32>, vector<16xi32>], vector<16xf32>,
            %scan3A_326 = arith.constant 1 : i32
            %scan3A_327 = arith.addi %scan3A_254, %scan3A_326 : i32
            %mul3A_328 = arith.constant 8 : i32
            %mul3A_329 = arith.muli %scan3A_327, %mul3A_328 : i32
            %add3A_330 = arith.constant 0 : i32
            %add3A_331 = arith.addi %mul3A_329, %add3A_330 : i32
            %broadcast_in_dim3A_332 = vector.broadcast %add3A_331 : i32 to vector<16xi32>
            %add3A_333 = arith.addi %broadcast_in_dim3A_332, %iota3A : vector<16xi32>
            %and3A_334 = arith.andi %add3A_333, %broadcast_in_dim3A_5 : vector<16xi32>
            %gather3A_335 = tpu.vector_load_idx %arg14[%add3A_216, %and3A_334] : memref<64x128xf32, #tpu.memory_space<vmem>>[vector<16xi32>, vector<16xi32>], vector<16xf32>,
            %mul3A_336 = arith.mulf %gather3A_335, %exp3A : vector<16xf32>
            tpu.vector_store_idx %arg14[%add3A_216, %and3A_334], %mul3A_336 : memref<64x128xf32, #tpu.memory_space<vmem>>[vector<16xi32>, vector<16xi32>], vector<16xf32>,
            %mul3A_337 = arith.constant 8 : i32
            %mul3A_338 = arith.muli %scan3A_327, %mul3A_337 : i32
            %add3A_339 = arith.constant 1 : i32
            %add3A_340 = arith.addi %mul3A_338, %add3A_339 : i32
            %broadcast_in_dim3A_341 = vector.broadcast %add3A_340 : i32 to vector<16xi32>
            %add3A_342 = arith.addi %broadcast_in_dim3A_341, %iota3A : vector<16xi32>
            %and3A_343 = arith.andi %add3A_342, %broadcast_in_dim3A_5 : vector<16xi32>
            %gather3A_344 = tpu.vector_load_idx %arg14[%add3A_216, %and3A_343] : memref<64x128xf32, #tpu.memory_space<vmem>>[vector<16xi32>, vector<16xi32>], vector<16xf32>,
            %mul3A_345 = arith.mulf %gather3A_344, %exp3A : vector<16xf32>
            tpu.vector_store_idx %arg14[%add3A_216, %and3A_343], %mul3A_345 : memref<64x128xf32, #tpu.memory_space<vmem>>[vector<16xi32>, vector<16xi32>], vector<16xf32>,
            %mul3A_346 = arith.constant 8 : i32
            %mul3A_347 = arith.muli %scan3A_327, %mul3A_346 : i32
            %add3A_348 = arith.constant 2 : i32
            %add3A_349 = arith.addi %mul3A_347, %add3A_348 : i32
            %broadcast_in_dim3A_350 = vector.broadcast %add3A_349 : i32 to vector<16xi32>
            %add3A_351 = arith.addi %broadcast_in_dim3A_350, %iota3A : vector<16xi32>
            %and3A_352 = arith.andi %add3A_351, %broadcast_in_dim3A_5 : vector<16xi32>
            %gather3A_353 = tpu.vector_load_idx %arg14[%add3A_216, %and3A_352] : memref<64x128xf32, #tpu.memory_space<vmem>>[vector<16xi32>, vector<16xi32>], vector<16xf32>,
            %mul3A_354 = arith.mulf %gather3A_353, %exp3A : vector<16xf32>
            tpu.vector_store_idx %arg14[%add3A_216, %and3A_352], %mul3A_354 : memref<64x128xf32, #tpu.memory_space<vmem>>[vector<16xi32>, vector<16xi32>], vector<16xf32>,
            %mul3A_355 = arith.constant 8 : i32
            %mul3A_356 = arith.muli %scan3A_327, %mul3A_355 : i32
            %add3A_357 = arith.constant 3 : i32
            %add3A_358 = arith.addi %mul3A_356, %add3A_357 : i32
            %broadcast_in_dim3A_359 = vector.broadcast %add3A_358 : i32 to vector<16xi32>
            %add3A_360 = arith.addi %broadcast_in_dim3A_359, %iota3A : vector<16xi32>
            %and3A_361 = arith.andi %add3A_360, %broadcast_in_dim3A_5 : vector<16xi32>
            %gather3A_362 = tpu.vector_load_idx %arg14[%add3A_216, %and3A_361] : memref<64x128xf32, #tpu.memory_space<vmem>>[vector<16xi32>, vector<16xi32>], vector<16xf32>,
            %mul3A_363 = arith.mulf %gather3A_362, %exp3A : vector<16xf32>
            tpu.vector_store_idx %arg14[%add3A_216, %and3A_361], %mul3A_363 : memref<64x128xf32, #tpu.memory_space<vmem>>[vector<16xi32>, vector<16xi32>], vector<16xf32>,
            %mul3A_364 = arith.constant 8 : i32
            %mul3A_365 = arith.muli %scan3A_327, %mul3A_364 : i32
            %add3A_366 = arith.constant 4 : i32
            %add3A_367 = arith.addi %mul3A_365, %add3A_366 : i32
            %broadcast_in_dim3A_368 = vector.broadcast %add3A_367 : i32 to vector<16xi32>
            %add3A_369 = arith.addi %broadcast_in_dim3A_368, %iota3A : vector<16xi32>
            %and3A_370 = arith.andi %add3A_369, %broadcast_in_dim3A_5 : vector<16xi32>
            %gather3A_371 = tpu.vector_load_idx %arg14[%add3A_216, %and3A_370] : memref<64x128xf32, #tpu.memory_space<vmem>>[vector<16xi32>, vector<16xi32>], vector<16xf32>,
            %mul3A_372 = arith.mulf %gather3A_371, %exp3A : vector<16xf32>
            tpu.vector_store_idx %arg14[%add3A_216, %and3A_370], %mul3A_372 : memref<64x128xf32, #tpu.memory_space<vmem>>[vector<16xi32>, vector<16xi32>], vector<16xf32>,
            %mul3A_373 = arith.constant 8 : i32
            %mul3A_374 = arith.muli %scan3A_327, %mul3A_373 : i32
            %add3A_375 = arith.constant 5 : i32
            %add3A_376 = arith.addi %mul3A_374, %add3A_375 : i32
            %broadcast_in_dim3A_377 = vector.broadcast %add3A_376 : i32 to vector<16xi32>
            %add3A_378 = arith.addi %broadcast_in_dim3A_377, %iota3A : vector<16xi32>
            %and3A_379 = arith.andi %add3A_378, %broadcast_in_dim3A_5 : vector<16xi32>
            %gather3A_380 = tpu.vector_load_idx %arg14[%add3A_216, %and3A_379] : memref<64x128xf32, #tpu.memory_space<vmem>>[vector<16xi32>, vector<16xi32>], vector<16xf32>,
            %mul3A_381 = arith.mulf %gather3A_380, %exp3A : vector<16xf32>
            tpu.vector_store_idx %arg14[%add3A_216, %and3A_379], %mul3A_381 : memref<64x128xf32, #tpu.memory_space<vmem>>[vector<16xi32>, vector<16xi32>], vector<16xf32>,
            %mul3A_382 = arith.constant 8 : i32
            %mul3A_383 = arith.muli %scan3A_327, %mul3A_382 : i32
            %add3A_384 = arith.constant 6 : i32
            %add3A_385 = arith.addi %mul3A_383, %add3A_384 : i32
            %broadcast_in_dim3A_386 = vector.broadcast %add3A_385 : i32 to vector<16xi32>
            %add3A_387 = arith.addi %broadcast_in_dim3A_386, %iota3A : vector<16xi32>
            %and3A_388 = arith.andi %add3A_387, %broadcast_in_dim3A_5 : vector<16xi32>
            %gather3A_389 = tpu.vector_load_idx %arg14[%add3A_216, %and3A_388] : memref<64x128xf32, #tpu.memory_space<vmem>>[vector<16xi32>, vector<16xi32>], vector<16xf32>,
            %mul3A_390 = arith.mulf %gather3A_389, %exp3A : vector<16xf32>
            tpu.vector_store_idx %arg14[%add3A_216, %and3A_388], %mul3A_390 : memref<64x128xf32, #tpu.memory_space<vmem>>[vector<16xi32>, vector<16xi32>], vector<16xf32>,
            %mul3A_391 = arith.constant 8 : i32
            %mul3A_392 = arith.muli %scan3A_327, %mul3A_391 : i32
            %add3A_393 = arith.constant 7 : i32
            %add3A_394 = arith.addi %mul3A_392, %add3A_393 : i32
            %broadcast_in_dim3A_395 = vector.broadcast %add3A_394 : i32 to vector<16xi32>
            %add3A_396 = arith.addi %broadcast_in_dim3A_395, %iota3A : vector<16xi32>
            %and3A_397 = arith.andi %add3A_396, %broadcast_in_dim3A_5 : vector<16xi32>
            %gather3A_398 = tpu.vector_load_idx %arg14[%add3A_216, %and3A_397] : memref<64x128xf32, #tpu.memory_space<vmem>>[vector<16xi32>, vector<16xi32>], vector<16xf32>,
            %mul3A_399 = arith.mulf %gather3A_398, %exp3A : vector<16xf32>
            tpu.vector_store_idx %arg14[%add3A_216, %and3A_397], %mul3A_399 : memref<64x128xf32, #tpu.memory_space<vmem>>[vector<16xi32>, vector<16xi32>], vector<16xf32>,
          }
          %scan3A_253 = arith.constant 16 : i32
        }
        %scan3A_211 = arith.constant 4 : i32
        "tpu.region"() ({
          %run_scoped3A_212 = tpu.sem_alloc : memref<!tpu.dma_semaphore, #tpu.memory_space<semaphore_mem>>
          %dma_start3A_213 = arith.constant 0 : i32
          %dma_start3A_214 = tpu.memref_slice %arg10[%add3A_205, %dma_start3A_213] : memref<8x64xi32, #tpu.memory_space<vmem>> -> memref<1x64xi32, #tpu.memory_space<vmem>>
          %dma_start3A_215 = tpu.memref_squeeze %dma_start3A_214 : memref<1x64xi32, #tpu.memory_space<vmem>> -> memref<64xi32, #tpu.memory_space<vmem>>
          %dma_start3A_216 = arith.constant 0 : i32
          %dma_start3A_217 = arith.constant 0 : i32
          %dma_start3A_218 = tpu.memref_slice %arg16[%dma_start3A_216, %dma_start3A_217] : memref<10240x128xf32, #tpu.memory_space<vmem_shared>> -> memref<10240x128xf32, #tpu.memory_space<vmem_shared>>
          tpu.enqueue_indirect_dma source(%arg14 : memref<64x128xf32, #tpu.memory_space<vmem>>) target(%dma_start3A_218 : memref<10240x128xf32, #tpu.memory_space<vmem_shared>>) offsets(%dma_start3A_215 : memref<64xi32, #tpu.memory_space<vmem>>) semaphore(%run_scoped3A_212 : memref<!tpu.dma_semaphore, #tpu.memory_space<semaphore_mem>>) {add = true}
          %dma_wait3A_219 = arith.constant 0 : i32
          %dma_wait3A_220 = tpu.memref_slice %arg10[%add3A_205, %dma_wait3A_219] : memref<8x64xi32, #tpu.memory_space<vmem>> -> memref<1x64xi32, #tpu.memory_space<vmem>>
          %dma_wait3A_221 = tpu.memref_squeeze %dma_wait3A_220 : memref<1x64xi32, #tpu.memory_space<vmem>> -> memref<64xi32, #tpu.memory_space<vmem>>
          %dma_wait3A_222 = arith.constant 0 : i32
          %dma_wait3A_223 = arith.constant 0 : i32
          %dma_wait3A_224 = tpu.memref_slice %arg16[%dma_wait3A_222, %dma_wait3A_223] : memref<10240x128xf32, #tpu.memory_space<vmem_shared>> -> memref<10240x128xf32, #tpu.memory_space<vmem_shared>>
          tpu.wait_indirect_dma semaphore(%run_scoped3A_212 : memref<!tpu.dma_semaphore, #tpu.memory_space<semaphore_mem>>) src(%arg14 : memref<64x128xf32, #tpu.memory_space<vmem>>) dst(%dma_wait3A_224 : memref<10240x128xf32, #tpu.memory_space<vmem_shared>>)
          tpu.yield
        }) : () -> ()
      }
      %scan3A_84 = arith.constant 3 : i32
      %dma_wait3A = arith.constant 0 : i32
      %dma_wait3A_85 = arith.constant 0 : i32
      %dma_wait3A_86 = tpu.memref_slice %arg10[%dma_wait3A, %dma_wait3A_85] : memref<8x64xi32, #tpu.memory_space<vmem>> -> memref<1x64xi32, #tpu.memory_space<vmem>>
      %dma_wait3A_87 = tpu.memref_squeeze %dma_wait3A_86 : memref<1x64xi32, #tpu.memory_space<vmem>> -> memref<64xi32, #tpu.memory_space<vmem>>
      %dma_wait3A_88 = arith.constant 0 : i32
      %dma_wait3A_89 = arith.constant 0 : i32
      %dma_wait3A_90 = tpu.memref_slice %arg3[%dma_wait3A_88, %dma_wait3A_89] : memref<10240x128xf32, #tpu.memory_space<hbm>> -> memref<10240x128xf32, #tpu.memory_space<hbm>>
      tpu.wait_indirect_dma semaphore(%arg17 : memref<!tpu.dma_semaphore, #tpu.memory_space<semaphore_mem>>) src(%dma_wait3A_90 : memref<10240x128xf32, #tpu.memory_space<hbm>>) dst(%arg11 : memref<64x128xf32, #tpu.memory_space<vmem>>)
      %dma_wait3A_91 = arith.constant 0 : i32
      %dma_wait3A_92 = arith.constant 0 : i32
      %dma_wait3A_93 = tpu.memref_slice %arg9[%dma_wait3A_91, %dma_wait3A_92] : memref<8x64xi32, #tpu.memory_space<vmem>> -> memref<1x64xi32, #tpu.memory_space<vmem>>
      %dma_wait3A_94 = tpu.memref_squeeze %dma_wait3A_93 : memref<1x64xi32, #tpu.memory_space<vmem>> -> memref<64xi32, #tpu.memory_space<vmem>>
      %dma_wait3A_95 = arith.constant 0 : i32
      %dma_wait3A_96 = arith.constant 0 : i32
      %dma_wait3A_97 = tpu.memref_slice %arg2[%dma_wait3A_95, %dma_wait3A_96] : memref<10240x128xf32, #tpu.memory_space<hbm>> -> memref<10240x128xf32, #tpu.memory_space<hbm>>
      tpu.wait_indirect_dma semaphore(%arg18 : memref<!tpu.dma_semaphore, #tpu.memory_space<semaphore_mem>>) src(%dma_wait3A_97 : memref<10240x128xf32, #tpu.memory_space<hbm>>) dst(%arg12 : memref<64x128xf32, #tpu.memory_space<vmem>>)
      %dma_start3A_98 = arith.constant 7 : i32
      %dma_start3A_99 = arith.constant 0 : i32
      %dma_start3A_100 = tpu.memref_slice %arg10[%dma_start3A_98, %dma_start3A_99] : memref<8x64xi32, #tpu.memory_space<vmem>> -> memref<1x64xi32, #tpu.memory_space<vmem>>
      %dma_start3A_101 = tpu.memref_squeeze %dma_start3A_100 : memref<1x64xi32, #tpu.memory_space<vmem>> -> memref<64xi32, #tpu.memory_space<vmem>>
      %dma_start3A_102 = arith.constant 0 : i32
      %dma_start3A_103 = arith.constant 0 : i32
      %dma_start3A_104 = tpu.memref_slice %arg3[%dma_start3A_102, %dma_start3A_103] : memref<10240x128xf32, #tpu.memory_space<hbm>> -> memref<10240x128xf32, #tpu.memory_space<hbm>>
      tpu.enqueue_indirect_dma source(%dma_start3A_104 : memref<10240x128xf32, #tpu.memory_space<hbm>>) target(%arg13 : memref<64x128xf32, #tpu.memory_space<vmem>>) offsets(%dma_start3A_101 : memref<64xi32, #tpu.memory_space<vmem>>) semaphore(%arg19 : memref<!tpu.dma_semaphore, #tpu.memory_space<semaphore_mem>>)
      %dma_start3A_105 = arith.constant 7 : i32
      %dma_start3A_106 = arith.constant 0 : i32
      %dma_start3A_107 = tpu.memref_slice %arg9[%dma_start3A_105, %dma_start3A_106] : memref<8x64xi32, #tpu.memory_space<vmem>> -> memref<1x64xi32, #tpu.memory_space<vmem>>
      %dma_start3A_108 = tpu.memref_squeeze %dma_start3A_107 : memref<1x64xi32, #tpu.memory_space<vmem>> -> memref<64xi32, #tpu.memory_space<vmem>>
      %dma_start3A_109 = arith.constant 0 : i32
      %dma_start3A_110 = arith.constant 0 : i32
      %dma_start3A_111 = tpu.memref_slice %arg2[%dma_start3A_109, %dma_start3A_110] : memref<10240x128xf32, #tpu.memory_space<hbm>> -> memref<10240x128xf32, #tpu.memory_space<hbm>>
      tpu.enqueue_indirect_dma source(%dma_start3A_111 : memref<10240x128xf32, #tpu.memory_space<hbm>>) target(%arg14 : memref<64x128xf32, #tpu.memory_space<vmem>>) offsets(%dma_start3A_108 : memref<64xi32, #tpu.memory_space<vmem>>) semaphore(%arg20 : memref<!tpu.dma_semaphore, #tpu.memory_space<semaphore_mem>>)
      %scan3A_112 = arith.constant 0 : i32
      %scan3A_113 = arith.constant 0 : i32
      %scan3A_114 = arith.constant 4 : i32
      %scan3A_115 = arith.addi %scan3A_113, %scan3A_114 : i32
      %scan3A_116 = arith.constant 1 : i32
      scf.for %scan3A_139 = %scan3A_113 to %scan3A_115 step %scan3A_116  : i32 {
        %mul3A_140 = arith.constant 16 : i32
        %mul3A_141 = arith.muli %scan3A_139, %mul3A_140 : i32
        %add3A_142 = vector.broadcast %mul3A_141 : i32 to vector<16xi32>
        %add3A_143 = arith.addi %iota3A, %add3A_142 : vector<16xi32>
        %mul3A_144 = arith.constant 16 : i32
        %mul3A_145 = arith.muli %scan3A_139, %mul3A_144 : i32
        %get3A = arith.constant 6 : i32
        %get3A_146 = arith.index_cast %get3A : i32 to index
        %get3A_147 = arith.index_cast %mul3A_145 : i32 to index
        %get3A_148 = tpu.vector_load %arg10[%get3A_146, %get3A_147] {strides = array<i32>} : memref<8x64xi32, #tpu.memory_space<vmem>>, vector<16xi32>,
        %broadcast_in_dim3A_149 = arith.constant 0.000000e+00 : f32
        %broadcast_in_dim3A_150 = vector.broadcast %broadcast_in_dim3A_149 : f32 to vector<16xf32>
        %scan3A_151 = arith.constant 0 : i32
        %scan3A_152 = arith.constant 16 : i32
        %scan3A_153 = arith.addi %scan3A_151, %scan3A_152 : i32
        %scan3A_154 = arith.constant 2 : i32
        %scan3A_155:4 = scf.for %scan3A_182 = %scan3A_151 to %scan3A_153 step %scan3A_154 iter_args(%scan3A_183 = %broadcast_in_dim3A_150, %scan3A_184 = %broadcast_in_dim3A_150, %scan3A_185 = %broadcast_in_dim3A_150, %scan3A_186 = %broadcast_in_dim3A_150) -> (vector<16xf32>, vector<16xf32>, vector<16xf32>, vector<16xf32>)  : i32 {
          %mul3A_187 = arith.constant 8 : i32
          %mul3A_188 = arith.muli %scan3A_182, %mul3A_187 : i32
          %add3A_189 = arith.constant 0 : i32
          %add3A_190 = arith.addi %mul3A_188, %add3A_189 : i32
          %broadcast_in_dim3A_191 = vector.broadcast %add3A_190 : i32 to vector<16xi32>
          %add3A_192 = arith.addi %broadcast_in_dim3A_191, %iota3A : vector<16xi32>
          %and3A_193 = arith.andi %add3A_192, %broadcast_in_dim3A_5 : vector<16xi32>
          %gather3A = tpu.vector_load_idx %arg12[%add3A_143, %and3A_193] : memref<64x128xf32, #tpu.memory_space<vmem>>[vector<16xi32>, vector<16xi32>], vector<16xf32>,
          %gather3A_194 = tpu.vector_load_idx %arg11[%add3A_143, %and3A_193] : memref<64x128xf32, #tpu.memory_space<vmem>>[vector<16xi32>, vector<16xi32>], vector<16xf32>,
          %mul3A_195 = arith.mulf %gather3A, %gather3A_194 : vector<16xf32>
          %add3A_196 = arith.addf %scan3A_183, %mul3A_195 : vector<16xf32>
          %mul3A_197 = arith.mulf %gather3A, %gather3A : vector<16xf32>
          %add3A_198 = arith.addf %scan3A_185, %mul3A_197 : vector<16xf32>
          %mul3A_199 = arith.constant 8 : i32
          %mul3A_200 = arith.muli %scan3A_182, %mul3A_199 : i32
          %add3A_201 = arith.constant 1 : i32
          %add3A_202 = arith.addi %mul3A_200, %add3A_201 : i32
          %broadcast_in_dim3A_203 = vector.broadcast %add3A_202 : i32 to vector<16xi32>
          %add3A_204 = arith.addi %broadcast_in_dim3A_203, %iota3A : vector<16xi32>
          %and3A_205 = arith.andi %add3A_204, %broadcast_in_dim3A_5 : vector<16xi32>
          %gather3A_206 = tpu.vector_load_idx %arg12[%add3A_143, %and3A_205] : memref<64x128xf32, #tpu.memory_space<vmem>>[vector<16xi32>, vector<16xi32>], vector<16xf32>,
          %gather3A_207 = tpu.vector_load_idx %arg11[%add3A_143, %and3A_205] : memref<64x128xf32, #tpu.memory_space<vmem>>[vector<16xi32>, vector<16xi32>], vector<16xf32>,
          %mul3A_208 = arith.mulf %gather3A_206, %gather3A_207 : vector<16xf32>
          %add3A_209 = arith.addf %scan3A_184, %mul3A_208 : vector<16xf32>
          %mul3A_210 = arith.mulf %gather3A_206, %gather3A_206 : vector<16xf32>
          %add3A_211 = arith.addf %scan3A_186, %mul3A_210 : vector<16xf32>
          %mul3A_212 = arith.constant 8 : i32
          %mul3A_213 = arith.muli %scan3A_182, %mul3A_212 : i32
          %add3A_214 = arith.constant 2 : i32
          %add3A_215 = arith.addi %mul3A_213, %add3A_214 : i32
          %broadcast_in_dim3A_216 = vector.broadcast %add3A_215 : i32 to vector<16xi32>
          %add3A_217 = arith.addi %broadcast_in_dim3A_216, %iota3A : vector<16xi32>
          %and3A_218 = arith.andi %add3A_217, %broadcast_in_dim3A_5 : vector<16xi32>
          %gather3A_219 = tpu.vector_load_idx %arg12[%add3A_143, %and3A_218] : memref<64x128xf32, #tpu.memory_space<vmem>>[vector<16xi32>, vector<16xi32>], vector<16xf32>,
          %gather3A_220 = tpu.vector_load_idx %arg11[%add3A_143, %and3A_218] : memref<64x128xf32, #tpu.memory_space<vmem>>[vector<16xi32>, vector<16xi32>], vector<16xf32>,
          %mul3A_221 = arith.mulf %gather3A_219, %gather3A_220 : vector<16xf32>
          %add3A_222 = arith.addf %add3A_196, %mul3A_221 : vector<16xf32>
          %mul3A_223 = arith.mulf %gather3A_219, %gather3A_219 : vector<16xf32>
          %add3A_224 = arith.addf %add3A_198, %mul3A_223 : vector<16xf32>
          %mul3A_225 = arith.constant 8 : i32
          %mul3A_226 = arith.muli %scan3A_182, %mul3A_225 : i32
          %add3A_227 = arith.constant 3 : i32
          %add3A_228 = arith.addi %mul3A_226, %add3A_227 : i32
          %broadcast_in_dim3A_229 = vector.broadcast %add3A_228 : i32 to vector<16xi32>
          %add3A_230 = arith.addi %broadcast_in_dim3A_229, %iota3A : vector<16xi32>
          %and3A_231 = arith.andi %add3A_230, %broadcast_in_dim3A_5 : vector<16xi32>
          %gather3A_232 = tpu.vector_load_idx %arg12[%add3A_143, %and3A_231] : memref<64x128xf32, #tpu.memory_space<vmem>>[vector<16xi32>, vector<16xi32>], vector<16xf32>,
          %gather3A_233 = tpu.vector_load_idx %arg11[%add3A_143, %and3A_231] : memref<64x128xf32, #tpu.memory_space<vmem>>[vector<16xi32>, vector<16xi32>], vector<16xf32>,
          %mul3A_234 = arith.mulf %gather3A_232, %gather3A_233 : vector<16xf32>
          %add3A_235 = arith.addf %add3A_209, %mul3A_234 : vector<16xf32>
          %mul3A_236 = arith.mulf %gather3A_232, %gather3A_232 : vector<16xf32>
          %add3A_237 = arith.addf %add3A_211, %mul3A_236 : vector<16xf32>
          %mul3A_238 = arith.constant 8 : i32
          %mul3A_239 = arith.muli %scan3A_182, %mul3A_238 : i32
          %add3A_240 = arith.constant 4 : i32
          %add3A_241 = arith.addi %mul3A_239, %add3A_240 : i32
          %broadcast_in_dim3A_242 = vector.broadcast %add3A_241 : i32 to vector<16xi32>
          %add3A_243 = arith.addi %broadcast_in_dim3A_242, %iota3A : vector<16xi32>
          %and3A_244 = arith.andi %add3A_243, %broadcast_in_dim3A_5 : vector<16xi32>
          %gather3A_245 = tpu.vector_load_idx %arg12[%add3A_143, %and3A_244] : memref<64x128xf32, #tpu.memory_space<vmem>>[vector<16xi32>, vector<16xi32>], vector<16xf32>,
          %gather3A_246 = tpu.vector_load_idx %arg11[%add3A_143, %and3A_244] : memref<64x128xf32, #tpu.memory_space<vmem>>[vector<16xi32>, vector<16xi32>], vector<16xf32>,
          %mul3A_247 = arith.mulf %gather3A_245, %gather3A_246 : vector<16xf32>
          %add3A_248 = arith.addf %add3A_222, %mul3A_247 : vector<16xf32>
          %mul3A_249 = arith.mulf %gather3A_245, %gather3A_245 : vector<16xf32>
          %add3A_250 = arith.addf %add3A_224, %mul3A_249 : vector<16xf32>
          %mul3A_251 = arith.constant 8 : i32
          %mul3A_252 = arith.muli %scan3A_182, %mul3A_251 : i32
          %add3A_253 = arith.constant 5 : i32
          %add3A_254 = arith.addi %mul3A_252, %add3A_253 : i32
          %broadcast_in_dim3A_255 = vector.broadcast %add3A_254 : i32 to vector<16xi32>
          %add3A_256 = arith.addi %broadcast_in_dim3A_255, %iota3A : vector<16xi32>
          %and3A_257 = arith.andi %add3A_256, %broadcast_in_dim3A_5 : vector<16xi32>
          %gather3A_258 = tpu.vector_load_idx %arg12[%add3A_143, %and3A_257] : memref<64x128xf32, #tpu.memory_space<vmem>>[vector<16xi32>, vector<16xi32>], vector<16xf32>,
          %gather3A_259 = tpu.vector_load_idx %arg11[%add3A_143, %and3A_257] : memref<64x128xf32, #tpu.memory_space<vmem>>[vector<16xi32>, vector<16xi32>], vector<16xf32>,
          %mul3A_260 = arith.mulf %gather3A_258, %gather3A_259 : vector<16xf32>
          %add3A_261 = arith.addf %add3A_235, %mul3A_260 : vector<16xf32>
          %mul3A_262 = arith.mulf %gather3A_258, %gather3A_258 : vector<16xf32>
          %add3A_263 = arith.addf %add3A_237, %mul3A_262 : vector<16xf32>
          %mul3A_264 = arith.constant 8 : i32
          %mul3A_265 = arith.muli %scan3A_182, %mul3A_264 : i32
          %add3A_266 = arith.constant 6 : i32
          %add3A_267 = arith.addi %mul3A_265, %add3A_266 : i32
          %broadcast_in_dim3A_268 = vector.broadcast %add3A_267 : i32 to vector<16xi32>
          %add3A_269 = arith.addi %broadcast_in_dim3A_268, %iota3A : vector<16xi32>
          %and3A_270 = arith.andi %add3A_269, %broadcast_in_dim3A_5 : vector<16xi32>
          %gather3A_271 = tpu.vector_load_idx %arg12[%add3A_143, %and3A_270] : memref<64x128xf32, #tpu.memory_space<vmem>>[vector<16xi32>, vector<16xi32>], vector<16xf32>,
          %gather3A_272 = tpu.vector_load_idx %arg11[%add3A_143, %and3A_270] : memref<64x128xf32, #tpu.memory_space<vmem>>[vector<16xi32>, vector<16xi32>], vector<16xf32>,
          %mul3A_273 = arith.mulf %gather3A_271, %gather3A_272 : vector<16xf32>
          %add3A_274 = arith.addf %add3A_248, %mul3A_273 : vector<16xf32>
          %mul3A_275 = arith.mulf %gather3A_271, %gather3A_271 : vector<16xf32>
          %add3A_276 = arith.addf %add3A_250, %mul3A_275 : vector<16xf32>
          %mul3A_277 = arith.constant 8 : i32
          %mul3A_278 = arith.muli %scan3A_182, %mul3A_277 : i32
          %add3A_279 = arith.constant 7 : i32
          %add3A_280 = arith.addi %mul3A_278, %add3A_279 : i32
          %broadcast_in_dim3A_281 = vector.broadcast %add3A_280 : i32 to vector<16xi32>
          %add3A_282 = arith.addi %broadcast_in_dim3A_281, %iota3A : vector<16xi32>
          %and3A_283 = arith.andi %add3A_282, %broadcast_in_dim3A_5 : vector<16xi32>
          %gather3A_284 = tpu.vector_load_idx %arg12[%add3A_143, %and3A_283] : memref<64x128xf32, #tpu.memory_space<vmem>>[vector<16xi32>, vector<16xi32>], vector<16xf32>,
          %gather3A_285 = tpu.vector_load_idx %arg11[%add3A_143, %and3A_283] : memref<64x128xf32, #tpu.memory_space<vmem>>[vector<16xi32>, vector<16xi32>], vector<16xf32>,
          %mul3A_286 = arith.mulf %gather3A_284, %gather3A_285 : vector<16xf32>
          %add3A_287 = arith.addf %add3A_261, %mul3A_286 : vector<16xf32>
          %mul3A_288 = arith.mulf %gather3A_284, %gather3A_284 : vector<16xf32>
          %add3A_289 = arith.addf %add3A_263, %mul3A_288 : vector<16xf32>
          %scan3A_290 = arith.constant 1 : i32
          %scan3A_291 = arith.addi %scan3A_182, %scan3A_290 : i32
          %mul3A_292 = arith.constant 8 : i32
          %mul3A_293 = arith.muli %scan3A_291, %mul3A_292 : i32
          %add3A_294 = arith.constant 0 : i32
          %add3A_295 = arith.addi %mul3A_293, %add3A_294 : i32
          %broadcast_in_dim3A_296 = vector.broadcast %add3A_295 : i32 to vector<16xi32>
          %add3A_297 = arith.addi %broadcast_in_dim3A_296, %iota3A : vector<16xi32>
          %and3A_298 = arith.andi %add3A_297, %broadcast_in_dim3A_5 : vector<16xi32>
          %gather3A_299 = tpu.vector_load_idx %arg12[%add3A_143, %and3A_298] : memref<64x128xf32, #tpu.memory_space<vmem>>[vector<16xi32>, vector<16xi32>], vector<16xf32>,
          %gather3A_300 = tpu.vector_load_idx %arg11[%add3A_143, %and3A_298] : memref<64x128xf32, #tpu.memory_space<vmem>>[vector<16xi32>, vector<16xi32>], vector<16xf32>,
          %mul3A_301 = arith.mulf %gather3A_299, %gather3A_300 : vector<16xf32>
          %add3A_302 = arith.addf %add3A_274, %mul3A_301 : vector<16xf32>
          %mul3A_303 = arith.mulf %gather3A_299, %gather3A_299 : vector<16xf32>
          %add3A_304 = arith.addf %add3A_276, %mul3A_303 : vector<16xf32>
          %mul3A_305 = arith.constant 8 : i32
          %mul3A_306 = arith.muli %scan3A_291, %mul3A_305 : i32
          %add3A_307 = arith.constant 1 : i32
          %add3A_308 = arith.addi %mul3A_306, %add3A_307 : i32
          %broadcast_in_dim3A_309 = vector.broadcast %add3A_308 : i32 to vector<16xi32>
          %add3A_310 = arith.addi %broadcast_in_dim3A_309, %iota3A : vector<16xi32>
          %and3A_311 = arith.andi %add3A_310, %broadcast_in_dim3A_5 : vector<16xi32>
          %gather3A_312 = tpu.vector_load_idx %arg12[%add3A_143, %and3A_311] : memref<64x128xf32, #tpu.memory_space<vmem>>[vector<16xi32>, vector<16xi32>], vector<16xf32>,
          %gather3A_313 = tpu.vector_load_idx %arg11[%add3A_143, %and3A_311] : memref<64x128xf32, #tpu.memory_space<vmem>>[vector<16xi32>, vector<16xi32>], vector<16xf32>,
          %mul3A_314 = arith.mulf %gather3A_312, %gather3A_313 : vector<16xf32>
          %add3A_315 = arith.addf %add3A_287, %mul3A_314 : vector<16xf32>
          %mul3A_316 = arith.mulf %gather3A_312, %gather3A_312 : vector<16xf32>
          %add3A_317 = arith.addf %add3A_289, %mul3A_316 : vector<16xf32>
          %mul3A_318 = arith.constant 8 : i32
          %mul3A_319 = arith.muli %scan3A_291, %mul3A_318 : i32
          %add3A_320 = arith.constant 2 : i32
          %add3A_321 = arith.addi %mul3A_319, %add3A_320 : i32
          %broadcast_in_dim3A_322 = vector.broadcast %add3A_321 : i32 to vector<16xi32>
          %add3A_323 = arith.addi %broadcast_in_dim3A_322, %iota3A : vector<16xi32>
          %and3A_324 = arith.andi %add3A_323, %broadcast_in_dim3A_5 : vector<16xi32>
          %gather3A_325 = tpu.vector_load_idx %arg12[%add3A_143, %and3A_324] : memref<64x128xf32, #tpu.memory_space<vmem>>[vector<16xi32>, vector<16xi32>], vector<16xf32>,
          %gather3A_326 = tpu.vector_load_idx %arg11[%add3A_143, %and3A_324] : memref<64x128xf32, #tpu.memory_space<vmem>>[vector<16xi32>, vector<16xi32>], vector<16xf32>,
          %mul3A_327 = arith.mulf %gather3A_325, %gather3A_326 : vector<16xf32>
          %add3A_328 = arith.addf %add3A_302, %mul3A_327 : vector<16xf32>
          %mul3A_329 = arith.mulf %gather3A_325, %gather3A_325 : vector<16xf32>
          %add3A_330 = arith.addf %add3A_304, %mul3A_329 : vector<16xf32>
          %mul3A_331 = arith.constant 8 : i32
          %mul3A_332 = arith.muli %scan3A_291, %mul3A_331 : i32
          %add3A_333 = arith.constant 3 : i32
          %add3A_334 = arith.addi %mul3A_332, %add3A_333 : i32
          %broadcast_in_dim3A_335 = vector.broadcast %add3A_334 : i32 to vector<16xi32>
          %add3A_336 = arith.addi %broadcast_in_dim3A_335, %iota3A : vector<16xi32>
          %and3A_337 = arith.andi %add3A_336, %broadcast_in_dim3A_5 : vector<16xi32>
          %gather3A_338 = tpu.vector_load_idx %arg12[%add3A_143, %and3A_337] : memref<64x128xf32, #tpu.memory_space<vmem>>[vector<16xi32>, vector<16xi32>], vector<16xf32>,
          %gather3A_339 = tpu.vector_load_idx %arg11[%add3A_143, %and3A_337] : memref<64x128xf32, #tpu.memory_space<vmem>>[vector<16xi32>, vector<16xi32>], vector<16xf32>,
          %mul3A_340 = arith.mulf %gather3A_338, %gather3A_339 : vector<16xf32>
          %add3A_341 = arith.addf %add3A_315, %mul3A_340 : vector<16xf32>
          %mul3A_342 = arith.mulf %gather3A_338, %gather3A_338 : vector<16xf32>
          %add3A_343 = arith.addf %add3A_317, %mul3A_342 : vector<16xf32>
          %mul3A_344 = arith.constant 8 : i32
          %mul3A_345 = arith.muli %scan3A_291, %mul3A_344 : i32
          %add3A_346 = arith.constant 4 : i32
          %add3A_347 = arith.addi %mul3A_345, %add3A_346 : i32
          %broadcast_in_dim3A_348 = vector.broadcast %add3A_347 : i32 to vector<16xi32>
          %add3A_349 = arith.addi %broadcast_in_dim3A_348, %iota3A : vector<16xi32>
          %and3A_350 = arith.andi %add3A_349, %broadcast_in_dim3A_5 : vector<16xi32>
          %gather3A_351 = tpu.vector_load_idx %arg12[%add3A_143, %and3A_350] : memref<64x128xf32, #tpu.memory_space<vmem>>[vector<16xi32>, vector<16xi32>], vector<16xf32>,
          %gather3A_352 = tpu.vector_load_idx %arg11[%add3A_143, %and3A_350] : memref<64x128xf32, #tpu.memory_space<vmem>>[vector<16xi32>, vector<16xi32>], vector<16xf32>,
          %mul3A_353 = arith.mulf %gather3A_351, %gather3A_352 : vector<16xf32>
          %add3A_354 = arith.addf %add3A_328, %mul3A_353 : vector<16xf32>
          %mul3A_355 = arith.mulf %gather3A_351, %gather3A_351 : vector<16xf32>
          %add3A_356 = arith.addf %add3A_330, %mul3A_355 : vector<16xf32>
          %mul3A_357 = arith.constant 8 : i32
          %mul3A_358 = arith.muli %scan3A_291, %mul3A_357 : i32
          %add3A_359 = arith.constant 5 : i32
          %add3A_360 = arith.addi %mul3A_358, %add3A_359 : i32
          %broadcast_in_dim3A_361 = vector.broadcast %add3A_360 : i32 to vector<16xi32>
          %add3A_362 = arith.addi %broadcast_in_dim3A_361, %iota3A : vector<16xi32>
          %and3A_363 = arith.andi %add3A_362, %broadcast_in_dim3A_5 : vector<16xi32>
          %gather3A_364 = tpu.vector_load_idx %arg12[%add3A_143, %and3A_363] : memref<64x128xf32, #tpu.memory_space<vmem>>[vector<16xi32>, vector<16xi32>], vector<16xf32>,
          %gather3A_365 = tpu.vector_load_idx %arg11[%add3A_143, %and3A_363] : memref<64x128xf32, #tpu.memory_space<vmem>>[vector<16xi32>, vector<16xi32>], vector<16xf32>,
          %mul3A_366 = arith.mulf %gather3A_364, %gather3A_365 : vector<16xf32>
          %add3A_367 = arith.addf %add3A_341, %mul3A_366 : vector<16xf32>
          %mul3A_368 = arith.mulf %gather3A_364, %gather3A_364 : vector<16xf32>
          %add3A_369 = arith.addf %add3A_343, %mul3A_368 : vector<16xf32>
          %mul3A_370 = arith.constant 8 : i32
          %mul3A_371 = arith.muli %scan3A_291, %mul3A_370 : i32
          %add3A_372 = arith.constant 6 : i32
          %add3A_373 = arith.addi %mul3A_371, %add3A_372 : i32
          %broadcast_in_dim3A_374 = vector.broadcast %add3A_373 : i32 to vector<16xi32>
          %add3A_375 = arith.addi %broadcast_in_dim3A_374, %iota3A : vector<16xi32>
          %and3A_376 = arith.andi %add3A_375, %broadcast_in_dim3A_5 : vector<16xi32>
          %gather3A_377 = tpu.vector_load_idx %arg12[%add3A_143, %and3A_376] : memref<64x128xf32, #tpu.memory_space<vmem>>[vector<16xi32>, vector<16xi32>], vector<16xf32>,
          %gather3A_378 = tpu.vector_load_idx %arg11[%add3A_143, %and3A_376] : memref<64x128xf32, #tpu.memory_space<vmem>>[vector<16xi32>, vector<16xi32>], vector<16xf32>,
          %mul3A_379 = arith.mulf %gather3A_377, %gather3A_378 : vector<16xf32>
          %add3A_380 = arith.addf %add3A_354, %mul3A_379 : vector<16xf32>
          %mul3A_381 = arith.mulf %gather3A_377, %gather3A_377 : vector<16xf32>
          %add3A_382 = arith.addf %add3A_356, %mul3A_381 : vector<16xf32>
          %mul3A_383 = arith.constant 8 : i32
          %mul3A_384 = arith.muli %scan3A_291, %mul3A_383 : i32
          %add3A_385 = arith.constant 7 : i32
          %add3A_386 = arith.addi %mul3A_384, %add3A_385 : i32
          %broadcast_in_dim3A_387 = vector.broadcast %add3A_386 : i32 to vector<16xi32>
          %add3A_388 = arith.addi %broadcast_in_dim3A_387, %iota3A : vector<16xi32>
          %and3A_389 = arith.andi %add3A_388, %broadcast_in_dim3A_5 : vector<16xi32>
          %gather3A_390 = tpu.vector_load_idx %arg12[%add3A_143, %and3A_389] : memref<64x128xf32, #tpu.memory_space<vmem>>[vector<16xi32>, vector<16xi32>], vector<16xf32>,
          %gather3A_391 = tpu.vector_load_idx %arg11[%add3A_143, %and3A_389] : memref<64x128xf32, #tpu.memory_space<vmem>>[vector<16xi32>, vector<16xi32>], vector<16xf32>,
          %mul3A_392 = arith.mulf %gather3A_390, %gather3A_391 : vector<16xf32>
          %add3A_393 = arith.addf %add3A_367, %mul3A_392 : vector<16xf32>
          %mul3A_394 = arith.mulf %gather3A_390, %gather3A_390 : vector<16xf32>
          %add3A_395 = arith.addf %add3A_369, %mul3A_394 : vector<16xf32>
          scf.yield %add3A_380, %add3A_393, %add3A_382, %add3A_395 : vector<16xf32>, vector<16xf32>, vector<16xf32>, vector<16xf32>
        }
        %scan3A_156 = arith.constant 16 : i32
        %add3A_157 = arith.addf %scan3A_155#0, %scan3A_155#1 : vector<16xf32>
        %add3A_158 = arith.addf %scan3A_155#2, %scan3A_155#3 : vector<16xf32>
        %bitcast3A = vector.bitcast %add3A_158 : vector<16xf32> to vector<16xi32>
        %broadcast_in_dim3A_159 = arith.constant 1 : i32
        %broadcast_in_dim3A_160 = vector.broadcast %broadcast_in_dim3A_159 : i32 to vector<16xi32>
        %shift_right_logical3A = arith.shrui %bitcast3A, %broadcast_in_dim3A_160 : vector<16xi32>
        %sub3A = arith.subi %broadcast_in_dim3A_7, %shift_right_logical3A : vector<16xi32>
        %bitcast3A_161 = vector.bitcast %sub3A : vector<16xi32> to vector<16xf32>
        %mul3A_162 = arith.mulf %broadcast_in_dim3A_9, %add3A_158 : vector<16xf32>
        %mul3A_163 = arith.mulf %mul3A_162, %bitcast3A_161 : vector<16xf32>
        %mul3A_164 = arith.mulf %mul3A_163, %bitcast3A_161 : vector<16xf32>
        %sub3A_165 = arith.subf %broadcast_in_dim3A_11, %mul3A_164 : vector<16xf32>
        %mul3A_166 = arith.mulf %bitcast3A_161, %sub3A_165 : vector<16xf32>
        %mul3A_167 = arith.mulf %mul3A_162, %mul3A_166 : vector<16xf32>
        %mul3A_168 = arith.mulf %mul3A_167, %mul3A_166 : vector<16xf32>
        %sub3A_169 = arith.subf %broadcast_in_dim3A_11, %mul3A_168 : vector<16xf32>
        %mul3A_170 = arith.mulf %mul3A_166, %sub3A_169 : vector<16xf32>
        %mul3A_171 = arith.mulf %mul3A_162, %mul3A_170 : vector<16xf32>
        %mul3A_172 = arith.mulf %mul3A_171, %mul3A_170 : vector<16xf32>
        %sub3A_173 = arith.subf %broadcast_in_dim3A_11, %mul3A_172 : vector<16xf32>
        %mul3A_174 = arith.mulf %mul3A_170, %sub3A_173 : vector<16xf32>
        %mul3A_175 = arith.mulf %add3A_157, %mul3A_174 : vector<16xf32>
        %exp3A = math.exp %mul3A_175 : vector<16xf32>
        %shift_right_arithmetic3A = arith.shrsi %get3A_148, %broadcast_in_dim3A_3 : vector<16xi32>
        %and3A = arith.andi %get3A_148, %broadcast_in_dim3A_5 : vector<16xi32>
        tpu.vector_store_idx %arg15[%shift_right_arithmetic3A, %and3A], %exp3A masked %eq3A {add = true} : memref<80x128xf32, #tpu.memory_space<vmem>>[vector<16xi32>, vector<16xi32>], vector<16xf32>, vector<16xi1>
        tpu.vector_store_idx %arg15[%shift_right_arithmetic3A, %and3A], %exp3A masked %eq3A_16 {add = true} : memref<80x128xf32, #tpu.memory_space<vmem>>[vector<16xi32>, vector<16xi32>], vector<16xf32>, vector<16xi1>
        tpu.vector_store_idx %arg15[%shift_right_arithmetic3A, %and3A], %exp3A masked %eq3A_19 {add = true} : memref<80x128xf32, #tpu.memory_space<vmem>>[vector<16xi32>, vector<16xi32>], vector<16xf32>, vector<16xi1>
        tpu.vector_store_idx %arg15[%shift_right_arithmetic3A, %and3A], %exp3A masked %eq3A_22 {add = true} : memref<80x128xf32, #tpu.memory_space<vmem>>[vector<16xi32>, vector<16xi32>], vector<16xf32>, vector<16xi1>
        tpu.vector_store_idx %arg15[%shift_right_arithmetic3A, %and3A], %exp3A masked %eq3A_25 {add = true} : memref<80x128xf32, #tpu.memory_space<vmem>>[vector<16xi32>, vector<16xi32>], vector<16xf32>, vector<16xi1>
        tpu.vector_store_idx %arg15[%shift_right_arithmetic3A, %and3A], %exp3A masked %eq3A_28 {add = true} : memref<80x128xf32, #tpu.memory_space<vmem>>[vector<16xi32>, vector<16xi32>], vector<16xf32>, vector<16xi1>
        tpu.vector_store_idx %arg15[%shift_right_arithmetic3A, %and3A], %exp3A masked %eq3A_31 {add = true} : memref<80x128xf32, #tpu.memory_space<vmem>>[vector<16xi32>, vector<16xi32>], vector<16xf32>, vector<16xi1>
        tpu.vector_store_idx %arg15[%shift_right_arithmetic3A, %and3A], %exp3A masked %eq3A_34 {add = true} : memref<80x128xf32, #tpu.memory_space<vmem>>[vector<16xi32>, vector<16xi32>], vector<16xf32>, vector<16xi1>
        tpu.vector_store_idx %arg15[%shift_right_arithmetic3A, %and3A], %exp3A masked %eq3A_37 {add = true} : memref<80x128xf32, #tpu.memory_space<vmem>>[vector<16xi32>, vector<16xi32>], vector<16xf32>, vector<16xi1>
        tpu.vector_store_idx %arg15[%shift_right_arithmetic3A, %and3A], %exp3A masked %eq3A_40 {add = true} : memref<80x128xf32, #tpu.memory_space<vmem>>[vector<16xi32>, vector<16xi32>], vector<16xf32>, vector<16xi1>
        tpu.vector_store_idx %arg15[%shift_right_arithmetic3A, %and3A], %exp3A masked %eq3A_43 {add = true} : memref<80x128xf32, #tpu.memory_space<vmem>>[vector<16xi32>, vector<16xi32>], vector<16xf32>, vector<16xi1>
        tpu.vector_store_idx %arg15[%shift_right_arithmetic3A, %and3A], %exp3A masked %eq3A_46 {add = true} : memref<80x128xf32, #tpu.memory_space<vmem>>[vector<16xi32>, vector<16xi32>], vector<16xf32>, vector<16xi1>
        tpu.vector_store_idx %arg15[%shift_right_arithmetic3A, %and3A], %exp3A masked %eq3A_49 {add = true} : memref<80x128xf32, #tpu.memory_space<vmem>>[vector<16xi32>, vector<16xi32>], vector<16xf32>, vector<16xi1>
        tpu.vector_store_idx %arg15[%shift_right_arithmetic3A, %and3A], %exp3A masked %eq3A_52 {add = true} : memref<80x128xf32, #tpu.memory_space<vmem>>[vector<16xi32>, vector<16xi32>], vector<16xf32>, vector<16xi1>
        tpu.vector_store_idx %arg15[%shift_right_arithmetic3A, %and3A], %exp3A masked %eq3A_55 {add = true} : memref<80x128xf32, #tpu.memory_space<vmem>>[vector<16xi32>, vector<16xi32>], vector<16xf32>, vector<16xi1>
        tpu.vector_store_idx %arg15[%shift_right_arithmetic3A, %and3A], %exp3A masked %eq3A_58 {add = true} : memref<80x128xf32, #tpu.memory_space<vmem>>[vector<16xi32>, vector<16xi32>], vector<16xf32>, vector<16xi1>
        %scan3A_176 = arith.constant 0 : i32
        %scan3A_177 = arith.constant 0 : i32
        %scan3A_178 = arith.constant 16 : i32
        %scan3A_179 = arith.addi %scan3A_177, %scan3A_178 : i32
        %scan3A_180 = arith.constant 2 : i32
        scf.for %scan3A_182 = %scan3A_177 to %scan3A_179 step %scan3A_180  : i32 {
          %mul3A_183 = arith.constant 8 : i32
          %mul3A_184 = arith.muli %scan3A_182, %mul3A_183 : i32
          %add3A_185 = arith.constant 0 : i32
          %add3A_186 = arith.addi %mul3A_184, %add3A_185 : i32
          %broadcast_in_dim3A_187 = vector.broadcast %add3A_186 : i32 to vector<16xi32>
          %add3A_188 = arith.addi %broadcast_in_dim3A_187, %iota3A : vector<16xi32>
          %and3A_189 = arith.andi %add3A_188, %broadcast_in_dim3A_5 : vector<16xi32>
          %gather3A = tpu.vector_load_idx %arg12[%add3A_143, %and3A_189] : memref<64x128xf32, #tpu.memory_space<vmem>>[vector<16xi32>, vector<16xi32>], vector<16xf32>,
          %mul3A_190 = arith.mulf %gather3A, %exp3A : vector<16xf32>
          tpu.vector_store_idx %arg12[%add3A_143, %and3A_189], %mul3A_190 : memref<64x128xf32, #tpu.memory_space<vmem>>[vector<16xi32>, vector<16xi32>], vector<16xf32>,
          %mul3A_191 = arith.constant 8 : i32
          %mul3A_192 = arith.muli %scan3A_182, %mul3A_191 : i32
          %add3A_193 = arith.constant 1 : i32
          %add3A_194 = arith.addi %mul3A_192, %add3A_193 : i32
          %broadcast_in_dim3A_195 = vector.broadcast %add3A_194 : i32 to vector<16xi32>
          %add3A_196 = arith.addi %broadcast_in_dim3A_195, %iota3A : vector<16xi32>
          %and3A_197 = arith.andi %add3A_196, %broadcast_in_dim3A_5 : vector<16xi32>
          %gather3A_198 = tpu.vector_load_idx %arg12[%add3A_143, %and3A_197] : memref<64x128xf32, #tpu.memory_space<vmem>>[vector<16xi32>, vector<16xi32>], vector<16xf32>,
          %mul3A_199 = arith.mulf %gather3A_198, %exp3A : vector<16xf32>
          tpu.vector_store_idx %arg12[%add3A_143, %and3A_197], %mul3A_199 : memref<64x128xf32, #tpu.memory_space<vmem>>[vector<16xi32>, vector<16xi32>], vector<16xf32>,
          %mul3A_200 = arith.constant 8 : i32
          %mul3A_201 = arith.muli %scan3A_182, %mul3A_200 : i32
          %add3A_202 = arith.constant 2 : i32
          %add3A_203 = arith.addi %mul3A_201, %add3A_202 : i32
          %broadcast_in_dim3A_204 = vector.broadcast %add3A_203 : i32 to vector<16xi32>
          %add3A_205 = arith.addi %broadcast_in_dim3A_204, %iota3A : vector<16xi32>
          %and3A_206 = arith.andi %add3A_205, %broadcast_in_dim3A_5 : vector<16xi32>
          %gather3A_207 = tpu.vector_load_idx %arg12[%add3A_143, %and3A_206] : memref<64x128xf32, #tpu.memory_space<vmem>>[vector<16xi32>, vector<16xi32>], vector<16xf32>,
          %mul3A_208 = arith.mulf %gather3A_207, %exp3A : vector<16xf32>
          tpu.vector_store_idx %arg12[%add3A_143, %and3A_206], %mul3A_208 : memref<64x128xf32, #tpu.memory_space<vmem>>[vector<16xi32>, vector<16xi32>], vector<16xf32>,
          %mul3A_209 = arith.constant 8 : i32
          %mul3A_210 = arith.muli %scan3A_182, %mul3A_209 : i32
          %add3A_211 = arith.constant 3 : i32
          %add3A_212 = arith.addi %mul3A_210, %add3A_211 : i32
          %broadcast_in_dim3A_213 = vector.broadcast %add3A_212 : i32 to vector<16xi32>
          %add3A_214 = arith.addi %broadcast_in_dim3A_213, %iota3A : vector<16xi32>
          %and3A_215 = arith.andi %add3A_214, %broadcast_in_dim3A_5 : vector<16xi32>
          %gather3A_216 = tpu.vector_load_idx %arg12[%add3A_143, %and3A_215] : memref<64x128xf32, #tpu.memory_space<vmem>>[vector<16xi32>, vector<16xi32>], vector<16xf32>,
          %mul3A_217 = arith.mulf %gather3A_216, %exp3A : vector<16xf32>
          tpu.vector_store_idx %arg12[%add3A_143, %and3A_215], %mul3A_217 : memref<64x128xf32, #tpu.memory_space<vmem>>[vector<16xi32>, vector<16xi32>], vector<16xf32>,
          %mul3A_218 = arith.constant 8 : i32
          %mul3A_219 = arith.muli %scan3A_182, %mul3A_218 : i32
          %add3A_220 = arith.constant 4 : i32
          %add3A_221 = arith.addi %mul3A_219, %add3A_220 : i32
          %broadcast_in_dim3A_222 = vector.broadcast %add3A_221 : i32 to vector<16xi32>
          %add3A_223 = arith.addi %broadcast_in_dim3A_222, %iota3A : vector<16xi32>
          %and3A_224 = arith.andi %add3A_223, %broadcast_in_dim3A_5 : vector<16xi32>
          %gather3A_225 = tpu.vector_load_idx %arg12[%add3A_143, %and3A_224] : memref<64x128xf32, #tpu.memory_space<vmem>>[vector<16xi32>, vector<16xi32>], vector<16xf32>,
          %mul3A_226 = arith.mulf %gather3A_225, %exp3A : vector<16xf32>
          tpu.vector_store_idx %arg12[%add3A_143, %and3A_224], %mul3A_226 : memref<64x128xf32, #tpu.memory_space<vmem>>[vector<16xi32>, vector<16xi32>], vector<16xf32>,
          %mul3A_227 = arith.constant 8 : i32
          %mul3A_228 = arith.muli %scan3A_182, %mul3A_227 : i32
          %add3A_229 = arith.constant 5 : i32
          %add3A_230 = arith.addi %mul3A_228, %add3A_229 : i32
          %broadcast_in_dim3A_231 = vector.broadcast %add3A_230 : i32 to vector<16xi32>
          %add3A_232 = arith.addi %broadcast_in_dim3A_231, %iota3A : vector<16xi32>
          %and3A_233 = arith.andi %add3A_232, %broadcast_in_dim3A_5 : vector<16xi32>
          %gather3A_234 = tpu.vector_load_idx %arg12[%add3A_143, %and3A_233] : memref<64x128xf32, #tpu.memory_space<vmem>>[vector<16xi32>, vector<16xi32>], vector<16xf32>,
          %mul3A_235 = arith.mulf %gather3A_234, %exp3A : vector<16xf32>
          tpu.vector_store_idx %arg12[%add3A_143, %and3A_233], %mul3A_235 : memref<64x128xf32, #tpu.memory_space<vmem>>[vector<16xi32>, vector<16xi32>], vector<16xf32>,
          %mul3A_236 = arith.constant 8 : i32
          %mul3A_237 = arith.muli %scan3A_182, %mul3A_236 : i32
          %add3A_238 = arith.constant 6 : i32
          %add3A_239 = arith.addi %mul3A_237, %add3A_238 : i32
          %broadcast_in_dim3A_240 = vector.broadcast %add3A_239 : i32 to vector<16xi32>
          %add3A_241 = arith.addi %broadcast_in_dim3A_240, %iota3A : vector<16xi32>
          %and3A_242 = arith.andi %add3A_241, %broadcast_in_dim3A_5 : vector<16xi32>
          %gather3A_243 = tpu.vector_load_idx %arg12[%add3A_143, %and3A_242] : memref<64x128xf32, #tpu.memory_space<vmem>>[vector<16xi32>, vector<16xi32>], vector<16xf32>,
          %mul3A_244 = arith.mulf %gather3A_243, %exp3A : vector<16xf32>
          tpu.vector_store_idx %arg12[%add3A_143, %and3A_242], %mul3A_244 : memref<64x128xf32, #tpu.memory_space<vmem>>[vector<16xi32>, vector<16xi32>], vector<16xf32>,
          %mul3A_245 = arith.constant 8 : i32
          %mul3A_246 = arith.muli %scan3A_182, %mul3A_245 : i32
          %add3A_247 = arith.constant 7 : i32
          %add3A_248 = arith.addi %mul3A_246, %add3A_247 : i32
          %broadcast_in_dim3A_249 = vector.broadcast %add3A_248 : i32 to vector<16xi32>
          %add3A_250 = arith.addi %broadcast_in_dim3A_249, %iota3A : vector<16xi32>
          %and3A_251 = arith.andi %add3A_250, %broadcast_in_dim3A_5 : vector<16xi32>
          %gather3A_252 = tpu.vector_load_idx %arg12[%add3A_143, %and3A_251] : memref<64x128xf32, #tpu.memory_space<vmem>>[vector<16xi32>, vector<16xi32>], vector<16xf32>,
          %mul3A_253 = arith.mulf %gather3A_252, %exp3A : vector<16xf32>
          tpu.vector_store_idx %arg12[%add3A_143, %and3A_251], %mul3A_253 : memref<64x128xf32, #tpu.memory_space<vmem>>[vector<16xi32>, vector<16xi32>], vector<16xf32>,
          %scan3A_254 = arith.constant 1 : i32
          %scan3A_255 = arith.addi %scan3A_182, %scan3A_254 : i32
          %mul3A_256 = arith.constant 8 : i32
          %mul3A_257 = arith.muli %scan3A_255, %mul3A_256 : i32
          %add3A_258 = arith.constant 0 : i32
          %add3A_259 = arith.addi %mul3A_257, %add3A_258 : i32
          %broadcast_in_dim3A_260 = vector.broadcast %add3A_259 : i32 to vector<16xi32>
          %add3A_261 = arith.addi %broadcast_in_dim3A_260, %iota3A : vector<16xi32>
          %and3A_262 = arith.andi %add3A_261, %broadcast_in_dim3A_5 : vector<16xi32>
          %gather3A_263 = tpu.vector_load_idx %arg12[%add3A_143, %and3A_262] : memref<64x128xf32, #tpu.memory_space<vmem>>[vector<16xi32>, vector<16xi32>], vector<16xf32>,
          %mul3A_264 = arith.mulf %gather3A_263, %exp3A : vector<16xf32>
          tpu.vector_store_idx %arg12[%add3A_143, %and3A_262], %mul3A_264 : memref<64x128xf32, #tpu.memory_space<vmem>>[vector<16xi32>, vector<16xi32>], vector<16xf32>,
          %mul3A_265 = arith.constant 8 : i32
          %mul3A_266 = arith.muli %scan3A_255, %mul3A_265 : i32
          %add3A_267 = arith.constant 1 : i32
          %add3A_268 = arith.addi %mul3A_266, %add3A_267 : i32
          %broadcast_in_dim3A_269 = vector.broadcast %add3A_268 : i32 to vector<16xi32>
          %add3A_270 = arith.addi %broadcast_in_dim3A_269, %iota3A : vector<16xi32>
          %and3A_271 = arith.andi %add3A_270, %broadcast_in_dim3A_5 : vector<16xi32>
          %gather3A_272 = tpu.vector_load_idx %arg12[%add3A_143, %and3A_271] : memref<64x128xf32, #tpu.memory_space<vmem>>[vector<16xi32>, vector<16xi32>], vector<16xf32>,
          %mul3A_273 = arith.mulf %gather3A_272, %exp3A : vector<16xf32>
          tpu.vector_store_idx %arg12[%add3A_143, %and3A_271], %mul3A_273 : memref<64x128xf32, #tpu.memory_space<vmem>>[vector<16xi32>, vector<16xi32>], vector<16xf32>,
          %mul3A_274 = arith.constant 8 : i32
          %mul3A_275 = arith.muli %scan3A_255, %mul3A_274 : i32
          %add3A_276 = arith.constant 2 : i32
          %add3A_277 = arith.addi %mul3A_275, %add3A_276 : i32
          %broadcast_in_dim3A_278 = vector.broadcast %add3A_277 : i32 to vector<16xi32>
          %add3A_279 = arith.addi %broadcast_in_dim3A_278, %iota3A : vector<16xi32>
          %and3A_280 = arith.andi %add3A_279, %broadcast_in_dim3A_5 : vector<16xi32>
          %gather3A_281 = tpu.vector_load_idx %arg12[%add3A_143, %and3A_280] : memref<64x128xf32, #tpu.memory_space<vmem>>[vector<16xi32>, vector<16xi32>], vector<16xf32>,
          %mul3A_282 = arith.mulf %gather3A_281, %exp3A : vector<16xf32>
          tpu.vector_store_idx %arg12[%add3A_143, %and3A_280], %mul3A_282 : memref<64x128xf32, #tpu.memory_space<vmem>>[vector<16xi32>, vector<16xi32>], vector<16xf32>,
          %mul3A_283 = arith.constant 8 : i32
          %mul3A_284 = arith.muli %scan3A_255, %mul3A_283 : i32
          %add3A_285 = arith.constant 3 : i32
          %add3A_286 = arith.addi %mul3A_284, %add3A_285 : i32
          %broadcast_in_dim3A_287 = vector.broadcast %add3A_286 : i32 to vector<16xi32>
          %add3A_288 = arith.addi %broadcast_in_dim3A_287, %iota3A : vector<16xi32>
          %and3A_289 = arith.andi %add3A_288, %broadcast_in_dim3A_5 : vector<16xi32>
          %gather3A_290 = tpu.vector_load_idx %arg12[%add3A_143, %and3A_289] : memref<64x128xf32, #tpu.memory_space<vmem>>[vector<16xi32>, vector<16xi32>], vector<16xf32>,
          %mul3A_291 = arith.mulf %gather3A_290, %exp3A : vector<16xf32>
          tpu.vector_store_idx %arg12[%add3A_143, %and3A_289], %mul3A_291 : memref<64x128xf32, #tpu.memory_space<vmem>>[vector<16xi32>, vector<16xi32>], vector<16xf32>,
          %mul3A_292 = arith.constant 8 : i32
          %mul3A_293 = arith.muli %scan3A_255, %mul3A_292 : i32
          %add3A_294 = arith.constant 4 : i32
          %add3A_295 = arith.addi %mul3A_293, %add3A_294 : i32
          %broadcast_in_dim3A_296 = vector.broadcast %add3A_295 : i32 to vector<16xi32>
          %add3A_297 = arith.addi %broadcast_in_dim3A_296, %iota3A : vector<16xi32>
          %and3A_298 = arith.andi %add3A_297, %broadcast_in_dim3A_5 : vector<16xi32>
          %gather3A_299 = tpu.vector_load_idx %arg12[%add3A_143, %and3A_298] : memref<64x128xf32, #tpu.memory_space<vmem>>[vector<16xi32>, vector<16xi32>], vector<16xf32>,
          %mul3A_300 = arith.mulf %gather3A_299, %exp3A : vector<16xf32>
          tpu.vector_store_idx %arg12[%add3A_143, %and3A_298], %mul3A_300 : memref<64x128xf32, #tpu.memory_space<vmem>>[vector<16xi32>, vector<16xi32>], vector<16xf32>,
          %mul3A_301 = arith.constant 8 : i32
          %mul3A_302 = arith.muli %scan3A_255, %mul3A_301 : i32
          %add3A_303 = arith.constant 5 : i32
          %add3A_304 = arith.addi %mul3A_302, %add3A_303 : i32
          %broadcast_in_dim3A_305 = vector.broadcast %add3A_304 : i32 to vector<16xi32>
          %add3A_306 = arith.addi %broadcast_in_dim3A_305, %iota3A : vector<16xi32>
          %and3A_307 = arith.andi %add3A_306, %broadcast_in_dim3A_5 : vector<16xi32>
          %gather3A_308 = tpu.vector_load_idx %arg12[%add3A_143, %and3A_307] : memref<64x128xf32, #tpu.memory_space<vmem>>[vector<16xi32>, vector<16xi32>], vector<16xf32>,
          %mul3A_309 = arith.mulf %gather3A_308, %exp3A : vector<16xf32>
          tpu.vector_store_idx %arg12[%add3A_143, %and3A_307], %mul3A_309 : memref<64x128xf32, #tpu.memory_space<vmem>>[vector<16xi32>, vector<16xi32>], vector<16xf32>,
          %mul3A_310 = arith.constant 8 : i32
          %mul3A_311 = arith.muli %scan3A_255, %mul3A_310 : i32
          %add3A_312 = arith.constant 6 : i32
          %add3A_313 = arith.addi %mul3A_311, %add3A_312 : i32
          %broadcast_in_dim3A_314 = vector.broadcast %add3A_313 : i32 to vector<16xi32>
          %add3A_315 = arith.addi %broadcast_in_dim3A_314, %iota3A : vector<16xi32>
          %and3A_316 = arith.andi %add3A_315, %broadcast_in_dim3A_5 : vector<16xi32>
          %gather3A_317 = tpu.vector_load_idx %arg12[%add3A_143, %and3A_316] : memref<64x128xf32, #tpu.memory_space<vmem>>[vector<16xi32>, vector<16xi32>], vector<16xf32>,
          %mul3A_318 = arith.mulf %gather3A_317, %exp3A : vector<16xf32>
          tpu.vector_store_idx %arg12[%add3A_143, %and3A_316], %mul3A_318 : memref<64x128xf32, #tpu.memory_space<vmem>>[vector<16xi32>, vector<16xi32>], vector<16xf32>,
          %mul3A_319 = arith.constant 8 : i32
          %mul3A_320 = arith.muli %scan3A_255, %mul3A_319 : i32
          %add3A_321 = arith.constant 7 : i32
          %add3A_322 = arith.addi %mul3A_320, %add3A_321 : i32
          %broadcast_in_dim3A_323 = vector.broadcast %add3A_322 : i32 to vector<16xi32>
          %add3A_324 = arith.addi %broadcast_in_dim3A_323, %iota3A : vector<16xi32>
          %and3A_325 = arith.andi %add3A_324, %broadcast_in_dim3A_5 : vector<16xi32>
          %gather3A_326 = tpu.vector_load_idx %arg12[%add3A_143, %and3A_325] : memref<64x128xf32, #tpu.memory_space<vmem>>[vector<16xi32>, vector<16xi32>], vector<16xf32>,
          %mul3A_327 = arith.mulf %gather3A_326, %exp3A : vector<16xf32>
          tpu.vector_store_idx %arg12[%add3A_143, %and3A_325], %mul3A_327 : memref<64x128xf32, #tpu.memory_space<vmem>>[vector<16xi32>, vector<16xi32>], vector<16xf32>,
        }
        %scan3A_181 = arith.constant 16 : i32
      }
      %scan3A_117 = arith.constant 4 : i32
      %run_scoped3A = arith.constant 6 : i32
      "tpu.region"() ({
        %run_scoped3A_139 = tpu.sem_alloc : memref<!tpu.dma_semaphore, #tpu.memory_space<semaphore_mem>>
        %dma_start3A_140 = arith.constant 0 : i32
        %dma_start3A_141 = tpu.memref_slice %arg10[%run_scoped3A, %dma_start3A_140] : memref<8x64xi32, #tpu.memory_space<vmem>> -> memref<1x64xi32, #tpu.memory_space<vmem>>
        %dma_start3A_142 = tpu.memref_squeeze %dma_start3A_141 : memref<1x64xi32, #tpu.memory_space<vmem>> -> memref<64xi32, #tpu.memory_space<vmem>>
        %dma_start3A_143 = arith.constant 0 : i32
        %dma_start3A_144 = arith.constant 0 : i32
        %dma_start3A_145 = tpu.memref_slice %arg16[%dma_start3A_143, %dma_start3A_144] : memref<10240x128xf32, #tpu.memory_space<vmem_shared>> -> memref<10240x128xf32, #tpu.memory_space<vmem_shared>>
        tpu.enqueue_indirect_dma source(%arg12 : memref<64x128xf32, #tpu.memory_space<vmem>>) target(%dma_start3A_145 : memref<10240x128xf32, #tpu.memory_space<vmem_shared>>) offsets(%dma_start3A_142 : memref<64xi32, #tpu.memory_space<vmem>>) semaphore(%run_scoped3A_139 : memref<!tpu.dma_semaphore, #tpu.memory_space<semaphore_mem>>) {add = true}
        %dma_wait3A_146 = arith.constant 0 : i32
        %dma_wait3A_147 = tpu.memref_slice %arg10[%run_scoped3A, %dma_wait3A_146] : memref<8x64xi32, #tpu.memory_space<vmem>> -> memref<1x64xi32, #tpu.memory_space<vmem>>
        %dma_wait3A_148 = tpu.memref_squeeze %dma_wait3A_147 : memref<1x64xi32, #tpu.memory_space<vmem>> -> memref<64xi32, #tpu.memory_space<vmem>>
        %dma_wait3A_149 = arith.constant 0 : i32
        %dma_wait3A_150 = arith.constant 0 : i32
        %dma_wait3A_151 = tpu.memref_slice %arg16[%dma_wait3A_149, %dma_wait3A_150] : memref<10240x128xf32, #tpu.memory_space<vmem_shared>> -> memref<10240x128xf32, #tpu.memory_space<vmem_shared>>
        tpu.wait_indirect_dma semaphore(%run_scoped3A_139 : memref<!tpu.dma_semaphore, #tpu.memory_space<semaphore_mem>>) src(%arg12 : memref<64x128xf32, #tpu.memory_space<vmem>>) dst(%dma_wait3A_151 : memref<10240x128xf32, #tpu.memory_space<vmem_shared>>)
        tpu.yield
      }) : () -> ()
      %dma_wait3A_118 = arith.constant 0 : i32
      %dma_wait3A_119 = arith.constant 0 : i32
      %dma_wait3A_120 = tpu.memref_slice %arg10[%dma_wait3A_118, %dma_wait3A_119] : memref<8x64xi32, #tpu.memory_space<vmem>> -> memref<1x64xi32, #tpu.memory_space<vmem>>
      %dma_wait3A_121 = tpu.memref_squeeze %dma_wait3A_120 : memref<1x64xi32, #tpu.memory_space<vmem>> -> memref<64xi32, #tpu.memory_space<vmem>>
      %dma_wait3A_122 = arith.constant 0 : i32
      %dma_wait3A_123 = arith.constant 0 : i32
      %dma_wait3A_124 = tpu.memref_slice %arg3[%dma_wait3A_122, %dma_wait3A_123] : memref<10240x128xf32, #tpu.memory_space<hbm>> -> memref<10240x128xf32, #tpu.memory_space<hbm>>
      tpu.wait_indirect_dma semaphore(%arg19 : memref<!tpu.dma_semaphore, #tpu.memory_space<semaphore_mem>>) src(%dma_wait3A_124 : memref<10240x128xf32, #tpu.memory_space<hbm>>) dst(%arg13 : memref<64x128xf32, #tpu.memory_space<vmem>>)
      %dma_wait3A_125 = arith.constant 0 : i32
      %dma_wait3A_126 = arith.constant 0 : i32
      %dma_wait3A_127 = tpu.memref_slice %arg9[%dma_wait3A_125, %dma_wait3A_126] : memref<8x64xi32, #tpu.memory_space<vmem>> -> memref<1x64xi32, #tpu.memory_space<vmem>>
      %dma_wait3A_128 = tpu.memref_squeeze %dma_wait3A_127 : memref<1x64xi32, #tpu.memory_space<vmem>> -> memref<64xi32, #tpu.memory_space<vmem>>
      %dma_wait3A_129 = arith.constant 0 : i32
      %dma_wait3A_130 = arith.constant 0 : i32
      %dma_wait3A_131 = tpu.memref_slice %arg2[%dma_wait3A_129, %dma_wait3A_130] : memref<10240x128xf32, #tpu.memory_space<hbm>> -> memref<10240x128xf32, #tpu.memory_space<hbm>>
      tpu.wait_indirect_dma semaphore(%arg20 : memref<!tpu.dma_semaphore, #tpu.memory_space<semaphore_mem>>) src(%dma_wait3A_131 : memref<10240x128xf32, #tpu.memory_space<hbm>>) dst(%arg14 : memref<64x128xf32, #tpu.memory_space<vmem>>)
      %scan3A_132 = arith.constant 0 : i32
      %scan3A_133 = arith.constant 0 : i32
      %scan3A_134 = arith.constant 4 : i32
      %scan3A_135 = arith.addi %scan3A_133, %scan3A_134 : i32
      %scan3A_136 = arith.constant 1 : i32
      scf.for %scan3A_139 = %scan3A_133 to %scan3A_135 step %scan3A_136  : i32 {
        %mul3A_140 = arith.constant 16 : i32
        %mul3A_141 = arith.muli %scan3A_139, %mul3A_140 : i32
        %add3A_142 = vector.broadcast %mul3A_141 : i32 to vector<16xi32>
        %add3A_143 = arith.addi %iota3A, %add3A_142 : vector<16xi32>
        %mul3A_144 = arith.constant 16 : i32
        %mul3A_145 = arith.muli %scan3A_139, %mul3A_144 : i32
        %get3A = arith.constant 7 : i32
        %get3A_146 = arith.index_cast %get3A : i32 to index
        %get3A_147 = arith.index_cast %mul3A_145 : i32 to index
        %get3A_148 = tpu.vector_load %arg10[%get3A_146, %get3A_147] {strides = array<i32>} : memref<8x64xi32, #tpu.memory_space<vmem>>, vector<16xi32>,
        %broadcast_in_dim3A_149 = arith.constant 0.000000e+00 : f32
        %broadcast_in_dim3A_150 = vector.broadcast %broadcast_in_dim3A_149 : f32 to vector<16xf32>
        %scan3A_151 = arith.constant 0 : i32
        %scan3A_152 = arith.constant 16 : i32
        %scan3A_153 = arith.addi %scan3A_151, %scan3A_152 : i32
        %scan3A_154 = arith.constant 2 : i32
        %scan3A_155:4 = scf.for %scan3A_182 = %scan3A_151 to %scan3A_153 step %scan3A_154 iter_args(%scan3A_183 = %broadcast_in_dim3A_150, %scan3A_184 = %broadcast_in_dim3A_150, %scan3A_185 = %broadcast_in_dim3A_150, %scan3A_186 = %broadcast_in_dim3A_150) -> (vector<16xf32>, vector<16xf32>, vector<16xf32>, vector<16xf32>)  : i32 {
          %mul3A_187 = arith.constant 8 : i32
          %mul3A_188 = arith.muli %scan3A_182, %mul3A_187 : i32
          %add3A_189 = arith.constant 0 : i32
          %add3A_190 = arith.addi %mul3A_188, %add3A_189 : i32
          %broadcast_in_dim3A_191 = vector.broadcast %add3A_190 : i32 to vector<16xi32>
          %add3A_192 = arith.addi %broadcast_in_dim3A_191, %iota3A : vector<16xi32>
          %and3A_193 = arith.andi %add3A_192, %broadcast_in_dim3A_5 : vector<16xi32>
          %gather3A = tpu.vector_load_idx %arg14[%add3A_143, %and3A_193] : memref<64x128xf32, #tpu.memory_space<vmem>>[vector<16xi32>, vector<16xi32>], vector<16xf32>,
          %gather3A_194 = tpu.vector_load_idx %arg13[%add3A_143, %and3A_193] : memref<64x128xf32, #tpu.memory_space<vmem>>[vector<16xi32>, vector<16xi32>], vector<16xf32>,
          %mul3A_195 = arith.mulf %gather3A, %gather3A_194 : vector<16xf32>
          %add3A_196 = arith.addf %scan3A_183, %mul3A_195 : vector<16xf32>
          %mul3A_197 = arith.mulf %gather3A, %gather3A : vector<16xf32>
          %add3A_198 = arith.addf %scan3A_185, %mul3A_197 : vector<16xf32>
          %mul3A_199 = arith.constant 8 : i32
          %mul3A_200 = arith.muli %scan3A_182, %mul3A_199 : i32
          %add3A_201 = arith.constant 1 : i32
          %add3A_202 = arith.addi %mul3A_200, %add3A_201 : i32
          %broadcast_in_dim3A_203 = vector.broadcast %add3A_202 : i32 to vector<16xi32>
          %add3A_204 = arith.addi %broadcast_in_dim3A_203, %iota3A : vector<16xi32>
          %and3A_205 = arith.andi %add3A_204, %broadcast_in_dim3A_5 : vector<16xi32>
          %gather3A_206 = tpu.vector_load_idx %arg14[%add3A_143, %and3A_205] : memref<64x128xf32, #tpu.memory_space<vmem>>[vector<16xi32>, vector<16xi32>], vector<16xf32>,
          %gather3A_207 = tpu.vector_load_idx %arg13[%add3A_143, %and3A_205] : memref<64x128xf32, #tpu.memory_space<vmem>>[vector<16xi32>, vector<16xi32>], vector<16xf32>,
          %mul3A_208 = arith.mulf %gather3A_206, %gather3A_207 : vector<16xf32>
          %add3A_209 = arith.addf %scan3A_184, %mul3A_208 : vector<16xf32>
          %mul3A_210 = arith.mulf %gather3A_206, %gather3A_206 : vector<16xf32>
          %add3A_211 = arith.addf %scan3A_186, %mul3A_210 : vector<16xf32>
          %mul3A_212 = arith.constant 8 : i32
          %mul3A_213 = arith.muli %scan3A_182, %mul3A_212 : i32
          %add3A_214 = arith.constant 2 : i32
          %add3A_215 = arith.addi %mul3A_213, %add3A_214 : i32
          %broadcast_in_dim3A_216 = vector.broadcast %add3A_215 : i32 to vector<16xi32>
          %add3A_217 = arith.addi %broadcast_in_dim3A_216, %iota3A : vector<16xi32>
          %and3A_218 = arith.andi %add3A_217, %broadcast_in_dim3A_5 : vector<16xi32>
          %gather3A_219 = tpu.vector_load_idx %arg14[%add3A_143, %and3A_218] : memref<64x128xf32, #tpu.memory_space<vmem>>[vector<16xi32>, vector<16xi32>], vector<16xf32>,
          %gather3A_220 = tpu.vector_load_idx %arg13[%add3A_143, %and3A_218] : memref<64x128xf32, #tpu.memory_space<vmem>>[vector<16xi32>, vector<16xi32>], vector<16xf32>,
          %mul3A_221 = arith.mulf %gather3A_219, %gather3A_220 : vector<16xf32>
          %add3A_222 = arith.addf %add3A_196, %mul3A_221 : vector<16xf32>
          %mul3A_223 = arith.mulf %gather3A_219, %gather3A_219 : vector<16xf32>
          %add3A_224 = arith.addf %add3A_198, %mul3A_223 : vector<16xf32>
          %mul3A_225 = arith.constant 8 : i32
          %mul3A_226 = arith.muli %scan3A_182, %mul3A_225 : i32
          %add3A_227 = arith.constant 3 : i32
          %add3A_228 = arith.addi %mul3A_226, %add3A_227 : i32
          %broadcast_in_dim3A_229 = vector.broadcast %add3A_228 : i32 to vector<16xi32>
          %add3A_230 = arith.addi %broadcast_in_dim3A_229, %iota3A : vector<16xi32>
          %and3A_231 = arith.andi %add3A_230, %broadcast_in_dim3A_5 : vector<16xi32>
          %gather3A_232 = tpu.vector_load_idx %arg14[%add3A_143, %and3A_231] : memref<64x128xf32, #tpu.memory_space<vmem>>[vector<16xi32>, vector<16xi32>], vector<16xf32>,
          %gather3A_233 = tpu.vector_load_idx %arg13[%add3A_143, %and3A_231] : memref<64x128xf32, #tpu.memory_space<vmem>>[vector<16xi32>, vector<16xi32>], vector<16xf32>,
          %mul3A_234 = arith.mulf %gather3A_232, %gather3A_233 : vector<16xf32>
          %add3A_235 = arith.addf %add3A_209, %mul3A_234 : vector<16xf32>
          %mul3A_236 = arith.mulf %gather3A_232, %gather3A_232 : vector<16xf32>
          %add3A_237 = arith.addf %add3A_211, %mul3A_236 : vector<16xf32>
          %mul3A_238 = arith.constant 8 : i32
          %mul3A_239 = arith.muli %scan3A_182, %mul3A_238 : i32
          %add3A_240 = arith.constant 4 : i32
          %add3A_241 = arith.addi %mul3A_239, %add3A_240 : i32
          %broadcast_in_dim3A_242 = vector.broadcast %add3A_241 : i32 to vector<16xi32>
          %add3A_243 = arith.addi %broadcast_in_dim3A_242, %iota3A : vector<16xi32>
          %and3A_244 = arith.andi %add3A_243, %broadcast_in_dim3A_5 : vector<16xi32>
          %gather3A_245 = tpu.vector_load_idx %arg14[%add3A_143, %and3A_244] : memref<64x128xf32, #tpu.memory_space<vmem>>[vector<16xi32>, vector<16xi32>], vector<16xf32>,
          %gather3A_246 = tpu.vector_load_idx %arg13[%add3A_143, %and3A_244] : memref<64x128xf32, #tpu.memory_space<vmem>>[vector<16xi32>, vector<16xi32>], vector<16xf32>,
          %mul3A_247 = arith.mulf %gather3A_245, %gather3A_246 : vector<16xf32>
          %add3A_248 = arith.addf %add3A_222, %mul3A_247 : vector<16xf32>
          %mul3A_249 = arith.mulf %gather3A_245, %gather3A_245 : vector<16xf32>
          %add3A_250 = arith.addf %add3A_224, %mul3A_249 : vector<16xf32>
          %mul3A_251 = arith.constant 8 : i32
          %mul3A_252 = arith.muli %scan3A_182, %mul3A_251 : i32
          %add3A_253 = arith.constant 5 : i32
          %add3A_254 = arith.addi %mul3A_252, %add3A_253 : i32
          %broadcast_in_dim3A_255 = vector.broadcast %add3A_254 : i32 to vector<16xi32>
          %add3A_256 = arith.addi %broadcast_in_dim3A_255, %iota3A : vector<16xi32>
          %and3A_257 = arith.andi %add3A_256, %broadcast_in_dim3A_5 : vector<16xi32>
          %gather3A_258 = tpu.vector_load_idx %arg14[%add3A_143, %and3A_257] : memref<64x128xf32, #tpu.memory_space<vmem>>[vector<16xi32>, vector<16xi32>], vector<16xf32>,
          %gather3A_259 = tpu.vector_load_idx %arg13[%add3A_143, %and3A_257] : memref<64x128xf32, #tpu.memory_space<vmem>>[vector<16xi32>, vector<16xi32>], vector<16xf32>,
          %mul3A_260 = arith.mulf %gather3A_258, %gather3A_259 : vector<16xf32>
          %add3A_261 = arith.addf %add3A_235, %mul3A_260 : vector<16xf32>
          %mul3A_262 = arith.mulf %gather3A_258, %gather3A_258 : vector<16xf32>
          %add3A_263 = arith.addf %add3A_237, %mul3A_262 : vector<16xf32>
          %mul3A_264 = arith.constant 8 : i32
          %mul3A_265 = arith.muli %scan3A_182, %mul3A_264 : i32
          %add3A_266 = arith.constant 6 : i32
          %add3A_267 = arith.addi %mul3A_265, %add3A_266 : i32
          %broadcast_in_dim3A_268 = vector.broadcast %add3A_267 : i32 to vector<16xi32>
          %add3A_269 = arith.addi %broadcast_in_dim3A_268, %iota3A : vector<16xi32>
          %and3A_270 = arith.andi %add3A_269, %broadcast_in_dim3A_5 : vector<16xi32>
          %gather3A_271 = tpu.vector_load_idx %arg14[%add3A_143, %and3A_270] : memref<64x128xf32, #tpu.memory_space<vmem>>[vector<16xi32>, vector<16xi32>], vector<16xf32>,
          %gather3A_272 = tpu.vector_load_idx %arg13[%add3A_143, %and3A_270] : memref<64x128xf32, #tpu.memory_space<vmem>>[vector<16xi32>, vector<16xi32>], vector<16xf32>,
          %mul3A_273 = arith.mulf %gather3A_271, %gather3A_272 : vector<16xf32>
          %add3A_274 = arith.addf %add3A_248, %mul3A_273 : vector<16xf32>
          %mul3A_275 = arith.mulf %gather3A_271, %gather3A_271 : vector<16xf32>
          %add3A_276 = arith.addf %add3A_250, %mul3A_275 : vector<16xf32>
          %mul3A_277 = arith.constant 8 : i32
          %mul3A_278 = arith.muli %scan3A_182, %mul3A_277 : i32
          %add3A_279 = arith.constant 7 : i32
          %add3A_280 = arith.addi %mul3A_278, %add3A_279 : i32
          %broadcast_in_dim3A_281 = vector.broadcast %add3A_280 : i32 to vector<16xi32>
          %add3A_282 = arith.addi %broadcast_in_dim3A_281, %iota3A : vector<16xi32>
          %and3A_283 = arith.andi %add3A_282, %broadcast_in_dim3A_5 : vector<16xi32>
          %gather3A_284 = tpu.vector_load_idx %arg14[%add3A_143, %and3A_283] : memref<64x128xf32, #tpu.memory_space<vmem>>[vector<16xi32>, vector<16xi32>], vector<16xf32>,
          %gather3A_285 = tpu.vector_load_idx %arg13[%add3A_143, %and3A_283] : memref<64x128xf32, #tpu.memory_space<vmem>>[vector<16xi32>, vector<16xi32>], vector<16xf32>,
          %mul3A_286 = arith.mulf %gather3A_284, %gather3A_285 : vector<16xf32>
          %add3A_287 = arith.addf %add3A_261, %mul3A_286 : vector<16xf32>
          %mul3A_288 = arith.mulf %gather3A_284, %gather3A_284 : vector<16xf32>
          %add3A_289 = arith.addf %add3A_263, %mul3A_288 : vector<16xf32>
          %scan3A_290 = arith.constant 1 : i32
          %scan3A_291 = arith.addi %scan3A_182, %scan3A_290 : i32
          %mul3A_292 = arith.constant 8 : i32
          %mul3A_293 = arith.muli %scan3A_291, %mul3A_292 : i32
          %add3A_294 = arith.constant 0 : i32
          %add3A_295 = arith.addi %mul3A_293, %add3A_294 : i32
          %broadcast_in_dim3A_296 = vector.broadcast %add3A_295 : i32 to vector<16xi32>
          %add3A_297 = arith.addi %broadcast_in_dim3A_296, %iota3A : vector<16xi32>
          %and3A_298 = arith.andi %add3A_297, %broadcast_in_dim3A_5 : vector<16xi32>
          %gather3A_299 = tpu.vector_load_idx %arg14[%add3A_143, %and3A_298] : memref<64x128xf32, #tpu.memory_space<vmem>>[vector<16xi32>, vector<16xi32>], vector<16xf32>,
          %gather3A_300 = tpu.vector_load_idx %arg13[%add3A_143, %and3A_298] : memref<64x128xf32, #tpu.memory_space<vmem>>[vector<16xi32>, vector<16xi32>], vector<16xf32>,
          %mul3A_301 = arith.mulf %gather3A_299, %gather3A_300 : vector<16xf32>
          %add3A_302 = arith.addf %add3A_274, %mul3A_301 : vector<16xf32>
          %mul3A_303 = arith.mulf %gather3A_299, %gather3A_299 : vector<16xf32>
          %add3A_304 = arith.addf %add3A_276, %mul3A_303 : vector<16xf32>
          %mul3A_305 = arith.constant 8 : i32
          %mul3A_306 = arith.muli %scan3A_291, %mul3A_305 : i32
          %add3A_307 = arith.constant 1 : i32
          %add3A_308 = arith.addi %mul3A_306, %add3A_307 : i32
          %broadcast_in_dim3A_309 = vector.broadcast %add3A_308 : i32 to vector<16xi32>
          %add3A_310 = arith.addi %broadcast_in_dim3A_309, %iota3A : vector<16xi32>
          %and3A_311 = arith.andi %add3A_310, %broadcast_in_dim3A_5 : vector<16xi32>
          %gather3A_312 = tpu.vector_load_idx %arg14[%add3A_143, %and3A_311] : memref<64x128xf32, #tpu.memory_space<vmem>>[vector<16xi32>, vector<16xi32>], vector<16xf32>,
          %gather3A_313 = tpu.vector_load_idx %arg13[%add3A_143, %and3A_311] : memref<64x128xf32, #tpu.memory_space<vmem>>[vector<16xi32>, vector<16xi32>], vector<16xf32>,
          %mul3A_314 = arith.mulf %gather3A_312, %gather3A_313 : vector<16xf32>
          %add3A_315 = arith.addf %add3A_287, %mul3A_314 : vector<16xf32>
          %mul3A_316 = arith.mulf %gather3A_312, %gather3A_312 : vector<16xf32>
          %add3A_317 = arith.addf %add3A_289, %mul3A_316 : vector<16xf32>
          %mul3A_318 = arith.constant 8 : i32
          %mul3A_319 = arith.muli %scan3A_291, %mul3A_318 : i32
          %add3A_320 = arith.constant 2 : i32
          %add3A_321 = arith.addi %mul3A_319, %add3A_320 : i32
          %broadcast_in_dim3A_322 = vector.broadcast %add3A_321 : i32 to vector<16xi32>
          %add3A_323 = arith.addi %broadcast_in_dim3A_322, %iota3A : vector<16xi32>
          %and3A_324 = arith.andi %add3A_323, %broadcast_in_dim3A_5 : vector<16xi32>
          %gather3A_325 = tpu.vector_load_idx %arg14[%add3A_143, %and3A_324] : memref<64x128xf32, #tpu.memory_space<vmem>>[vector<16xi32>, vector<16xi32>], vector<16xf32>,
          %gather3A_326 = tpu.vector_load_idx %arg13[%add3A_143, %and3A_324] : memref<64x128xf32, #tpu.memory_space<vmem>>[vector<16xi32>, vector<16xi32>], vector<16xf32>,
          %mul3A_327 = arith.mulf %gather3A_325, %gather3A_326 : vector<16xf32>
          %add3A_328 = arith.addf %add3A_302, %mul3A_327 : vector<16xf32>
          %mul3A_329 = arith.mulf %gather3A_325, %gather3A_325 : vector<16xf32>
          %add3A_330 = arith.addf %add3A_304, %mul3A_329 : vector<16xf32>
          %mul3A_331 = arith.constant 8 : i32
          %mul3A_332 = arith.muli %scan3A_291, %mul3A_331 : i32
          %add3A_333 = arith.constant 3 : i32
          %add3A_334 = arith.addi %mul3A_332, %add3A_333 : i32
          %broadcast_in_dim3A_335 = vector.broadcast %add3A_334 : i32 to vector<16xi32>
          %add3A_336 = arith.addi %broadcast_in_dim3A_335, %iota3A : vector<16xi32>
          %and3A_337 = arith.andi %add3A_336, %broadcast_in_dim3A_5 : vector<16xi32>
          %gather3A_338 = tpu.vector_load_idx %arg14[%add3A_143, %and3A_337] : memref<64x128xf32, #tpu.memory_space<vmem>>[vector<16xi32>, vector<16xi32>], vector<16xf32>,
          %gather3A_339 = tpu.vector_load_idx %arg13[%add3A_143, %and3A_337] : memref<64x128xf32, #tpu.memory_space<vmem>>[vector<16xi32>, vector<16xi32>], vector<16xf32>,
          %mul3A_340 = arith.mulf %gather3A_338, %gather3A_339 : vector<16xf32>
          %add3A_341 = arith.addf %add3A_315, %mul3A_340 : vector<16xf32>
          %mul3A_342 = arith.mulf %gather3A_338, %gather3A_338 : vector<16xf32>
          %add3A_343 = arith.addf %add3A_317, %mul3A_342 : vector<16xf32>
          %mul3A_344 = arith.constant 8 : i32
          %mul3A_345 = arith.muli %scan3A_291, %mul3A_344 : i32
          %add3A_346 = arith.constant 4 : i32
          %add3A_347 = arith.addi %mul3A_345, %add3A_346 : i32
          %broadcast_in_dim3A_348 = vector.broadcast %add3A_347 : i32 to vector<16xi32>
          %add3A_349 = arith.addi %broadcast_in_dim3A_348, %iota3A : vector<16xi32>
          %and3A_350 = arith.andi %add3A_349, %broadcast_in_dim3A_5 : vector<16xi32>
          %gather3A_351 = tpu.vector_load_idx %arg14[%add3A_143, %and3A_350] : memref<64x128xf32, #tpu.memory_space<vmem>>[vector<16xi32>, vector<16xi32>], vector<16xf32>,
          %gather3A_352 = tpu.vector_load_idx %arg13[%add3A_143, %and3A_350] : memref<64x128xf32, #tpu.memory_space<vmem>>[vector<16xi32>, vector<16xi32>], vector<16xf32>,
          %mul3A_353 = arith.mulf %gather3A_351, %gather3A_352 : vector<16xf32>
          %add3A_354 = arith.addf %add3A_328, %mul3A_353 : vector<16xf32>
          %mul3A_355 = arith.mulf %gather3A_351, %gather3A_351 : vector<16xf32>
          %add3A_356 = arith.addf %add3A_330, %mul3A_355 : vector<16xf32>
          %mul3A_357 = arith.constant 8 : i32
          %mul3A_358 = arith.muli %scan3A_291, %mul3A_357 : i32
          %add3A_359 = arith.constant 5 : i32
          %add3A_360 = arith.addi %mul3A_358, %add3A_359 : i32
          %broadcast_in_dim3A_361 = vector.broadcast %add3A_360 : i32 to vector<16xi32>
          %add3A_362 = arith.addi %broadcast_in_dim3A_361, %iota3A : vector<16xi32>
          %and3A_363 = arith.andi %add3A_362, %broadcast_in_dim3A_5 : vector<16xi32>
          %gather3A_364 = tpu.vector_load_idx %arg14[%add3A_143, %and3A_363] : memref<64x128xf32, #tpu.memory_space<vmem>>[vector<16xi32>, vector<16xi32>], vector<16xf32>,
          %gather3A_365 = tpu.vector_load_idx %arg13[%add3A_143, %and3A_363] : memref<64x128xf32, #tpu.memory_space<vmem>>[vector<16xi32>, vector<16xi32>], vector<16xf32>,
          %mul3A_366 = arith.mulf %gather3A_364, %gather3A_365 : vector<16xf32>
          %add3A_367 = arith.addf %add3A_341, %mul3A_366 : vector<16xf32>
          %mul3A_368 = arith.mulf %gather3A_364, %gather3A_364 : vector<16xf32>
          %add3A_369 = arith.addf %add3A_343, %mul3A_368 : vector<16xf32>
          %mul3A_370 = arith.constant 8 : i32
          %mul3A_371 = arith.muli %scan3A_291, %mul3A_370 : i32
          %add3A_372 = arith.constant 6 : i32
          %add3A_373 = arith.addi %mul3A_371, %add3A_372 : i32
          %broadcast_in_dim3A_374 = vector.broadcast %add3A_373 : i32 to vector<16xi32>
          %add3A_375 = arith.addi %broadcast_in_dim3A_374, %iota3A : vector<16xi32>
          %and3A_376 = arith.andi %add3A_375, %broadcast_in_dim3A_5 : vector<16xi32>
          %gather3A_377 = tpu.vector_load_idx %arg14[%add3A_143, %and3A_376] : memref<64x128xf32, #tpu.memory_space<vmem>>[vector<16xi32>, vector<16xi32>], vector<16xf32>,
          %gather3A_378 = tpu.vector_load_idx %arg13[%add3A_143, %and3A_376] : memref<64x128xf32, #tpu.memory_space<vmem>>[vector<16xi32>, vector<16xi32>], vector<16xf32>,
          %mul3A_379 = arith.mulf %gather3A_377, %gather3A_378 : vector<16xf32>
          %add3A_380 = arith.addf %add3A_354, %mul3A_379 : vector<16xf32>
          %mul3A_381 = arith.mulf %gather3A_377, %gather3A_377 : vector<16xf32>
          %add3A_382 = arith.addf %add3A_356, %mul3A_381 : vector<16xf32>
          %mul3A_383 = arith.constant 8 : i32
          %mul3A_384 = arith.muli %scan3A_291, %mul3A_383 : i32
          %add3A_385 = arith.constant 7 : i32
          %add3A_386 = arith.addi %mul3A_384, %add3A_385 : i32
          %broadcast_in_dim3A_387 = vector.broadcast %add3A_386 : i32 to vector<16xi32>
          %add3A_388 = arith.addi %broadcast_in_dim3A_387, %iota3A : vector<16xi32>
          %and3A_389 = arith.andi %add3A_388, %broadcast_in_dim3A_5 : vector<16xi32>
          %gather3A_390 = tpu.vector_load_idx %arg14[%add3A_143, %and3A_389] : memref<64x128xf32, #tpu.memory_space<vmem>>[vector<16xi32>, vector<16xi32>], vector<16xf32>,
          %gather3A_391 = tpu.vector_load_idx %arg13[%add3A_143, %and3A_389] : memref<64x128xf32, #tpu.memory_space<vmem>>[vector<16xi32>, vector<16xi32>], vector<16xf32>,
          %mul3A_392 = arith.mulf %gather3A_390, %gather3A_391 : vector<16xf32>
          %add3A_393 = arith.addf %add3A_367, %mul3A_392 : vector<16xf32>
          %mul3A_394 = arith.mulf %gather3A_390, %gather3A_390 : vector<16xf32>
          %add3A_395 = arith.addf %add3A_369, %mul3A_394 : vector<16xf32>
          scf.yield %add3A_380, %add3A_393, %add3A_382, %add3A_395 : vector<16xf32>, vector<16xf32>, vector<16xf32>, vector<16xf32>
        }
        %scan3A_156 = arith.constant 16 : i32
        %add3A_157 = arith.addf %scan3A_155#0, %scan3A_155#1 : vector<16xf32>
        %add3A_158 = arith.addf %scan3A_155#2, %scan3A_155#3 : vector<16xf32>
        %bitcast3A = vector.bitcast %add3A_158 : vector<16xf32> to vector<16xi32>
        %broadcast_in_dim3A_159 = arith.constant 1 : i32
        %broadcast_in_dim3A_160 = vector.broadcast %broadcast_in_dim3A_159 : i32 to vector<16xi32>
        %shift_right_logical3A = arith.shrui %bitcast3A, %broadcast_in_dim3A_160 : vector<16xi32>
        %sub3A = arith.subi %broadcast_in_dim3A_7, %shift_right_logical3A : vector<16xi32>
        %bitcast3A_161 = vector.bitcast %sub3A : vector<16xi32> to vector<16xf32>
        %mul3A_162 = arith.mulf %broadcast_in_dim3A_9, %add3A_158 : vector<16xf32>
        %mul3A_163 = arith.mulf %mul3A_162, %bitcast3A_161 : vector<16xf32>
        %mul3A_164 = arith.mulf %mul3A_163, %bitcast3A_161 : vector<16xf32>
        %sub3A_165 = arith.subf %broadcast_in_dim3A_11, %mul3A_164 : vector<16xf32>
        %mul3A_166 = arith.mulf %bitcast3A_161, %sub3A_165 : vector<16xf32>
        %mul3A_167 = arith.mulf %mul3A_162, %mul3A_166 : vector<16xf32>
        %mul3A_168 = arith.mulf %mul3A_167, %mul3A_166 : vector<16xf32>
        %sub3A_169 = arith.subf %broadcast_in_dim3A_11, %mul3A_168 : vector<16xf32>
        %mul3A_170 = arith.mulf %mul3A_166, %sub3A_169 : vector<16xf32>
        %mul3A_171 = arith.mulf %mul3A_162, %mul3A_170 : vector<16xf32>
        %mul3A_172 = arith.mulf %mul3A_171, %mul3A_170 : vector<16xf32>
        %sub3A_173 = arith.subf %broadcast_in_dim3A_11, %mul3A_172 : vector<16xf32>
        %mul3A_174 = arith.mulf %mul3A_170, %sub3A_173 : vector<16xf32>
        %mul3A_175 = arith.mulf %add3A_157, %mul3A_174 : vector<16xf32>
        %exp3A = math.exp %mul3A_175 : vector<16xf32>
        %shift_right_arithmetic3A = arith.shrsi %get3A_148, %broadcast_in_dim3A_3 : vector<16xi32>
        %and3A = arith.andi %get3A_148, %broadcast_in_dim3A_5 : vector<16xi32>
        tpu.vector_store_idx %arg15[%shift_right_arithmetic3A, %and3A], %exp3A masked %eq3A {add = true} : memref<80x128xf32, #tpu.memory_space<vmem>>[vector<16xi32>, vector<16xi32>], vector<16xf32>, vector<16xi1>
        tpu.vector_store_idx %arg15[%shift_right_arithmetic3A, %and3A], %exp3A masked %eq3A_16 {add = true} : memref<80x128xf32, #tpu.memory_space<vmem>>[vector<16xi32>, vector<16xi32>], vector<16xf32>, vector<16xi1>
        tpu.vector_store_idx %arg15[%shift_right_arithmetic3A, %and3A], %exp3A masked %eq3A_19 {add = true} : memref<80x128xf32, #tpu.memory_space<vmem>>[vector<16xi32>, vector<16xi32>], vector<16xf32>, vector<16xi1>
        tpu.vector_store_idx %arg15[%shift_right_arithmetic3A, %and3A], %exp3A masked %eq3A_22 {add = true} : memref<80x128xf32, #tpu.memory_space<vmem>>[vector<16xi32>, vector<16xi32>], vector<16xf32>, vector<16xi1>
        tpu.vector_store_idx %arg15[%shift_right_arithmetic3A, %and3A], %exp3A masked %eq3A_25 {add = true} : memref<80x128xf32, #tpu.memory_space<vmem>>[vector<16xi32>, vector<16xi32>], vector<16xf32>, vector<16xi1>
        tpu.vector_store_idx %arg15[%shift_right_arithmetic3A, %and3A], %exp3A masked %eq3A_28 {add = true} : memref<80x128xf32, #tpu.memory_space<vmem>>[vector<16xi32>, vector<16xi32>], vector<16xf32>, vector<16xi1>
        tpu.vector_store_idx %arg15[%shift_right_arithmetic3A, %and3A], %exp3A masked %eq3A_31 {add = true} : memref<80x128xf32, #tpu.memory_space<vmem>>[vector<16xi32>, vector<16xi32>], vector<16xf32>, vector<16xi1>
        tpu.vector_store_idx %arg15[%shift_right_arithmetic3A, %and3A], %exp3A masked %eq3A_34 {add = true} : memref<80x128xf32, #tpu.memory_space<vmem>>[vector<16xi32>, vector<16xi32>], vector<16xf32>, vector<16xi1>
        tpu.vector_store_idx %arg15[%shift_right_arithmetic3A, %and3A], %exp3A masked %eq3A_37 {add = true} : memref<80x128xf32, #tpu.memory_space<vmem>>[vector<16xi32>, vector<16xi32>], vector<16xf32>, vector<16xi1>
        tpu.vector_store_idx %arg15[%shift_right_arithmetic3A, %and3A], %exp3A masked %eq3A_40 {add = true} : memref<80x128xf32, #tpu.memory_space<vmem>>[vector<16xi32>, vector<16xi32>], vector<16xf32>, vector<16xi1>
        tpu.vector_store_idx %arg15[%shift_right_arithmetic3A, %and3A], %exp3A masked %eq3A_43 {add = true} : memref<80x128xf32, #tpu.memory_space<vmem>>[vector<16xi32>, vector<16xi32>], vector<16xf32>, vector<16xi1>
        tpu.vector_store_idx %arg15[%shift_right_arithmetic3A, %and3A], %exp3A masked %eq3A_46 {add = true} : memref<80x128xf32, #tpu.memory_space<vmem>>[vector<16xi32>, vector<16xi32>], vector<16xf32>, vector<16xi1>
        tpu.vector_store_idx %arg15[%shift_right_arithmetic3A, %and3A], %exp3A masked %eq3A_49 {add = true} : memref<80x128xf32, #tpu.memory_space<vmem>>[vector<16xi32>, vector<16xi32>], vector<16xf32>, vector<16xi1>
        tpu.vector_store_idx %arg15[%shift_right_arithmetic3A, %and3A], %exp3A masked %eq3A_52 {add = true} : memref<80x128xf32, #tpu.memory_space<vmem>>[vector<16xi32>, vector<16xi32>], vector<16xf32>, vector<16xi1>
        tpu.vector_store_idx %arg15[%shift_right_arithmetic3A, %and3A], %exp3A masked %eq3A_55 {add = true} : memref<80x128xf32, #tpu.memory_space<vmem>>[vector<16xi32>, vector<16xi32>], vector<16xf32>, vector<16xi1>
        tpu.vector_store_idx %arg15[%shift_right_arithmetic3A, %and3A], %exp3A masked %eq3A_58 {add = true} : memref<80x128xf32, #tpu.memory_space<vmem>>[vector<16xi32>, vector<16xi32>], vector<16xf32>, vector<16xi1>
        %scan3A_176 = arith.constant 0 : i32
        %scan3A_177 = arith.constant 0 : i32
        %scan3A_178 = arith.constant 16 : i32
        %scan3A_179 = arith.addi %scan3A_177, %scan3A_178 : i32
        %scan3A_180 = arith.constant 2 : i32
        scf.for %scan3A_182 = %scan3A_177 to %scan3A_179 step %scan3A_180  : i32 {
          %mul3A_183 = arith.constant 8 : i32
          %mul3A_184 = arith.muli %scan3A_182, %mul3A_183 : i32
          %add3A_185 = arith.constant 0 : i32
          %add3A_186 = arith.addi %mul3A_184, %add3A_185 : i32
          %broadcast_in_dim3A_187 = vector.broadcast %add3A_186 : i32 to vector<16xi32>
          %add3A_188 = arith.addi %broadcast_in_dim3A_187, %iota3A : vector<16xi32>
          %and3A_189 = arith.andi %add3A_188, %broadcast_in_dim3A_5 : vector<16xi32>
          %gather3A = tpu.vector_load_idx %arg14[%add3A_143, %and3A_189] : memref<64x128xf32, #tpu.memory_space<vmem>>[vector<16xi32>, vector<16xi32>], vector<16xf32>,
          %mul3A_190 = arith.mulf %gather3A, %exp3A : vector<16xf32>
          tpu.vector_store_idx %arg14[%add3A_143, %and3A_189], %mul3A_190 : memref<64x128xf32, #tpu.memory_space<vmem>>[vector<16xi32>, vector<16xi32>], vector<16xf32>,
          %mul3A_191 = arith.constant 8 : i32
          %mul3A_192 = arith.muli %scan3A_182, %mul3A_191 : i32
          %add3A_193 = arith.constant 1 : i32
          %add3A_194 = arith.addi %mul3A_192, %add3A_193 : i32
          %broadcast_in_dim3A_195 = vector.broadcast %add3A_194 : i32 to vector<16xi32>
          %add3A_196 = arith.addi %broadcast_in_dim3A_195, %iota3A : vector<16xi32>
          %and3A_197 = arith.andi %add3A_196, %broadcast_in_dim3A_5 : vector<16xi32>
          %gather3A_198 = tpu.vector_load_idx %arg14[%add3A_143, %and3A_197] : memref<64x128xf32, #tpu.memory_space<vmem>>[vector<16xi32>, vector<16xi32>], vector<16xf32>,
          %mul3A_199 = arith.mulf %gather3A_198, %exp3A : vector<16xf32>
          tpu.vector_store_idx %arg14[%add3A_143, %and3A_197], %mul3A_199 : memref<64x128xf32, #tpu.memory_space<vmem>>[vector<16xi32>, vector<16xi32>], vector<16xf32>,
          %mul3A_200 = arith.constant 8 : i32
          %mul3A_201 = arith.muli %scan3A_182, %mul3A_200 : i32
          %add3A_202 = arith.constant 2 : i32
          %add3A_203 = arith.addi %mul3A_201, %add3A_202 : i32
          %broadcast_in_dim3A_204 = vector.broadcast %add3A_203 : i32 to vector<16xi32>
          %add3A_205 = arith.addi %broadcast_in_dim3A_204, %iota3A : vector<16xi32>
          %and3A_206 = arith.andi %add3A_205, %broadcast_in_dim3A_5 : vector<16xi32>
          %gather3A_207 = tpu.vector_load_idx %arg14[%add3A_143, %and3A_206] : memref<64x128xf32, #tpu.memory_space<vmem>>[vector<16xi32>, vector<16xi32>], vector<16xf32>,
          %mul3A_208 = arith.mulf %gather3A_207, %exp3A : vector<16xf32>
          tpu.vector_store_idx %arg14[%add3A_143, %and3A_206], %mul3A_208 : memref<64x128xf32, #tpu.memory_space<vmem>>[vector<16xi32>, vector<16xi32>], vector<16xf32>,
          %mul3A_209 = arith.constant 8 : i32
          %mul3A_210 = arith.muli %scan3A_182, %mul3A_209 : i32
          %add3A_211 = arith.constant 3 : i32
          %add3A_212 = arith.addi %mul3A_210, %add3A_211 : i32
          %broadcast_in_dim3A_213 = vector.broadcast %add3A_212 : i32 to vector<16xi32>
          %add3A_214 = arith.addi %broadcast_in_dim3A_213, %iota3A : vector<16xi32>
          %and3A_215 = arith.andi %add3A_214, %broadcast_in_dim3A_5 : vector<16xi32>
          %gather3A_216 = tpu.vector_load_idx %arg14[%add3A_143, %and3A_215] : memref<64x128xf32, #tpu.memory_space<vmem>>[vector<16xi32>, vector<16xi32>], vector<16xf32>,
          %mul3A_217 = arith.mulf %gather3A_216, %exp3A : vector<16xf32>
          tpu.vector_store_idx %arg14[%add3A_143, %and3A_215], %mul3A_217 : memref<64x128xf32, #tpu.memory_space<vmem>>[vector<16xi32>, vector<16xi32>], vector<16xf32>,
          %mul3A_218 = arith.constant 8 : i32
          %mul3A_219 = arith.muli %scan3A_182, %mul3A_218 : i32
          %add3A_220 = arith.constant 4 : i32
          %add3A_221 = arith.addi %mul3A_219, %add3A_220 : i32
          %broadcast_in_dim3A_222 = vector.broadcast %add3A_221 : i32 to vector<16xi32>
          %add3A_223 = arith.addi %broadcast_in_dim3A_222, %iota3A : vector<16xi32>
          %and3A_224 = arith.andi %add3A_223, %broadcast_in_dim3A_5 : vector<16xi32>
          %gather3A_225 = tpu.vector_load_idx %arg14[%add3A_143, %and3A_224] : memref<64x128xf32, #tpu.memory_space<vmem>>[vector<16xi32>, vector<16xi32>], vector<16xf32>,
          %mul3A_226 = arith.mulf %gather3A_225, %exp3A : vector<16xf32>
          tpu.vector_store_idx %arg14[%add3A_143, %and3A_224], %mul3A_226 : memref<64x128xf32, #tpu.memory_space<vmem>>[vector<16xi32>, vector<16xi32>], vector<16xf32>,
          %mul3A_227 = arith.constant 8 : i32
          %mul3A_228 = arith.muli %scan3A_182, %mul3A_227 : i32
          %add3A_229 = arith.constant 5 : i32
          %add3A_230 = arith.addi %mul3A_228, %add3A_229 : i32
          %broadcast_in_dim3A_231 = vector.broadcast %add3A_230 : i32 to vector<16xi32>
          %add3A_232 = arith.addi %broadcast_in_dim3A_231, %iota3A : vector<16xi32>
          %and3A_233 = arith.andi %add3A_232, %broadcast_in_dim3A_5 : vector<16xi32>
          %gather3A_234 = tpu.vector_load_idx %arg14[%add3A_143, %and3A_233] : memref<64x128xf32, #tpu.memory_space<vmem>>[vector<16xi32>, vector<16xi32>], vector<16xf32>,
          %mul3A_235 = arith.mulf %gather3A_234, %exp3A : vector<16xf32>
          tpu.vector_store_idx %arg14[%add3A_143, %and3A_233], %mul3A_235 : memref<64x128xf32, #tpu.memory_space<vmem>>[vector<16xi32>, vector<16xi32>], vector<16xf32>,
          %mul3A_236 = arith.constant 8 : i32
          %mul3A_237 = arith.muli %scan3A_182, %mul3A_236 : i32
          %add3A_238 = arith.constant 6 : i32
          %add3A_239 = arith.addi %mul3A_237, %add3A_238 : i32
          %broadcast_in_dim3A_240 = vector.broadcast %add3A_239 : i32 to vector<16xi32>
          %add3A_241 = arith.addi %broadcast_in_dim3A_240, %iota3A : vector<16xi32>
          %and3A_242 = arith.andi %add3A_241, %broadcast_in_dim3A_5 : vector<16xi32>
          %gather3A_243 = tpu.vector_load_idx %arg14[%add3A_143, %and3A_242] : memref<64x128xf32, #tpu.memory_space<vmem>>[vector<16xi32>, vector<16xi32>], vector<16xf32>,
          %mul3A_244 = arith.mulf %gather3A_243, %exp3A : vector<16xf32>
          tpu.vector_store_idx %arg14[%add3A_143, %and3A_242], %mul3A_244 : memref<64x128xf32, #tpu.memory_space<vmem>>[vector<16xi32>, vector<16xi32>], vector<16xf32>,
          %mul3A_245 = arith.constant 8 : i32
          %mul3A_246 = arith.muli %scan3A_182, %mul3A_245 : i32
          %add3A_247 = arith.constant 7 : i32
          %add3A_248 = arith.addi %mul3A_246, %add3A_247 : i32
          %broadcast_in_dim3A_249 = vector.broadcast %add3A_248 : i32 to vector<16xi32>
          %add3A_250 = arith.addi %broadcast_in_dim3A_249, %iota3A : vector<16xi32>
          %and3A_251 = arith.andi %add3A_250, %broadcast_in_dim3A_5 : vector<16xi32>
          %gather3A_252 = tpu.vector_load_idx %arg14[%add3A_143, %and3A_251] : memref<64x128xf32, #tpu.memory_space<vmem>>[vector<16xi32>, vector<16xi32>], vector<16xf32>,
          %mul3A_253 = arith.mulf %gather3A_252, %exp3A : vector<16xf32>
          tpu.vector_store_idx %arg14[%add3A_143, %and3A_251], %mul3A_253 : memref<64x128xf32, #tpu.memory_space<vmem>>[vector<16xi32>, vector<16xi32>], vector<16xf32>,
          %scan3A_254 = arith.constant 1 : i32
          %scan3A_255 = arith.addi %scan3A_182, %scan3A_254 : i32
          %mul3A_256 = arith.constant 8 : i32
          %mul3A_257 = arith.muli %scan3A_255, %mul3A_256 : i32
          %add3A_258 = arith.constant 0 : i32
          %add3A_259 = arith.addi %mul3A_257, %add3A_258 : i32
          %broadcast_in_dim3A_260 = vector.broadcast %add3A_259 : i32 to vector<16xi32>
          %add3A_261 = arith.addi %broadcast_in_dim3A_260, %iota3A : vector<16xi32>
          %and3A_262 = arith.andi %add3A_261, %broadcast_in_dim3A_5 : vector<16xi32>
          %gather3A_263 = tpu.vector_load_idx %arg14[%add3A_143, %and3A_262] : memref<64x128xf32, #tpu.memory_space<vmem>>[vector<16xi32>, vector<16xi32>], vector<16xf32>,
          %mul3A_264 = arith.mulf %gather3A_263, %exp3A : vector<16xf32>
          tpu.vector_store_idx %arg14[%add3A_143, %and3A_262], %mul3A_264 : memref<64x128xf32, #tpu.memory_space<vmem>>[vector<16xi32>, vector<16xi32>], vector<16xf32>,
          %mul3A_265 = arith.constant 8 : i32
          %mul3A_266 = arith.muli %scan3A_255, %mul3A_265 : i32
          %add3A_267 = arith.constant 1 : i32
          %add3A_268 = arith.addi %mul3A_266, %add3A_267 : i32
          %broadcast_in_dim3A_269 = vector.broadcast %add3A_268 : i32 to vector<16xi32>
          %add3A_270 = arith.addi %broadcast_in_dim3A_269, %iota3A : vector<16xi32>
          %and3A_271 = arith.andi %add3A_270, %broadcast_in_dim3A_5 : vector<16xi32>
          %gather3A_272 = tpu.vector_load_idx %arg14[%add3A_143, %and3A_271] : memref<64x128xf32, #tpu.memory_space<vmem>>[vector<16xi32>, vector<16xi32>], vector<16xf32>,
          %mul3A_273 = arith.mulf %gather3A_272, %exp3A : vector<16xf32>
          tpu.vector_store_idx %arg14[%add3A_143, %and3A_271], %mul3A_273 : memref<64x128xf32, #tpu.memory_space<vmem>>[vector<16xi32>, vector<16xi32>], vector<16xf32>,
          %mul3A_274 = arith.constant 8 : i32
          %mul3A_275 = arith.muli %scan3A_255, %mul3A_274 : i32
          %add3A_276 = arith.constant 2 : i32
          %add3A_277 = arith.addi %mul3A_275, %add3A_276 : i32
          %broadcast_in_dim3A_278 = vector.broadcast %add3A_277 : i32 to vector<16xi32>
          %add3A_279 = arith.addi %broadcast_in_dim3A_278, %iota3A : vector<16xi32>
          %and3A_280 = arith.andi %add3A_279, %broadcast_in_dim3A_5 : vector<16xi32>
          %gather3A_281 = tpu.vector_load_idx %arg14[%add3A_143, %and3A_280] : memref<64x128xf32, #tpu.memory_space<vmem>>[vector<16xi32>, vector<16xi32>], vector<16xf32>,
          %mul3A_282 = arith.mulf %gather3A_281, %exp3A : vector<16xf32>
          tpu.vector_store_idx %arg14[%add3A_143, %and3A_280], %mul3A_282 : memref<64x128xf32, #tpu.memory_space<vmem>>[vector<16xi32>, vector<16xi32>], vector<16xf32>,
          %mul3A_283 = arith.constant 8 : i32
          %mul3A_284 = arith.muli %scan3A_255, %mul3A_283 : i32
          %add3A_285 = arith.constant 3 : i32
          %add3A_286 = arith.addi %mul3A_284, %add3A_285 : i32
          %broadcast_in_dim3A_287 = vector.broadcast %add3A_286 : i32 to vector<16xi32>
          %add3A_288 = arith.addi %broadcast_in_dim3A_287, %iota3A : vector<16xi32>
          %and3A_289 = arith.andi %add3A_288, %broadcast_in_dim3A_5 : vector<16xi32>
          %gather3A_290 = tpu.vector_load_idx %arg14[%add3A_143, %and3A_289] : memref<64x128xf32, #tpu.memory_space<vmem>>[vector<16xi32>, vector<16xi32>], vector<16xf32>,
          %mul3A_291 = arith.mulf %gather3A_290, %exp3A : vector<16xf32>
          tpu.vector_store_idx %arg14[%add3A_143, %and3A_289], %mul3A_291 : memref<64x128xf32, #tpu.memory_space<vmem>>[vector<16xi32>, vector<16xi32>], vector<16xf32>,
          %mul3A_292 = arith.constant 8 : i32
          %mul3A_293 = arith.muli %scan3A_255, %mul3A_292 : i32
          %add3A_294 = arith.constant 4 : i32
          %add3A_295 = arith.addi %mul3A_293, %add3A_294 : i32
          %broadcast_in_dim3A_296 = vector.broadcast %add3A_295 : i32 to vector<16xi32>
          %add3A_297 = arith.addi %broadcast_in_dim3A_296, %iota3A : vector<16xi32>
          %and3A_298 = arith.andi %add3A_297, %broadcast_in_dim3A_5 : vector<16xi32>
          %gather3A_299 = tpu.vector_load_idx %arg14[%add3A_143, %and3A_298] : memref<64x128xf32, #tpu.memory_space<vmem>>[vector<16xi32>, vector<16xi32>], vector<16xf32>,
          %mul3A_300 = arith.mulf %gather3A_299, %exp3A : vector<16xf32>
          tpu.vector_store_idx %arg14[%add3A_143, %and3A_298], %mul3A_300 : memref<64x128xf32, #tpu.memory_space<vmem>>[vector<16xi32>, vector<16xi32>], vector<16xf32>,
          %mul3A_301 = arith.constant 8 : i32
          %mul3A_302 = arith.muli %scan3A_255, %mul3A_301 : i32
          %add3A_303 = arith.constant 5 : i32
          %add3A_304 = arith.addi %mul3A_302, %add3A_303 : i32
          %broadcast_in_dim3A_305 = vector.broadcast %add3A_304 : i32 to vector<16xi32>
          %add3A_306 = arith.addi %broadcast_in_dim3A_305, %iota3A : vector<16xi32>
          %and3A_307 = arith.andi %add3A_306, %broadcast_in_dim3A_5 : vector<16xi32>
          %gather3A_308 = tpu.vector_load_idx %arg14[%add3A_143, %and3A_307] : memref<64x128xf32, #tpu.memory_space<vmem>>[vector<16xi32>, vector<16xi32>], vector<16xf32>,
          %mul3A_309 = arith.mulf %gather3A_308, %exp3A : vector<16xf32>
          tpu.vector_store_idx %arg14[%add3A_143, %and3A_307], %mul3A_309 : memref<64x128xf32, #tpu.memory_space<vmem>>[vector<16xi32>, vector<16xi32>], vector<16xf32>,
          %mul3A_310 = arith.constant 8 : i32
          %mul3A_311 = arith.muli %scan3A_255, %mul3A_310 : i32
          %add3A_312 = arith.constant 6 : i32
          %add3A_313 = arith.addi %mul3A_311, %add3A_312 : i32
          %broadcast_in_dim3A_314 = vector.broadcast %add3A_313 : i32 to vector<16xi32>
          %add3A_315 = arith.addi %broadcast_in_dim3A_314, %iota3A : vector<16xi32>
          %and3A_316 = arith.andi %add3A_315, %broadcast_in_dim3A_5 : vector<16xi32>
          %gather3A_317 = tpu.vector_load_idx %arg14[%add3A_143, %and3A_316] : memref<64x128xf32, #tpu.memory_space<vmem>>[vector<16xi32>, vector<16xi32>], vector<16xf32>,
          %mul3A_318 = arith.mulf %gather3A_317, %exp3A : vector<16xf32>
          tpu.vector_store_idx %arg14[%add3A_143, %and3A_316], %mul3A_318 : memref<64x128xf32, #tpu.memory_space<vmem>>[vector<16xi32>, vector<16xi32>], vector<16xf32>,
          %mul3A_319 = arith.constant 8 : i32
          %mul3A_320 = arith.muli %scan3A_255, %mul3A_319 : i32
          %add3A_321 = arith.constant 7 : i32
          %add3A_322 = arith.addi %mul3A_320, %add3A_321 : i32
          %broadcast_in_dim3A_323 = vector.broadcast %add3A_322 : i32 to vector<16xi32>
          %add3A_324 = arith.addi %broadcast_in_dim3A_323, %iota3A : vector<16xi32>
          %and3A_325 = arith.andi %add3A_324, %broadcast_in_dim3A_5 : vector<16xi32>
          %gather3A_326 = tpu.vector_load_idx %arg14[%add3A_143, %and3A_325] : memref<64x128xf32, #tpu.memory_space<vmem>>[vector<16xi32>, vector<16xi32>], vector<16xf32>,
          %mul3A_327 = arith.mulf %gather3A_326, %exp3A : vector<16xf32>
          tpu.vector_store_idx %arg14[%add3A_143, %and3A_325], %mul3A_327 : memref<64x128xf32, #tpu.memory_space<vmem>>[vector<16xi32>, vector<16xi32>], vector<16xf32>,
        }
        %scan3A_181 = arith.constant 16 : i32
      }
      %scan3A_137 = arith.constant 4 : i32
      %run_scoped3A_138 = arith.constant 7 : i32
      "tpu.region"() ({
        %run_scoped3A_139 = tpu.sem_alloc : memref<!tpu.dma_semaphore, #tpu.memory_space<semaphore_mem>>
        %dma_start3A_140 = arith.constant 0 : i32
        %dma_start3A_141 = tpu.memref_slice %arg10[%run_scoped3A_138, %dma_start3A_140] : memref<8x64xi32, #tpu.memory_space<vmem>> -> memref<1x64xi32, #tpu.memory_space<vmem>>
        %dma_start3A_142 = tpu.memref_squeeze %dma_start3A_141 : memref<1x64xi32, #tpu.memory_space<vmem>> -> memref<64xi32, #tpu.memory_space<vmem>>
        %dma_start3A_143 = arith.constant 0 : i32
        %dma_start3A_144 = arith.constant 0 : i32
        %dma_start3A_145 = tpu.memref_slice %arg16[%dma_start3A_143, %dma_start3A_144] : memref<10240x128xf32, #tpu.memory_space<vmem_shared>> -> memref<10240x128xf32, #tpu.memory_space<vmem_shared>>
        tpu.enqueue_indirect_dma source(%arg14 : memref<64x128xf32, #tpu.memory_space<vmem>>) target(%dma_start3A_145 : memref<10240x128xf32, #tpu.memory_space<vmem_shared>>) offsets(%dma_start3A_142 : memref<64xi32, #tpu.memory_space<vmem>>) semaphore(%run_scoped3A_139 : memref<!tpu.dma_semaphore, #tpu.memory_space<semaphore_mem>>) {add = true}
        %dma_wait3A_146 = arith.constant 0 : i32
        %dma_wait3A_147 = tpu.memref_slice %arg10[%run_scoped3A_138, %dma_wait3A_146] : memref<8x64xi32, #tpu.memory_space<vmem>> -> memref<1x64xi32, #tpu.memory_space<vmem>>
        %dma_wait3A_148 = tpu.memref_squeeze %dma_wait3A_147 : memref<1x64xi32, #tpu.memory_space<vmem>> -> memref<64xi32, #tpu.memory_space<vmem>>
        %dma_wait3A_149 = arith.constant 0 : i32
        %dma_wait3A_150 = arith.constant 0 : i32
        %dma_wait3A_151 = tpu.memref_slice %arg16[%dma_wait3A_149, %dma_wait3A_150] : memref<10240x128xf32, #tpu.memory_space<vmem_shared>> -> memref<10240x128xf32, #tpu.memory_space<vmem_shared>>
        tpu.wait_indirect_dma semaphore(%run_scoped3A_139 : memref<!tpu.dma_semaphore, #tpu.memory_space<semaphore_mem>>) src(%arg14 : memref<64x128xf32, #tpu.memory_space<vmem>>) dst(%dma_wait3A_151 : memref<10240x128xf32, #tpu.memory_space<vmem_shared>>)
        tpu.yield
      }) : () -> ()
    }
    %scan3A_63 = arith.constant 41 : i32
    %barrier3A_64 = arith.constant 0 : index
    tpu.barrier barrier_id(%barrier3A_64)
    "tpu.region"() ({
      %run_scoped3A = tpu.sem_alloc : memref<!tpu.dma_semaphore, #tpu.memory_space<semaphore_mem>>
      %dma_start3A = arith.constant 0 : i32
      %dma_start3A_65 = tpu.memref_slice %arg7[%arg0, %mul3A_2, %dma_start3A] : memref<1x10240x128xf32, #tpu.memory_space<hbm>> -> memref<1x640x128xf32, #tpu.memory_space<hbm>>
      %dma_start3A_66 = tpu.memref_squeeze %dma_start3A_65 : memref<1x640x128xf32, #tpu.memory_space<hbm>> -> memref<640x128xf32, #tpu.memory_space<hbm>>
      %dma_start3A_67 = arith.constant 0 : i32
      %dma_start3A_68 = tpu.memref_slice %arg16[%mul3A_2, %dma_start3A_67] : memref<10240x128xf32, #tpu.memory_space<vmem_shared>> -> memref<640x128xf32, #tpu.memory_space<vmem_shared>>
      tpu.enqueue_dma source(%dma_start3A_68 : memref<640x128xf32, #tpu.memory_space<vmem_shared>>) target(%dma_start3A_66 : memref<640x128xf32, #tpu.memory_space<hbm>>) target_semaphore(%run_scoped3A : memref<!tpu.dma_semaphore, #tpu.memory_space<semaphore_mem>>)
      %dma_wait3A = arith.constant 0 : i32
      %dma_wait3A_69 = tpu.memref_slice %arg7[%arg0, %mul3A_2, %dma_wait3A] : memref<1x10240x128xf32, #tpu.memory_space<hbm>> -> memref<1x640x128xf32, #tpu.memory_space<hbm>>
      %dma_wait3A_70 = tpu.memref_squeeze %dma_wait3A_69 : memref<1x640x128xf32, #tpu.memory_space<hbm>> -> memref<640x128xf32, #tpu.memory_space<hbm>>
      %dma_wait3A_71 = arith.constant 0 : i32
      %dma_wait3A_72 = tpu.memref_slice %arg16[%mul3A_2, %dma_wait3A_71] : memref<10240x128xf32, #tpu.memory_space<vmem_shared>> -> memref<640x128xf32, #tpu.memory_space<vmem_shared>>
      tpu.wait_dma2 semaphore(%run_scoped3A : memref<!tpu.dma_semaphore, #tpu.memory_space<semaphore_mem>>) src(%dma_wait3A_72 : memref<640x128xf32, #tpu.memory_space<vmem_shared>>) dst(%dma_wait3A_70 : memref<640x128xf32, #tpu.memory_space<hbm>>)
      tpu.yield
    }) : () -> ()
    "tpu.region"() ({
      %run_scoped3A = tpu.sem_alloc : memref<!tpu.dma_semaphore, #tpu.memory_space<semaphore_mem>>
      %dma_start3A = arith.constant 0 : i32
      %dma_start3A_65 = arith.constant 0 : i32
      %dma_start3A_66 = tpu.memref_slice %arg8[%arg0, %arg1, %dma_start3A, %dma_start3A_65] : memref<1x16x80x128xf32, #tpu.memory_space<hbm>> -> memref<1x1x80x128xf32, #tpu.memory_space<hbm>>
      %dma_start3A_67 = tpu.memref_squeeze %dma_start3A_66 : memref<1x1x80x128xf32, #tpu.memory_space<hbm>> -> memref<80x128xf32, #tpu.memory_space<hbm>>
      %dma_start3A_68 = arith.constant 0 : i32
      %dma_start3A_69 = arith.constant 0 : i32
      %dma_start3A_70 = tpu.memref_slice %arg8[%arg0, %arg1, %dma_start3A_68, %dma_start3A_69] : memref<1x16x80x128xf32, #tpu.memory_space<hbm>> -> memref<1x1x80x128xf32, #tpu.memory_space<hbm>>
      %dma_start3A_71 = tpu.memref_squeeze %dma_start3A_70 : memref<1x1x80x128xf32, #tpu.memory_space<hbm>> -> memref<80x128xf32, #tpu.memory_space<hbm>>
      tpu.enqueue_dma source(%arg15 : memref<80x128xf32, #tpu.memory_space<vmem>>) target(%dma_start3A_71 : memref<80x128xf32, #tpu.memory_space<hbm>>) target_semaphore(%run_scoped3A : memref<!tpu.dma_semaphore, #tpu.memory_space<semaphore_mem>>)
      %dma_wait3A = arith.constant 0 : i32
      %dma_wait3A_72 = arith.constant 0 : i32
      %dma_wait3A_73 = tpu.memref_slice %arg8[%arg0, %arg1, %dma_wait3A, %dma_wait3A_72] : memref<1x16x80x128xf32, #tpu.memory_space<hbm>> -> memref<1x1x80x128xf32, #tpu.memory_space<hbm>>
      %dma_wait3A_74 = tpu.memref_squeeze %dma_wait3A_73 : memref<1x1x80x128xf32, #tpu.memory_space<hbm>> -> memref<80x128xf32, #tpu.memory_space<hbm>>
      %dma_wait3A_75 = arith.constant 0 : i32
      %dma_wait3A_76 = arith.constant 0 : i32
      %dma_wait3A_77 = tpu.memref_slice %arg8[%arg0, %arg1, %dma_wait3A_75, %dma_wait3A_76] : memref<1x16x80x128xf32, #tpu.memory_space<hbm>> -> memref<1x1x80x128xf32, #tpu.memory_space<hbm>>
      %dma_wait3A_78 = tpu.memref_squeeze %dma_wait3A_77 : memref<1x1x80x128xf32, #tpu.memory_space<hbm>> -> memref<80x128xf32, #tpu.memory_space<hbm>>
      tpu.wait_dma2 semaphore(%run_scoped3A : memref<!tpu.dma_semaphore, #tpu.memory_space<semaphore_mem>>) src(%arg15 : memref<80x128xf32, #tpu.memory_space<vmem>>) dst(%dma_wait3A_78 : memref<80x128xf32, #tpu.memory_space<hbm>>)
      tpu.yield
    }) : () -> ()
    return
  }
}

module attributes {stable_mosaic.version = 14 : i64} {
  func.func @_prep_body(%arg0: i32, %arg1: memref<1x128xf32, #tpu.memory_space<vmem>>, %arg2: memref<256x128xf32, #tpu.memory_space<vmem>>, %arg3: memref<128x128xf32, #tpu.memory_space<vmem>>, %arg4: memref<1x128xf32, #tpu.memory_space<vmem>>, %arg5: memref<256x128xf32, #tpu.memory_space<vmem>>, %arg6: memref<256x128xf32, #tpu.memory_space<vmem>>, %arg7: memref<256x128xf32, #tpu.memory_space<vmem>>) attributes {dimension_semantics = [#tpu.dimension_semantics<arbitrary>], iteration_bounds = array<i64: 40>, scalar_prefetch = 0 : i64, scratch_operands = 0 : i64, tpu.core_type = #tpu.core_type<tc>, window_params = [{pipeline_mode = #tpu.pipeline_mode<synchronous>, transform_indices = @transform_0, window_bounds = array<i64: 1, 128>}, {transform_indices = @transform_1, window_bounds = array<i64: 256, 128>}, {pipeline_mode = #tpu.pipeline_mode<synchronous>, transform_indices = @transform_2, window_bounds = array<i64: 128, 128>}, {pipeline_mode = #tpu.pipeline_mode<synchronous>, transform_indices = @transform_3, window_bounds = array<i64: 1, 128>}, {transform_indices = @transform_4, window_bounds = array<i64: 256, 128>}, {transform_indices = @transform_5, window_bounds = array<i64: 256, 128>}, {transform_indices = @transform_6, window_bounds = array<i64: 256, 128>}]} {
    %get3A = arith.constant 0 : index
    %get3A_0 = arith.constant 0 : index
    %get3A_1 = vector.load %arg2[%get3A, %get3A_0] : memref<256x128xf32, #tpu.memory_space<vmem>>, vector<256x128xf32>
    %get3A_2 = arith.constant 0 : index
    %get3A_3 = arith.constant 0 : index
    %get3A_4 = vector.load %arg3[%get3A_2, %get3A_3] : memref<128x128xf32, #tpu.memory_space<vmem>>, vector<128x128xf32>
    %dot_general3A = arith.constant dense<0.000000e+00> : vector<256x128xf32>
    %dot_general3A_5 = tpu.matmul %get3A_1, %get3A_4, %dot_general3A {dimension_numbers = #tpu.dot_dimension_numbers<[1], [0], [0], [1], [0, 0, 1, 1], [], []>, transpose_lhs_hint = false} : vector<256x128xf32>, vector<128x128xf32>, vector<256x128xf32> -> vector<256x128xf32>
    %get3A_6 = arith.constant 0 : index
    %get3A_7 = arith.constant 0 : index
    %get3A_8 = vector.load %arg4[%get3A_6, %get3A_7] : memref<1x128xf32, #tpu.memory_space<vmem>>, vector<1x128xf32>
    %add3A = vector.broadcast %get3A_8 : vector<1x128xf32> to vector<256x128xf32>
    %add3A_9 = arith.addf %dot_general3A_5, %add3A : vector<256x128xf32>
    %swap3A = arith.constant 0 : index
    %swap3A_10 = arith.constant 0 : index
    %swap3A_11 = vector.load %arg5[%swap3A, %swap3A_10] : memref<256x128xf32, #tpu.memory_space<vmem>>, vector<256x128xf32>
    tpu.vector_store %arg5[%swap3A, %swap3A_10], %add3A_9 {strides = array<i32>} : memref<256x128xf32, #tpu.memory_space<vmem>>, vector<256x128xf32>,
    %mul3A = arith.mulf %get3A_1, %get3A_1 : vector<256x128xf32>
    %reduce_sum3A = arith.constant dense<0.000000e+00> : vector<256xf32>
    %reduce_sum3A_12 = vector.multi_reduction <add>, %mul3A, %reduce_sum3A [1] : vector<256x128xf32> to vector<256xf32>
    %broadcast_in_dim3A = vector.shape_cast %reduce_sum3A_12 : vector<256xf32> to vector<256x1xf32>
    %sqrt3A = math.sqrt %broadcast_in_dim3A : vector<256x1xf32>
    %max3A = arith.constant 9.99999996E-13 : f32
    %max3A_13 = vector.broadcast %max3A : f32 to vector<256x1xf32>
    %max3A_14 = arith.maximumf %sqrt3A, %max3A_13 : vector<256x1xf32>
    %div3A = arith.constant 1.000000e+00 : f32
    %div3A_15 = vector.broadcast %div3A : f32 to vector<256x1xf32>
    %div3A_16 = arith.divf %div3A_15, %max3A_14 : vector<256x1xf32>
    %swap3A_17 = arith.constant 0 : index
    %swap3A_18 = arith.constant 0 : index
    %swap3A_19 = vector.load %arg6[%swap3A_17, %swap3A_18] : memref<256x128xf32, #tpu.memory_space<vmem>>, vector<256x128xf32>
    tpu.vector_store %arg6[%swap3A_17, %swap3A_18], %get3A_1 {strides = array<i32>} : memref<256x128xf32, #tpu.memory_space<vmem>>, vector<256x128xf32>,
    %get3A_20 = arith.constant 0 : index
    %get3A_21 = arith.constant 0 : index
    %get3A_22 = vector.load %arg1[%get3A_20, %get3A_21] : memref<1x128xf32, #tpu.memory_space<vmem>>, vector<1x1xf32>
    %mul3A_23 = vector.broadcast %get3A_22 : vector<1x1xf32> to vector<256x1xf32>
    %mul3A_24 = arith.mulf %div3A_16, %mul3A_23 : vector<256x1xf32>
    %mul3A_25 = vector.broadcast %mul3A_24 : vector<256x1xf32> to vector<256x128xf32>
    %mul3A_26 = arith.mulf %get3A_1, %mul3A_25 : vector<256x128xf32>
    %swap3A_27 = arith.constant 0 : index
    %swap3A_28 = arith.constant 0 : index
    %swap3A_29 = vector.load %arg7[%swap3A_27, %swap3A_28] : memref<256x128xf32, #tpu.memory_space<vmem>>, vector<256x128xf32>
    tpu.vector_store %arg7[%swap3A_27, %swap3A_28], %mul3A_26 {strides = array<i32>} : memref<256x128xf32, #tpu.memory_space<vmem>>, vector<256x128xf32>,
    return
  }
  func.func @transform_0(%arg0: i32) -> (i32, i32) {
    %c0_i32 = arith.constant 0 : i32
    %c0_i32_0 = arith.constant 0 : i32
    %c0_i32_1 = arith.constant 0 : i32
    return %c0_i32, %c0_i32_0 : i32, i32
  }
  func.func @transform_1(%arg0: i32) -> (i32, i32) {
    %c0_i32 = arith.constant 0 : i32
    %c0_i32_0 = arith.constant 0 : i32
    return %arg0, %c0_i32 : i32, i32
  }
  func.func @transform_2(%arg0: i32) -> (i32, i32) {
    %c0_i32 = arith.constant 0 : i32
    %c0_i32_0 = arith.constant 0 : i32
    %c0_i32_1 = arith.constant 0 : i32
    return %c0_i32, %c0_i32_0 : i32, i32
  }
  func.func @transform_3(%arg0: i32) -> (i32, i32) {
    %c0_i32 = arith.constant 0 : i32
    %c0_i32_0 = arith.constant 0 : i32
    %c0_i32_1 = arith.constant 0 : i32
    return %c0_i32, %c0_i32_0 : i32, i32
  }
  func.func @transform_4(%arg0: i32) -> (i32, i32) {
    %c0_i32 = arith.constant 0 : i32
    %c0_i32_0 = arith.constant 0 : i32
    return %arg0, %c0_i32 : i32, i32
  }
  func.func @transform_5(%arg0: i32) -> (i32, i32) {
    %c0_i32 = arith.constant 0 : i32
    %c0_i32_0 = arith.constant 0 : i32
    return %arg0, %c0_i32 : i32, i32
  }
  func.func @transform_6(%arg0: i32) -> (i32, i32) {
    %c0_i32 = arith.constant 0 : i32
    %c0_i32_0 = arith.constant 0 : i32
    return %arg0, %c0_i32 : i32, i32
  }
}

module attributes {stable_mosaic.version = 14 : i64} {
  func.func @_mid_body(%arg0: i32, %arg1: memref<1x128xf32, #tpu.memory_space<vmem>>, %arg2: memref<1x128xf32, #tpu.memory_space<vmem>>, %arg3: memref<1x256x128xf32, #tpu.memory_space<vmem>>, %arg4: memref<1x16x8x128xf32, #tpu.memory_space<vmem>>, %arg5: memref<256x128xf32, #tpu.memory_space<vmem>>, %arg6: memref<256x128xf32, #tpu.memory_space<vmem>>) attributes {dimension_semantics = [#tpu.dimension_semantics<arbitrary>], iteration_bounds = array<i64: 40>, scalar_prefetch = 0 : i64, scratch_operands = 0 : i64, tpu.core_type = #tpu.core_type<tc>, window_params = [{pipeline_mode = #tpu.pipeline_mode<synchronous>, transform_indices = @transform_0, window_bounds = array<i64: 1, 128>}, {pipeline_mode = #tpu.pipeline_mode<synchronous>, transform_indices = @transform_1, window_bounds = array<i64: 1, 128>}, {transform_indices = @transform_2, window_bounds = array<i64: 1, 256, 128>}, {transform_indices = @transform_3, window_bounds = array<i64: 1, 16, 8, 128>}, {transform_indices = @transform_4, window_bounds = array<i64: 256, 128>}, {transform_indices = @transform_5, window_bounds = array<i64: 256, 128>}]} {
    %get3A = arith.constant 0 : index
    %get3A_0 = arith.constant 0 : index
    %get3A_1 = arith.constant 0 : index
    %get3A_2 = vector.load %arg3[%get3A, %get3A_0, %get3A_1] : memref<1x256x128xf32, #tpu.memory_space<vmem>>, vector<1x256x128xf32>
    %get3A_3 = vector.shape_cast %get3A_2 : vector<1x256x128xf32> to vector<256x128xf32>
    %jit3A = arith.constant 4 : i32
    %eq3A = arith.constant 0 : i32
    %eq3A_4 = arith.cmpi eq, %jit3A, %eq3A : i32
    %jit3A_5 = arith.constant 1 : i32
    %select_n3A = arith.select %eq3A_4, %jit3A_5, %jit3A : i32
    %rem3A = arith.remsi %arg0, %select_n3A : i32
    %ne3A = arith.constant 0 : i32
    %ne3A_6 = arith.cmpi ne, %rem3A, %ne3A : i32
    %lt3A = arith.constant 0 : i32
    %lt3A_7 = arith.cmpi slt, %rem3A, %lt3A : i32
    %lt3A_8 = arith.constant 0 : i32
    %lt3A_9 = arith.cmpi slt, %select_n3A, %lt3A_8 : i32
    %ne3A_10 = arith.xori %lt3A_7, %lt3A_9 : i1
    %and3A = arith.andi %ne3A_10, %ne3A_6 : i1
    %add3A = arith.addi %rem3A, %select_n3A : i32
    %select_n3A_11 = arith.select %and3A, %add3A, %rem3A : i32
    %mul3A = arith.constant 2 : i32
    %mul3A_12 = arith.muli %select_n3A_11, %mul3A : i32
    %get3A_13 = arith.constant 0 : index
    %get3A_14 = arith.constant 0 : index
    %get3A_15 = arith.index_cast %mul3A_12 : i32 to index
    %get3A_16 = arith.constant 0 : index
    %get3A_17 = vector.load %arg4[%get3A_13, %get3A_14, %get3A_15, %get3A_16] : memref<1x16x8x128xf32, #tpu.memory_space<vmem>>, vector<1x16x2x128xf32>
    %get3A_18 = vector.shape_cast %get3A_17 : vector<1x16x2x128xf32> to vector<16x2x128xf32>
    %reduce_sum3A = arith.constant dense<0.000000e+00> : vector<2x128xf32>
    %reduce_sum3A_19 = vector.multi_reduction <add>, %get3A_18, %reduce_sum3A [0] : vector<16x2x128xf32> to vector<2x128xf32>
    %iota3A = tpu.iota {dimensions = array<i32: 0>} : vector<128x128xi32>
    %iota3A_20 = tpu.iota {dimensions = array<i32: 1>} : vector<128x128xi32>
    %add3A_21 = arith.constant 0 : i32
    %add3A_22 = vector.broadcast %add3A_21 : i32 to vector<128x128xi32>
    %add3A_23 = arith.addi %iota3A, %add3A_22 : vector<128x128xi32>
    %eq3A_24 = arith.cmpi eq, %add3A_23, %iota3A_20 : vector<128x128xi32>
    %convert_element_type3A = arith.extui %eq3A_24 : vector<128x128xi1> to vector<128x128xi32>
    %convert_element_type3A_25 = arith.sitofp %convert_element_type3A : vector<128x128xi32> to vector<128x128xf32>
    %slice3A = vector.extract_strided_slice %reduce_sum3A_19 {offsets = [0, 0], sizes = [1, 128], strides = [1, 1]} : vector<2x128xf32> to vector<1x128xf32>
    %dot_general3A = arith.constant dense<0.000000e+00> : vector<128x1xf32>
    %dot_general3A_26 = tpu.matmul %convert_element_type3A_25, %slice3A, %dot_general3A {dimension_numbers = #tpu.dot_dimension_numbers<[1], [1], [0], [0], [0, 0, 1, 0], [], []>, transpose_lhs_hint = false} : vector<128x128xf32>, vector<1x128xf32>, vector<128x1xf32> -> vector<128x1xf32>
    %slice3A_27 = vector.extract_strided_slice %reduce_sum3A_19 {offsets = [1, 0], sizes = [1, 128], strides = [1, 1]} : vector<2x128xf32> to vector<1x128xf32>
    %dot_general3A_28 = arith.constant dense<0.000000e+00> : vector<128x1xf32>
    %dot_general3A_29 = tpu.matmul %convert_element_type3A_25, %slice3A_27, %dot_general3A_28 {dimension_numbers = #tpu.dot_dimension_numbers<[1], [1], [0], [0], [0, 0, 1, 0], [], []>, transpose_lhs_hint = false} : vector<128x128xf32>, vector<1x128xf32>, vector<128x1xf32> -> vector<128x1xf32>
    %concatenate3A = tpu.concatenate %dot_general3A_26, %dot_general3A_29 in 0 : vector<128x1xf32>, vector<128x1xf32> -> vector<256x1xf32>
    %div3A = vector.broadcast %concatenate3A : vector<256x1xf32> to vector<256x128xf32>
    %div3A_30 = arith.divf %get3A_3, %div3A : vector<256x128xf32>
    %get3A_31 = arith.constant 0 : index
    %get3A_32 = arith.constant 0 : index
    %get3A_33 = vector.load %arg2[%get3A_31, %get3A_32] : memref<1x128xf32, #tpu.memory_space<vmem>>, vector<1x1xf32>
    %gt3A = arith.constant 0.000000e+00 : f32
    %gt3A_34 = vector.broadcast %gt3A : f32 to vector<1x1xf32>
    %gt3A_35 = arith.cmpf ogt, %get3A_33, %gt3A_34 : vector<1x1xf32>
    %max3A = arith.constant 0.000000e+00 : f32
    %max3A_36 = vector.broadcast %max3A : f32 to vector<256x128xf32>
    %max3A_37 = arith.maximumf %div3A_30, %max3A_36 : vector<256x128xf32>
    %broadcast_in_dim3A = vector.shape_cast %gt3A_35 : vector<1x1xi1> to vector<1x1xi1>
    %broadcast_in_dim3A_38 = vector.broadcast %broadcast_in_dim3A : vector<1x1xi1> to vector<256x128xi1>
    %select_n3A_39 = arith.select %broadcast_in_dim3A_38, %max3A_37, %div3A_30 : vector<256x128xi1>, vector<256x128xf32>
    %mul3A_40 = arith.mulf %select_n3A_39, %select_n3A_39 : vector<256x128xf32>
    %reduce_sum3A_41 = arith.constant dense<0.000000e+00> : vector<256xf32>
    %reduce_sum3A_42 = vector.multi_reduction <add>, %mul3A_40, %reduce_sum3A_41 [1] : vector<256x128xf32> to vector<256xf32>
    %broadcast_in_dim3A_43 = vector.shape_cast %reduce_sum3A_42 : vector<256xf32> to vector<256x1xf32>
    %sqrt3A = math.sqrt %broadcast_in_dim3A_43 : vector<256x1xf32>
    %max3A_44 = arith.constant 9.99999996E-13 : f32
    %max3A_45 = vector.broadcast %max3A_44 : f32 to vector<256x1xf32>
    %max3A_46 = arith.maximumf %sqrt3A, %max3A_45 : vector<256x1xf32>
    %div3A_47 = arith.constant 1.000000e+00 : f32
    %div3A_48 = vector.broadcast %div3A_47 : f32 to vector<256x1xf32>
    %div3A_49 = arith.divf %div3A_48, %max3A_46 : vector<256x1xf32>
    %swap3A = arith.constant 0 : index
    %swap3A_50 = arith.constant 0 : index
    %swap3A_51 = vector.load %arg5[%swap3A, %swap3A_50] : memref<256x128xf32, #tpu.memory_space<vmem>>, vector<256x128xf32>
    tpu.vector_store %arg5[%swap3A, %swap3A_50], %select_n3A_39 {strides = array<i32>} : memref<256x128xf32, #tpu.memory_space<vmem>>, vector<256x128xf32>,
    %get3A_52 = arith.constant 0 : index
    %get3A_53 = arith.constant 0 : index
    %get3A_54 = vector.load %arg1[%get3A_52, %get3A_53] : memref<1x128xf32, #tpu.memory_space<vmem>>, vector<1x1xf32>
    %mul3A_55 = vector.broadcast %get3A_54 : vector<1x1xf32> to vector<256x1xf32>
    %mul3A_56 = arith.mulf %div3A_49, %mul3A_55 : vector<256x1xf32>
    %mul3A_57 = vector.broadcast %mul3A_56 : vector<256x1xf32> to vector<256x128xf32>
    %mul3A_58 = arith.mulf %select_n3A_39, %mul3A_57 : vector<256x128xf32>
    %swap3A_59 = arith.constant 0 : index
    %swap3A_60 = arith.constant 0 : index
    %swap3A_61 = vector.load %arg6[%swap3A_59, %swap3A_60] : memref<256x128xf32, #tpu.memory_space<vmem>>, vector<256x128xf32>
    tpu.vector_store %arg6[%swap3A_59, %swap3A_60], %mul3A_58 {strides = array<i32>} : memref<256x128xf32, #tpu.memory_space<vmem>>, vector<256x128xf32>,
    return
  }
  func.func @transform_0(%arg0: i32) -> (i32, i32) {
    %c0_i32 = arith.constant 0 : i32
    %c0_i32_0 = arith.constant 0 : i32
    %c0_i32_1 = arith.constant 0 : i32
    return %c0_i32, %c0_i32_0 : i32, i32
  }
  func.func @transform_1(%arg0: i32) -> (i32, i32) {
    %c0_i32 = arith.constant 0 : i32
    %c0_i32_0 = arith.constant 0 : i32
    %c0_i32_1 = arith.constant 0 : i32
    return %c0_i32, %c0_i32_0 : i32, i32
  }
  func.func @transform_2(%arg0: i32) -> (i32, i32, i32) {
    %c0_i32 = arith.constant 0 : i32
    %c0_i32_0 = arith.constant 0 : i32
    %c0_i32_1 = arith.constant 0 : i32
    return %c0_i32, %arg0, %c0_i32_0 : i32, i32, i32
  }
  func.func @transform_3(%arg0: i32) -> (i32, i32, i32, i32) {
    %jit3A = arith.constant 4 : i32
    %div3A = arith.divsi %arg0, %jit3A : i32
    %sign3A = arith.constant 0 : i32
    %sign3A_0 = arith.cmpi sgt, %arg0, %sign3A : i32
    %sign3A_1 = arith.extui %sign3A_0 : i1 to i32
    %sign3A_2 = arith.constant 0 : i32
    %sign3A_3 = arith.cmpi slt, %arg0, %sign3A_2 : i32
    %sign3A_4 = arith.extui %sign3A_3 : i1 to i32
    %sign3A_5 = arith.subi %sign3A_1, %sign3A_4 : i32
    %sign3A_6 = arith.constant 0 : i32
    %sign3A_7 = arith.cmpi sgt, %jit3A, %sign3A_6 : i32
    %sign3A_8 = arith.extui %sign3A_7 : i1 to i32
    %sign3A_9 = arith.constant 0 : i32
    %sign3A_10 = arith.cmpi slt, %jit3A, %sign3A_9 : i32
    %sign3A_11 = arith.extui %sign3A_10 : i1 to i32
    %sign3A_12 = arith.subi %sign3A_8, %sign3A_11 : i32
    %ne3A = arith.cmpi ne, %sign3A_5, %sign3A_12 : i32
    %rem3A = arith.remsi %arg0, %jit3A : i32
    %ne3A_13 = arith.constant 0 : i32
    %ne3A_14 = arith.cmpi ne, %rem3A, %ne3A_13 : i32
    %and3A = arith.andi %ne3A, %ne3A_14 : i1
    %sub3A = arith.constant 1 : i32
    %sub3A_15 = arith.subi %div3A, %sub3A : i32
    %select_n3A = arith.select %and3A, %sub3A_15, %div3A : i32
    %c0_i32 = arith.constant 0 : i32
    %c0_i32_16 = arith.constant 0 : i32
    %c0_i32_17 = arith.constant 0 : i32
    %c0_i32_18 = arith.constant 0 : i32
    return %c0_i32, %c0_i32_16, %select_n3A, %c0_i32_17 : i32, i32, i32, i32
  }
  func.func @transform_4(%arg0: i32) -> (i32, i32) {
    %c0_i32 = arith.constant 0 : i32
    %c0_i32_0 = arith.constant 0 : i32
    return %arg0, %c0_i32 : i32, i32
  }
  func.func @transform_5(%arg0: i32) -> (i32, i32) {
    %c0_i32 = arith.constant 0 : i32
    %c0_i32_0 = arith.constant 0 : i32
    return %arg0, %c0_i32 : i32, i32
  }
}

module attributes {stable_mosaic.version = 14 : i64} {
  func.func @_final_body(%arg0: i32, %arg1: memref<1x256x128xf32, #tpu.memory_space<vmem>>, %arg2: memref<1x16x8x128xf32, #tpu.memory_space<vmem>>, %arg3: memref<256x128xf32, #tpu.memory_space<vmem>>, %arg4: memref<256x128xf32, #tpu.memory_space<vmem>>) attributes {dimension_semantics = [#tpu.dimension_semantics<arbitrary>], iteration_bounds = array<i64: 40>, scalar_prefetch = 0 : i64, scratch_operands = 0 : i64, tpu.core_type = #tpu.core_type<tc>, window_params = [{transform_indices = @transform_0, window_bounds = array<i64: 1, 256, 128>}, {transform_indices = @transform_1, window_bounds = array<i64: 1, 16, 8, 128>}, {transform_indices = @transform_2, window_bounds = array<i64: 256, 128>}, {transform_indices = @transform_3, window_bounds = array<i64: 256, 128>}]} {
    %get3A = arith.constant 0 : index
    %get3A_0 = arith.constant 0 : index
    %get3A_1 = arith.constant 0 : index
    %get3A_2 = vector.load %arg1[%get3A, %get3A_0, %get3A_1] : memref<1x256x128xf32, #tpu.memory_space<vmem>>, vector<1x256x128xf32>
    %get3A_3 = vector.shape_cast %get3A_2 : vector<1x256x128xf32> to vector<256x128xf32>
    %jit3A = arith.constant 4 : i32
    %eq3A = arith.constant 0 : i32
    %eq3A_4 = arith.cmpi eq, %jit3A, %eq3A : i32
    %jit3A_5 = arith.constant 1 : i32
    %select_n3A = arith.select %eq3A_4, %jit3A_5, %jit3A : i32
    %rem3A = arith.remsi %arg0, %select_n3A : i32
    %ne3A = arith.constant 0 : i32
    %ne3A_6 = arith.cmpi ne, %rem3A, %ne3A : i32
    %lt3A = arith.constant 0 : i32
    %lt3A_7 = arith.cmpi slt, %rem3A, %lt3A : i32
    %lt3A_8 = arith.constant 0 : i32
    %lt3A_9 = arith.cmpi slt, %select_n3A, %lt3A_8 : i32
    %ne3A_10 = arith.xori %lt3A_7, %lt3A_9 : i1
    %and3A = arith.andi %ne3A_10, %ne3A_6 : i1
    %add3A = arith.addi %rem3A, %select_n3A : i32
    %select_n3A_11 = arith.select %and3A, %add3A, %rem3A : i32
    %mul3A = arith.constant 2 : i32
    %mul3A_12 = arith.muli %select_n3A_11, %mul3A : i32
    %get3A_13 = arith.constant 0 : index
    %get3A_14 = arith.constant 0 : index
    %get3A_15 = arith.index_cast %mul3A_12 : i32 to index
    %get3A_16 = arith.constant 0 : index
    %get3A_17 = vector.load %arg2[%get3A_13, %get3A_14, %get3A_15, %get3A_16] : memref<1x16x8x128xf32, #tpu.memory_space<vmem>>, vector<1x16x2x128xf32>
    %get3A_18 = vector.shape_cast %get3A_17 : vector<1x16x2x128xf32> to vector<16x2x128xf32>
    %reduce_sum3A = arith.constant dense<0.000000e+00> : vector<2x128xf32>
    %reduce_sum3A_19 = vector.multi_reduction <add>, %get3A_18, %reduce_sum3A [0] : vector<16x2x128xf32> to vector<2x128xf32>
    %iota3A = tpu.iota {dimensions = array<i32: 0>} : vector<128x128xi32>
    %iota3A_20 = tpu.iota {dimensions = array<i32: 1>} : vector<128x128xi32>
    %add3A_21 = arith.constant 0 : i32
    %add3A_22 = vector.broadcast %add3A_21 : i32 to vector<128x128xi32>
    %add3A_23 = arith.addi %iota3A, %add3A_22 : vector<128x128xi32>
    %eq3A_24 = arith.cmpi eq, %add3A_23, %iota3A_20 : vector<128x128xi32>
    %convert_element_type3A = arith.extui %eq3A_24 : vector<128x128xi1> to vector<128x128xi32>
    %convert_element_type3A_25 = arith.sitofp %convert_element_type3A : vector<128x128xi32> to vector<128x128xf32>
    %slice3A = vector.extract_strided_slice %reduce_sum3A_19 {offsets = [0, 0], sizes = [1, 128], strides = [1, 1]} : vector<2x128xf32> to vector<1x128xf32>
    %dot_general3A = arith.constant dense<0.000000e+00> : vector<128x1xf32>
    %dot_general3A_26 = tpu.matmul %convert_element_type3A_25, %slice3A, %dot_general3A {dimension_numbers = #tpu.dot_dimension_numbers<[1], [1], [0], [0], [0, 0, 1, 0], [], []>, transpose_lhs_hint = false} : vector<128x128xf32>, vector<1x128xf32>, vector<128x1xf32> -> vector<128x1xf32>
    %slice3A_27 = vector.extract_strided_slice %reduce_sum3A_19 {offsets = [1, 0], sizes = [1, 128], strides = [1, 1]} : vector<2x128xf32> to vector<1x128xf32>
    %dot_general3A_28 = arith.constant dense<0.000000e+00> : vector<128x1xf32>
    %dot_general3A_29 = tpu.matmul %convert_element_type3A_25, %slice3A_27, %dot_general3A_28 {dimension_numbers = #tpu.dot_dimension_numbers<[1], [1], [0], [0], [0, 0, 1, 0], [], []>, transpose_lhs_hint = false} : vector<128x128xf32>, vector<1x128xf32>, vector<128x1xf32> -> vector<128x1xf32>
    %concatenate3A = tpu.concatenate %dot_general3A_26, %dot_general3A_29 in 0 : vector<128x1xf32>, vector<128x1xf32> -> vector<256x1xf32>
    %div3A = vector.broadcast %concatenate3A : vector<256x1xf32> to vector<256x128xf32>
    %div3A_30 = arith.divf %get3A_3, %div3A : vector<256x128xf32>
    %get3A_31 = arith.constant 0 : index
    %get3A_32 = arith.constant 0 : index
    %get3A_33 = vector.load %arg3[%get3A_31, %get3A_32] : memref<256x128xf32, #tpu.memory_space<vmem>>, vector<256x128xf32>
    %add3A_34 = arith.addf %div3A_30, %get3A_33 : vector<256x128xf32>
    %max3A = arith.constant 0.000000e+00 : f32
    %max3A_35 = vector.broadcast %max3A : f32 to vector<256x128xf32>
    %max3A_36 = arith.maximumf %add3A_34, %max3A_35 : vector<256x128xf32>
    %swap3A = arith.constant 0 : index
    %swap3A_37 = arith.constant 0 : index
    %swap3A_38 = vector.load %arg4[%swap3A, %swap3A_37] : memref<256x128xf32, #tpu.memory_space<vmem>>, vector<256x128xf32>
    tpu.vector_store %arg4[%swap3A, %swap3A_37], %max3A_36 {strides = array<i32>} : memref<256x128xf32, #tpu.memory_space<vmem>>, vector<256x128xf32>,
    return
  }
  func.func @transform_0(%arg0: i32) -> (i32, i32, i32) {
    %c0_i32 = arith.constant 0 : i32
    %c0_i32_0 = arith.constant 0 : i32
    %c0_i32_1 = arith.constant 0 : i32
    return %c0_i32, %arg0, %c0_i32_0 : i32, i32, i32
  }
  func.func @transform_1(%arg0: i32) -> (i32, i32, i32, i32) {
    %jit3A = arith.constant 4 : i32
    %div3A = arith.divsi %arg0, %jit3A : i32
    %sign3A = arith.constant 0 : i32
    %sign3A_0 = arith.cmpi sgt, %arg0, %sign3A : i32
    %sign3A_1 = arith.extui %sign3A_0 : i1 to i32
    %sign3A_2 = arith.constant 0 : i32
    %sign3A_3 = arith.cmpi slt, %arg0, %sign3A_2 : i32
    %sign3A_4 = arith.extui %sign3A_3 : i1 to i32
    %sign3A_5 = arith.subi %sign3A_1, %sign3A_4 : i32
    %sign3A_6 = arith.constant 0 : i32
    %sign3A_7 = arith.cmpi sgt, %jit3A, %sign3A_6 : i32
    %sign3A_8 = arith.extui %sign3A_7 : i1 to i32
    %sign3A_9 = arith.constant 0 : i32
    %sign3A_10 = arith.cmpi slt, %jit3A, %sign3A_9 : i32
    %sign3A_11 = arith.extui %sign3A_10 : i1 to i32
    %sign3A_12 = arith.subi %sign3A_8, %sign3A_11 : i32
    %ne3A = arith.cmpi ne, %sign3A_5, %sign3A_12 : i32
    %rem3A = arith.remsi %arg0, %jit3A : i32
    %ne3A_13 = arith.constant 0 : i32
    %ne3A_14 = arith.cmpi ne, %rem3A, %ne3A_13 : i32
    %and3A = arith.andi %ne3A, %ne3A_14 : i1
    %sub3A = arith.constant 1 : i32
    %sub3A_15 = arith.subi %div3A, %sub3A : i32
    %select_n3A = arith.select %and3A, %sub3A_15, %div3A : i32
    %c0_i32 = arith.constant 0 : i32
    %c0_i32_16 = arith.constant 0 : i32
    %c0_i32_17 = arith.constant 0 : i32
    %c0_i32_18 = arith.constant 0 : i32
    return %c0_i32, %c0_i32_16, %select_n3A, %c0_i32_17 : i32, i32, i32, i32
  }
  func.func @transform_2(%arg0: i32) -> (i32, i32) {
    %c0_i32 = arith.constant 0 : i32
    %c0_i32_0 = arith.constant 0 : i32
    return %arg0, %c0_i32 : i32, i32
  }
  func.func @transform_3(%arg0: i32) -> (i32, i32) {
    %c0_i32 = arith.constant 0 : i32
    %c0_i32_0 = arith.constant 0 : i32
    return %arg0, %c0_i32 : i32, i32
  }
}

</mosaic_0001>

<sc_bundles>
// kernel: closed_call.17.cloned.1.call-start
scs
__scs_entry_jumppad:
0x0: {  	(pc) =	sbr.rel $0x88, $3  }
0x1: {  	(tag) =	ssettag $0x0;
	lr =	simm.s32 $0x1  }
0x2: {  	[smem:$0x3F9C] =	sst lr;
	_ =	strace $0xD0000000  }
0x3: {  	_ = 	snop  }
0x4: {  	_ = 	snop  }
0x5: {  	_ = 	snop  }
0x6: {  	_ = 	snop  }
0x7: {  	_ = 	snop  }
__scs_overlays_trampoline_lowered:
0x8: {  	[smem:$0x3FAB] =	sst s0  }
0x9: {  	[smem:$0x3FAC] =	sst s1  }
0xa: {  	[smem:$0x3FAD] =	sst s2  }
0xb: {  	[smem:$0x3FAE] =	sst s3  }
0xc: {  	[smem:$0x3FAF] =	sst s4  }
0xd: {  	[smem:$0x3FB0] =	sst s5  }
0xe: {  	[smem:$0x3FB1] =	sst s6  }
0xf: {  	[smem:$0x3FB2] =	sst s7  }
0x10: {  	[smem:$0x3FB3] =	sst s8  }
0x11: {  	[smem:$0x3FB4] =	sst s9;
	s0 =	simm.s32 @!p0 $0x0  }
0x12: {  	s1 =	sld [smem:$0x3F9A];
	s0 =	simm.s32 @p0 $0x1  }
0x13: {  	[smem:$0x3FB5] =	sst s0;
	s0 =	simm.s32 @!p1 $0x0  }
0x14: {  	s2 =	sld [smem:$0x3F99];
	s0 =	simm.s32 @p1 $0x1  }
0x15: {  	[smem:$0x3FB6] =	sst s0;
	s0 =	simm.s32 @!p2 $0x0  }
0x16: {  	s3 =	sld [smem:$0x3FDB];
	s0 =	simm.s32 @p2 $0x1  }
0x17: {  	s4 =	simm.s32 $0x1BF5;
	[smem:$0x3FB8] =	sst s0  }
0x18: {  	s0 =	sld [smem:$0x3F9B];
	_ =	swait.ge [sflag:s4], $0x0  }
0x19: {  	s7 =	sld [smem:$0x3F9C]  }
0x1a: {  	s8 =	sadd.s32 $0xFFFFE003, lr  }
0x1b: {  	s9 =	sadd.s32 $0xFFFFFEF7, lr;
	s5 =	simm.s32 $0xFFFFFFFF;
	p2 =	slt.u32 s8, $0xFFFFF086  }
0x1c: {  	p1 =	slt.u32 s9, $0xF7A;
	s5 =	simm.s32 @!p2 $0x0  }
0x1d: {  	s5 =	simm.s32 @p1 $0x1;
	p0 =	seq.s32 s7, s2  }
0x1e: {  	s7 =	smul.u32 @!p0 $0xF7A, s2;
	p2 =	seq.s32 @!p0 s5, $0x0  }
0x1f: {  	s9 =	smul.u32 $0xF7A, s1;
	s8 =	simm.s32 @!p0 $0x1BF5;
	p2 =	por !p2, p0  }
0x20: {  	[sflag:s8] =	ssyncset.s32 @!p0 $0xFFFFF086;
	s6 =	sadd.s32 @!p0 s3, s7;
	s7 =	simm.s32 @!p0 $0x108  }
0x21: {  	s3 =	sadd.s32 s3, s9;
	s6 =	sadd.s32 @!p0 $0x88, s6;
	s7 =	simm.s32 @p2 $0x1082  }
0x22: {  	[simem:s7], [sflag:s8] =	dma.local @!p0 [hbm:s6], $0xF7A  }
0x23: {  	s9 =	sor.u32 $0xD0000000, s2;
	s6 =	simm.s32 $0x108;
	_ =	swait.ge @!p0 [sflag:s8], $0x0  }
0x24: {  	s3 =	sadd.s32 $0x88, s3;
	s6 =	simm.s32 @!p1 $0x1082;
	[sflag:s4] =	ssyncset.s32 $0xFFFFF086  }
0x25: {  	[simem:s6], [sflag:s4] =	dma.local [hbm:s3], $0xF7A  }
0x26: {  	[smem:$0x3F9C] =	sst s1;
	(tag) =	ssettag s2;
	_ =	strace s9  }
0x27: {  	s1 =	sld [smem:$0x3FAC]  }
0x28: {  	s2 =	sld [smem:$0x3FAD]  }
0x29: {  	s4 =	sld [smem:$0x3FAF]  }
0x2a: {  	p0 =	seq.s32 s5, $0x0;
	s5 =	sld [smem:$0x3FB0]  }
0x2b: {  	s6 =	sld [smem:$0x3FB1]  }
0x2c: {  	s7 =	sld [smem:$0x3FB2]  }
0x2d: {  	s3 =	simm.s32 $0x108;
	s8 =	sld [smem:$0x3FB3]  }
0x2e: {  	s3 =	simm.s32 @!p0 $0x1082;
	s9 =	sld [smem:$0x3FB4]  }
0x2f: {  	lr =	sadd.s32 s0, s3;
	s0 =	sld [smem:$0x3FAB]  }
0x30: {  	s3 =	sld [smem:$0x3FAE]  }
0x31: {  	[smem:$0x3FB7] =	sst s10  }
0x32: {  	s10 =	sld [smem:$0x3FB5];
	_ =	sdelay $0x3  }
0x33: {  	p0 =	seq.s32 s10, $0x1;
	s10 =	sld [smem:$0x3FB7];
	_ =	sdelay $0x3  }
0x34: {  	[smem:$0x3FB7] =	sst s10  }
0x35: {  	s10 =	sld [smem:$0x3FB6];
	_ =	sdelay $0x3  }
0x36: {  	p1 =	seq.s32 s10, $0x1;
	s10 =	sld [smem:$0x3FB7];
	_ =	sdelay $0x3  }
0x37: {  	[smem:$0x3FB7] =	sst s10  }
0x38: {  	s10 =	sld [smem:$0x3FB8]  }
0x39: {  	_ = 	snop;
	(pc) =	sbr.ind lr, $3  }
0x3a: {  	_ = 	snop  }
0x3b: {  	_ = 	snop  }
0x3c: {  	p2 =	seq.s32 s10, $0x1;
	s10 =	sld [smem:$0x3FB7]  }
0x3d: {  	_ =	shalt  }
0x3e: {  	_ =	shalt  }
0x3f: {  	_ =	shalt  }
0x40: {  	_ =	shalt  }
0x41: {  	_ =	shalt  }
0x42: {  	_ =	shalt  }
0x43: {  	_ =	shalt  }
0x44: {  	_ =	shalt  }
0x45: {  	_ =	shalt  }
0x46: {  	_ =	shalt  }
0x47: {  	_ =	shalt  }
0x48: {  	_ =	shalt  }
0x49: {  	_ =	shalt  }
0x4a: {  	_ =	shalt  }
0x4b: {  	_ =	shalt  }
0x4c: {  	_ =	shalt  }
0x4d: {  	_ =	shalt  }
0x4e: {  	_ =	shalt  }
0x4f: {  	_ =	shalt  }
0x50: {  	_ =	shalt  }
0x51: {  	_ =	shalt  }
0x52: {  	_ =	shalt  }
0x53: {  	_ =	shalt  }
0x54: {  	_ =	shalt  }
0x55: {  	_ =	shalt  }
0x56: {  	_ =	shalt  }
0x57: {  	_ =	shalt  }
0x58: {  	_ =	shalt  }
0x59: {  	_ =	shalt  }
0x5a: {  	_ =	shalt  }
0x5b: {  	_ =	shalt  }
0x5c: {  	_ =	shalt  }
0x5d: {  	_ =	shalt  }
0x5e: {  	_ =	shalt  }
0x5f: {  	_ =	shalt  }
0x60: {  	_ =	shalt  }
0x61: {  	_ =	shalt  }
0x62: {  	_ =	shalt  }
0x63: {  	_ =	shalt  }
0x64: {  	_ =	shalt  }
0x65: {  	_ =	shalt  }
0x66: {  	_ =	shalt  }
0x67: {  	_ =	shalt  }
0x68: {  	_ =	shalt  }
0x69: {  	_ =	shalt  }
0x6a: {  	_ =	shalt  }
0x6b: {  	_ =	shalt  }
0x6c: {  	_ =	shalt  }
0x6d: {  	_ =	shalt  }
0x6e: {  	_ =	shalt  }
0x6f: {  	_ =	shalt  }
0x70: {  	_ =	shalt  }
0x71: {  	_ =	shalt  }
0x72: {  	_ =	shalt  }
0x73: {  	_ =	shalt  }
0x74: {  	_ =	shalt  }
0x75: {  	_ =	shalt  }
0x76: {  	_ =	shalt  }
0x77: {  	_ =	shalt  }
0x78: {  	_ =	shalt  }
0x79: {  	_ =	shalt  }
0x7a: {  	_ =	shalt  }
0x7b: {  	_ =	shalt  }
0x7c: {  	_ =	shalt  }
0x7d: {  	_ =	shalt  }
0x7e: {  	_ =	shalt  }
0x7f: {  	_ =	shalt  }
0x80: {  	_ =	shalt  }
0x81: {  	_ =	shalt  }
0x82: {  	_ =	shalt  }
0x83: {  	_ =	shalt  }
0x84: {  	_ =	shalt  }
0x85: {  	_ =	shalt  }
0x86: {  	_ =	shalt  }
0x87: {  	_ =	shalt  }
.Lfunc_end0:
.L_simem_size_0:
called_computation_lowered:
.L_overlay_start_0:
0x88: {  	s0 =	sld [smem:$0x3FD9]  }
0x89: {  	s1 =	sld [smem:$0x3FFE];
	_ =	sdelay $0x3  }
0x8a: {  	s0 =	sadd.s32 s1, s0  }
0x8b: {  	[smem:$0x3FC3] =	sst s0  }
0x8c: {  	_ = 	snop  }
0x8d: {  	s0 =	sld [smem:$0x3FD0];
	(tm) =	ssettm $0x1  }
0x8e: {  	s16 =	sld [smem:$0x3FFB];
	_ =	sdelay $0x3  }
0x8f: {  	_ =	strace s16  }
0x90: {  	s1 =	sld [smem:$0x3FFC];
	_ =	sdelay $0x3  }
0x91: {  	_ =	strace s1  }
0x92: {  	s1 =	sld [smem:$0x3FFD];
	_ =	sdelay $0x3  }
0x93: {  	_ =	strace s1  }
0x94: {  	_ =	strace $0x8FFFFFFF  }
0x95: {  	s17 =	sld [smem:$0x3FDB];
	_ =	sdelay $0x1  }
0x96: {  	s2 =	simm.s32 $_scs_section_size  }
0x97: {  	s3 =	simm.s32 $_size__tile_overlayer_lowered;
	s4 =	simm.s32 $_tile_overlayer_lowered  }
0x98: {  	s20 =	simm.s32 $0x1BFF;
	s19 =	sshll.u32 s4, $0x1;
	s1 =	sadd.s32 s2, s17  }
0x99: {  	s5 =	simm.s32 $0x0;
	s18 =	sshll.u32 s3, $0x1;
	s3 =	sadd.s32 s19, s1  }
0x9a: {  	[timem:s5], [sflag:s20] =	dma.local [hbm:s3], s18  }
0x9b: {  	_ =	swait.ge [sflag:s20], s18  }
0x9c: {  	s2 =	ssub.s32 $0x0, s18;
	[sflag:s20] =	ssyncset.done $0x0  }
0x9d: {  	[sflag:s20] =	ssyncadd.s32 s2;
	_ =	sdelay $0x1  }
0x9e: {  	s21 =	simm.s32 $0x1B8B  }
0x9f: {  	_ =	swait.ge [sflag:s21], $0x1  }
0xa0: {  	[sflag:s21] =	ssyncset.done $0x0  }
0xa1: {  	s23 =	simm.s32 $0x1B8E;
	s22 =	sld [smem:$0x3FFE];
	[sflag:s21] =	ssyncadd.s32 $0xFFFFFFFF  }
0xa2: {  	s24 =	simm.s32 $execute0_lowered;
	[smem:$0x3FD2] =	sst s23  }
0xa3: {  	s3 =	sshll.u32 s24, $0x1;
	_ =	strace $0x80000046;
	[dreg:$0x1] =	wrdreg $0xFFFFFFFF  }
0xa4: {  	s25 =	simm.s32 $_size_execute0_lowered;
	s1 =	sadd.s32 s1, s3;
	[dreg:$0x0] =	wrdreg $0x0  }
0xa5: {  	s3 =	sshll.u32 s25, $0x1;
	[dreg:$0x2] =	wrdreg s1  }
0xa6: {  	[dreg:$0x3] =	wrdreg s3  }
0xa7: {  	[dreg:$0x4] =	wrdreg $0xC0  }
0xa8: {  	_ =	task [dreg:s5], $0x5FFFF  }
0xa9: {  	[dreg:$0x1] =	wrdreg $0xFFFFFFFF  }
0xaa: {  	[dreg:$0x0] =	wrdreg $0x60  }
0xab: {  	[dreg:$0x2] =	wrdreg s22  }
0xac: {  	[dreg:$0x3] =	wrdreg s0  }
0xad: {  	[dreg:$0x4] =	wrdreg $0xB0000  }
0xae: {  	[dreg:$0x5] =	wrdreg $0x9  }
0xaf: {  	_ =	task.clear_ibuf [dreg:s5], $0x6FFFF;
	_ =	strace $0x90000046  }
0xb0: {  	s26 =	simm.s32 $0x9;
	_ =	strace $0x80000048  }
0xb1: {  	_ =	swait.ge [sflag:s26], $0x1  }
0xb2: {  	[sflag:s26] =	ssyncadd.s32 $0xFFFFFFFF  }
0xb3: {  	_ =	strace $0x90000048  }
0xb4: {  	_ =	sfence  }
0xb5: {  	s28 =	sld [smem:$0x0];
	_ =	sdelay $0x1  }
0xb6: {  	s29 =	srdreg.scid  }
0xb7: {  	s30 =	sshll.u32 s29, $0xD;
	s31 =	sshrl.u32 s29, $0x2  }
0xb8: {  	s2 =	sand.u32 $0x4000, s30;
	s1 =	sand.u32 $0x1, s29;
	s0 =	sadd.s32 s31, s28  }
0xb9: {  	s1 =	sor.u32 s2, s1;
	s0 =	sshll.u32 s0, $0x11  }
0xba: {  	s0 =	sor.u32 s0, s1  }
0xbb: {  	s0 =	sadd.s32 $0x8F2B, s0  }
0xbc: {  	[sflag:s0] =	ssyncadd.remote.s32 $0x1  }
0xbd: {  	_ =	sfence.sel $0xFFFF  }
0xbe: {  	[dreg:$0x0] =	wrdreg $0xFFFFFFFF;
	(pc) =	sbr.abs _section_cstart, $3  }
0xbf: {  	[dreg:$0x1] =	wrdreg $0xFFFFFFFF  }
0xc0: {  	_ =	task.clear_ibuf [dreg:s5], $0x2FFFF;
	_ =	strace $0x9FFFFFFF  }
0xc1: {  	(tm) =	ssettm $0x7FFFFFFF  }
tec
execute0_lowered:
.L_overlay_start_1:
0x0: {  	(tag) =	ssettag $0x1  }
0x1: {  	s0 =	rddreg [dreg:$0x0]  }
0x2: {  	s3 =	rddreg [dreg:$0x2];
	s4 =	simm.s32 $0x0;
	s2 =	stileid.u32  }
0x3: {  	s5 =	simm.s32 $0x8800;
	s7 =	simm.s32 $0x5;
	s17 =	simm.s32 $0x40  }
0x4: {  	s18 =	simm.s32 $0x800;
	s19 =	simm.s32 $0x2800;
	s20 =	simm.s32 $0x1  }
0x5: {  	s21 =	simm.s32 $0x2;
	s22 =	simm.s32 $0x4800;
	s23 =	simm.s32 $0x6800  }
0x6: {  	s24 =	simm.s32 $0x3;
	[smem:$0x7FF] =	sst s4;
	s6 =	smul.u32 $0x50000, s2  }
0x7: {  	s1 =	sadd.s32 $0x93600, s0;
	s8 =	smul.u32 $0x2800, s2;
	_ =	strace $0x80000047  }
0x8: {  	[tilespmem:s5], [sflag:$0x5] =	stream.linear.gather [hbm4b:s1+s4], $0x2800, $0x38;
	[tilespmem:$0x1F000] =	vst v63  }
0x9: {  	s28 =	sshll.u32 s2, $0x6;
	s11 =	sadd.s32 $0x2EE00, s0;
	s6 =	sshrl.u32 s6, $0x2  }
0xa: {  	s12 =	sadd.s32 $0x56E00, s0;
	s1 =	sadd.s32 s1, s8;
	s6 =	sadd.s32 s6, s3  }
0xb: {  	_ =	swait.ge [sflag:s7], $0x2800;
	[dreg:$0x4] =	wrdreg s8;
	s8 =	sor.u32 $0x1C05, s28  }
0xc: {  	[sflag:s7] =	ssyncset.done $0x0;
	s6 =	sshrl.u32 s6, $0x3;
	[dreg:$0x5] =	wrdreg s8  }
0xd: {  	v0 =	vlaneseq.u32;
	vm0 =	vcmask $0x704;
	s29 =	sadd.s32 $0x7EE00, s0;
	[sflag:s7] =	ssyncadd.s32 $0xFFFFD800;
	[dreg:$0x6] =	wrdreg s6  }
0xe: {  	vm1 =	vcmask $0xB08;
	vm2 =	vcmask $0xF0C;
	vm3 =	vcmask $0x1310;
	[spmem:s6], [sflag:s8] =	dma.local [hbm:s1], $0x2800  }
0xf: {  	vm4 =	vcmask $0x1714;
	vm5 =	vcmask $0x1B18;
	vm6 =	vcmask $0x1F1C;
	s31 =	sadd.s32 $0x6E00, s0;
	_ =	swait.ge [sflag:s7], $0x2800;
	[dreg:$0x9] =	wrdreg s29  }
0x10: {  	vm7 =	vcmask $0x2320;
	vm8 =	vcmask $0x2724;
	vm9 =	vcmask $0x2B28;
	s0 =	sadd.s32 $0x1E00, s0;
	[dreg:$0x8] =	wrdreg s31;
	[sflag:s7] =	ssyncset.done $0x0  }
0x11: {  	vm10 =	vcmask $0x2F2C;
	vm11 =	vcmask $0x3330;
	s25 =	simm.s32 $0x4;
	vm12 =	vcmask $0x3734;
	[dreg:$0x7] =	wrdreg s0;
	[sflag:s7] =	ssyncadd.s32 $0xFFFFD800  }
0x12: {  	vm13 =	vcmask $0x3B38;
	vm14 =	vcmask $0x3F3C;
	s30 =	simm.s32 $0x0;
	s15 =	smul.u32 $0xA400, s2;
	v1 =	vmul.u32 $0x80, v0;
	[bflag:$0x0] =	sbarrier.arrive $0xFFFF  }
.LBB2_1:
0x13: {  	s0 =	sshll.u32 s30, $0xA  }
0x14: {  	s0 =	sadd.s32 s15, s0  }
0x15: {  	s1 =	rddreg [dreg:$0x1];
	s0 =	sshrl.u32 s0, $0x3  }
0x16: {  	s1 =	sadd.s32 s1, s0  }
0x17: {  	[tilespmem:s4], [sflag:$0x5] =	stream.linear.gather [hbm4b:s1+s4], $0x400, $0x38;
	[tilespmem:$0x1F000] =	vst v63  }
0x18: {  	_ =	swait.ge [sflag:s7], $0x400  }
0x19: {  	[sflag:s7] =	ssyncset.done $0x0;
	s28 =	rddreg [dreg:$0x9]  }
0x1a: {  	s29 =	simm.s32 $0x400;
	[sflag:s7] =	ssyncadd.s32 $0xFFFFFC00;
	s0 =	sadd.s32 s28, s0  }
0x1b: {  	[tilespmem:s29], [sflag:$0x5] =	stream.linear.gather [hbm4b:s0+s4], $0x400, $0x38;
	[tilespmem:$0x1F000] =	vst v63  }
0x1c: {  	_ =	swait.ge [sflag:s7], $0x400  }
0x1d: {  	[sflag:s7] =	ssyncset.done $0x0  }
0x1e: {  	[sflag:s7] =	ssyncadd.s32 $0xFFFFFC00  }
0x1f: {  	[tilespmem:s18], [sflag:$0x1] =	stream.indirect.gather [hbm4b:s12+s17], $0x80, s29, s17, $0xb8;
	[tilespmem:$0x1F000] =	vst v63  }
0x20: {  	s31 =	simm.s32 $0x0  }
0x21: {  	[tilespmem:s19], [sflag:$0x2] =	stream.indirect.gather [hbm4b:s11+s17], $0x80, s4, s17, $0xb8;
	[tilespmem:$0x1F000] =	vst v63  }
.LBB2_2:
0x22: {  	_ =	swait.ge [sflag:s20], $0x2000  }
0x23: {  	[sflag:s20] =	ssyncset.done $0x0  }
0x24: {  	[sflag:s20] =	ssyncadd.s32 $0xFFFFE000  }
0x25: {  	_ =	swait.ge [sflag:s21], $0x2000  }
0x26: {  	s10 =	sshll.u32 s31, $0x8;
	[sflag:s21] =	ssyncset.done $0x0  }
0x27: {  	s0 =	sadd.s32 $0x480, s10;
	s29 =	sand.u32 $0x3FFFFF00, s10;
	[sflag:s21] =	ssyncadd.s32 $0xFFFFE000  }
0x28: {  	[tilespmem:s22], [sflag:$0x3] =	stream.indirect.gather [hbm4b:s12+s17], $0x80, s0, s17, $0xb8;
	[tilespmem:$0x1F000] =	vst v63  }
0x29: {  	s6 =	simm.s32 $0x0;
	s1 =	sor.u32 $0x80, s10;
	s13 =	sadd.s32 $0x400, s29  }
0x2a: {  	v2 =	vmov s13;
	[tilespmem:s23], [sflag:$0x4] =	stream.indirect.gather [hbm4b:s11+s17], $0x80, s1, s17, $0xb8;
	[tilespmem:$0x1F000] =	vst v63  }
.LBB2_3:
0x2b: {  	s1 =	sshll.u32 s6, $0x4  }
0x2c: {  	s8 =	simm.s32 $0x3;
	v3 =	vmov s1  }
0x2d: {  	s9 =	simm.s32 $0x1;
	v4 =	vadd.s32 s8, v0;
	v3 =	vshll.u32 v3, $0x7  }
0x2e: {  	v5 =	vadd.s32 s9, v0;
	v4 =	vand.u32 $0x7F, v4;
	v3 =	vor.u32 v1, v3  }
0x2f: {  	v5 =	vand.u32 $0x7F, v5;
	v7 =	vor.u32 v3, v4  }
0x30: {  	s14 =	simm.s32 $0x2;
	v5 =	vor.u32 v3, v5  }
0x31: {  	s16 =	simm.s32 $0x6;
	v9 =	vadd.s32 s14, v0  }
0x32: {  	v10 =	vadd.s32 s16, v0;
	v9 =	vand.u32 $0x7F, v9  }
0x33: {  	v6 =	vld.idx.msk [tilespmem:v2+s1+$0x0 ss:$0x1], $0xffff;
	s8 =	simm.s32 $0x9;
	v10 =	vand.u32 $0x7F, v10;
	v9 =	vor.u32 v3, v9  }
0x34: {  	v20 =	vadd.s32 s8, v0;
	v10 =	vor.u32 v3, v10;
	v11 =	vld.idx.msk [tilespmem:v7+s18+$0x0], $0xffff  }
0x35: {  	v20 =	vand.u32 $0x7F, v20;
	v13 =	vld.idx.msk [tilespmem:v5+s18+$0x0], $0xffff  }
0x36: {  	v20 =	vor.u32 v3, v20;
	v15 =	vld.idx.msk [tilespmem:v7+s19+$0x0], $0xffff  }
0x37: {  	v5 =	vld.idx.msk [tilespmem:v5+s19+$0x0], $0xffff  }
0x38: {  	s26 =	simm.s32 $0x4;
	s9 =	simm.s32 $0x0;
	v4 =	vor.u32 v0, v3;
	v18 =	vld.idx.msk [tilespmem:v9+s18+$0x0], $0xffff  }
0x39: {  	s28 =	simm.s32 $0x5;
	v12 =	vadd.s32 s26, v0;
	v8 =	vor.u32 s9, v4;
	v19 =	vld.idx.msk [tilespmem:v10+s18+$0x0], $0xffff  }
0x3a: {  	v14 =	vadd.s32 s28, v0;
	v7 =	vand.u32 $0x7F, v12;
	v29 =	vld.idx.msk [tilespmem:v10+s19+$0x0], $0xffff  }
0x3b: {  	v12 =	vand.u32 $0x7F, v14;
	v32 =	vld.idx.msk [tilespmem:v20+s18+$0x0], $0xffff;
	v14 =	vor.u32 v3, v7  }
0x3c: {  	s29 =	simm.s32 $0x8;
	v9 =	vld.idx.msk [tilespmem:v9+s19+$0x0], $0xffff;
	v7 =	vor.u32 v3, v12  }
0x3d: {  	v35 =	vld.idx.msk [tilespmem:v20+s19+$0x0], $0xffff;
	v12 =	vadd.s32 s29, v0  }
0x3e: {  	s14 =	simm.s32 $0xB;
	v16 =	vld.idx.msk [tilespmem:v8+s18+$0x0], $0xffff;
	v12 =	vand.u32 $0x7F, v12  }
0x3f: {  	s2 =	simm.s32 $0x7;
	v26 =	vimm.f32 $0.0e+00;
	s16 =	simm.s32 $0xA;
	v21 =	vadd.s32 s14, v0;
	v8 =	vld.idx.msk [tilespmem:v8+s19+$0x0], $0xffff;
	v12 =	vor.u32 v3, v12  }
0x40: {  	v17 =	vadd.s32 s2, v0;
	v21 =	vand.u32 $0x7F, v21;
	v10 =	vadd.s32 s16, v0;
	v22 =	vld.idx.msk [tilespmem:v14+s19+$0x0], $0xffff  }
0x41: {  	v17 =	vand.u32 $0x7F, v17;
	v21 =	vor.u32 v3, v21;
	v10 =	vand.u32 $0x7F, v10;
	v23 =	vld.idx.msk [tilespmem:v7+s18+$0x0], $0xffff  }
0x42: {  	v17 =	vor.u32 v3, v17;
	s9 =	simm.s32 $0xD;
	v33 =	vor.u32 v3, v10;
	v31 =	vmul.f32 v11, v15;
	v24 =	vld.idx.msk [tilespmem:v7+s19+$0x0], $0xffff  }
0x43: {  	s26 =	simm.s32 $0xC;
	v11 =	vmul.f32 v5, v5;
	v15 =	vmul.f32 v15, v15;
	v7 =	vadd.s32 s9, v0;
	v37 =	vld.idx.msk [tilespmem:v14+s18+$0x0], $0xffff  }
0x44: {  	s28 =	simm.s32 $0xF;
	v5 =	vmul.f32 v13, v5;
	v13 =	vadd.s32 s26, v0;
	v7 =	vand.u32 $0x7F, v7;
	v28 =	vld.idx.msk [tilespmem:v12+s18+$0x0], $0xffff  }
0x45: {  	v10 =	vand.u32 $0x7F, v13;
	v13 =	vadd.s32 s28, v0;
	v30 =	vld.idx.msk [tilespmem:v12+s19+$0x0], $0xffff;
	v12 =	vor.u32 v3, v7  }
0x46: {  	v27 =	vmul.f32 v16, v8;
	v25 =	vmul.f32 v8, v8;
	v16 =	vand.u32 $0x7F, v13;
	v13 =	vld.idx.msk [tilespmem:v21+s19+$0x0], $0xffff  }
0x47: {  	v38 =	vmul.f32 v9, v9;
	v14 =	vmul.f32 v18, v9;
	v11 =	vadd.f32 v11, v26;
	v21 =	vld.idx.msk [tilespmem:v21+s18+$0x0], $0xffff  }
0x48: {  	s29 =	simm.s32 $0xE;
	v20 =	vor.u32 v3, v10;
	v10 =	vmul.f32 v19, v29;
	v19 =	vadd.f32 v25, v26;
	v25 =	vld.idx.msk [tilespmem:v17+s19+$0x0], $0xffff  }
0x49: {  	v5 =	vadd.f32 v5, v26;
	v7 =	vld.idx.msk [tilespmem:v17+s18+$0x0], $0xffff;
	v15 =	vadd.f32 v15, v11;
	v11 =	vadd.s32 s29, v0  }
0x4a: {  	v8 =	vor.u32 v3, v16;
	v9 =	vadd.f32 v27, v26;
	v11 =	vand.u32 $0x7F, v11;
	v34 =	vld.idx.msk [tilespmem:v12+s19+$0x0], $0xffff  }
0x4b: {  	v16 =	vmul.f32 v22, v22;
	v26 =	vor.u32 v3, v11;
	v36 =	vld.idx.msk [tilespmem:v12+s18+$0x0], $0xffff;
	v12 =	vmul.f32 v24, v24  }
0x4c: {  	v17 =	vld.idx.msk [tilespmem:v33+s18+$0x0], $0xffff;
	v5 =	vadd.f32 v31, v5;
	v11 =	vmul.f32 v30, v30;
	v24 =	vmul.f32 v23, v24  }
0x4d: {  	v18 =	vld.idx.msk [tilespmem:v20+s18+$0x0], $0xffff;
	v23 =	vmul.f32 v35, v35;
	v31 =	vmul.f32 v25, v25;
	v27 =	vadd.f32 v12, v15  }
0x4e: {  	v20 =	vld.idx.msk [tilespmem:v20+s19+$0x0], $0xffff;
	v15 =	vmul.f32 v29, v29;
	v29 =	vadd.f32 v14, v9;
	v9 =	vmul.f32 v28, v30  }
0x4f: {  	v14 =	vmul.f32 v32, v35;
	v28 =	vadd.f32 v38, v19;
	v30 =	vmul.f32 v37, v22;
	v19 =	vld.idx.msk [tilespmem:v33+s19+$0x0], $0xffff  }
0x50: {  	s8 =	simm.s32 $0x0;
	s9 =	simm.s32 $0x1F;
	v22 =	vadd.f32 v24, v5;
	v24 =	vld.idx.msk [tilespmem:v26+s19+$0x0], $0xffff;
	v12 =	vmul.f32 v34, v34;
	v5 =	vmul.f32 v36, v34  }
.LBB2_4:
0x51: {  	s1 =	sadd.s32 $0xFFFFFFF2, s9;
	s2 =	sadd.s32 $0xFFFFFFF4, s9;
	s28 =	sadd.s32 $0xFFFFFFF6, s9;
	v29 =	vadd.f32 v30, v29;
	v7 =	vmul.f32 v7, v25;
	v25 =	vmul.f32 v13, v13;
	v26 =	vld.idx.msk [tilespmem:v26+s18+$0x0], $0xffff  }
0x52: {  	s29 =	sadd.s32 $0xFFFFFFFA, s9;
	v13 =	vmul.f32 v21, v13;
	v30 =	vadd.s32 s1, v0;
	v32 =	vadd.s32 s2, v0;
	s2 =	sadd.s32 $0xFFFFFFF5, s9;
	s1 =	sadd.s32 $0xFFFFFFFE, s9;
	v21 =	vld.idx.msk [tilespmem:v8+s19+$0x0], $0xffff  }
0x53: {  	s16 =	sadd.s32 $0xFFFFFFF8, s9;
	s8 =	sadd.s32 $0x2, s8;
	v33 =	vmul.f32 v20, v20;
	v30 =	vand.u32 $0x7F, v30;
	v32 =	vand.u32 $0x7F, v32  }
0x54: {  	s26 =	sadd.s32 $0xFFFFFFF1, s9;
	s14 =	sadd.s32 $0xFFFFFFF3, s9;
	p0 =	slt.u32 s8, $0xE;
	v27 =	vadd.f32 v31, v27;
	v30 =	vor.u32 v3, v30;
	v32 =	vor.u32 v3, v32  }
0x55: {  	v31 =	vor.u32 s26, v4;
	v34 =	vadd.s32 s16, v0;
	v18 =	vmul.f32 v18, v20  }
0x56: {  	v20 =	vadd.s32 s14, v0;
	v35 =	vadd.s32 s2, v0;
	v36 =	vmul.f32 v24, v24  }
0x57: {  	v37 =	vadd.s32 s28, v0;
	s2 =	sadd.s32 $0xFFFFFFF7, s9;
	v34 =	vand.u32 $0x7F, v34;
	v38 =	vmul.f32 v19, v19  }
0x58: {  	v37 =	vand.u32 $0x7F, v37;
	v39 =	vadd.s32 s2, v0;
	v24 =	vmul.f32 v26, v24;
	v8 =	vld.idx.msk [tilespmem:v8+s18+$0x0], $0xffff  }
0x59: {  	v16 =	vadd.f32 v16, v28;
	v20 =	vand.u32 $0x7F, v20;
	v39 =	vand.u32 $0x7F, v39;
	v26 =	vld.idx.msk [tilespmem:v32+s18+$0x0], $0xffff  }
0x5a: {  	v7 =	vadd.f32 v7, v22;
	v20 =	vor.u32 v3, v20;
	v39 =	vor.u32 v3, v39;
	v28 =	vld.idx.msk [tilespmem:v30+s18+$0x0], $0xffff  }
0x5b: {  	v17 =	vmul.f32 v17, v19;
	v22 =	vld.idx.msk [tilespmem:v32+s19+$0x0], $0xffff;
	v32 =	vand.u32 $0x7F, v35;
	v35 =	vadd.s32 s29, v0  }
0x5c: {  	v10 =	vadd.f32 v10, v29;
	s2 =	sadd.s32 $0xFFFFFFF9, s9;
	v23 =	vadd.f32 v23, v27;
	v19 =	vld.idx.msk [tilespmem:v30+s19+$0x0], $0xffff;
	v30 =	vor.u32 v3, v32  }
0x5d: {  	v29 =	vor.u32 v3, v37;
	v7 =	vadd.f32 v14, v7;
	v32 =	vadd.s32 s2, v0;
	s2 =	sadd.s32 $0xFFFFFFFC, s9;
	v27 =	vld.idx.msk [tilespmem:v31+s18+$0x0], $0xffff  }
0x5e: {  	v23 =	vadd.f32 v25, v23;
	v32 =	vand.u32 $0x7F, v32;
	v14 =	vld.idx.msk [tilespmem:v31+s19+$0x0], $0xffff;
	v31 =	vor.u32 v3, v34  }
0x5f: {  	v37 =	vmul.f32 v21, v21;
	v32 =	vor.u32 v3, v32;
	v34 =	vadd.s32 s2, v0;
	v25 =	vld.idx.msk [tilespmem:v20+s18+$0x0], $0xffff  }
0x60: {  	v35 =	vand.u32 $0x7F, v35;
	v21 =	vmul.f32 v8, v21;
	v34 =	vand.u32 $0x7F, v34;
	v40 =	vld.idx.msk [tilespmem:v39+s18+$0x0], $0xffff  }
0x61: {  	v8 =	vadd.f32 v15, v16;
	v15 =	vadd.f32 v13, v7;
	v41 =	vmul.f32 v26, v22;
	v42 =	vld.idx.msk [tilespmem:v30+s19+$0x0], $0xffff  }
0x62: {  	v12 =	vadd.f32 v12, v23;
	v16 =	vor.u32 v3, v35;
	s2 =	sadd.s32 $0xFFFFFFFB, s9;
	v26 =	vor.u32 v3, v34;
	v43 =	vld.idx.msk [tilespmem:v29+s18+$0x0], $0xffff  }
0x63: {  	v9 =	vadd.f32 v9, v10;
	v7 =	vadd.s32 s1, v0;
	v13 =	vadd.s32 s2, v0;
	v23 =	vld.idx.msk [tilespmem:v29+s19+$0x0], $0xffff  }
0x64: {  	v7 =	vand.u32 $0x7F, v7;
	v8 =	vadd.f32 v11, v8;
	v10 =	vmul.f32 v19, v19;
	v34 =	vld.idx.msk [tilespmem:v32+s18+$0x0], $0xffff  }
0x65: {  	v9 =	vadd.f32 v17, v9;
	v11 =	vmul.f32 v22, v22;
	v29 =	vor.u32 v3, v7;
	v22 =	vld.idx.msk [tilespmem:v32+s19+$0x0], $0xffff  }
0x66: {  	v12 =	vadd.f32 v37, v12;
	s1 =	sadd.s32 $0xFFFFFFFD, s9;
	v17 =	vmul.f32 v28, v19;
	v8 =	vadd.f32 v38, v8;
	v7 =	vld.idx.msk [tilespmem:v31+s18+$0x0], $0xffff  }
0x67: {  	v9 =	vadd.f32 v18, v9;
	v13 =	vand.u32 $0x7F, v13;
	v28 =	vadd.s32 s1, v0;
	v19 =	vld.idx.msk [tilespmem:v39+s19+$0x0], $0xffff  }
0x68: {  	v35 =	vor.u32 v3, v13;
	v18 =	vand.u32 $0x7F, v28;
	v28 =	vadd.f32 v33, v8;
	v32 =	vld.idx.msk [tilespmem:v16+s18+$0x0], $0xffff  }
0x69: {  	v27 =	vmul.f32 v27, v14;
	v10 =	vadd.f32 v10, v12;
	v8 =	vadd.s32 s9, v0;
	v12 =	vld.idx.msk [tilespmem:v20+s19+$0x0], $0xffff  }
0x6a: {  	v9 =	vadd.f32 v24, v9;
	v14 =	vmul.f32 v14, v14;
	v8 =	vand.u32 $0x7F, v8;
	v33 =	vld.idx.msk [tilespmem:v29+s19+$0x0], $0xffff  }
0x6b: {  	v5 =	vadd.f32 v5, v15;
	s1 =	sadd.s32 $0xFFFFFFFF, s9;
	v8 =	vor.u32 v3, v8;
	v15 =	vadd.f32 v36, v28;
	v13 =	vld.idx.msk [tilespmem:v26+s19+$0x0], $0xffff  }
0x6c: {  	v28 =	vor.u32 v3, v18;
	v20 =	vadd.f32 v11, v10;
	v11 =	vadd.s32 s1, v0;
	v24 =	vld.idx.msk [tilespmem:v16+s19+$0x0], $0xffff  }
0x6d: {  	v5 =	vadd.f32 v21, v5;
	v16 =	vmul.f32 v42, v42;
	v10 =	vmul.f32 v40, v19;
	v36 =	vld.idx.msk [tilespmem:v29+s18+$0x0], $0xffff  }
0x6e: {  	v37 =	vadd.f32 v14, v15;
	v14 =	vmul.f32 v23, v23;
	v15 =	vand.u32 $0x7F, v11;
	v30 =	vld.idx.msk [tilespmem:v30+s18+$0x0], $0xffff  }
0x6f: {  	v5 =	vadd.f32 v17, v5;
	v17 =	vmul.f32 v25, v12;
	v38 =	vmul.f32 v12, v12;
	v25 =	vld.idx.msk [tilespmem:v31+s19+$0x0], $0xffff  }
0x70: {  	v9 =	vadd.f32 v27, v9;
	v11 =	vmul.f32 v22, v22;
	v21 =	vld.idx.msk [tilespmem:v26+s18+$0x0], $0xffff;
	v26 =	vor.u32 v3, v15  }
.Ltmp0:
0x71: {  	v27 =	vadd.f32 v14, v20;
	v12 =	vmul.f32 v33, v33;
	v15 =	vmul.f32 v19, v19;
	v18 =	vld.idx.msk [tilespmem:v28+s18+$0x0], $0xffff;
	(pc) =	sbr.rel @p0 .LBB2_4-.Ltmp0, $4  }
0x72: {  	v29 =	vadd.f32 v17, v9;
	v9 =	vmul.f32 v34, v22;
	v14 =	vmul.f32 v32, v24;
	v20 =	vld.idx.msk [tilespmem:v28+s19+$0x0], $0xffff  }
0x73: {  	v5 =	vadd.f32 v41, v5;
	v22 =	vmul.f32 v43, v23;
	v23 =	vmul.f32 v24, v24;
	v17 =	vld.idx.msk [tilespmem:v35+s18+$0x0], $0xffff  }
0x74: {  	v28 =	vadd.f32 v38, v37;
	v30 =	vmul.f32 v30, v42;
	v19 =	vld.idx.msk [tilespmem:v35+s19+$0x0], $0xffff  }
0x75: {  	s9 =	sadd.s32 $0x10, s9;
	v22 =	vadd.f32 v22, v5;
	v5 =	vmul.f32 v36, v33;
	v31 =	vmul.f32 v25, v25;
	v24 =	vld.idx.msk [tilespmem:v26+s19+$0x0], $0xffff  }
0x76: {  	_ = 	snop  }
0x77: {  	v16 =	vadd.f32 v16, v28;
	_ =	sdelay $0x1  }
0x78: {  	v27 =	vadd.f32 v31, v27;
	v15 =	vadd.f32 v15, v16  }
0x79: {  	v54 =	vmul.f32 v13, v13;
	v55 =	vld.idx.msk [tilespmem:v8+s19+$0x0], $0xffff  }
0x7a: {  	v56 =	vmul.f32 v19, v19;
	v23 =	vadd.f32 v23, v27;
	v11 =	vadd.f32 v11, v15;
	_ =	sdelay $0x1  }
0x7b: {  	v57 =	vmul.f32 v20, v20;
	v16 =	vadd.f32 v54, v23;
	v11 =	vadd.f32 v56, v11  }
0x7c: {  	v58 =	vmul.f32 v24, v24  }
0x7d: {  	v59 =	vmul.f32 v55, v55;
	v12 =	vadd.f32 v12, v16;
	v11 =	vadd.f32 v57, v11;
	_ =	sdelay $0x1  }
0x7e: {  	v12 =	vadd.f32 v59, v12;
	v11 =	vadd.f32 v58, v11;
	_ =	sdelay $0x1  }
0x7f: {  	v11 =	vadd.f32 v12, v11;
	_ =	sdelay $0x1  }
0x80: {  	v12 =	vshrl.u32 v11, $0x1;
	v11 =	vmul.f32 $5.000000000e-01, v11  }
0x81: {  	v12 =	vsub.s32 $0x5F3759DF, v12  }
0x82: {  	v60 =	vmul.f32 v12, v11;
	_ =	sdelay $0x1  }
0x83: {  	v15 =	vmul.f32 v12, v60;
	_ =	sdelay $0x1  }
0x84: {  	v15 =	vsub.f32 $1.500000000e+00, v15;
	_ =	sdelay $0x1  }
0x85: {  	v12 =	vmul.f32 v12, v15;
	_ =	sdelay $0x1  }
0x86: {  	v15 =	vmul.f32 v12, v11  }
0x87: {  	v61 =	vadd.f32 v30, v29;
	v7 =	vmul.f32 v7, v25  }
0x88: {  	v15 =	vmul.f32 v15, v12  }
0x89: {  	v10 =	vadd.f32 v10, v61;
	v7 =	vadd.f32 v7, v22  }
0x8a: {  	v8 =	vld.idx.msk [tilespmem:v8+s18+$0x0], $0xffff;
	v15 =	vsub.f32 $1.500000000e+00, v15  }
0x8b: {  	v62 =	vld.idx.msk [tilespmem:v26+s18+$0x0], $0xffff;
	v9 =	vadd.f32 v9, v10;
	v10 =	vmul.f32 v21, v13;
	v7 =	vadd.f32 v14, v7  }
0x8c: {  	v17 =	vmul.f32 v17, v19;
	v12 =	vmul.f32 v15, v12  }
0x8d: {  	v7 =	vadd.f32 v10, v7  }
0x8e: {  	v63 =	vmul.f32 v18, v20;
	v9 =	vadd.f32 v17, v9;
	v10 =	vmul.f32 v12, v11  }
0x8f: {  	v8 =	vmul.f32 v8, v55;
	v5 =	vadd.f32 v5, v7  }
0x90: {  	v9 =	vadd.f32 v63, v9;
	v11 =	vmul.f32 v62, v24;
	v7 =	vmul.f32 v10, v12  }
0x91: {  	v5 =	vadd.f32 v8, v5  }
0x92: {  	v9 =	vadd.f32 v11, v9;
	v7 =	vsub.f32 $1.500000000e+00, v7;
	_ =	sdelay $0x1  }
0x93: {  	v5 =	vadd.f32 v5, v9;
	v7 =	vmul.f32 v7, v12;
	_ =	sdelay $0x1  }
0x94: {  	v5 =	vmul.f32 v7, v5;
	_ =	sdelay $0x1  }
0x95: {  	v5 =	vmul.f32 $1.442695020e+00, v5;
	_ =	sdelay $0x1  }
0x96: {  	(erf) = vpow2.f32 v5;
	_ =	sdelay $0x8  }
0x97: {  	v5 =	vpop (erf)  }
0x98: {  	[tilespmem:v6+s5+$0x0] =	vst.idx.add.f32.msk $0x1, v5  }
0x99: {  	[tilespmem:v6+s5+$0x0] =	vst.idx.add.f32.msk vm0, v5  }
0x9a: {  	[tilespmem:v6+s5+$0x0] =	vst.idx.add.f32.msk vm1, v5  }
0x9b: {  	[tilespmem:v6+s5+$0x0] =	vst.idx.add.f32.msk vm2, v5  }
0x9c: {  	[tilespmem:v6+s5+$0x0] =	vst.idx.add.f32.msk vm3, v5  }
0x9d: {  	[tilespmem:v6+s5+$0x0] =	vst.idx.add.f32.msk vm4, v5  }
0x9e: {  	[tilespmem:v6+s5+$0x0] =	vst.idx.add.f32.msk vm5, v5  }
0x9f: {  	[tilespmem:v6+s5+$0x0] =	vst.idx.add.f32.msk vm6, v5  }
0xa0: {  	[tilespmem:v6+s5+$0x0] =	vst.idx.add.f32.msk vm7, v5  }
0xa1: {  	[tilespmem:v6+s5+$0x0] =	vst.idx.add.f32.msk vm8, v5  }
0xa2: {  	s1 =	simm.s32 $0x0;
	[tilespmem:v6+s5+$0x0] =	vst.idx.add.f32.msk vm9, v5  }
0xa3: {  	v7 =	vor.u32 s1, v4;
	[tilespmem:v6+s5+$0x0] =	vst.idx.add.f32.msk vm10, v5  }
0xa4: {  	[tilespmem:v6+s5+$0x0] =	vst.idx.add.f32.msk vm11, v5  }
0xa5: {  	[tilespmem:v6+s5+$0x0] =	vst.idx.add.f32.msk vm12, v5  }
0xa6: {  	[tilespmem:v6+s5+$0x0] =	vst.idx.add.f32.msk vm13, v5  }
0xa7: {  	[tilespmem:v6+s5+$0x0] =	vst.idx.add.f32.msk vm14, v5  }
0xa8: {  	s2 =	simm.s32 $0x1;
	v6 =	vld.idx.msk [tilespmem:v7+s19+$0x0], $0xffff  }
0xa9: {  	v8 =	vadd.s32 s2, v0  }
0xaa: {  	v8 =	vand.u32 $0x7F, v8  }
0xab: {  	v8 =	vor.u32 v3, v8;
	_ =	sdelay $0x1  }
0xac: {  	v6 =	vmul.f32 v6, v5;
	_ =	sdelay $0x1  }
0xad: {  	[tilespmem:v7+s19+$0x0] =	vst.idx.msk $0xffff, v6  }
0xae: {  	s8 =	simm.s32 $0x2;
	v6 =	vld.idx.msk [tilespmem:v8+s19+$0x0], $0xffff  }
0xaf: {  	v7 =	vadd.s32 s8, v0  }
0xb0: {  	v7 =	vand.u32 $0x7F, v7  }
0xb1: {  	v7 =	vor.u32 v3, v7;
	_ =	sdelay $0x1  }
0xb2: {  	v6 =	vmul.f32 v6, v5;
	_ =	sdelay $0x1  }
0xb3: {  	[tilespmem:v8+s19+$0x0] =	vst.idx.msk $0xffff, v6  }
0xb4: {  	s9 =	simm.s32 $0x3;
	v6 =	vld.idx.msk [tilespmem:v7+s19+$0x0], $0xffff  }
0xb5: {  	v8 =	vadd.s32 s9, v0  }
0xb6: {  	v8 =	vand.u32 $0x7F, v8  }
0xb7: {  	v8 =	vor.u32 v3, v8;
	_ =	sdelay $0x1  }
0xb8: {  	v6 =	vmul.f32 v6, v5;
	_ =	sdelay $0x1  }
0xb9: {  	[tilespmem:v7+s19+$0x0] =	vst.idx.msk $0xffff, v6  }
0xba: {  	s14 =	simm.s32 $0x4;
	v6 =	vld.idx.msk [tilespmem:v8+s19+$0x0], $0xffff  }
0xbb: {  	v7 =	vadd.s32 s14, v0  }
0xbc: {  	v7 =	vand.u32 $0x7F, v7  }
0xbd: {  	v7 =	vor.u32 v3, v7;
	_ =	sdelay $0x1  }
0xbe: {  	v6 =	vmul.f32 v6, v5;
	_ =	sdelay $0x1  }
0xbf: {  	[tilespmem:v8+s19+$0x0] =	vst.idx.msk $0xffff, v6  }
0xc0: {  	s16 =	simm.s32 $0x5;
	v6 =	vld.idx.msk [tilespmem:v7+s19+$0x0], $0xffff  }
0xc1: {  	v8 =	vadd.s32 s16, v0  }
0xc2: {  	v8 =	vand.u32 $0x7F, v8  }
0xc3: {  	v8 =	vor.u32 v3, v8;
	_ =	sdelay $0x1  }
0xc4: {  	v6 =	vmul.f32 v6, v5;
	_ =	sdelay $0x1  }
0xc5: {  	[tilespmem:v7+s19+$0x0] =	vst.idx.msk $0xffff, v6  }
0xc6: {  	s26 =	simm.s32 $0x6;
	v6 =	vld.idx.msk [tilespmem:v8+s19+$0x0], $0xffff  }
0xc7: {  	v7 =	vadd.s32 s26, v0  }
0xc8: {  	v7 =	vand.u32 $0x7F, v7  }
0xc9: {  	v7 =	vor.u32 v3, v7;
	_ =	sdelay $0x1  }
0xca: {  	v6 =	vmul.f32 v6, v5;
	_ =	sdelay $0x1  }
0xcb: {  	[tilespmem:v8+s19+$0x0] =	vst.idx.msk $0xffff, v6  }
0xcc: {  	s28 =	simm.s32 $0x7;
	v6 =	vld.idx.msk [tilespmem:v7+s19+$0x0], $0xffff  }
0xcd: {  	v8 =	vadd.s32 s28, v0  }
0xce: {  	v8 =	vand.u32 $0x7F, v8  }
0xcf: {  	v8 =	vor.u32 v3, v8;
	_ =	sdelay $0x1  }
0xd0: {  	v6 =	vmul.f32 v6, v5;
	_ =	sdelay $0x1  }
0xd1: {  	[tilespmem:v7+s19+$0x0] =	vst.idx.msk $0xffff, v6  }
0xd2: {  	s29 =	simm.s32 $0x8;
	v6 =	vld.idx.msk [tilespmem:v8+s19+$0x0], $0xffff  }
0xd3: {  	v7 =	vadd.s32 s29, v0  }
0xd4: {  	v7 =	vand.u32 $0x7F, v7  }
0xd5: {  	v7 =	vor.u32 v3, v7;
	_ =	sdelay $0x1  }
0xd6: {  	v6 =	vmul.f32 v6, v5;
	_ =	sdelay $0x1  }
0xd7: {  	[tilespmem:v8+s19+$0x0] =	vst.idx.msk $0xffff, v6  }
0xd8: {  	s2 =	simm.s32 $0x9;
	v6 =	vld.idx.msk [tilespmem:v7+s19+$0x0], $0xffff  }
0xd9: {  	v8 =	vadd.s32 s2, v0  }
0xda: {  	v8 =	vand.u32 $0x7F, v8  }
0xdb: {  	v8 =	vor.u32 v3, v8;
	_ =	sdelay $0x1  }
0xdc: {  	v6 =	vmul.f32 v6, v5;
	_ =	sdelay $0x1  }
0xdd: {  	[tilespmem:v7+s19+$0x0] =	vst.idx.msk $0xffff, v6  }
0xde: {  	s8 =	simm.s32 $0xA;
	v6 =	vld.idx.msk [tilespmem:v8+s19+$0x0], $0xffff  }
0xdf: {  	v7 =	vadd.s32 s8, v0  }
0xe0: {  	v7 =	vand.u32 $0x7F, v7  }
0xe1: {  	v7 =	vor.u32 v3, v7;
	_ =	sdelay $0x1  }
0xe2: {  	v6 =	vmul.f32 v6, v5;
	_ =	sdelay $0x1  }
0xe3: {  	[tilespmem:v8+s19+$0x0] =	vst.idx.msk $0xffff, v6  }
0xe4: {  	s9 =	simm.s32 $0xB;
	v6 =	vld.idx.msk [tilespmem:v7+s19+$0x0], $0xffff  }
0xe5: {  	v8 =	vadd.s32 s9, v0  }
0xe6: {  	v8 =	vand.u32 $0x7F, v8  }
0xe7: {  	v8 =	vor.u32 v3, v8;
	_ =	sdelay $0x1  }
0xe8: {  	v6 =	vmul.f32 v6, v5;
	_ =	sdelay $0x1  }
0xe9: {  	[tilespmem:v7+s19+$0x0] =	vst.idx.msk $0xffff, v6  }
0xea: {  	s14 =	simm.s32 $0xC;
	v6 =	vld.idx.msk [tilespmem:v8+s19+$0x0], $0xffff  }
0xeb: {  	v7 =	vadd.s32 s14, v0  }
0xec: {  	v7 =	vand.u32 $0x7F, v7  }
0xed: {  	v7 =	vor.u32 v3, v7;
	_ =	sdelay $0x1  }
0xee: {  	v6 =	vmul.f32 v6, v5;
	_ =	sdelay $0x1  }
0xef: {  	[tilespmem:v8+s19+$0x0] =	vst.idx.msk $0xffff, v6  }
0xf0: {  	s16 =	simm.s32 $0xD;
	v6 =	vld.idx.msk [tilespmem:v7+s19+$0x0], $0xffff  }
0xf1: {  	v8 =	vadd.s32 s16, v0  }
0xf2: {  	v8 =	vand.u32 $0x7F, v8  }
0xf3: {  	v8 =	vor.u32 v3, v8;
	_ =	sdelay $0x1  }
0xf4: {  	v6 =	vmul.f32 v6, v5;
	_ =	sdelay $0x1  }
0xf5: {  	[tilespmem:v7+s19+$0x0] =	vst.idx.msk $0xffff, v6  }
0xf6: {  	s26 =	simm.s32 $0xE;
	v6 =	vld.idx.msk [tilespmem:v8+s19+$0x0], $0xffff  }
0xf7: {  	v7 =	vadd.s32 s26, v0  }
0xf8: {  	v7 =	vand.u32 $0x7F, v7  }
0xf9: {  	v9 =	vor.u32 v3, v7;
	_ =	sdelay $0x1  }
0xfa: {  	v6 =	vmul.f32 v6, v5;
	_ =	sdelay $0x1  }
0xfb: {  	[tilespmem:v8+s19+$0x0] =	vst.idx.msk $0xffff, v6  }
0xfc: {  	s28 =	simm.s32 $0xF;
	v6 =	vld.idx.msk [tilespmem:v9+s19+$0x0], $0xffff  }
0xfd: {  	v7 =	vadd.s32 s28, v0  }
0xfe: {  	v7 =	vand.u32 $0x7F, v7  }
0xff: {  	v7 =	vor.u32 v3, v7;
	_ =	sdelay $0x1  }
0x100: {  	v6 =	vmul.f32 v6, v5;
	_ =	sdelay $0x1  }
0x101: {  	[tilespmem:v9+s19+$0x0] =	vst.idx.msk $0xffff, v6  }
0x102: {  	v8 =	vld.idx.msk [tilespmem:v7+s19+$0x0], $0xffff;
	_ =	sdelay $0x1  }
0x103: {  	s29 =	simm.s32 $0x10  }
0x104: {  	v6 =	vor.u32 s29, v4;
	_ =	sdelay $0x1  }
0x105: {  	s8 =	simm.s32 $0x1F;
	s9 =	simm.s32 $0x2;
	v8 =	vmul.f32 v8, v5  }
.LBB2_6:
0x106: {  	_ = 	snop  }
0x107: {  	s9 =	sadd.s32 $0x2, s9;
	[tilespmem:v7+s19+$0x0] =	vst.idx.msk $0xffff, v8  }
0x108: {  	p0 =	slt.u32 s9, $0xE;
	v7 =	vld.idx.msk [tilespmem:v6+s19+$0x0], $0xffff  }
0x109: {  	s1 =	sadd.s32 $0xFFFFFFF2, s8  }
0x10a: {  	v8 =	vadd.s32 s1, v0  }
0x10b: {  	v8 =	vand.u32 $0x7F, v8  }
0x10c: {  	v8 =	vor.u32 v3, v8;
	_ =	sdelay $0x1  }
0x10d: {  	v7 =	vmul.f32 v7, v5;
	_ =	sdelay $0x1  }
0x10e: {  	[tilespmem:v6+s19+$0x0] =	vst.idx.msk $0xffff, v7  }
0x10f: {  	v6 =	vld.idx.msk [tilespmem:v8+s19+$0x0], $0xffff  }
0x110: {  	s1 =	sadd.s32 $0xFFFFFFF3, s8  }
0x111: {  	v7 =	vadd.s32 s1, v0  }
0x112: {  	v7 =	vand.u32 $0x7F, v7  }
0x113: {  	v7 =	vor.u32 v3, v7;
	_ =	sdelay $0x1  }
0x114: {  	v6 =	vmul.f32 v6, v5;
	_ =	sdelay $0x1  }
0x115: {  	[tilespmem:v8+s19+$0x0] =	vst.idx.msk $0xffff, v6  }
0x116: {  	v6 =	vld.idx.msk [tilespmem:v7+s19+$0x0], $0xffff  }
0x117: {  	s1 =	sadd.s32 $0xFFFFFFF4, s8  }
0x118: {  	v8 =	vadd.s32 s1, v0  }
0x119: {  	v8 =	vand.u32 $0x7F, v8  }
0x11a: {  	v8 =	vor.u32 v3, v8;
	_ =	sdelay $0x1  }
0x11b: {  	v6 =	vmul.f32 v6, v5;
	_ =	sdelay $0x1  }
0x11c: {  	[tilespmem:v7+s19+$0x0] =	vst.idx.msk $0xffff, v6  }
0x11d: {  	v6 =	vld.idx.msk [tilespmem:v8+s19+$0x0], $0xffff  }
0x11e: {  	s1 =	sadd.s32 $0xFFFFFFF5, s8  }
0x11f: {  	v7 =	vadd.s32 s1, v0  }
0x120: {  	v7 =	vand.u32 $0x7F, v7  }
0x121: {  	v7 =	vor.u32 v3, v7;
	_ =	sdelay $0x1  }
0x122: {  	v6 =	vmul.f32 v6, v5;
	_ =	sdelay $0x1  }
0x123: {  	[tilespmem:v8+s19+$0x0] =	vst.idx.msk $0xffff, v6  }
0x124: {  	v6 =	vld.idx.msk [tilespmem:v7+s19+$0x0], $0xffff  }
0x125: {  	s1 =	sadd.s32 $0xFFFFFFF6, s8  }
0x126: {  	v8 =	vadd.s32 s1, v0  }
0x127: {  	v8 =	vand.u32 $0x7F, v8  }
0x128: {  	v8 =	vor.u32 v3, v8;
	_ =	sdelay $0x1  }
0x129: {  	v6 =	vmul.f32 v6, v5;
	_ =	sdelay $0x1  }
0x12a: {  	[tilespmem:v7+s19+$0x0] =	vst.idx.msk $0xffff, v6  }
0x12b: {  	v6 =	vld.idx.msk [tilespmem:v8+s19+$0x0], $0xffff  }
0x12c: {  	s1 =	sadd.s32 $0xFFFFFFF7, s8  }
0x12d: {  	v7 =	vadd.s32 s1, v0  }
0x12e: {  	v7 =	vand.u32 $0x7F, v7  }
0x12f: {  	v7 =	vor.u32 v3, v7;
	_ =	sdelay $0x1  }
0x130: {  	v6 =	vmul.f32 v6, v5;
	_ =	sdelay $0x1  }
0x131: {  	[tilespmem:v8+s19+$0x0] =	vst.idx.msk $0xffff, v6  }
0x132: {  	v6 =	vld.idx.msk [tilespmem:v7+s19+$0x0], $0xffff  }
0x133: {  	s1 =	sadd.s32 $0xFFFFFFF8, s8  }
0x134: {  	v8 =	vadd.s32 s1, v0  }
0x135: {  	v8 =	vand.u32 $0x7F, v8  }
0x136: {  	v8 =	vor.u32 v3, v8;
	_ =	sdelay $0x1  }
0x137: {  	v6 =	vmul.f32 v6, v5;
	_ =	sdelay $0x1  }
0x138: {  	[tilespmem:v7+s19+$0x0] =	vst.idx.msk $0xffff, v6  }
0x139: {  	v6 =	vld.idx.msk [tilespmem:v8+s19+$0x0], $0xffff  }
0x13a: {  	s1 =	sadd.s32 $0xFFFFFFF9, s8  }
0x13b: {  	v7 =	vadd.s32 s1, v0  }
0x13c: {  	v7 =	vand.u32 $0x7F, v7  }
0x13d: {  	v7 =	vor.u32 v3, v7;
	_ =	sdelay $0x1  }
0x13e: {  	v6 =	vmul.f32 v6, v5;
	_ =	sdelay $0x1  }
0x13f: {  	[tilespmem:v8+s19+$0x0] =	vst.idx.msk $0xffff, v6  }
0x140: {  	v6 =	vld.idx.msk [tilespmem:v7+s19+$0x0], $0xffff  }
0x141: {  	s1 =	sadd.s32 $0xFFFFFFFA, s8  }
0x142: {  	v8 =	vadd.s32 s1, v0  }
0x143: {  	v8 =	vand.u32 $0x7F, v8  }
0x144: {  	v8 =	vor.u32 v3, v8;
	_ =	sdelay $0x1  }
0x145: {  	v6 =	vmul.f32 v6, v5;
	_ =	sdelay $0x1  }
0x146: {  	[tilespmem:v7+s19+$0x0] =	vst.idx.msk $0xffff, v6  }
0x147: {  	v6 =	vld.idx.msk [tilespmem:v8+s19+$0x0], $0xffff  }
0x148: {  	s1 =	sadd.s32 $0xFFFFFFFB, s8  }
0x149: {  	v7 =	vadd.s32 s1, v0  }
0x14a: {  	v7 =	vand.u32 $0x7F, v7  }
0x14b: {  	v7 =	vor.u32 v3, v7;
	_ =	sdelay $0x1  }
0x14c: {  	v6 =	vmul.f32 v6, v5;
	_ =	sdelay $0x1  }
0x14d: {  	[tilespmem:v8+s19+$0x0] =	vst.idx.msk $0xffff, v6  }
0x14e: {  	v6 =	vld.idx.msk [tilespmem:v7+s19+$0x0], $0xffff  }
0x14f: {  	s1 =	sadd.s32 $0xFFFFFFFC, s8  }
0x150: {  	v8 =	vadd.s32 s1, v0  }
0x151: {  	v8 =	vand.u32 $0x7F, v8  }
0x152: {  	v8 =	vor.u32 v3, v8;
	_ =	sdelay $0x1  }
0x153: {  	v6 =	vmul.f32 v6, v5;
	_ =	sdelay $0x1  }
0x154: {  	[tilespmem:v7+s19+$0x0] =	vst.idx.msk $0xffff, v6  }
0x155: {  	v6 =	vld.idx.msk [tilespmem:v8+s19+$0x0], $0xffff  }
0x156: {  	s1 =	sadd.s32 $0xFFFFFFFD, s8  }
0x157: {  	v7 =	vadd.s32 s1, v0  }
0x158: {  	v7 =	vand.u32 $0x7F, v7  }
0x159: {  	v7 =	vor.u32 v3, v7;
	_ =	sdelay $0x1  }
0x15a: {  	v6 =	vmul.f32 v6, v5;
	_ =	sdelay $0x1  }
0x15b: {  	[tilespmem:v8+s19+$0x0] =	vst.idx.msk $0xffff, v6  }
0x15c: {  	v6 =	vld.idx.msk [tilespmem:v7+s19+$0x0], $0xffff  }
0x15d: {  	s1 =	sadd.s32 $0xFFFFFFFE, s8  }
0x15e: {  	v8 =	vadd.s32 s1, v0  }
0x15f: {  	v8 =	vand.u32 $0x7F, v8  }
0x160: {  	v8 =	vor.u32 v3, v8;
	_ =	sdelay $0x1  }
0x161: {  	v6 =	vmul.f32 v6, v5;
	_ =	sdelay $0x1  }
0x162: {  	[tilespmem:v7+s19+$0x0] =	vst.idx.msk $0xffff, v6  }
0x163: {  	v6 =	vld.idx.msk [tilespmem:v8+s19+$0x0], $0xffff  }
0x164: {  	s1 =	sadd.s32 $0xFFFFFFFF, s8  }
0x165: {  	v7 =	vadd.s32 s1, v0  }
0x166: {  	v7 =	vand.u32 $0x7F, v7  }
0x167: {  	v9 =	vor.u32 v3, v7;
	_ =	sdelay $0x1  }
0x168: {  	v6 =	vmul.f32 v6, v5;
	_ =	sdelay $0x1  }
0x169: {  	[tilespmem:v8+s19+$0x0] =	vst.idx.msk $0xffff, v6  }
0x16a: {  	v6 =	vld.idx.msk [tilespmem:v9+s19+$0x0], $0xffff;
	_ =	sdelay $0x1  }
0x16b: {  	v7 =	vadd.s32 s8, v0  }
0x16c: {  	v7 =	vand.u32 $0x7F, v7  }
0x16d: {  	v7 =	vor.u32 v3, v7;
	_ =	sdelay $0x1  }
0x16e: {  	v6 =	vmul.f32 v6, v5;
	_ =	sdelay $0x1  }
0x16f: {  	[tilespmem:v9+s19+$0x0] =	vst.idx.msk $0xffff, v6  }
0x170: {  	v8 =	vld.idx.msk [tilespmem:v7+s19+$0x0], $0xffff;
	_ =	sdelay $0x1  }
.Ltmp1:
0x171: {  	s8 =	sadd.s32 $0x10, s8;
	(pc) =	sbr.rel @p0 .LBB2_6-.Ltmp1, $3  }
0x172: {  	s1 =	sadd.s32 $0xFFFFFFF1, s8  }
0x173: {  	v6 =	vor.u32 s1, v4;
	_ =	sdelay $0x1  }
0x174: {  	v8 =	vmul.f32 v8, v5  }
0x175: {  	_ =	sdelay $0x3  }
0x176: {  	[tilespmem:v7+s19+$0x0] =	vst.idx.msk $0xffff, v8  }
0x177: {  	s1 =	sadd.s32 $0xFFFFFFF2, s8;
	v4 =	vld.idx.msk [tilespmem:v6+s19+$0x0], $0xffff  }
0x178: {  	v49 =	vadd.s32 s1, v0  }
0x179: {  	v7 =	vand.u32 $0x7F, v49  }
0x17a: {  	v7 =	vor.u32 v3, v7;
	_ =	sdelay $0x1  }
0x17b: {  	v4 =	vmul.f32 v4, v5;
	_ =	sdelay $0x1  }
0x17c: {  	[tilespmem:v6+s19+$0x0] =	vst.idx.msk $0xffff, v4  }
0x17d: {  	s9 =	sadd.s32 $0xFFFFFFF3, s8;
	v4 =	vld.idx.msk [tilespmem:v7+s19+$0x0], $0xffff  }
0x17e: {  	v50 =	vadd.s32 s9, v0  }
0x17f: {  	v6 =	vand.u32 $0x7F, v50  }
0x180: {  	v6 =	vor.u32 v3, v6;
	_ =	sdelay $0x1  }
0x181: {  	v4 =	vmul.f32 v4, v5;
	_ =	sdelay $0x1  }
0x182: {  	[tilespmem:v7+s19+$0x0] =	vst.idx.msk $0xffff, v4  }
0x183: {  	s14 =	sadd.s32 $0xFFFFFFF4, s8;
	v4 =	vld.idx.msk [tilespmem:v6+s19+$0x0], $0xffff  }
0x184: {  	v51 =	vadd.s32 s14, v0  }
0x185: {  	v7 =	vand.u32 $0x7F, v51  }
0x186: {  	v7 =	vor.u32 v3, v7;
	_ =	sdelay $0x1  }
0x187: {  	v4 =	vmul.f32 v4, v5;
	_ =	sdelay $0x1  }
0x188: {  	[tilespmem:v6+s19+$0x0] =	vst.idx.msk $0xffff, v4  }
0x189: {  	s16 =	sadd.s32 $0xFFFFFFF5, s8;
	v4 =	vld.idx.msk [tilespmem:v7+s19+$0x0], $0xffff  }
0x18a: {  	v52 =	vadd.s32 s16, v0  }
0x18b: {  	v6 =	vand.u32 $0x7F, v52  }
0x18c: {  	v6 =	vor.u32 v3, v6;
	_ =	sdelay $0x1  }
0x18d: {  	v4 =	vmul.f32 v4, v5;
	_ =	sdelay $0x1  }
0x18e: {  	[tilespmem:v7+s19+$0x0] =	vst.idx.msk $0xffff, v4  }
0x18f: {  	s26 =	sadd.s32 $0xFFFFFFF6, s8;
	v4 =	vld.idx.msk [tilespmem:v6+s19+$0x0], $0xffff  }
0x190: {  	v53 =	vadd.s32 s26, v0  }
0x191: {  	v7 =	vand.u32 $0x7F, v53  }
0x192: {  	v7 =	vor.u32 v3, v7;
	_ =	sdelay $0x1  }
0x193: {  	v4 =	vmul.f32 v4, v5;
	_ =	sdelay $0x1  }
0x194: {  	[tilespmem:v6+s19+$0x0] =	vst.idx.msk $0xffff, v4  }
0x195: {  	s28 =	sadd.s32 $0xFFFFFFF7, s8;
	v4 =	vld.idx.msk [tilespmem:v7+s19+$0x0], $0xffff  }
0x196: {  	v54 =	vadd.s32 s28, v0  }
0x197: {  	v6 =	vand.u32 $0x7F, v54  }
0x198: {  	v6 =	vor.u32 v3, v6;
	_ =	sdelay $0x1  }
0x199: {  	v4 =	vmul.f32 v4, v5;
	_ =	sdelay $0x1  }
0x19a: {  	[tilespmem:v7+s19+$0x0] =	vst.idx.msk $0xffff, v4  }
0x19b: {  	s29 =	sadd.s32 $0xFFFFFFF8, s8;
	v4 =	vld.idx.msk [tilespmem:v6+s19+$0x0], $0xffff  }
0x19c: {  	v55 =	vadd.s32 s29, v0  }
0x19d: {  	v7 =	vand.u32 $0x7F, v55  }
0x19e: {  	v7 =	vor.u32 v3, v7;
	_ =	sdelay $0x1  }
0x19f: {  	v4 =	vmul.f32 v4, v5;
	_ =	sdelay $0x1  }
0x1a0: {  	[tilespmem:v6+s19+$0x0] =	vst.idx.msk $0xffff, v4  }
0x1a1: {  	s2 =	sadd.s32 $0xFFFFFFF9, s8;
	v4 =	vld.idx.msk [tilespmem:v7+s19+$0x0], $0xffff  }
0x1a2: {  	v56 =	vadd.s32 s2, v0  }
0x1a3: {  	v6 =	vand.u32 $0x7F, v56  }
0x1a4: {  	v6 =	vor.u32 v3, v6;
	_ =	sdelay $0x1  }
0x1a5: {  	v4 =	vmul.f32 v4, v5;
	_ =	sdelay $0x1  }
0x1a6: {  	[tilespmem:v7+s19+$0x0] =	vst.idx.msk $0xffff, v4  }
0x1a7: {  	s9 =	sadd.s32 $0xFFFFFFFA, s8;
	v4 =	vld.idx.msk [tilespmem:v6+s19+$0x0], $0xffff  }
0x1a8: {  	v57 =	vadd.s32 s9, v0  }
0x1a9: {  	v7 =	vand.u32 $0x7F, v57  }
0x1aa: {  	v7 =	vor.u32 v3, v7;
	_ =	sdelay $0x1  }
0x1ab: {  	v4 =	vmul.f32 v4, v5;
	_ =	sdelay $0x1  }
0x1ac: {  	[tilespmem:v6+s19+$0x0] =	vst.idx.msk $0xffff, v4  }
0x1ad: {  	s14 =	sadd.s32 $0xFFFFFFFB, s8;
	v4 =	vld.idx.msk [tilespmem:v7+s19+$0x0], $0xffff  }
0x1ae: {  	v58 =	vadd.s32 s14, v0  }
0x1af: {  	v6 =	vand.u32 $0x7F, v58  }
0x1b0: {  	v6 =	vor.u32 v3, v6;
	_ =	sdelay $0x1  }
0x1b1: {  	v4 =	vmul.f32 v4, v5;
	_ =	sdelay $0x1  }
0x1b2: {  	[tilespmem:v7+s19+$0x0] =	vst.idx.msk $0xffff, v4  }
0x1b3: {  	s16 =	sadd.s32 $0xFFFFFFFC, s8;
	v4 =	vld.idx.msk [tilespmem:v6+s19+$0x0], $0xffff  }
0x1b4: {  	v59 =	vadd.s32 s16, v0  }
0x1b5: {  	v7 =	vand.u32 $0x7F, v59  }
0x1b6: {  	v7 =	vor.u32 v3, v7;
	_ =	sdelay $0x1  }
0x1b7: {  	v4 =	vmul.f32 v4, v5;
	_ =	sdelay $0x1  }
0x1b8: {  	[tilespmem:v6+s19+$0x0] =	vst.idx.msk $0xffff, v4  }
0x1b9: {  	s26 =	sadd.s32 $0xFFFFFFFD, s8;
	v4 =	vld.idx.msk [tilespmem:v7+s19+$0x0], $0xffff  }
0x1ba: {  	v60 =	vadd.s32 s26, v0  }
0x1bb: {  	v6 =	vand.u32 $0x7F, v60  }
0x1bc: {  	v6 =	vor.u32 v3, v6;
	_ =	sdelay $0x1  }
0x1bd: {  	v4 =	vmul.f32 v4, v5;
	_ =	sdelay $0x1  }
0x1be: {  	[tilespmem:v7+s19+$0x0] =	vst.idx.msk $0xffff, v4  }
0x1bf: {  	s28 =	sadd.s32 $0xFFFFFFFE, s8;
	v4 =	vld.idx.msk [tilespmem:v6+s19+$0x0], $0xffff  }
0x1c0: {  	v61 =	vadd.s32 s28, v0  }
0x1c1: {  	v7 =	vand.u32 $0x7F, v61  }
0x1c2: {  	v7 =	vor.u32 v3, v7;
	_ =	sdelay $0x1  }
0x1c3: {  	v4 =	vmul.f32 v4, v5;
	_ =	sdelay $0x1  }
0x1c4: {  	[tilespmem:v6+s19+$0x0] =	vst.idx.msk $0xffff, v4  }
0x1c5: {  	s29 =	sadd.s32 $0xFFFFFFFF, s8;
	v4 =	vld.idx.msk [tilespmem:v7+s19+$0x0], $0xffff  }
0x1c6: {  	v62 =	vadd.s32 s29, v0  }
0x1c7: {  	v6 =	vand.u32 $0x7F, v62  }
0x1c8: {  	v6 =	vor.u32 v3, v6;
	_ =	sdelay $0x1  }
0x1c9: {  	v4 =	vmul.f32 v4, v5;
	_ =	sdelay $0x1  }
0x1ca: {  	[tilespmem:v7+s19+$0x0] =	vst.idx.msk $0xffff, v4  }
0x1cb: {  	v4 =	vld.idx.msk [tilespmem:v6+s19+$0x0], $0xffff  }
0x1cc: {  	v63 =	vadd.s32 s8, v0  }
0x1cd: {  	v7 =	vand.u32 $0x7F, v63  }
0x1ce: {  	v3 =	vor.u32 v3, v7;
	_ =	sdelay $0x1  }
0x1cf: {  	v4 =	vmul.f32 v4, v5;
	_ =	sdelay $0x1  }
0x1d0: {  	[tilespmem:v6+s19+$0x0] =	vst.idx.msk $0xffff, v4  }
0x1d1: {  	v4 =	vld.idx.msk [tilespmem:v3+s19+$0x0], $0xffff  }
0x1d2: {  	s6 =	sadd.s32 $0x1, s6  }
0x1d3: {  	p0 =	sne.s32 s6, $0x4  }
.Ltmp2:
0x1d4: {  	_ = 	snop;
	(pc) =	sbr.rel @p0 .LBB2_3-.Ltmp2, $3  }
0x1d5: {  	_ = 	snop  }
0x1d6: {  	v4 =	vmul.f32 v4, v5;
	_ =	sdelay $0x1  }
0x1d7: {  	[tilespmem:v3+s19+$0x0] =	vst.idx.msk $0xffff, v4  }
0x1d8: {  	[spmem:s3] =	stream.indirect.scatter.add.f32 [tilespmem:s19], [sflag:$0x5], $0x80, s13, s17, $0xb8;
	[tilespmem:$0x1F000] =	vst v63  }
0x1d9: {  	_ =	swait.ge [sflag:s7], $0x2000  }
0x1da: {  	[sflag:s7] =	ssyncset.done $0x0  }
0x1db: {  	[sflag:s7] =	ssyncadd.s32 $0xFFFFE000  }
0x1dc: {  	_ =	swait.ge [sflag:s24], $0x2000  }
0x1dd: {  	[sflag:s24] =	ssyncset.done $0x0  }
0x1de: {  	[sflag:s24] =	ssyncadd.s32 $0xFFFFE000  }
0x1df: {  	_ =	swait.ge [sflag:s25], $0x2000  }
0x1e0: {  	[sflag:s25] =	ssyncset.done $0x0  }
0x1e1: {  	s1 =	sadd.s32 $0x500, s10;
	[sflag:s25] =	ssyncadd.s32 $0xFFFFE000  }
0x1e2: {  	[tilespmem:s18], [sflag:$0x1] =	stream.indirect.gather [hbm4b:s12+s17], $0x80, s1, s17, $0xb8;
	[tilespmem:$0x1F000] =	vst v63  }
0x1e3: {  	s29 =	sadd.s32 $0x100, s10;
	s6 =	simm.s32 $0x0  }
0x1e4: {  	v2 =	vmov s0;
	[tilespmem:s19], [sflag:$0x2] =	stream.indirect.gather [hbm4b:s11+s17], $0x80, s29, s17, $0xb8;
	[tilespmem:$0x1F000] =	vst v63  }
.LBB2_9:
0x1e5: {  	s1 =	sshll.u32 s6, $0x4  }
0x1e6: {  	s2 =	simm.s32 $0x3;
	v3 =	vmov s1  }
0x1e7: {  	s8 =	simm.s32 $0x1;
	v4 =	vadd.s32 s2, v0;
	v3 =	vshll.u32 v3, $0x7  }
0x1e8: {  	v5 =	vadd.s32 s8, v0;
	v4 =	vand.u32 $0x7F, v4;
	v3 =	vor.u32 v1, v3  }
0x1e9: {  	v5 =	vand.u32 $0x7F, v5;
	v7 =	vor.u32 v3, v4  }
0x1ea: {  	s16 =	simm.s32 $0x2;
	v5 =	vor.u32 v3, v5  }
0x1eb: {  	s26 =	simm.s32 $0x6;
	v9 =	vadd.s32 s16, v0  }
0x1ec: {  	v10 =	vadd.s32 s26, v0;
	v9 =	vand.u32 $0x7F, v9  }
0x1ed: {  	s10 =	simm.s32 $0x9;
	v6 =	vld.idx.msk [tilespmem:v2+s1+$0x0 ss:$0x1], $0xffff;
	v10 =	vand.u32 $0x7F, v10;
	v9 =	vor.u32 v3, v9  }
0x1ee: {  	v20 =	vadd.s32 s10, v0;
	v10 =	vor.u32 v3, v10;
	v11 =	vld.idx.msk [tilespmem:v7+s22+$0x0], $0xffff  }
0x1ef: {  	v20 =	vand.u32 $0x7F, v20;
	v13 =	vld.idx.msk [tilespmem:v5+s22+$0x0], $0xffff  }
0x1f0: {  	v20 =	vor.u32 v3, v20;
	v15 =	vld.idx.msk [tilespmem:v7+s23+$0x0], $0xffff  }
0x1f1: {  	v5 =	vld.idx.msk [tilespmem:v5+s23+$0x0], $0xffff  }
0x1f2: {  	s14 =	simm.s32 $0x0;
	s28 =	simm.s32 $0x4;
	v4 =	vor.u32 v0, v3;
	v18 =	vld.idx.msk [tilespmem:v9+s22+$0x0], $0xffff  }
0x1f3: {  	s29 =	simm.s32 $0x5;
	v12 =	vadd.s32 s28, v0;
	v8 =	vor.u32 s14, v4;
	v19 =	vld.idx.msk [tilespmem:v10+s22+$0x0], $0xffff  }
0x1f4: {  	v14 =	vadd.s32 s29, v0;
	v7 =	vand.u32 $0x7F, v12;
	v29 =	vld.idx.msk [tilespmem:v10+s23+$0x0], $0xffff  }
0x1f5: {  	v12 =	vand.u32 $0x7F, v14;
	v32 =	vld.idx.msk [tilespmem:v20+s22+$0x0], $0xffff;
	v14 =	vor.u32 v3, v7  }
0x1f6: {  	s8 =	simm.s32 $0x8;
	v9 =	vld.idx.msk [tilespmem:v9+s23+$0x0], $0xffff;
	v7 =	vor.u32 v3, v12  }
0x1f7: {  	v35 =	vld.idx.msk [tilespmem:v20+s23+$0x0], $0xffff;
	v12 =	vadd.s32 s8, v0  }
0x1f8: {  	s14 =	simm.s32 $0xB;
	v16 =	vld.idx.msk [tilespmem:v8+s22+$0x0], $0xffff;
	v12 =	vand.u32 $0x7F, v12  }
0x1f9: {  	s9 =	simm.s32 $0x7;
	v26 =	vimm.f32 $0.0e+00;
	s16 =	simm.s32 $0xA;
	v21 =	vadd.s32 s14, v0;
	v8 =	vld.idx.msk [tilespmem:v8+s23+$0x0], $0xffff;
	v12 =	vor.u32 v3, v12  }
0x1fa: {  	v17 =	vadd.s32 s9, v0;
	v21 =	vand.u32 $0x7F, v21;
	v10 =	vadd.s32 s16, v0;
	v22 =	vld.idx.msk [tilespmem:v14+s23+$0x0], $0xffff  }
0x1fb: {  	v17 =	vand.u32 $0x7F, v17;
	v21 =	vor.u32 v3, v21;
	v10 =	vand.u32 $0x7F, v10;
	v23 =	vld.idx.msk [tilespmem:v7+s22+$0x0], $0xffff  }
0x1fc: {  	s13 =	simm.s32 $0xD;
	v17 =	vor.u32 v3, v17;
	v33 =	vor.u32 v3, v10;
	v31 =	vmul.f32 v11, v15;
	v24 =	vld.idx.msk [tilespmem:v7+s23+$0x0], $0xffff  }
0x1fd: {  	s26 =	simm.s32 $0xC;
	v11 =	vmul.f32 v5, v5;
	v15 =	vmul.f32 v15, v15;
	v7 =	vadd.s32 s13, v0;
	v37 =	vld.idx.msk [tilespmem:v14+s22+$0x0], $0xffff  }
0x1fe: {  	s28 =	simm.s32 $0xF;
	v5 =	vmul.f32 v13, v5;
	v13 =	vadd.s32 s26, v0;
	v7 =	vand.u32 $0x7F, v7;
	v28 =	vld.idx.msk [tilespmem:v12+s22+$0x0], $0xffff  }
0x1ff: {  	v10 =	vand.u32 $0x7F, v13;
	v13 =	vadd.s32 s28, v0;
	v30 =	vld.idx.msk [tilespmem:v12+s23+$0x0], $0xffff;
	v12 =	vor.u32 v3, v7  }
0x200: {  	v27 =	vmul.f32 v16, v8;
	v25 =	vmul.f32 v8, v8;
	v16 =	vand.u32 $0x7F, v13;
	v13 =	vld.idx.msk [tilespmem:v21+s23+$0x0], $0xffff  }
0x201: {  	v38 =	vmul.f32 v9, v9;
	v14 =	vmul.f32 v18, v9;
	v11 =	vadd.f32 v11, v26;
	v21 =	vld.idx.msk [tilespmem:v21+s22+$0x0], $0xffff  }
0x202: {  	s29 =	simm.s32 $0xE;
	v20 =	vor.u32 v3, v10;
	v10 =	vmul.f32 v19, v29;
	v19 =	vadd.f32 v25, v26;
	v25 =	vld.idx.msk [tilespmem:v17+s23+$0x0], $0xffff  }
0x203: {  	v5 =	vadd.f32 v5, v26;
	v7 =	vld.idx.msk [tilespmem:v17+s22+$0x0], $0xffff;
	v15 =	vadd.f32 v15, v11;
	v11 =	vadd.s32 s29, v0  }
0x204: {  	v8 =	vor.u32 v3, v16;
	v9 =	vadd.f32 v27, v26;
	v11 =	vand.u32 $0x7F, v11;
	v34 =	vld.idx.msk [tilespmem:v12+s23+$0x0], $0xffff  }
0x205: {  	v16 =	vmul.f32 v22, v22;
	v26 =	vor.u32 v3, v11;
	v36 =	vld.idx.msk [tilespmem:v12+s22+$0x0], $0xffff;
	v12 =	vmul.f32 v24, v24  }
0x206: {  	v17 =	vld.idx.msk [tilespmem:v33+s22+$0x0], $0xffff;
	v5 =	vadd.f32 v31, v5;
	v11 =	vmul.f32 v30, v30;
	v24 =	vmul.f32 v23, v24  }
0x207: {  	v18 =	vld.idx.msk [tilespmem:v20+s22+$0x0], $0xffff;
	v23 =	vmul.f32 v35, v35;
	v31 =	vmul.f32 v25, v25;
	v27 =	vadd.f32 v12, v15  }
0x208: {  	v20 =	vld.idx.msk [tilespmem:v20+s23+$0x0], $0xffff;
	v15 =	vmul.f32 v29, v29;
	v29 =	vadd.f32 v14, v9;
	v9 =	vmul.f32 v28, v30  }
0x209: {  	v14 =	vmul.f32 v32, v35;
	v28 =	vadd.f32 v38, v19;
	v30 =	vmul.f32 v37, v22;
	v19 =	vld.idx.msk [tilespmem:v33+s23+$0x0], $0xffff  }
0x20a: {  	s9 =	simm.s32 $0x1F;
	s8 =	simm.s32 $0x0;
	v22 =	vadd.f32 v24, v5;
	v24 =	vld.idx.msk [tilespmem:v26+s23+$0x0], $0xffff;
	v12 =	vmul.f32 v34, v34;
	v5 =	vmul.f32 v36, v34  }
.LBB2_10:
0x20b: {  	s1 =	sadd.s32 $0xFFFFFFF2, s9;
	s2 =	sadd.s32 $0xFFFFFFF4, s9;
	s10 =	sadd.s32 $0xFFFFFFF6, s9;
	v29 =	vadd.f32 v30, v29;
	v7 =	vmul.f32 v7, v25;
	v25 =	vmul.f32 v13, v13;
	v26 =	vld.idx.msk [tilespmem:v26+s22+$0x0], $0xffff  }
0x20c: {  	s13 =	sadd.s32 $0xFFFFFFFA, s9;
	v13 =	vmul.f32 v21, v13;
	v30 =	vadd.s32 s1, v0;
	v32 =	vadd.s32 s2, v0;
	s2 =	sadd.s32 $0xFFFFFFF5, s9;
	s1 =	sadd.s32 $0xFFFFFFFE, s9;
	v21 =	vld.idx.msk [tilespmem:v8+s23+$0x0], $0xffff  }
0x20d: {  	s14 =	sadd.s32 $0xFFFFFFF8, s9;
	s8 =	sadd.s32 $0x2, s8;
	v33 =	vmul.f32 v20, v20;
	v30 =	vand.u32 $0x7F, v30;
	v32 =	vand.u32 $0x7F, v32  }
0x20e: {  	s16 =	sadd.s32 $0xFFFFFFF1, s9;
	s26 =	sadd.s32 $0xFFFFFFF3, s9;
	p0 =	slt.u32 s8, $0xE;
	v27 =	vadd.f32 v31, v27;
	v30 =	vor.u32 v3, v30;
	v32 =	vor.u32 v3, v32  }
0x20f: {  	v31 =	vor.u32 s16, v4;
	v34 =	vadd.s32 s14, v0;
	v18 =	vmul.f32 v18, v20  }
0x210: {  	v20 =	vadd.s32 s26, v0;
	v35 =	vadd.s32 s2, v0;
	v36 =	vmul.f32 v24, v24  }
0x211: {  	v37 =	vadd.s32 s10, v0;
	s2 =	sadd.s32 $0xFFFFFFF7, s9;
	v34 =	vand.u32 $0x7F, v34;
	v38 =	vmul.f32 v19, v19  }
0x212: {  	v37 =	vand.u32 $0x7F, v37;
	v39 =	vadd.s32 s2, v0;
	v24 =	vmul.f32 v26, v24;
	v8 =	vld.idx.msk [tilespmem:v8+s22+$0x0], $0xffff  }
0x213: {  	v16 =	vadd.f32 v16, v28;
	v20 =	vand.u32 $0x7F, v20;
	v39 =	vand.u32 $0x7F, v39;
	v26 =	vld.idx.msk [tilespmem:v32+s22+$0x0], $0xffff  }
0x214: {  	v7 =	vadd.f32 v7, v22;
	v20 =	vor.u32 v3, v20;
	v39 =	vor.u32 v3, v39;
	v28 =	vld.idx.msk [tilespmem:v30+s22+$0x0], $0xffff  }
0x215: {  	v17 =	vmul.f32 v17, v19;
	v22 =	vld.idx.msk [tilespmem:v32+s23+$0x0], $0xffff;
	v32 =	vand.u32 $0x7F, v35;
	v35 =	vadd.s32 s13, v0  }
0x216: {  	v10 =	vadd.f32 v10, v29;
	s2 =	sadd.s32 $0xFFFFFFF9, s9;
	v23 =	vadd.f32 v23, v27;
	v19 =	vld.idx.msk [tilespmem:v30+s23+$0x0], $0xffff;
	v30 =	vor.u32 v3, v32  }
0x217: {  	v29 =	vor.u32 v3, v37;
	v7 =	vadd.f32 v14, v7;
	v32 =	vadd.s32 s2, v0;
	s2 =	sadd.s32 $0xFFFFFFFC, s9;
	v27 =	vld.idx.msk [tilespmem:v31+s22+$0x0], $0xffff  }
0x218: {  	v23 =	vadd.f32 v25, v23;
	v32 =	vand.u32 $0x7F, v32;
	v14 =	vld.idx.msk [tilespmem:v31+s23+$0x0], $0xffff;
	v31 =	vor.u32 v3, v34  }
0x219: {  	v37 =	vmul.f32 v21, v21;
	v32 =	vor.u32 v3, v32;
	v34 =	vadd.s32 s2, v0;
	v25 =	vld.idx.msk [tilespmem:v20+s22+$0x0], $0xffff  }
0x21a: {  	v35 =	vand.u32 $0x7F, v35;
	v21 =	vmul.f32 v8, v21;
	v34 =	vand.u32 $0x7F, v34;
	v40 =	vld.idx.msk [tilespmem:v39+s22+$0x0], $0xffff  }
0x21b: {  	v8 =	vadd.f32 v15, v16;
	v15 =	vadd.f32 v13, v7;
	v41 =	vmul.f32 v26, v22;
	v42 =	vld.idx.msk [tilespmem:v30+s23+$0x0], $0xffff  }
0x21c: {  	v12 =	vadd.f32 v12, v23;
	v16 =	vor.u32 v3, v35;
	s2 =	sadd.s32 $0xFFFFFFFB, s9;
	v26 =	vor.u32 v3, v34;
	v43 =	vld.idx.msk [tilespmem:v29+s22+$0x0], $0xffff  }
0x21d: {  	v9 =	vadd.f32 v9, v10;
	v7 =	vadd.s32 s1, v0;
	v13 =	vadd.s32 s2, v0;
	v23 =	vld.idx.msk [tilespmem:v29+s23+$0x0], $0xffff  }
0x21e: {  	v7 =	vand.u32 $0x7F, v7;
	v8 =	vadd.f32 v11, v8;
	v10 =	vmul.f32 v19, v19;
	v34 =	vld.idx.msk [tilespmem:v32+s22+$0x0], $0xffff  }
0x21f: {  	v9 =	vadd.f32 v17, v9;
	v11 =	vmul.f32 v22, v22;
	v29 =	vor.u32 v3, v7;
	v22 =	vld.idx.msk [tilespmem:v32+s23+$0x0], $0xffff  }
0x220: {  	v12 =	vadd.f32 v37, v12;
	s1 =	sadd.s32 $0xFFFFFFFD, s9;
	v17 =	vmul.f32 v28, v19;
	v8 =	vadd.f32 v38, v8;
	v7 =	vld.idx.msk [tilespmem:v31+s22+$0x0], $0xffff  }
0x221: {  	v9 =	vadd.f32 v18, v9;
	v13 =	vand.u32 $0x7F, v13;
	v28 =	vadd.s32 s1, v0;
	v19 =	vld.idx.msk [tilespmem:v39+s23+$0x0], $0xffff  }
0x222: {  	v35 =	vor.u32 v3, v13;
	v18 =	vand.u32 $0x7F, v28;
	v28 =	vadd.f32 v33, v8;
	v32 =	vld.idx.msk [tilespmem:v16+s22+$0x0], $0xffff  }
0x223: {  	v27 =	vmul.f32 v27, v14;
	v10 =	vadd.f32 v10, v12;
	v8 =	vadd.s32 s9, v0;
	v12 =	vld.idx.msk [tilespmem:v20+s23+$0x0], $0xffff  }
0x224: {  	v9 =	vadd.f32 v24, v9;
	v14 =	vmul.f32 v14, v14;
	v8 =	vand.u32 $0x7F, v8;
	v33 =	vld.idx.msk [tilespmem:v29+s23+$0x0], $0xffff  }
0x225: {  	v5 =	vadd.f32 v5, v15;
	s1 =	sadd.s32 $0xFFFFFFFF, s9;
	v8 =	vor.u32 v3, v8;
	v15 =	vadd.f32 v36, v28;
	v13 =	vld.idx.msk [tilespmem:v26+s23+$0x0], $0xffff  }
0x226: {  	v28 =	vor.u32 v3, v18;
	v20 =	vadd.f32 v11, v10;
	v11 =	vadd.s32 s1, v0;
	v24 =	vld.idx.msk [tilespmem:v16+s23+$0x0], $0xffff  }
0x227: {  	v5 =	vadd.f32 v21, v5;
	v16 =	vmul.f32 v42, v42;
	v10 =	vmul.f32 v40, v19;
	v36 =	vld.idx.msk [tilespmem:v29+s22+$0x0], $0xffff  }
0x228: {  	v37 =	vadd.f32 v14, v15;
	v14 =	vmul.f32 v23, v23;
	v15 =	vand.u32 $0x7F, v11;
	v30 =	vld.idx.msk [tilespmem:v30+s22+$0x0], $0xffff  }
0x229: {  	v5 =	vadd.f32 v17, v5;
	v17 =	vmul.f32 v25, v12;
	v38 =	vmul.f32 v12, v12;
	v25 =	vld.idx.msk [tilespmem:v31+s23+$0x0], $0xffff  }
0x22a: {  	v9 =	vadd.f32 v27, v9;
	v11 =	vmul.f32 v22, v22;
	v21 =	vld.idx.msk [tilespmem:v26+s22+$0x0], $0xffff;
	v26 =	vor.u32 v3, v15  }
.Ltmp3:
0x22b: {  	v27 =	vadd.f32 v14, v20;
	v12 =	vmul.f32 v33, v33;
	v15 =	vmul.f32 v19, v19;
	v18 =	vld.idx.msk [tilespmem:v28+s22+$0x0], $0xffff;
	(pc) =	sbr.rel @p0 .LBB2_10-.Ltmp3, $4  }
0x22c: {  	v29 =	vadd.f32 v17, v9;
	v9 =	vmul.f32 v34, v22;
	v14 =	vmul.f32 v32, v24;
	v20 =	vld.idx.msk [tilespmem:v28+s23+$0x0], $0xffff  }
0x22d: {  	v5 =	vadd.f32 v41, v5;
	v22 =	vmul.f32 v43, v23;
	v23 =	vmul.f32 v24, v24;
	v17 =	vld.idx.msk [tilespmem:v35+s22+$0x0], $0xffff  }
0x22e: {  	v28 =	vadd.f32 v38, v37;
	v30 =	vmul.f32 v30, v42;
	v19 =	vld.idx.msk [tilespmem:v35+s23+$0x0], $0xffff  }
0x22f: {  	s9 =	sadd.s32 $0x10, s9;
	v22 =	vadd.f32 v22, v5;
	v5 =	vmul.f32 v36, v33;
	v31 =	vmul.f32 v25, v25;
	v24 =	vld.idx.msk [tilespmem:v26+s23+$0x0], $0xffff  }
0x230: {  	_ = 	snop  }
0x231: {  	v16 =	vadd.f32 v16, v28;
	_ =	sdelay $0x1  }
0x232: {  	v27 =	vadd.f32 v31, v27;
	v15 =	vadd.f32 v15, v16  }
0x233: {  	v54 =	vmul.f32 v13, v13;
	v55 =	vld.idx.msk [tilespmem:v8+s23+$0x0], $0xffff  }
0x234: {  	v56 =	vmul.f32 v19, v19;
	v23 =	vadd.f32 v23, v27;
	v11 =	vadd.f32 v11, v15;
	_ =	sdelay $0x1  }
0x235: {  	v57 =	vmul.f32 v20, v20;
	v16 =	vadd.f32 v54, v23;
	v11 =	vadd.f32 v56, v11  }
0x236: {  	v58 =	vmul.f32 v24, v24  }
0x237: {  	v59 =	vmul.f32 v55, v55;
	v12 =	vadd.f32 v12, v16;
	v11 =	vadd.f32 v57, v11;
	_ =	sdelay $0x1  }
0x238: {  	v12 =	vadd.f32 v59, v12;
	v11 =	vadd.f32 v58, v11;
	_ =	sdelay $0x1  }
0x239: {  	v11 =	vadd.f32 v12, v11;
	_ =	sdelay $0x1  }
0x23a: {  	v12 =	vshrl.u32 v11, $0x1;
	v11 =	vmul.f32 $5.000000000e-01, v11  }
0x23b: {  	v12 =	vsub.s32 $0x5F3759DF, v12  }
0x23c: {  	v60 =	vmul.f32 v12, v11;
	_ =	sdelay $0x1  }
0x23d: {  	v15 =	vmul.f32 v12, v60;
	_ =	sdelay $0x1  }
0x23e: {  	v15 =	vsub.f32 $1.500000000e+00, v15;
	_ =	sdelay $0x1  }
0x23f: {  	v12 =	vmul.f32 v12, v15;
	_ =	sdelay $0x1  }
0x240: {  	v15 =	vmul.f32 v12, v11  }
0x241: {  	v61 =	vadd.f32 v30, v29;
	v7 =	vmul.f32 v7, v25  }
0x242: {  	v15 =	vmul.f32 v15, v12  }
0x243: {  	v10 =	vadd.f32 v10, v61;
	v7 =	vadd.f32 v7, v22  }
0x244: {  	v8 =	vld.idx.msk [tilespmem:v8+s22+$0x0], $0xffff;
	v15 =	vsub.f32 $1.500000000e+00, v15  }
0x245: {  	v62 =	vld.idx.msk [tilespmem:v26+s22+$0x0], $0xffff;
	v9 =	vadd.f32 v9, v10;
	v10 =	vmul.f32 v21, v13;
	v7 =	vadd.f32 v14, v7  }
0x246: {  	v17 =	vmul.f32 v17, v19;
	v12 =	vmul.f32 v15, v12  }
0x247: {  	v7 =	vadd.f32 v10, v7  }
0x248: {  	v63 =	vmul.f32 v18, v20;
	v9 =	vadd.f32 v17, v9;
	v10 =	vmul.f32 v12, v11  }
0x249: {  	v8 =	vmul.f32 v8, v55;
	v5 =	vadd.f32 v5, v7  }
0x24a: {  	v9 =	vadd.f32 v63, v9;
	v11 =	vmul.f32 v62, v24;
	v7 =	vmul.f32 v10, v12  }
0x24b: {  	v5 =	vadd.f32 v8, v5  }
0x24c: {  	v9 =	vadd.f32 v11, v9;
	v7 =	vsub.f32 $1.500000000e+00, v7;
	_ =	sdelay $0x1  }
0x24d: {  	v5 =	vadd.f32 v5, v9;
	v7 =	vmul.f32 v7, v12;
	_ =	sdelay $0x1  }
0x24e: {  	v5 =	vmul.f32 v7, v5;
	_ =	sdelay $0x1  }
0x24f: {  	v5 =	vmul.f32 $1.442695020e+00, v5;
	_ =	sdelay $0x1  }
0x250: {  	(erf) = vpow2.f32 v5;
	_ =	sdelay $0x8  }
0x251: {  	v5 =	vpop (erf)  }
0x252: {  	[tilespmem:v6+s5+$0x0] =	vst.idx.add.f32.msk $0x1, v5  }
0x253: {  	[tilespmem:v6+s5+$0x0] =	vst.idx.add.f32.msk vm0, v5  }
0x254: {  	[tilespmem:v6+s5+$0x0] =	vst.idx.add.f32.msk vm1, v5  }
0x255: {  	[tilespmem:v6+s5+$0x0] =	vst.idx.add.f32.msk vm2, v5  }
0x256: {  	[tilespmem:v6+s5+$0x0] =	vst.idx.add.f32.msk vm3, v5  }
0x257: {  	[tilespmem:v6+s5+$0x0] =	vst.idx.add.f32.msk vm4, v5  }
0x258: {  	[tilespmem:v6+s5+$0x0] =	vst.idx.add.f32.msk vm5, v5  }
0x259: {  	[tilespmem:v6+s5+$0x0] =	vst.idx.add.f32.msk vm6, v5  }
0x25a: {  	[tilespmem:v6+s5+$0x0] =	vst.idx.add.f32.msk vm7, v5  }
0x25b: {  	[tilespmem:v6+s5+$0x0] =	vst.idx.add.f32.msk vm8, v5  }
0x25c: {  	s1 =	simm.s32 $0x0;
	[tilespmem:v6+s5+$0x0] =	vst.idx.add.f32.msk vm9, v5  }
0x25d: {  	v7 =	vor.u32 s1, v4;
	[tilespmem:v6+s5+$0x0] =	vst.idx.add.f32.msk vm10, v5  }
0x25e: {  	[tilespmem:v6+s5+$0x0] =	vst.idx.add.f32.msk vm11, v5  }
0x25f: {  	[tilespmem:v6+s5+$0x0] =	vst.idx.add.f32.msk vm12, v5  }
0x260: {  	[tilespmem:v6+s5+$0x0] =	vst.idx.add.f32.msk vm13, v5  }
0x261: {  	[tilespmem:v6+s5+$0x0] =	vst.idx.add.f32.msk vm14, v5  }
0x262: {  	s13 =	simm.s32 $0x1;
	v6 =	vld.idx.msk [tilespmem:v7+s23+$0x0], $0xffff  }
0x263: {  	v8 =	vadd.s32 s13, v0  }
0x264: {  	v8 =	vand.u32 $0x7F, v8  }
0x265: {  	v8 =	vor.u32 v3, v8;
	_ =	sdelay $0x1  }
0x266: {  	v6 =	vmul.f32 v6, v5;
	_ =	sdelay $0x1  }
0x267: {  	[tilespmem:v7+s23+$0x0] =	vst.idx.msk $0xffff, v6  }
0x268: {  	s14 =	simm.s32 $0x2;
	v6 =	vld.idx.msk [tilespmem:v8+s23+$0x0], $0xffff  }
0x269: {  	v7 =	vadd.s32 s14, v0  }
0x26a: {  	v7 =	vand.u32 $0x7F, v7  }
0x26b: {  	v7 =	vor.u32 v3, v7;
	_ =	sdelay $0x1  }
0x26c: {  	v6 =	vmul.f32 v6, v5;
	_ =	sdelay $0x1  }
0x26d: {  	[tilespmem:v8+s23+$0x0] =	vst.idx.msk $0xffff, v6  }
0x26e: {  	s16 =	simm.s32 $0x3;
	v6 =	vld.idx.msk [tilespmem:v7+s23+$0x0], $0xffff  }
0x26f: {  	v8 =	vadd.s32 s16, v0  }
0x270: {  	v8 =	vand.u32 $0x7F, v8  }
0x271: {  	v8 =	vor.u32 v3, v8;
	_ =	sdelay $0x1  }
0x272: {  	v6 =	vmul.f32 v6, v5;
	_ =	sdelay $0x1  }
0x273: {  	[tilespmem:v7+s23+$0x0] =	vst.idx.msk $0xffff, v6  }
0x274: {  	s26 =	simm.s32 $0x4;
	v6 =	vld.idx.msk [tilespmem:v8+s23+$0x0], $0xffff  }
0x275: {  	v7 =	vadd.s32 s26, v0  }
0x276: {  	v7 =	vand.u32 $0x7F, v7  }
0x277: {  	v7 =	vor.u32 v3, v7;
	_ =	sdelay $0x1  }
0x278: {  	v6 =	vmul.f32 v6, v5;
	_ =	sdelay $0x1  }
0x279: {  	[tilespmem:v8+s23+$0x0] =	vst.idx.msk $0xffff, v6  }
0x27a: {  	s28 =	simm.s32 $0x5;
	v6 =	vld.idx.msk [tilespmem:v7+s23+$0x0], $0xffff  }
0x27b: {  	v8 =	vadd.s32 s28, v0  }
0x27c: {  	v8 =	vand.u32 $0x7F, v8  }
0x27d: {  	v8 =	vor.u32 v3, v8;
	_ =	sdelay $0x1  }
0x27e: {  	v6 =	vmul.f32 v6, v5;
	_ =	sdelay $0x1  }
0x27f: {  	[tilespmem:v7+s23+$0x0] =	vst.idx.msk $0xffff, v6  }
0x280: {  	s29 =	simm.s32 $0x6;
	v6 =	vld.idx.msk [tilespmem:v8+s23+$0x0], $0xffff  }
0x281: {  	v7 =	vadd.s32 s29, v0  }
0x282: {  	v7 =	vand.u32 $0x7F, v7  }
0x283: {  	v7 =	vor.u32 v3, v7;
	_ =	sdelay $0x1  }
0x284: {  	v6 =	vmul.f32 v6, v5;
	_ =	sdelay $0x1  }
0x285: {  	[tilespmem:v8+s23+$0x0] =	vst.idx.msk $0xffff, v6  }
0x286: {  	s2 =	simm.s32 $0x7;
	v6 =	vld.idx.msk [tilespmem:v7+s23+$0x0], $0xffff  }
0x287: {  	v8 =	vadd.s32 s2, v0  }
0x288: {  	v8 =	vand.u32 $0x7F, v8  }
0x289: {  	v8 =	vor.u32 v3, v8;
	_ =	sdelay $0x1  }
0x28a: {  	v6 =	vmul.f32 v6, v5;
	_ =	sdelay $0x1  }
0x28b: {  	[tilespmem:v7+s23+$0x0] =	vst.idx.msk $0xffff, v6  }
0x28c: {  	s8 =	simm.s32 $0x8;
	v6 =	vld.idx.msk [tilespmem:v8+s23+$0x0], $0xffff  }
0x28d: {  	v7 =	vadd.s32 s8, v0  }
0x28e: {  	v7 =	vand.u32 $0x7F, v7  }
0x28f: {  	v7 =	vor.u32 v3, v7;
	_ =	sdelay $0x1  }
0x290: {  	v6 =	vmul.f32 v6, v5;
	_ =	sdelay $0x1  }
0x291: {  	[tilespmem:v8+s23+$0x0] =	vst.idx.msk $0xffff, v6  }
0x292: {  	s9 =	simm.s32 $0x9;
	v6 =	vld.idx.msk [tilespmem:v7+s23+$0x0], $0xffff  }
0x293: {  	v8 =	vadd.s32 s9, v0  }
0x294: {  	v8 =	vand.u32 $0x7F, v8  }
0x295: {  	v8 =	vor.u32 v3, v8;
	_ =	sdelay $0x1  }
0x296: {  	v6 =	vmul.f32 v6, v5;
	_ =	sdelay $0x1  }
0x297: {  	[tilespmem:v7+s23+$0x0] =	vst.idx.msk $0xffff, v6  }
0x298: {  	s10 =	simm.s32 $0xA;
	v6 =	vld.idx.msk [tilespmem:v8+s23+$0x0], $0xffff  }
0x299: {  	v7 =	vadd.s32 s10, v0  }
0x29a: {  	v7 =	vand.u32 $0x7F, v7  }
0x29b: {  	v7 =	vor.u32 v3, v7;
	_ =	sdelay $0x1  }
0x29c: {  	v6 =	vmul.f32 v6, v5;
	_ =	sdelay $0x1  }
0x29d: {  	[tilespmem:v8+s23+$0x0] =	vst.idx.msk $0xffff, v6  }
0x29e: {  	s13 =	simm.s32 $0xB;
	v6 =	vld.idx.msk [tilespmem:v7+s23+$0x0], $0xffff  }
0x29f: {  	v8 =	vadd.s32 s13, v0  }
0x2a0: {  	v8 =	vand.u32 $0x7F, v8  }
0x2a1: {  	v8 =	vor.u32 v3, v8;
	_ =	sdelay $0x1  }
0x2a2: {  	v6 =	vmul.f32 v6, v5;
	_ =	sdelay $0x1  }
0x2a3: {  	[tilespmem:v7+s23+$0x0] =	vst.idx.msk $0xffff, v6  }
0x2a4: {  	s14 =	simm.s32 $0xC;
	v6 =	vld.idx.msk [tilespmem:v8+s23+$0x0], $0xffff  }
0x2a5: {  	v7 =	vadd.s32 s14, v0  }
0x2a6: {  	v7 =	vand.u32 $0x7F, v7  }
0x2a7: {  	v7 =	vor.u32 v3, v7;
	_ =	sdelay $0x1  }
0x2a8: {  	v6 =	vmul.f32 v6, v5;
	_ =	sdelay $0x1  }
0x2a9: {  	[tilespmem:v8+s23+$0x0] =	vst.idx.msk $0xffff, v6  }
0x2aa: {  	s16 =	simm.s32 $0xD;
	v6 =	vld.idx.msk [tilespmem:v7+s23+$0x0], $0xffff  }
0x2ab: {  	v8 =	vadd.s32 s16, v0  }
0x2ac: {  	v8 =	vand.u32 $0x7F, v8  }
0x2ad: {  	v8 =	vor.u32 v3, v8;
	_ =	sdelay $0x1  }
0x2ae: {  	v6 =	vmul.f32 v6, v5;
	_ =	sdelay $0x1  }
0x2af: {  	[tilespmem:v7+s23+$0x0] =	vst.idx.msk $0xffff, v6  }
0x2b0: {  	s26 =	simm.s32 $0xE;
	v6 =	vld.idx.msk [tilespmem:v8+s23+$0x0], $0xffff  }
0x2b1: {  	v7 =	vadd.s32 s26, v0  }
0x2b2: {  	v7 =	vand.u32 $0x7F, v7  }
0x2b3: {  	v9 =	vor.u32 v3, v7;
	_ =	sdelay $0x1  }
0x2b4: {  	v6 =	vmul.f32 v6, v5;
	_ =	sdelay $0x1  }
0x2b5: {  	[tilespmem:v8+s23+$0x0] =	vst.idx.msk $0xffff, v6  }
0x2b6: {  	s28 =	simm.s32 $0xF;
	v6 =	vld.idx.msk [tilespmem:v9+s23+$0x0], $0xffff  }
0x2b7: {  	v7 =	vadd.s32 s28, v0  }
0x2b8: {  	v7 =	vand.u32 $0x7F, v7  }
0x2b9: {  	v7 =	vor.u32 v3, v7;
	_ =	sdelay $0x1  }
0x2ba: {  	v6 =	vmul.f32 v6, v5;
	_ =	sdelay $0x1  }
0x2bb: {  	[tilespmem:v9+s23+$0x0] =	vst.idx.msk $0xffff, v6  }
0x2bc: {  	v8 =	vld.idx.msk [tilespmem:v7+s23+$0x0], $0xffff;
	_ =	sdelay $0x1  }
0x2bd: {  	s29 =	simm.s32 $0x10  }
0x2be: {  	v6 =	vor.u32 s29, v4;
	_ =	sdelay $0x1  }
0x2bf: {  	s8 =	simm.s32 $0x1F;
	s9 =	simm.s32 $0x2;
	v8 =	vmul.f32 v8, v5  }
.LBB2_12:
0x2c0: {  	_ = 	snop  }
0x2c1: {  	s9 =	sadd.s32 $0x2, s9;
	[tilespmem:v7+s23+$0x0] =	vst.idx.msk $0xffff, v8  }
0x2c2: {  	p0 =	slt.u32 s9, $0xE;
	v7 =	vld.idx.msk [tilespmem:v6+s23+$0x0], $0xffff  }
0x2c3: {  	s1 =	sadd.s32 $0xFFFFFFF2, s8  }
0x2c4: {  	v8 =	vadd.s32 s1, v0  }
0x2c5: {  	v8 =	vand.u32 $0x7F, v8  }
0x2c6: {  	v8 =	vor.u32 v3, v8;
	_ =	sdelay $0x1  }
0x2c7: {  	v7 =	vmul.f32 v7, v5;
	_ =	sdelay $0x1  }
0x2c8: {  	[tilespmem:v6+s23+$0x0] =	vst.idx.msk $0xffff, v7  }
0x2c9: {  	v6 =	vld.idx.msk [tilespmem:v8+s23+$0x0], $0xffff  }
0x2ca: {  	s1 =	sadd.s32 $0xFFFFFFF3, s8  }
0x2cb: {  	v7 =	vadd.s32 s1, v0  }
0x2cc: {  	v7 =	vand.u32 $0x7F, v7  }
0x2cd: {  	v7 =	vor.u32 v3, v7;
	_ =	sdelay $0x1  }
0x2ce: {  	v6 =	vmul.f32 v6, v5;
	_ =	sdelay $0x1  }
0x2cf: {  	[tilespmem:v8+s23+$0x0] =	vst.idx.msk $0xffff, v6  }
0x2d0: {  	v6 =	vld.idx.msk [tilespmem:v7+s23+$0x0], $0xffff  }
0x2d1: {  	s1 =	sadd.s32 $0xFFFFFFF4, s8  }
0x2d2: {  	v8 =	vadd.s32 s1, v0  }
0x2d3: {  	v8 =	vand.u32 $0x7F, v8  }
0x2d4: {  	v8 =	vor.u32 v3, v8;
	_ =	sdelay $0x1  }
0x2d5: {  	v6 =	vmul.f32 v6, v5;
	_ =	sdelay $0x1  }
0x2d6: {  	[tilespmem:v7+s23+$0x0] =	vst.idx.msk $0xffff, v6  }
0x2d7: {  	v6 =	vld.idx.msk [tilespmem:v8+s23+$0x0], $0xffff  }
0x2d8: {  	s1 =	sadd.s32 $0xFFFFFFF5, s8  }
0x2d9: {  	v7 =	vadd.s32 s1, v0  }
0x2da: {  	v7 =	vand.u32 $0x7F, v7  }
0x2db: {  	v7 =	vor.u32 v3, v7;
	_ =	sdelay $0x1  }
0x2dc: {  	v6 =	vmul.f32 v6, v5;
	_ =	sdelay $0x1  }
0x2dd: {  	[tilespmem:v8+s23+$0x0] =	vst.idx.msk $0xffff, v6  }
0x2de: {  	v6 =	vld.idx.msk [tilespmem:v7+s23+$0x0], $0xffff  }
0x2df: {  	s1 =	sadd.s32 $0xFFFFFFF6, s8  }
0x2e0: {  	v8 =	vadd.s32 s1, v0  }
0x2e1: {  	v8 =	vand.u32 $0x7F, v8  }
0x2e2: {  	v8 =	vor.u32 v3, v8;
	_ =	sdelay $0x1  }
0x2e3: {  	v6 =	vmul.f32 v6, v5;
	_ =	sdelay $0x1  }
0x2e4: {  	[tilespmem:v7+s23+$0x0] =	vst.idx.msk $0xffff, v6  }
0x2e5: {  	v6 =	vld.idx.msk [tilespmem:v8+s23+$0x0], $0xffff  }
0x2e6: {  	s1 =	sadd.s32 $0xFFFFFFF7, s8  }
0x2e7: {  	v7 =	vadd.s32 s1, v0  }
0x2e8: {  	v7 =	vand.u32 $0x7F, v7  }
0x2e9: {  	v7 =	vor.u32 v3, v7;
	_ =	sdelay $0x1  }
0x2ea: {  	v6 =	vmul.f32 v6, v5;
	_ =	sdelay $0x1  }
0x2eb: {  	[tilespmem:v8+s23+$0x0] =	vst.idx.msk $0xffff, v6  }
0x2ec: {  	v6 =	vld.idx.msk [tilespmem:v7+s23+$0x0], $0xffff  }
0x2ed: {  	s1 =	sadd.s32 $0xFFFFFFF8, s8  }
0x2ee: {  	v8 =	vadd.s32 s1, v0  }
0x2ef: {  	v8 =	vand.u32 $0x7F, v8  }
0x2f0: {  	v8 =	vor.u32 v3, v8;
	_ =	sdelay $0x1  }
0x2f1: {  	v6 =	vmul.f32 v6, v5;
	_ =	sdelay $0x1  }
0x2f2: {  	[tilespmem:v7+s23+$0x0] =	vst.idx.msk $0xffff, v6  }
0x2f3: {  	v6 =	vld.idx.msk [tilespmem:v8+s23+$0x0], $0xffff  }
0x2f4: {  	s1 =	sadd.s32 $0xFFFFFFF9, s8  }
0x2f5: {  	v7 =	vadd.s32 s1, v0  }
0x2f6: {  	v7 =	vand.u32 $0x7F, v7  }
0x2f7: {  	v7 =	vor.u32 v3, v7;
	_ =	sdelay $0x1  }
0x2f8: {  	v6 =	vmul.f32 v6, v5;
	_ =	sdelay $0x1  }
0x2f9: {  	[tilespmem:v8+s23+$0x0] =	vst.idx.msk $0xffff, v6  }
0x2fa: {  	v6 =	vld.idx.msk [tilespmem:v7+s23+$0x0], $0xffff  }
0x2fb: {  	s1 =	sadd.s32 $0xFFFFFFFA, s8  }
0x2fc: {  	v8 =	vadd.s32 s1, v0  }
0x2fd: {  	v8 =	vand.u32 $0x7F, v8  }
0x2fe: {  	v8 =	vor.u32 v3, v8;
	_ =	sdelay $0x1  }
0x2ff: {  	v6 =	vmul.f32 v6, v5;
	_ =	sdelay $0x1  }
0x300: {  	[tilespmem:v7+s23+$0x0] =	vst.idx.msk $0xffff, v6  }
0x301: {  	v6 =	vld.idx.msk [tilespmem:v8+s23+$0x0], $0xffff  }
0x302: {  	s1 =	sadd.s32 $0xFFFFFFFB, s8  }
0x303: {  	v7 =	vadd.s32 s1, v0  }
0x304: {  	v7 =	vand.u32 $0x7F, v7  }
0x305: {  	v7 =	vor.u32 v3, v7;
	_ =	sdelay $0x1  }
0x306: {  	v6 =	vmul.f32 v6, v5;
	_ =	sdelay $0x1  }
0x307: {  	[tilespmem:v8+s23+$0x0] =	vst.idx.msk $0xffff, v6  }
0x308: {  	v6 =	vld.idx.msk [tilespmem:v7+s23+$0x0], $0xffff  }
0x309: {  	s1 =	sadd.s32 $0xFFFFFFFC, s8  }
0x30a: {  	v8 =	vadd.s32 s1, v0  }
0x30b: {  	v8 =	vand.u32 $0x7F, v8  }
0x30c: {  	v8 =	vor.u32 v3, v8;
	_ =	sdelay $0x1  }
0x30d: {  	v6 =	vmul.f32 v6, v5;
	_ =	sdelay $0x1  }
0x30e: {  	[tilespmem:v7+s23+$0x0] =	vst.idx.msk $0xffff, v6  }
0x30f: {  	v6 =	vld.idx.msk [tilespmem:v8+s23+$0x0], $0xffff  }
0x310: {  	s1 =	sadd.s32 $0xFFFFFFFD, s8  }
0x311: {  	v7 =	vadd.s32 s1, v0  }
0x312: {  	v7 =	vand.u32 $0x7F, v7  }
0x313: {  	v7 =	vor.u32 v3, v7;
	_ =	sdelay $0x1  }
0x314: {  	v6 =	vmul.f32 v6, v5;
	_ =	sdelay $0x1  }
0x315: {  	[tilespmem:v8+s23+$0x0] =	vst.idx.msk $0xffff, v6  }
0x316: {  	v6 =	vld.idx.msk [tilespmem:v7+s23+$0x0], $0xffff  }
0x317: {  	s1 =	sadd.s32 $0xFFFFFFFE, s8  }
0x318: {  	v8 =	vadd.s32 s1, v0  }
0x319: {  	v8 =	vand.u32 $0x7F, v8  }
0x31a: {  	v8 =	vor.u32 v3, v8;
	_ =	sdelay $0x1  }
0x31b: {  	v6 =	vmul.f32 v6, v5;
	_ =	sdelay $0x1  }
0x31c: {  	[tilespmem:v7+s23+$0x0] =	vst.idx.msk $0xffff, v6  }
0x31d: {  	v6 =	vld.idx.msk [tilespmem:v8+s23+$0x0], $0xffff  }
0x31e: {  	s1 =	sadd.s32 $0xFFFFFFFF, s8  }
0x31f: {  	v7 =	vadd.s32 s1, v0  }
0x320: {  	v7 =	vand.u32 $0x7F, v7  }
0x321: {  	v9 =	vor.u32 v3, v7;
	_ =	sdelay $0x1  }
0x322: {  	v6 =	vmul.f32 v6, v5;
	_ =	sdelay $0x1  }
0x323: {  	[tilespmem:v8+s23+$0x0] =	vst.idx.msk $0xffff, v6  }
0x324: {  	v6 =	vld.idx.msk [tilespmem:v9+s23+$0x0], $0xffff;
	_ =	sdelay $0x1  }
0x325: {  	v7 =	vadd.s32 s8, v0  }
0x326: {  	v7 =	vand.u32 $0x7F, v7  }
0x327: {  	v7 =	vor.u32 v3, v7;
	_ =	sdelay $0x1  }
0x328: {  	v6 =	vmul.f32 v6, v5;
	_ =	sdelay $0x1  }
0x329: {  	[tilespmem:v9+s23+$0x0] =	vst.idx.msk $0xffff, v6  }
0x32a: {  	v8 =	vld.idx.msk [tilespmem:v7+s23+$0x0], $0xffff;
	_ =	sdelay $0x1  }
.Ltmp4:
0x32b: {  	s8 =	sadd.s32 $0x10, s8;
	(pc) =	sbr.rel @p0 .LBB2_12-.Ltmp4, $3  }
0x32c: {  	s1 =	sadd.s32 $0xFFFFFFF1, s8  }
0x32d: {  	v6 =	vor.u32 s1, v4;
	_ =	sdelay $0x1  }
0x32e: {  	v8 =	vmul.f32 v8, v5  }
0x32f: {  	_ =	sdelay $0x3  }
0x330: {  	[tilespmem:v7+s23+$0x0] =	vst.idx.msk $0xffff, v8  }
0x331: {  	s1 =	sadd.s32 $0xFFFFFFF2, s8;
	v4 =	vld.idx.msk [tilespmem:v6+s23+$0x0], $0xffff  }
0x332: {  	v49 =	vadd.s32 s1, v0  }
0x333: {  	v7 =	vand.u32 $0x7F, v49  }
0x334: {  	v7 =	vor.u32 v3, v7;
	_ =	sdelay $0x1  }
0x335: {  	v4 =	vmul.f32 v4, v5;
	_ =	sdelay $0x1  }
0x336: {  	[tilespmem:v6+s23+$0x0] =	vst.idx.msk $0xffff, v4  }
0x337: {  	s16 =	sadd.s32 $0xFFFFFFF3, s8;
	v4 =	vld.idx.msk [tilespmem:v7+s23+$0x0], $0xffff  }
0x338: {  	v50 =	vadd.s32 s16, v0  }
0x339: {  	v6 =	vand.u32 $0x7F, v50  }
0x33a: {  	v6 =	vor.u32 v3, v6;
	_ =	sdelay $0x1  }
0x33b: {  	v4 =	vmul.f32 v4, v5;
	_ =	sdelay $0x1  }
0x33c: {  	[tilespmem:v7+s23+$0x0] =	vst.idx.msk $0xffff, v4  }
0x33d: {  	s26 =	sadd.s32 $0xFFFFFFF4, s8;
	v4 =	vld.idx.msk [tilespmem:v6+s23+$0x0], $0xffff  }
0x33e: {  	v51 =	vadd.s32 s26, v0  }
0x33f: {  	v7 =	vand.u32 $0x7F, v51  }
0x340: {  	v7 =	vor.u32 v3, v7;
	_ =	sdelay $0x1  }
0x341: {  	v4 =	vmul.f32 v4, v5;
	_ =	sdelay $0x1  }
0x342: {  	[tilespmem:v6+s23+$0x0] =	vst.idx.msk $0xffff, v4  }
0x343: {  	s28 =	sadd.s32 $0xFFFFFFF5, s8;
	v4 =	vld.idx.msk [tilespmem:v7+s23+$0x0], $0xffff  }
0x344: {  	v52 =	vadd.s32 s28, v0  }
0x345: {  	v6 =	vand.u32 $0x7F, v52  }
0x346: {  	v6 =	vor.u32 v3, v6;
	_ =	sdelay $0x1  }
0x347: {  	v4 =	vmul.f32 v4, v5;
	_ =	sdelay $0x1  }
0x348: {  	[tilespmem:v7+s23+$0x0] =	vst.idx.msk $0xffff, v4  }
0x349: {  	s29 =	sadd.s32 $0xFFFFFFF6, s8;
	v4 =	vld.idx.msk [tilespmem:v6+s23+$0x0], $0xffff  }
0x34a: {  	v53 =	vadd.s32 s29, v0  }
0x34b: {  	v7 =	vand.u32 $0x7F, v53  }
0x34c: {  	v7 =	vor.u32 v3, v7;
	_ =	sdelay $0x1  }
0x34d: {  	v4 =	vmul.f32 v4, v5;
	_ =	sdelay $0x1  }
0x34e: {  	[tilespmem:v6+s23+$0x0] =	vst.idx.msk $0xffff, v4  }
0x34f: {  	s2 =	sadd.s32 $0xFFFFFFF7, s8;
	v4 =	vld.idx.msk [tilespmem:v7+s23+$0x0], $0xffff  }
0x350: {  	v54 =	vadd.s32 s2, v0  }
0x351: {  	v6 =	vand.u32 $0x7F, v54  }
0x352: {  	v6 =	vor.u32 v3, v6;
	_ =	sdelay $0x1  }
0x353: {  	v4 =	vmul.f32 v4, v5;
	_ =	sdelay $0x1  }
0x354: {  	[tilespmem:v7+s23+$0x0] =	vst.idx.msk $0xffff, v4  }
0x355: {  	s9 =	sadd.s32 $0xFFFFFFF8, s8;
	v4 =	vld.idx.msk [tilespmem:v6+s23+$0x0], $0xffff  }
0x356: {  	v55 =	vadd.s32 s9, v0  }
0x357: {  	v7 =	vand.u32 $0x7F, v55  }
0x358: {  	v7 =	vor.u32 v3, v7;
	_ =	sdelay $0x1  }
0x359: {  	v4 =	vmul.f32 v4, v5;
	_ =	sdelay $0x1  }
0x35a: {  	[tilespmem:v6+s23+$0x0] =	vst.idx.msk $0xffff, v4  }
0x35b: {  	s10 =	sadd.s32 $0xFFFFFFF9, s8;
	v4 =	vld.idx.msk [tilespmem:v7+s23+$0x0], $0xffff  }
0x35c: {  	v56 =	vadd.s32 s10, v0  }
0x35d: {  	v6 =	vand.u32 $0x7F, v56  }
0x35e: {  	v6 =	vor.u32 v3, v6;
	_ =	sdelay $0x1  }
0x35f: {  	v4 =	vmul.f32 v4, v5;
	_ =	sdelay $0x1  }
0x360: {  	[tilespmem:v7+s23+$0x0] =	vst.idx.msk $0xffff, v4  }
0x361: {  	s13 =	sadd.s32 $0xFFFFFFFA, s8;
	v4 =	vld.idx.msk [tilespmem:v6+s23+$0x0], $0xffff  }
0x362: {  	v57 =	vadd.s32 s13, v0  }
0x363: {  	v7 =	vand.u32 $0x7F, v57  }
0x364: {  	v7 =	vor.u32 v3, v7;
	_ =	sdelay $0x1  }
0x365: {  	v4 =	vmul.f32 v4, v5;
	_ =	sdelay $0x1  }
0x366: {  	[tilespmem:v6+s23+$0x0] =	vst.idx.msk $0xffff, v4  }
0x367: {  	s14 =	sadd.s32 $0xFFFFFFFB, s8;
	v4 =	vld.idx.msk [tilespmem:v7+s23+$0x0], $0xffff  }
0x368: {  	v58 =	vadd.s32 s14, v0  }
0x369: {  	v6 =	vand.u32 $0x7F, v58  }
0x36a: {  	v6 =	vor.u32 v3, v6;
	_ =	sdelay $0x1  }
0x36b: {  	v4 =	vmul.f32 v4, v5;
	_ =	sdelay $0x1  }
0x36c: {  	[tilespmem:v7+s23+$0x0] =	vst.idx.msk $0xffff, v4  }
0x36d: {  	s16 =	sadd.s32 $0xFFFFFFFC, s8;
	v4 =	vld.idx.msk [tilespmem:v6+s23+$0x0], $0xffff  }
0x36e: {  	v59 =	vadd.s32 s16, v0  }
0x36f: {  	v7 =	vand.u32 $0x7F, v59  }
0x370: {  	v7 =	vor.u32 v3, v7;
	_ =	sdelay $0x1  }
0x371: {  	v4 =	vmul.f32 v4, v5;
	_ =	sdelay $0x1  }
0x372: {  	[tilespmem:v6+s23+$0x0] =	vst.idx.msk $0xffff, v4  }
0x373: {  	s26 =	sadd.s32 $0xFFFFFFFD, s8;
	v4 =	vld.idx.msk [tilespmem:v7+s23+$0x0], $0xffff  }
0x374: {  	v60 =	vadd.s32 s26, v0  }
0x375: {  	v6 =	vand.u32 $0x7F, v60  }
0x376: {  	v6 =	vor.u32 v3, v6;
	_ =	sdelay $0x1  }
0x377: {  	v4 =	vmul.f32 v4, v5;
	_ =	sdelay $0x1  }
0x378: {  	[tilespmem:v7+s23+$0x0] =	vst.idx.msk $0xffff, v4  }
0x379: {  	s28 =	sadd.s32 $0xFFFFFFFE, s8;
	v4 =	vld.idx.msk [tilespmem:v6+s23+$0x0], $0xffff  }
0x37a: {  	v61 =	vadd.s32 s28, v0  }
0x37b: {  	v7 =	vand.u32 $0x7F, v61  }
0x37c: {  	v7 =	vor.u32 v3, v7;
	_ =	sdelay $0x1  }
0x37d: {  	v4 =	vmul.f32 v4, v5;
	_ =	sdelay $0x1  }
0x37e: {  	[tilespmem:v6+s23+$0x0] =	vst.idx.msk $0xffff, v4  }
0x37f: {  	s29 =	sadd.s32 $0xFFFFFFFF, s8;
	v4 =	vld.idx.msk [tilespmem:v7+s23+$0x0], $0xffff  }
0x380: {  	v62 =	vadd.s32 s29, v0  }
0x381: {  	v6 =	vand.u32 $0x7F, v62  }
0x382: {  	v6 =	vor.u32 v3, v6;
	_ =	sdelay $0x1  }
0x383: {  	v4 =	vmul.f32 v4, v5;
	_ =	sdelay $0x1  }
0x384: {  	[tilespmem:v7+s23+$0x0] =	vst.idx.msk $0xffff, v4  }
0x385: {  	v4 =	vld.idx.msk [tilespmem:v6+s23+$0x0], $0xffff  }
0x386: {  	v63 =	vadd.s32 s8, v0  }
0x387: {  	v7 =	vand.u32 $0x7F, v63  }
0x388: {  	v3 =	vor.u32 v3, v7;
	_ =	sdelay $0x1  }
0x389: {  	v4 =	vmul.f32 v4, v5;
	_ =	sdelay $0x1  }
0x38a: {  	[tilespmem:v6+s23+$0x0] =	vst.idx.msk $0xffff, v4  }
0x38b: {  	v4 =	vld.idx.msk [tilespmem:v3+s23+$0x0], $0xffff  }
0x38c: {  	s6 =	sadd.s32 $0x1, s6  }
0x38d: {  	p0 =	sne.s32 s6, $0x4  }
.Ltmp5:
0x38e: {  	_ = 	snop;
	(pc) =	sbr.rel @p0 .LBB2_9-.Ltmp5, $3  }
0x38f: {  	_ = 	snop  }
0x390: {  	v4 =	vmul.f32 v4, v5;
	_ =	sdelay $0x1  }
0x391: {  	[tilespmem:v3+s23+$0x0] =	vst.idx.msk $0xffff, v4  }
0x392: {  	s31 =	sadd.s32 $0x1, s31  }
0x393: {  	p0 =	sne.s32 s31, $0x3  }
.Ltmp6:
0x394: {  	_ = 	snop;
	(pc) =	sbr.rel @p0 .LBB2_2-.Ltmp6, $4  }
0x395: {  	[spmem:s3] =	stream.indirect.scatter.add.f32 [tilespmem:s23], [sflag:$0x5], $0x80, s0, s17, $0xb8;
	[tilespmem:$0x1F000] =	vst v63  }
0x396: {  	_ =	swait.ge [sflag:s7], $0x2000  }
0x397: {  	[sflag:s7] =	ssyncset.done $0x0  }
0x398: {  	[sflag:s7] =	ssyncadd.s32 $0xFFFFE000  }
0x399: {  	_ =	swait.ge [sflag:s20], $0x2000  }
0x39a: {  	[sflag:s20] =	ssyncset.done $0x0  }
0x39b: {  	[sflag:s20] =	ssyncadd.s32 $0xFFFFE000  }
0x39c: {  	_ =	swait.ge [sflag:s21], $0x2000  }
0x39d: {  	[sflag:s21] =	ssyncset.done $0x0  }
0x39e: {  	s26 =	simm.s32 $0x780;
	[sflag:s21] =	ssyncadd.s32 $0xFFFFE000  }
0x39f: {  	[tilespmem:s22], [sflag:$0x3] =	stream.indirect.gather [hbm4b:s12+s17], $0x80, s26, s17, $0xb8;
	[tilespmem:$0x1F000] =	vst v63  }
0x3a0: {  	s0 =	simm.s32 $0x380  }
0x3a1: {  	[tilespmem:s23], [sflag:$0x4] =	stream.indirect.gather [hbm4b:s11+s17], $0x80, s0, s17, $0xb8;
	[tilespmem:$0x1F000] =	vst v63  }
0x3a2: {  	s0 =	simm.s32 $0x0  }
.LBB2_16:
0x3a3: {  	s1 =	sshll.u32 s0, $0x4  }
0x3a4: {  	s2 =	simm.s32 $0x3;
	v2 =	vmov s1  }
0x3a5: {  	s6 =	simm.s32 $0x1;
	v3 =	vadd.s32 s2, v0;
	v2 =	vshll.u32 v2, $0x7  }
0x3a6: {  	v4 =	vadd.s32 s6, v0;
	v3 =	vand.u32 $0x7F, v3;
	v2 =	vor.u32 v1, v2  }
0x3a7: {  	v4 =	vand.u32 $0x7F, v4;
	v6 =	vor.u32 v2, v3  }
0x3a8: {  	s28 =	simm.s32 $0x2;
	v4 =	vor.u32 v2, v4  }
0x3a9: {  	s29 =	simm.s32 $0x6;
	v8 =	vadd.s32 s28, v0  }
0x3aa: {  	v9 =	vadd.s32 s29, v0;
	v8 =	vand.u32 $0x7F, v8  }
0x3ab: {  	s10 =	simm.s32 $0x9;
	v5 =	vld [tilespmem:s1+$0x700];
	v9 =	vand.u32 $0x7F, v9;
	v8 =	vor.u32 v2, v8  }
0x3ac: {  	v19 =	vadd.s32 s10, v0;
	v9 =	vor.u32 v2, v9;
	v10 =	vld.idx.msk [tilespmem:v6+s18+$0x0], $0xffff  }
0x3ad: {  	v19 =	vand.u32 $0x7F, v19;
	v12 =	vld.idx.msk [tilespmem:v4+s18+$0x0], $0xffff  }
0x3ae: {  	v19 =	vor.u32 v2, v19;
	v14 =	vld.idx.msk [tilespmem:v6+s19+$0x0], $0xffff  }
0x3af: {  	v4 =	vld.idx.msk [tilespmem:v4+s19+$0x0], $0xffff  }
0x3b0: {  	s16 =	simm.s32 $0x0;
	s31 =	simm.s32 $0x4;
	v3 =	vor.u32 v0, v2;
	v17 =	vld.idx.msk [tilespmem:v8+s18+$0x0], $0xffff  }
0x3b1: {  	s6 =	simm.s32 $0x5;
	v11 =	vadd.s32 s31, v0;
	v7 =	vor.u32 s16, v3;
	v18 =	vld.idx.msk [tilespmem:v9+s18+$0x0], $0xffff  }
0x3b2: {  	v13 =	vadd.s32 s6, v0;
	v6 =	vand.u32 $0x7F, v11;
	v28 =	vld.idx.msk [tilespmem:v9+s19+$0x0], $0xffff  }
0x3b3: {  	v11 =	vand.u32 $0x7F, v13;
	v31 =	vld.idx.msk [tilespmem:v19+s18+$0x0], $0xffff;
	v13 =	vor.u32 v2, v6  }
0x3b4: {  	s8 =	simm.s32 $0x8;
	v8 =	vld.idx.msk [tilespmem:v8+s19+$0x0], $0xffff;
	v6 =	vor.u32 v2, v11  }
0x3b5: {  	v34 =	vld.idx.msk [tilespmem:v19+s19+$0x0], $0xffff;
	v11 =	vadd.s32 s8, v0  }
0x3b6: {  	s14 =	simm.s32 $0xB;
	v15 =	vld.idx.msk [tilespmem:v7+s18+$0x0], $0xffff;
	v11 =	vand.u32 $0x7F, v11  }
0x3b7: {  	s9 =	simm.s32 $0x7;
	v25 =	vimm.f32 $0.0e+00;
	v20 =	vadd.s32 s14, v0;
	s16 =	simm.s32 $0xA;
	v7 =	vld.idx.msk [tilespmem:v7+s19+$0x0], $0xffff;
	v11 =	vor.u32 v2, v11  }
0x3b8: {  	v16 =	vadd.s32 s9, v0;
	v20 =	vand.u32 $0x7F, v20;
	v9 =	vadd.s32 s16, v0;
	v21 =	vld.idx.msk [tilespmem:v13+s19+$0x0], $0xffff  }
0x3b9: {  	v16 =	vand.u32 $0x7F, v16;
	v20 =	vor.u32 v2, v20;
	v9 =	vand.u32 $0x7F, v9;
	v22 =	vld.idx.msk [tilespmem:v6+s18+$0x0], $0xffff  }
0x3ba: {  	s13 =	simm.s32 $0xD;
	v16 =	vor.u32 v2, v16;
	v32 =	vor.u32 v2, v9;
	v30 =	vmul.f32 v10, v14;
	v23 =	vld.idx.msk [tilespmem:v6+s19+$0x0], $0xffff  }
0x3bb: {  	s28 =	simm.s32 $0xC;
	v10 =	vmul.f32 v4, v4;
	v14 =	vmul.f32 v14, v14;
	v6 =	vadd.s32 s13, v0;
	v36 =	vld.idx.msk [tilespmem:v13+s18+$0x0], $0xffff  }
0x3bc: {  	s29 =	simm.s32 $0xF;
	v4 =	vmul.f32 v12, v4;
	v12 =	vadd.s32 s28, v0;
	v6 =	vand.u32 $0x7F, v6;
	v27 =	vld.idx.msk [tilespmem:v11+s18+$0x0], $0xffff  }
0x3bd: {  	v9 =	vand.u32 $0x7F, v12;
	v12 =	vadd.s32 s29, v0;
	v29 =	vld.idx.msk [tilespmem:v11+s19+$0x0], $0xffff;
	v11 =	vor.u32 v2, v6  }
0x3be: {  	v26 =	vmul.f32 v15, v7;
	v24 =	vmul.f32 v7, v7;
	v15 =	vand.u32 $0x7F, v12;
	v12 =	vld.idx.msk [tilespmem:v20+s19+$0x0], $0xffff  }
0x3bf: {  	v37 =	vmul.f32 v8, v8;
	v13 =	vmul.f32 v17, v8;
	v10 =	vadd.f32 v10, v25;
	v20 =	vld.idx.msk [tilespmem:v20+s18+$0x0], $0xffff  }
0x3c0: {  	s31 =	simm.s32 $0xE;
	v19 =	vor.u32 v2, v9;
	v9 =	vmul.f32 v18, v28;
	v18 =	vadd.f32 v24, v25;
	v24 =	vld.idx.msk [tilespmem:v16+s19+$0x0], $0xffff  }
0x3c1: {  	v4 =	vadd.f32 v4, v25;
	v6 =	vld.idx.msk [tilespmem:v16+s18+$0x0], $0xffff;
	v14 =	vadd.f32 v14, v10;
	v10 =	vadd.s32 s31, v0  }
0x3c2: {  	v7 =	vor.u32 v2, v15;
	v8 =	vadd.f32 v26, v25;
	v10 =	vand.u32 $0x7F, v10;
	v33 =	vld.idx.msk [tilespmem:v11+s19+$0x0], $0xffff  }
0x3c3: {  	v15 =	vmul.f32 v21, v21;
	v25 =	vor.u32 v2, v10;
	v35 =	vld.idx.msk [tilespmem:v11+s18+$0x0], $0xffff;
	v11 =	vmul.f32 v23, v23  }
0x3c4: {  	v16 =	vld.idx.msk [tilespmem:v32+s18+$0x0], $0xffff;
	v4 =	vadd.f32 v30, v4;
	v10 =	vmul.f32 v29, v29;
	v23 =	vmul.f32 v22, v23  }
0x3c5: {  	v17 =	vld.idx.msk [tilespmem:v19+s18+$0x0], $0xffff;
	v22 =	vmul.f32 v34, v34;
	v30 =	vmul.f32 v24, v24;
	v26 =	vadd.f32 v11, v14  }
0x3c6: {  	v19 =	vld.idx.msk [tilespmem:v19+s19+$0x0], $0xffff;
	v14 =	vmul.f32 v28, v28;
	v28 =	vadd.f32 v13, v8;
	v8 =	vmul.f32 v27, v29  }
0x3c7: {  	v13 =	vmul.f32 v31, v34;
	v27 =	vadd.f32 v37, v18;
	v29 =	vmul.f32 v36, v21;
	v18 =	vld.idx.msk [tilespmem:v32+s19+$0x0], $0xffff  }
0x3c8: {  	s6 =	simm.s32 $0x0;
	s8 =	simm.s32 $0x1F;
	v21 =	vadd.f32 v23, v4;
	v23 =	vld.idx.msk [tilespmem:v25+s19+$0x0], $0xffff;
	v11 =	vmul.f32 v33, v33;
	v4 =	vmul.f32 v35, v33  }
.LBB2_17:
0x3c9: {  	s1 =	sadd.s32 $0xFFFFFFF2, s8;
	s2 =	sadd.s32 $0xFFFFFFF4, s8;
	s9 =	sadd.s32 $0xFFFFFFF6, s8;
	v28 =	vadd.f32 v29, v28;
	v6 =	vmul.f32 v6, v24;
	v24 =	vmul.f32 v12, v12;
	v25 =	vld.idx.msk [tilespmem:v25+s18+$0x0], $0xffff  }
0x3ca: {  	s10 =	sadd.s32 $0xFFFFFFFA, s8;
	v12 =	vmul.f32 v20, v12;
	v29 =	vadd.s32 s1, v0;
	v31 =	vadd.s32 s2, v0;
	s2 =	sadd.s32 $0xFFFFFFF5, s8;
	s1 =	sadd.s32 $0xFFFFFFFE, s8;
	v20 =	vld.idx.msk [tilespmem:v7+s19+$0x0], $0xffff  }
0x3cb: {  	s13 =	sadd.s32 $0xFFFFFFF8, s8;
	s6 =	sadd.s32 $0x2, s6;
	v32 =	vmul.f32 v19, v19;
	v29 =	vand.u32 $0x7F, v29;
	v31 =	vand.u32 $0x7F, v31  }
0x3cc: {  	s14 =	sadd.s32 $0xFFFFFFF1, s8;
	s16 =	sadd.s32 $0xFFFFFFF3, s8;
	p0 =	slt.u32 s6, $0xE;
	v26 =	vadd.f32 v30, v26;
	v29 =	vor.u32 v2, v29;
	v31 =	vor.u32 v2, v31  }
0x3cd: {  	v30 =	vor.u32 s14, v3;
	v33 =	vadd.s32 s13, v0;
	v17 =	vmul.f32 v17, v19  }
0x3ce: {  	v19 =	vadd.s32 s16, v0;
	v34 =	vadd.s32 s2, v0;
	v35 =	vmul.f32 v23, v23  }
0x3cf: {  	v36 =	vadd.s32 s9, v0;
	s2 =	sadd.s32 $0xFFFFFFF7, s8;
	v33 =	vand.u32 $0x7F, v33;
	v37 =	vmul.f32 v18, v18  }
0x3d0: {  	v36 =	vand.u32 $0x7F, v36;
	v38 =	vadd.s32 s2, v0;
	v23 =	vmul.f32 v25, v23;
	v7 =	vld.idx.msk [tilespmem:v7+s18+$0x0], $0xffff  }
0x3d1: {  	v15 =	vadd.f32 v15, v27;
	v19 =	vand.u32 $0x7F, v19;
	v38 =	vand.u32 $0x7F, v38;
	v25 =	vld.idx.msk [tilespmem:v31+s18+$0x0], $0xffff  }
0x3d2: {  	v6 =	vadd.f32 v6, v21;
	v19 =	vor.u32 v2, v19;
	v38 =	vor.u32 v2, v38;
	v27 =	vld.idx.msk [tilespmem:v29+s18+$0x0], $0xffff  }
0x3d3: {  	v16 =	vmul.f32 v16, v18;
	v21 =	vld.idx.msk [tilespmem:v31+s19+$0x0], $0xffff;
	v31 =	vand.u32 $0x7F, v34;
	v34 =	vadd.s32 s10, v0  }
0x3d4: {  	v9 =	vadd.f32 v9, v28;
	s2 =	sadd.s32 $0xFFFFFFF9, s8;
	v22 =	vadd.f32 v22, v26;
	v18 =	vld.idx.msk [tilespmem:v29+s19+$0x0], $0xffff;
	v29 =	vor.u32 v2, v31  }
0x3d5: {  	v28 =	vor.u32 v2, v36;
	v6 =	vadd.f32 v13, v6;
	v31 =	vadd.s32 s2, v0;
	s2 =	sadd.s32 $0xFFFFFFFC, s8;
	v26 =	vld.idx.msk [tilespmem:v30+s18+$0x0], $0xffff  }
0x3d6: {  	v22 =	vadd.f32 v24, v22;
	v31 =	vand.u32 $0x7F, v31;
	v13 =	vld.idx.msk [tilespmem:v30+s19+$0x0], $0xffff;
	v30 =	vor.u32 v2, v33  }
0x3d7: {  	v36 =	vmul.f32 v20, v20;
	v31 =	vor.u32 v2, v31;
	v33 =	vadd.s32 s2, v0;
	v24 =	vld.idx.msk [tilespmem:v19+s18+$0x0], $0xffff  }
0x3d8: {  	v34 =	vand.u32 $0x7F, v34;
	v20 =	vmul.f32 v7, v20;
	v33 =	vand.u32 $0x7F, v33;
	v39 =	vld.idx.msk [tilespmem:v38+s18+$0x0], $0xffff  }
0x3d9: {  	v7 =	vadd.f32 v14, v15;
	v14 =	vadd.f32 v12, v6;
	v40 =	vmul.f32 v25, v21;
	v41 =	vld.idx.msk [tilespmem:v29+s19+$0x0], $0xffff  }
0x3da: {  	v11 =	vadd.f32 v11, v22;
	v15 =	vor.u32 v2, v34;
	s2 =	sadd.s32 $0xFFFFFFFB, s8;
	v25 =	vor.u32 v2, v33;
	v42 =	vld.idx.msk [tilespmem:v28+s18+$0x0], $0xffff  }
0x3db: {  	v8 =	vadd.f32 v8, v9;
	v6 =	vadd.s32 s1, v0;
	v12 =	vadd.s32 s2, v0;
	v22 =	vld.idx.msk [tilespmem:v28+s19+$0x0], $0xffff  }
0x3dc: {  	v6 =	vand.u32 $0x7F, v6;
	v7 =	vadd.f32 v10, v7;
	v9 =	vmul.f32 v18, v18;
	v33 =	vld.idx.msk [tilespmem:v31+s18+$0x0], $0xffff  }
0x3dd: {  	v8 =	vadd.f32 v16, v8;
	v10 =	vmul.f32 v21, v21;
	v28 =	vor.u32 v2, v6;
	v21 =	vld.idx.msk [tilespmem:v31+s19+$0x0], $0xffff  }
0x3de: {  	v11 =	vadd.f32 v36, v11;
	s1 =	sadd.s32 $0xFFFFFFFD, s8;
	v16 =	vmul.f32 v27, v18;
	v7 =	vadd.f32 v37, v7;
	v6 =	vld.idx.msk [tilespmem:v30+s18+$0x0], $0xffff  }
0x3df: {  	v8 =	vadd.f32 v17, v8;
	v12 =	vand.u32 $0x7F, v12;
	v27 =	vadd.s32 s1, v0;
	v18 =	vld.idx.msk [tilespmem:v38+s19+$0x0], $0xffff  }
0x3e0: {  	v34 =	vor.u32 v2, v12;
	v17 =	vand.u32 $0x7F, v27;
	v27 =	vadd.f32 v32, v7;
	v31 =	vld.idx.msk [tilespmem:v15+s18+$0x0], $0xffff  }
0x3e1: {  	v26 =	vmul.f32 v26, v13;
	v9 =	vadd.f32 v9, v11;
	v7 =	vadd.s32 s8, v0;
	v11 =	vld.idx.msk [tilespmem:v19+s19+$0x0], $0xffff  }
0x3e2: {  	v8 =	vadd.f32 v23, v8;
	v13 =	vmul.f32 v13, v13;
	v7 =	vand.u32 $0x7F, v7;
	v32 =	vld.idx.msk [tilespmem:v28+s19+$0x0], $0xffff  }
0x3e3: {  	v4 =	vadd.f32 v4, v14;
	s1 =	sadd.s32 $0xFFFFFFFF, s8;
	v7 =	vor.u32 v2, v7;
	v14 =	vadd.f32 v35, v27;
	v12 =	vld.idx.msk [tilespmem:v25+s19+$0x0], $0xffff  }
0x3e4: {  	v27 =	vor.u32 v2, v17;
	v19 =	vadd.f32 v10, v9;
	v10 =	vadd.s32 s1, v0;
	v23 =	vld.idx.msk [tilespmem:v15+s19+$0x0], $0xffff  }
0x3e5: {  	v4 =	vadd.f32 v20, v4;
	v15 =	vmul.f32 v41, v41;
	v9 =	vmul.f32 v39, v18;
	v35 =	vld.idx.msk [tilespmem:v28+s18+$0x0], $0xffff  }
0x3e6: {  	v36 =	vadd.f32 v13, v14;
	v13 =	vmul.f32 v22, v22;
	v14 =	vand.u32 $0x7F, v10;
	v29 =	vld.idx.msk [tilespmem:v29+s18+$0x0], $0xffff  }
0x3e7: {  	v4 =	vadd.f32 v16, v4;
	v16 =	vmul.f32 v24, v11;
	v37 =	vmul.f32 v11, v11;
	v24 =	vld.idx.msk [tilespmem:v30+s19+$0x0], $0xffff  }
0x3e8: {  	v8 =	vadd.f32 v26, v8;
	v10 =	vmul.f32 v21, v21;
	v20 =	vld.idx.msk [tilespmem:v25+s18+$0x0], $0xffff;
	v25 =	vor.u32 v2, v14  }
.Ltmp7:
0x3e9: {  	v26 =	vadd.f32 v13, v19;
	v11 =	vmul.f32 v32, v32;
	v14 =	vmul.f32 v18, v18;
	v17 =	vld.idx.msk [tilespmem:v27+s18+$0x0], $0xffff;
	(pc) =	sbr.rel @p0 .LBB2_17-.Ltmp7, $4  }
0x3ea: {  	v28 =	vadd.f32 v16, v8;
	v8 =	vmul.f32 v33, v21;
	v13 =	vmul.f32 v31, v23;
	v19 =	vld.idx.msk [tilespmem:v27+s19+$0x0], $0xffff  }
0x3eb: {  	v4 =	vadd.f32 v40, v4;
	v21 =	vmul.f32 v42, v22;
	v22 =	vmul.f32 v23, v23;
	v16 =	vld.idx.msk [tilespmem:v34+s18+$0x0], $0xffff  }
0x3ec: {  	v27 =	vadd.f32 v37, v36;
	v29 =	vmul.f32 v29, v41;
	v18 =	vld.idx.msk [tilespmem:v34+s19+$0x0], $0xffff  }
0x3ed: {  	s8 =	sadd.s32 $0x10, s8;
	v21 =	vadd.f32 v21, v4;
	v4 =	vmul.f32 v35, v32;
	v30 =	vmul.f32 v24, v24;
	v23 =	vld.idx.msk [tilespmem:v25+s19+$0x0], $0xffff  }
0x3ee: {  	_ = 	snop  }
0x3ef: {  	v15 =	vadd.f32 v15, v27;
	_ =	sdelay $0x1  }
0x3f0: {  	v26 =	vadd.f32 v30, v26;
	v14 =	vadd.f32 v14, v15  }
0x3f1: {  	v51 =	vmul.f32 v12, v12;
	v52 =	vld.idx.msk [tilespmem:v7+s19+$0x0], $0xffff  }
0x3f2: {  	v53 =	vmul.f32 v18, v18;
	v22 =	vadd.f32 v22, v26;
	v10 =	vadd.f32 v10, v14;
	_ =	sdelay $0x1  }
0x3f3: {  	v54 =	vmul.f32 v19, v19;
	v15 =	vadd.f32 v51, v22;
	v10 =	vadd.f32 v53, v10  }
0x3f4: {  	v55 =	vmul.f32 v23, v23  }
0x3f5: {  	v56 =	vmul.f32 v52, v52;
	v11 =	vadd.f32 v11, v15;
	v10 =	vadd.f32 v54, v10;
	_ =	sdelay $0x1  }
0x3f6: {  	v11 =	vadd.f32 v56, v11;
	v10 =	vadd.f32 v55, v10;
	_ =	sdelay $0x1  }
0x3f7: {  	v10 =	vadd.f32 v11, v10;
	_ =	sdelay $0x1  }
0x3f8: {  	v11 =	vshrl.u32 v10, $0x1;
	v10 =	vmul.f32 $5.000000000e-01, v10  }
0x3f9: {  	v11 =	vsub.s32 $0x5F3759DF, v11  }
0x3fa: {  	v57 =	vmul.f32 v11, v10;
	_ =	sdelay $0x1  }
0x3fb: {  	v14 =	vmul.f32 v11, v57;
	_ =	sdelay $0x1  }
0x3fc: {  	v14 =	vsub.f32 $1.500000000e+00, v14;
	_ =	sdelay $0x1  }
0x3fd: {  	v11 =	vmul.f32 v11, v14;
	_ =	sdelay $0x1  }
0x3fe: {  	v14 =	vmul.f32 v11, v10  }
0x3ff: {  	v58 =	vadd.f32 v29, v28  }
0x400: {  	v6 =	vmul.f32 v6, v24;
	v14 =	vmul.f32 v14, v11  }
0x401: {  	v9 =	vadd.f32 v9, v58  }
0x402: {  	v59 =	vld.idx.msk [tilespmem:v25+s18+$0x0], $0xffff;
	v6 =	vadd.f32 v6, v21;
	v14 =	vsub.f32 $1.500000000e+00, v14  }
0x403: {  	v7 =	vld.idx.msk [tilespmem:v7+s18+$0x0], $0xffff;
	v16 =	vmul.f32 v16, v18;
	v8 =	vadd.f32 v8, v9  }
0x404: {  	v60 =	vmul.f32 v20, v12;
	v6 =	vadd.f32 v13, v6;
	v11 =	vmul.f32 v14, v11  }
0x405: {  	v61 =	vmul.f32 v17, v19;
	v8 =	vadd.f32 v16, v8  }
0x406: {  	v6 =	vadd.f32 v60, v6;
	v62 =	vmul.f32 v11, v10  }
0x407: {  	v63 =	vmul.f32 v59, v23;
	v8 =	vadd.f32 v61, v8  }
0x408: {  	v7 =	vmul.f32 v7, v52;
	v4 =	vadd.f32 v4, v6;
	v6 =	vmul.f32 v62, v11  }
0x409: {  	v8 =	vadd.f32 v63, v8  }
0x40a: {  	v4 =	vadd.f32 v7, v4;
	v6 =	vsub.f32 $1.500000000e+00, v6;
	_ =	sdelay $0x1  }
0x40b: {  	v4 =	vadd.f32 v4, v8;
	v6 =	vmul.f32 v6, v11;
	_ =	sdelay $0x1  }
0x40c: {  	v4 =	vmul.f32 v6, v4;
	_ =	sdelay $0x1  }
0x40d: {  	v4 =	vmul.f32 $1.442695020e+00, v4;
	_ =	sdelay $0x1  }
0x40e: {  	(erf) = vpow2.f32 v4;
	_ =	sdelay $0x8  }
0x40f: {  	v4 =	vpop (erf)  }
0x410: {  	[tilespmem:v5+s5+$0x0] =	vst.idx.add.f32.msk $0x1, v4  }
0x411: {  	[tilespmem:v5+s5+$0x0] =	vst.idx.add.f32.msk vm0, v4  }
0x412: {  	[tilespmem:v5+s5+$0x0] =	vst.idx.add.f32.msk vm1, v4  }
0x413: {  	[tilespmem:v5+s5+$0x0] =	vst.idx.add.f32.msk vm2, v4  }
0x414: {  	[tilespmem:v5+s5+$0x0] =	vst.idx.add.f32.msk vm3, v4  }
0x415: {  	[tilespmem:v5+s5+$0x0] =	vst.idx.add.f32.msk vm4, v4  }
0x416: {  	[tilespmem:v5+s5+$0x0] =	vst.idx.add.f32.msk vm5, v4  }
0x417: {  	[tilespmem:v5+s5+$0x0] =	vst.idx.add.f32.msk vm6, v4  }
0x418: {  	[tilespmem:v5+s5+$0x0] =	vst.idx.add.f32.msk vm7, v4  }
0x419: {  	[tilespmem:v5+s5+$0x0] =	vst.idx.add.f32.msk vm8, v4  }
0x41a: {  	s1 =	simm.s32 $0x0;
	[tilespmem:v5+s5+$0x0] =	vst.idx.add.f32.msk vm9, v4  }
0x41b: {  	v6 =	vor.u32 s1, v3;
	[tilespmem:v5+s5+$0x0] =	vst.idx.add.f32.msk vm10, v4  }
0x41c: {  	[tilespmem:v5+s5+$0x0] =	vst.idx.add.f32.msk vm11, v4  }
0x41d: {  	[tilespmem:v5+s5+$0x0] =	vst.idx.add.f32.msk vm12, v4  }
0x41e: {  	[tilespmem:v5+s5+$0x0] =	vst.idx.add.f32.msk vm13, v4  }
0x41f: {  	[tilespmem:v5+s5+$0x0] =	vst.idx.add.f32.msk vm14, v4  }
0x420: {  	s14 =	simm.s32 $0x1;
	v5 =	vld.idx.msk [tilespmem:v6+s19+$0x0], $0xffff  }
0x421: {  	v7 =	vadd.s32 s14, v0  }
0x422: {  	v7 =	vand.u32 $0x7F, v7  }
0x423: {  	v7 =	vor.u32 v2, v7;
	_ =	sdelay $0x1  }
0x424: {  	v5 =	vmul.f32 v5, v4;
	_ =	sdelay $0x1  }
0x425: {  	[tilespmem:v6+s19+$0x0] =	vst.idx.msk $0xffff, v5  }
0x426: {  	s16 =	simm.s32 $0x2;
	v5 =	vld.idx.msk [tilespmem:v7+s19+$0x0], $0xffff  }
0x427: {  	v6 =	vadd.s32 s16, v0  }
0x428: {  	v6 =	vand.u32 $0x7F, v6  }
0x429: {  	v6 =	vor.u32 v2, v6;
	_ =	sdelay $0x1  }
0x42a: {  	v5 =	vmul.f32 v5, v4;
	_ =	sdelay $0x1  }
0x42b: {  	[tilespmem:v7+s19+$0x0] =	vst.idx.msk $0xffff, v5  }
0x42c: {  	s28 =	simm.s32 $0x3;
	v5 =	vld.idx.msk [tilespmem:v6+s19+$0x0], $0xffff  }
0x42d: {  	v7 =	vadd.s32 s28, v0  }
0x42e: {  	v7 =	vand.u32 $0x7F, v7  }
0x42f: {  	v7 =	vor.u32 v2, v7;
	_ =	sdelay $0x1  }
0x430: {  	v5 =	vmul.f32 v5, v4;
	_ =	sdelay $0x1  }
0x431: {  	[tilespmem:v6+s19+$0x0] =	vst.idx.msk $0xffff, v5  }
0x432: {  	s29 =	simm.s32 $0x4;
	v5 =	vld.idx.msk [tilespmem:v7+s19+$0x0], $0xffff  }
0x433: {  	v6 =	vadd.s32 s29, v0  }
0x434: {  	v6 =	vand.u32 $0x7F, v6  }
0x435: {  	v6 =	vor.u32 v2, v6;
	_ =	sdelay $0x1  }
0x436: {  	v5 =	vmul.f32 v5, v4;
	_ =	sdelay $0x1  }
0x437: {  	[tilespmem:v7+s19+$0x0] =	vst.idx.msk $0xffff, v5  }
0x438: {  	s31 =	simm.s32 $0x5;
	v5 =	vld.idx.msk [tilespmem:v6+s19+$0x0], $0xffff  }
0x439: {  	v7 =	vadd.s32 s31, v0  }
0x43a: {  	v7 =	vand.u32 $0x7F, v7  }
0x43b: {  	v7 =	vor.u32 v2, v7;
	_ =	sdelay $0x1  }
0x43c: {  	v5 =	vmul.f32 v5, v4;
	_ =	sdelay $0x1  }
0x43d: {  	[tilespmem:v6+s19+$0x0] =	vst.idx.msk $0xffff, v5  }
0x43e: {  	s2 =	simm.s32 $0x6;
	v5 =	vld.idx.msk [tilespmem:v7+s19+$0x0], $0xffff  }
0x43f: {  	v6 =	vadd.s32 s2, v0  }
0x440: {  	v6 =	vand.u32 $0x7F, v6  }
0x441: {  	v6 =	vor.u32 v2, v6;
	_ =	sdelay $0x1  }
0x442: {  	v5 =	vmul.f32 v5, v4;
	_ =	sdelay $0x1  }
0x443: {  	[tilespmem:v7+s19+$0x0] =	vst.idx.msk $0xffff, v5  }
0x444: {  	s6 =	simm.s32 $0x7;
	v5 =	vld.idx.msk [tilespmem:v6+s19+$0x0], $0xffff  }
0x445: {  	v7 =	vadd.s32 s6, v0  }
0x446: {  	v7 =	vand.u32 $0x7F, v7  }
0x447: {  	v7 =	vor.u32 v2, v7;
	_ =	sdelay $0x1  }
0x448: {  	v5 =	vmul.f32 v5, v4;
	_ =	sdelay $0x1  }
0x449: {  	[tilespmem:v6+s19+$0x0] =	vst.idx.msk $0xffff, v5  }
0x44a: {  	s8 =	simm.s32 $0x8;
	v5 =	vld.idx.msk [tilespmem:v7+s19+$0x0], $0xffff  }
0x44b: {  	v6 =	vadd.s32 s8, v0  }
0x44c: {  	v6 =	vand.u32 $0x7F, v6  }
0x44d: {  	v6 =	vor.u32 v2, v6;
	_ =	sdelay $0x1  }
0x44e: {  	v5 =	vmul.f32 v5, v4;
	_ =	sdelay $0x1  }
0x44f: {  	[tilespmem:v7+s19+$0x0] =	vst.idx.msk $0xffff, v5  }
0x450: {  	s9 =	simm.s32 $0x9;
	v5 =	vld.idx.msk [tilespmem:v6+s19+$0x0], $0xffff  }
0x451: {  	v7 =	vadd.s32 s9, v0  }
0x452: {  	v7 =	vand.u32 $0x7F, v7  }
0x453: {  	v7 =	vor.u32 v2, v7;
	_ =	sdelay $0x1  }
0x454: {  	v5 =	vmul.f32 v5, v4;
	_ =	sdelay $0x1  }
0x455: {  	[tilespmem:v6+s19+$0x0] =	vst.idx.msk $0xffff, v5  }
0x456: {  	s10 =	simm.s32 $0xA;
	v5 =	vld.idx.msk [tilespmem:v7+s19+$0x0], $0xffff  }
0x457: {  	v6 =	vadd.s32 s10, v0  }
0x458: {  	v6 =	vand.u32 $0x7F, v6  }
0x459: {  	v6 =	vor.u32 v2, v6;
	_ =	sdelay $0x1  }
0x45a: {  	v5 =	vmul.f32 v5, v4;
	_ =	sdelay $0x1  }
0x45b: {  	[tilespmem:v7+s19+$0x0] =	vst.idx.msk $0xffff, v5  }
0x45c: {  	s13 =	simm.s32 $0xB;
	v5 =	vld.idx.msk [tilespmem:v6+s19+$0x0], $0xffff  }
0x45d: {  	v7 =	vadd.s32 s13, v0  }
0x45e: {  	v7 =	vand.u32 $0x7F, v7  }
0x45f: {  	v7 =	vor.u32 v2, v7;
	_ =	sdelay $0x1  }
0x460: {  	v5 =	vmul.f32 v5, v4;
	_ =	sdelay $0x1  }
0x461: {  	[tilespmem:v6+s19+$0x0] =	vst.idx.msk $0xffff, v5  }
0x462: {  	s14 =	simm.s32 $0xC;
	v5 =	vld.idx.msk [tilespmem:v7+s19+$0x0], $0xffff  }
0x463: {  	v6 =	vadd.s32 s14, v0  }
0x464: {  	v6 =	vand.u32 $0x7F, v6  }
0x465: {  	v6 =	vor.u32 v2, v6;
	_ =	sdelay $0x1  }
0x466: {  	v5 =	vmul.f32 v5, v4;
	_ =	sdelay $0x1  }
0x467: {  	[tilespmem:v7+s19+$0x0] =	vst.idx.msk $0xffff, v5  }
0x468: {  	s16 =	simm.s32 $0xD;
	v5 =	vld.idx.msk [tilespmem:v6+s19+$0x0], $0xffff  }
0x469: {  	v7 =	vadd.s32 s16, v0  }
0x46a: {  	v7 =	vand.u32 $0x7F, v7  }
0x46b: {  	v7 =	vor.u32 v2, v7;
	_ =	sdelay $0x1  }
0x46c: {  	v5 =	vmul.f32 v5, v4;
	_ =	sdelay $0x1  }
0x46d: {  	[tilespmem:v6+s19+$0x0] =	vst.idx.msk $0xffff, v5  }
0x46e: {  	s28 =	simm.s32 $0xE;
	v5 =	vld.idx.msk [tilespmem:v7+s19+$0x0], $0xffff  }
0x46f: {  	v6 =	vadd.s32 s28, v0  }
0x470: {  	v6 =	vand.u32 $0x7F, v6  }
0x471: {  	v8 =	vor.u32 v2, v6;
	_ =	sdelay $0x1  }
0x472: {  	v5 =	vmul.f32 v5, v4;
	_ =	sdelay $0x1  }
0x473: {  	[tilespmem:v7+s19+$0x0] =	vst.idx.msk $0xffff, v5  }
0x474: {  	s29 =	simm.s32 $0xF;
	v5 =	vld.idx.msk [tilespmem:v8+s19+$0x0], $0xffff  }
0x475: {  	v6 =	vadd.s32 s29, v0  }
0x476: {  	v6 =	vand.u32 $0x7F, v6  }
0x477: {  	v6 =	vor.u32 v2, v6;
	_ =	sdelay $0x1  }
0x478: {  	v5 =	vmul.f32 v5, v4;
	_ =	sdelay $0x1  }
0x479: {  	[tilespmem:v8+s19+$0x0] =	vst.idx.msk $0xffff, v5  }
0x47a: {  	v7 =	vld.idx.msk [tilespmem:v6+s19+$0x0], $0xffff;
	_ =	sdelay $0x1  }
0x47b: {  	s31 =	simm.s32 $0x10  }
0x47c: {  	v5 =	vor.u32 s31, v3;
	_ =	sdelay $0x1  }
0x47d: {  	s6 =	simm.s32 $0x1F;
	s8 =	simm.s32 $0x2;
	v7 =	vmul.f32 v7, v4  }
.LBB2_19:
0x47e: {  	_ = 	snop  }
0x47f: {  	s8 =	sadd.s32 $0x2, s8;
	[tilespmem:v6+s19+$0x0] =	vst.idx.msk $0xffff, v7  }
0x480: {  	p0 =	slt.u32 s8, $0xE;
	v6 =	vld.idx.msk [tilespmem:v5+s19+$0x0], $0xffff  }
0x481: {  	s1 =	sadd.s32 $0xFFFFFFF2, s6  }
0x482: {  	v7 =	vadd.s32 s1, v0  }
0x483: {  	v7 =	vand.u32 $0x7F, v7  }
0x484: {  	v7 =	vor.u32 v2, v7;
	_ =	sdelay $0x1  }
0x485: {  	v6 =	vmul.f32 v6, v4;
	_ =	sdelay $0x1  }
0x486: {  	[tilespmem:v5+s19+$0x0] =	vst.idx.msk $0xffff, v6  }
0x487: {  	v5 =	vld.idx.msk [tilespmem:v7+s19+$0x0], $0xffff  }
0x488: {  	s1 =	sadd.s32 $0xFFFFFFF3, s6  }
0x489: {  	v6 =	vadd.s32 s1, v0  }
0x48a: {  	v6 =	vand.u32 $0x7F, v6  }
0x48b: {  	v6 =	vor.u32 v2, v6;
	_ =	sdelay $0x1  }
0x48c: {  	v5 =	vmul.f32 v5, v4;
	_ =	sdelay $0x1  }
0x48d: {  	[tilespmem:v7+s19+$0x0] =	vst.idx.msk $0xffff, v5  }
0x48e: {  	v5 =	vld.idx.msk [tilespmem:v6+s19+$0x0], $0xffff  }
0x48f: {  	s1 =	sadd.s32 $0xFFFFFFF4, s6  }
0x490: {  	v7 =	vadd.s32 s1, v0  }
0x491: {  	v7 =	vand.u32 $0x7F, v7  }
0x492: {  	v7 =	vor.u32 v2, v7;
	_ =	sdelay $0x1  }
0x493: {  	v5 =	vmul.f32 v5, v4;
	_ =	sdelay $0x1  }
0x494: {  	[tilespmem:v6+s19+$0x0] =	vst.idx.msk $0xffff, v5  }
0x495: {  	v5 =	vld.idx.msk [tilespmem:v7+s19+$0x0], $0xffff  }
0x496: {  	s1 =	sadd.s32 $0xFFFFFFF5, s6  }
0x497: {  	v6 =	vadd.s32 s1, v0  }
0x498: {  	v6 =	vand.u32 $0x7F, v6  }
0x499: {  	v6 =	vor.u32 v2, v6;
	_ =	sdelay $0x1  }
0x49a: {  	v5 =	vmul.f32 v5, v4;
	_ =	sdelay $0x1  }
0x49b: {  	[tilespmem:v7+s19+$0x0] =	vst.idx.msk $0xffff, v5  }
0x49c: {  	v5 =	vld.idx.msk [tilespmem:v6+s19+$0x0], $0xffff  }
0x49d: {  	s1 =	sadd.s32 $0xFFFFFFF6, s6  }
0x49e: {  	v7 =	vadd.s32 s1, v0  }
0x49f: {  	v7 =	vand.u32 $0x7F, v7  }
0x4a0: {  	v7 =	vor.u32 v2, v7;
	_ =	sdelay $0x1  }
0x4a1: {  	v5 =	vmul.f32 v5, v4;
	_ =	sdelay $0x1  }
0x4a2: {  	[tilespmem:v6+s19+$0x0] =	vst.idx.msk $0xffff, v5  }
0x4a3: {  	v5 =	vld.idx.msk [tilespmem:v7+s19+$0x0], $0xffff  }
0x4a4: {  	s1 =	sadd.s32 $0xFFFFFFF7, s6  }
0x4a5: {  	v6 =	vadd.s32 s1, v0  }
0x4a6: {  	v6 =	vand.u32 $0x7F, v6  }
0x4a7: {  	v6 =	vor.u32 v2, v6;
	_ =	sdelay $0x1  }
0x4a8: {  	v5 =	vmul.f32 v5, v4;
	_ =	sdelay $0x1  }
0x4a9: {  	[tilespmem:v7+s19+$0x0] =	vst.idx.msk $0xffff, v5  }
0x4aa: {  	v5 =	vld.idx.msk [tilespmem:v6+s19+$0x0], $0xffff  }
0x4ab: {  	s1 =	sadd.s32 $0xFFFFFFF8, s6  }
0x4ac: {  	v7 =	vadd.s32 s1, v0  }
0x4ad: {  	v7 =	vand.u32 $0x7F, v7  }
0x4ae: {  	v7 =	vor.u32 v2, v7;
	_ =	sdelay $0x1  }
0x4af: {  	v5 =	vmul.f32 v5, v4;
	_ =	sdelay $0x1  }
0x4b0: {  	[tilespmem:v6+s19+$0x0] =	vst.idx.msk $0xffff, v5  }
0x4b1: {  	v5 =	vld.idx.msk [tilespmem:v7+s19+$0x0], $0xffff  }
0x4b2: {  	s1 =	sadd.s32 $0xFFFFFFF9, s6  }
0x4b3: {  	v6 =	vadd.s32 s1, v0  }
0x4b4: {  	v6 =	vand.u32 $0x7F, v6  }
0x4b5: {  	v6 =	vor.u32 v2, v6;
	_ =	sdelay $0x1  }
0x4b6: {  	v5 =	vmul.f32 v5, v4;
	_ =	sdelay $0x1  }
0x4b7: {  	[tilespmem:v7+s19+$0x0] =	vst.idx.msk $0xffff, v5  }
0x4b8: {  	v5 =	vld.idx.msk [tilespmem:v6+s19+$0x0], $0xffff  }
0x4b9: {  	s1 =	sadd.s32 $0xFFFFFFFA, s6  }
0x4ba: {  	v7 =	vadd.s32 s1, v0  }
0x4bb: {  	v7 =	vand.u32 $0x7F, v7  }
0x4bc: {  	v7 =	vor.u32 v2, v7;
	_ =	sdelay $0x1  }
0x4bd: {  	v5 =	vmul.f32 v5, v4;
	_ =	sdelay $0x1  }
0x4be: {  	[tilespmem:v6+s19+$0x0] =	vst.idx.msk $0xffff, v5  }
0x4bf: {  	v5 =	vld.idx.msk [tilespmem:v7+s19+$0x0], $0xffff  }
0x4c0: {  	s1 =	sadd.s32 $0xFFFFFFFB, s6  }
0x4c1: {  	v6 =	vadd.s32 s1, v0  }
0x4c2: {  	v6 =	vand.u32 $0x7F, v6  }
0x4c3: {  	v6 =	vor.u32 v2, v6;
	_ =	sdelay $0x1  }
0x4c4: {  	v5 =	vmul.f32 v5, v4;
	_ =	sdelay $0x1  }
0x4c5: {  	[tilespmem:v7+s19+$0x0] =	vst.idx.msk $0xffff, v5  }
0x4c6: {  	v5 =	vld.idx.msk [tilespmem:v6+s19+$0x0], $0xffff  }
0x4c7: {  	s1 =	sadd.s32 $0xFFFFFFFC, s6  }
0x4c8: {  	v7 =	vadd.s32 s1, v0  }
0x4c9: {  	v7 =	vand.u32 $0x7F, v7  }
0x4ca: {  	v7 =	vor.u32 v2, v7;
	_ =	sdelay $0x1  }
0x4cb: {  	v5 =	vmul.f32 v5, v4;
	_ =	sdelay $0x1  }
0x4cc: {  	[tilespmem:v6+s19+$0x0] =	vst.idx.msk $0xffff, v5  }
0x4cd: {  	v5 =	vld.idx.msk [tilespmem:v7+s19+$0x0], $0xffff  }
0x4ce: {  	s1 =	sadd.s32 $0xFFFFFFFD, s6  }
0x4cf: {  	v6 =	vadd.s32 s1, v0  }
0x4d0: {  	v6 =	vand.u32 $0x7F, v6  }
0x4d1: {  	v6 =	vor.u32 v2, v6;
	_ =	sdelay $0x1  }
0x4d2: {  	v5 =	vmul.f32 v5, v4;
	_ =	sdelay $0x1  }
0x4d3: {  	[tilespmem:v7+s19+$0x0] =	vst.idx.msk $0xffff, v5  }
0x4d4: {  	v5 =	vld.idx.msk [tilespmem:v6+s19+$0x0], $0xffff  }
0x4d5: {  	s1 =	sadd.s32 $0xFFFFFFFE, s6  }
0x4d6: {  	v7 =	vadd.s32 s1, v0  }
0x4d7: {  	v7 =	vand.u32 $0x7F, v7  }
0x4d8: {  	v7 =	vor.u32 v2, v7;
	_ =	sdelay $0x1  }
0x4d9: {  	v5 =	vmul.f32 v5, v4;
	_ =	sdelay $0x1  }
0x4da: {  	[tilespmem:v6+s19+$0x0] =	vst.idx.msk $0xffff, v5  }
0x4db: {  	v5 =	vld.idx.msk [tilespmem:v7+s19+$0x0], $0xffff  }
0x4dc: {  	s1 =	sadd.s32 $0xFFFFFFFF, s6  }
0x4dd: {  	v6 =	vadd.s32 s1, v0  }
0x4de: {  	v6 =	vand.u32 $0x7F, v6  }
0x4df: {  	v8 =	vor.u32 v2, v6;
	_ =	sdelay $0x1  }
0x4e0: {  	v5 =	vmul.f32 v5, v4;
	_ =	sdelay $0x1  }
0x4e1: {  	[tilespmem:v7+s19+$0x0] =	vst.idx.msk $0xffff, v5  }
0x4e2: {  	v5 =	vld.idx.msk [tilespmem:v8+s19+$0x0], $0xffff;
	_ =	sdelay $0x1  }
0x4e3: {  	v6 =	vadd.s32 s6, v0  }
0x4e4: {  	v6 =	vand.u32 $0x7F, v6  }
0x4e5: {  	v6 =	vor.u32 v2, v6;
	_ =	sdelay $0x1  }
0x4e6: {  	v5 =	vmul.f32 v5, v4;
	_ =	sdelay $0x1  }
0x4e7: {  	[tilespmem:v8+s19+$0x0] =	vst.idx.msk $0xffff, v5  }
0x4e8: {  	v7 =	vld.idx.msk [tilespmem:v6+s19+$0x0], $0xffff;
	_ =	sdelay $0x1  }
.Ltmp8:
0x4e9: {  	s6 =	sadd.s32 $0x10, s6;
	(pc) =	sbr.rel @p0 .LBB2_19-.Ltmp8, $3  }
0x4ea: {  	s1 =	sadd.s32 $0xFFFFFFF1, s6  }
0x4eb: {  	v5 =	vor.u32 s1, v3;
	_ =	sdelay $0x1  }
0x4ec: {  	v7 =	vmul.f32 v7, v4  }
0x4ed: {  	_ =	sdelay $0x3  }
0x4ee: {  	[tilespmem:v6+s19+$0x0] =	vst.idx.msk $0xffff, v7  }
0x4ef: {  	s1 =	sadd.s32 $0xFFFFFFF2, s6;
	v3 =	vld.idx.msk [tilespmem:v5+s19+$0x0], $0xffff  }
0x4f0: {  	v49 =	vadd.s32 s1, v0  }
0x4f1: {  	v6 =	vand.u32 $0x7F, v49  }
0x4f2: {  	v6 =	vor.u32 v2, v6;
	_ =	sdelay $0x1  }
0x4f3: {  	v3 =	vmul.f32 v3, v4;
	_ =	sdelay $0x1  }
0x4f4: {  	[tilespmem:v5+s19+$0x0] =	vst.idx.msk $0xffff, v3  }
0x4f5: {  	s28 =	sadd.s32 $0xFFFFFFF3, s6;
	v3 =	vld.idx.msk [tilespmem:v6+s19+$0x0], $0xffff  }
0x4f6: {  	v50 =	vadd.s32 s28, v0  }
0x4f7: {  	v5 =	vand.u32 $0x7F, v50  }
0x4f8: {  	v5 =	vor.u32 v2, v5;
	_ =	sdelay $0x1  }
0x4f9: {  	v3 =	vmul.f32 v3, v4;
	_ =	sdelay $0x1  }
0x4fa: {  	[tilespmem:v6+s19+$0x0] =	vst.idx.msk $0xffff, v3  }
0x4fb: {  	s29 =	sadd.s32 $0xFFFFFFF4, s6;
	v3 =	vld.idx.msk [tilespmem:v5+s19+$0x0], $0xffff  }
0x4fc: {  	v51 =	vadd.s32 s29, v0  }
0x4fd: {  	v6 =	vand.u32 $0x7F, v51  }
0x4fe: {  	v6 =	vor.u32 v2, v6;
	_ =	sdelay $0x1  }
0x4ff: {  	v3 =	vmul.f32 v3, v4;
	_ =	sdelay $0x1  }
0x500: {  	[tilespmem:v5+s19+$0x0] =	vst.idx.msk $0xffff, v3  }
0x501: {  	s31 =	sadd.s32 $0xFFFFFFF5, s6;
	v3 =	vld.idx.msk [tilespmem:v6+s19+$0x0], $0xffff  }
0x502: {  	v52 =	vadd.s32 s31, v0  }
0x503: {  	v5 =	vand.u32 $0x7F, v52  }
0x504: {  	v5 =	vor.u32 v2, v5;
	_ =	sdelay $0x1  }
0x505: {  	v3 =	vmul.f32 v3, v4;
	_ =	sdelay $0x1  }
0x506: {  	[tilespmem:v6+s19+$0x0] =	vst.idx.msk $0xffff, v3  }
0x507: {  	s2 =	sadd.s32 $0xFFFFFFF6, s6;
	v3 =	vld.idx.msk [tilespmem:v5+s19+$0x0], $0xffff  }
0x508: {  	v53 =	vadd.s32 s2, v0  }
0x509: {  	v6 =	vand.u32 $0x7F, v53  }
0x50a: {  	v6 =	vor.u32 v2, v6;
	_ =	sdelay $0x1  }
0x50b: {  	v3 =	vmul.f32 v3, v4;
	_ =	sdelay $0x1  }
0x50c: {  	[tilespmem:v5+s19+$0x0] =	vst.idx.msk $0xffff, v3  }
0x50d: {  	s8 =	sadd.s32 $0xFFFFFFF7, s6;
	v3 =	vld.idx.msk [tilespmem:v6+s19+$0x0], $0xffff  }
0x50e: {  	v54 =	vadd.s32 s8, v0  }
0x50f: {  	v5 =	vand.u32 $0x7F, v54  }
0x510: {  	v5 =	vor.u32 v2, v5;
	_ =	sdelay $0x1  }
0x511: {  	v3 =	vmul.f32 v3, v4;
	_ =	sdelay $0x1  }
0x512: {  	[tilespmem:v6+s19+$0x0] =	vst.idx.msk $0xffff, v3  }
0x513: {  	s9 =	sadd.s32 $0xFFFFFFF8, s6;
	v3 =	vld.idx.msk [tilespmem:v5+s19+$0x0], $0xffff  }
0x514: {  	v55 =	vadd.s32 s9, v0  }
0x515: {  	v6 =	vand.u32 $0x7F, v55  }
0x516: {  	v6 =	vor.u32 v2, v6;
	_ =	sdelay $0x1  }
0x517: {  	v3 =	vmul.f32 v3, v4;
	_ =	sdelay $0x1  }
0x518: {  	[tilespmem:v5+s19+$0x0] =	vst.idx.msk $0xffff, v3  }
0x519: {  	s10 =	sadd.s32 $0xFFFFFFF9, s6;
	v3 =	vld.idx.msk [tilespmem:v6+s19+$0x0], $0xffff  }
0x51a: {  	v56 =	vadd.s32 s10, v0  }
0x51b: {  	v5 =	vand.u32 $0x7F, v56  }
0x51c: {  	v5 =	vor.u32 v2, v5;
	_ =	sdelay $0x1  }
0x51d: {  	v3 =	vmul.f32 v3, v4;
	_ =	sdelay $0x1  }
0x51e: {  	[tilespmem:v6+s19+$0x0] =	vst.idx.msk $0xffff, v3  }
0x51f: {  	s13 =	sadd.s32 $0xFFFFFFFA, s6;
	v3 =	vld.idx.msk [tilespmem:v5+s19+$0x0], $0xffff  }
0x520: {  	v57 =	vadd.s32 s13, v0  }
0x521: {  	v6 =	vand.u32 $0x7F, v57  }
0x522: {  	v6 =	vor.u32 v2, v6;
	_ =	sdelay $0x1  }
0x523: {  	v3 =	vmul.f32 v3, v4;
	_ =	sdelay $0x1  }
0x524: {  	[tilespmem:v5+s19+$0x0] =	vst.idx.msk $0xffff, v3  }
0x525: {  	s14 =	sadd.s32 $0xFFFFFFFB, s6;
	v3 =	vld.idx.msk [tilespmem:v6+s19+$0x0], $0xffff  }
0x526: {  	v58 =	vadd.s32 s14, v0  }
0x527: {  	v5 =	vand.u32 $0x7F, v58  }
0x528: {  	v5 =	vor.u32 v2, v5;
	_ =	sdelay $0x1  }
0x529: {  	v3 =	vmul.f32 v3, v4;
	_ =	sdelay $0x1  }
0x52a: {  	[tilespmem:v6+s19+$0x0] =	vst.idx.msk $0xffff, v3  }
0x52b: {  	s16 =	sadd.s32 $0xFFFFFFFC, s6;
	v3 =	vld.idx.msk [tilespmem:v5+s19+$0x0], $0xffff  }
0x52c: {  	v59 =	vadd.s32 s16, v0  }
0x52d: {  	v6 =	vand.u32 $0x7F, v59  }
0x52e: {  	v6 =	vor.u32 v2, v6;
	_ =	sdelay $0x1  }
0x52f: {  	v3 =	vmul.f32 v3, v4;
	_ =	sdelay $0x1  }
0x530: {  	[tilespmem:v5+s19+$0x0] =	vst.idx.msk $0xffff, v3  }
0x531: {  	s28 =	sadd.s32 $0xFFFFFFFD, s6;
	v3 =	vld.idx.msk [tilespmem:v6+s19+$0x0], $0xffff  }
0x532: {  	v60 =	vadd.s32 s28, v0  }
0x533: {  	v5 =	vand.u32 $0x7F, v60  }
0x534: {  	v5 =	vor.u32 v2, v5;
	_ =	sdelay $0x1  }
0x535: {  	v3 =	vmul.f32 v3, v4;
	_ =	sdelay $0x1  }
0x536: {  	[tilespmem:v6+s19+$0x0] =	vst.idx.msk $0xffff, v3  }
0x537: {  	s29 =	sadd.s32 $0xFFFFFFFE, s6;
	v3 =	vld.idx.msk [tilespmem:v5+s19+$0x0], $0xffff  }
0x538: {  	v61 =	vadd.s32 s29, v0  }
0x539: {  	v6 =	vand.u32 $0x7F, v61  }
0x53a: {  	v6 =	vor.u32 v2, v6;
	_ =	sdelay $0x1  }
0x53b: {  	v3 =	vmul.f32 v3, v4;
	_ =	sdelay $0x1  }
0x53c: {  	[tilespmem:v5+s19+$0x0] =	vst.idx.msk $0xffff, v3  }
0x53d: {  	s31 =	sadd.s32 $0xFFFFFFFF, s6;
	v3 =	vld.idx.msk [tilespmem:v6+s19+$0x0], $0xffff  }
0x53e: {  	v62 =	vadd.s32 s31, v0  }
0x53f: {  	v5 =	vand.u32 $0x7F, v62  }
0x540: {  	v5 =	vor.u32 v2, v5;
	_ =	sdelay $0x1  }
0x541: {  	v3 =	vmul.f32 v3, v4;
	_ =	sdelay $0x1  }
0x542: {  	[tilespmem:v6+s19+$0x0] =	vst.idx.msk $0xffff, v3  }
0x543: {  	v3 =	vld.idx.msk [tilespmem:v5+s19+$0x0], $0xffff  }
0x544: {  	v63 =	vadd.s32 s6, v0  }
0x545: {  	v6 =	vand.u32 $0x7F, v63  }
0x546: {  	v2 =	vor.u32 v2, v6;
	_ =	sdelay $0x1  }
0x547: {  	v3 =	vmul.f32 v3, v4;
	_ =	sdelay $0x1  }
0x548: {  	[tilespmem:v5+s19+$0x0] =	vst.idx.msk $0xffff, v3  }
0x549: {  	v3 =	vld.idx.msk [tilespmem:v2+s19+$0x0], $0xffff  }
0x54a: {  	s0 =	sadd.s32 $0x1, s0  }
0x54b: {  	p0 =	sne.s32 s0, $0x4  }
.Ltmp9:
0x54c: {  	_ = 	snop;
	(pc) =	sbr.rel @p0 .LBB2_16-.Ltmp9, $3  }
0x54d: {  	_ = 	snop  }
0x54e: {  	v3 =	vmul.f32 v3, v4;
	_ =	sdelay $0x1  }
0x54f: {  	[tilespmem:v2+s19+$0x0] =	vst.idx.msk $0xffff, v3  }
0x550: {  	s0 =	simm.s32 $0x700  }
0x551: {  	[spmem:s3] =	stream.indirect.scatter.add.f32 [tilespmem:s19], [sflag:$0x5], $0x80, s0, s17, $0xb8;
	[tilespmem:$0x1F000] =	vst v63  }
0x552: {  	_ =	swait.ge [sflag:s7], $0x2000  }
0x553: {  	[sflag:s7] =	ssyncset.done $0x0  }
0x554: {  	[sflag:s7] =	ssyncadd.s32 $0xFFFFE000  }
0x555: {  	_ =	swait.ge [sflag:s24], $0x2000  }
0x556: {  	[sflag:s24] =	ssyncset.done $0x0  }
0x557: {  	[sflag:s24] =	ssyncadd.s32 $0xFFFFE000  }
0x558: {  	_ =	swait.ge [sflag:s25], $0x2000  }
0x559: {  	[sflag:s25] =	ssyncset.done $0x0  }
0x55a: {  	s0 =	simm.s32 $0x0;
	[sflag:s25] =	ssyncadd.s32 $0xFFFFE000  }
.LBB2_22:
0x55b: {  	s1 =	sshll.u32 s0, $0x4  }
0x55c: {  	s2 =	simm.s32 $0x3;
	v2 =	vmov s1  }
0x55d: {  	s6 =	simm.s32 $0x1;
	v3 =	vadd.s32 s2, v0;
	v2 =	vshll.u32 v2, $0x7  }
0x55e: {  	v4 =	vadd.s32 s6, v0;
	v3 =	vand.u32 $0x7F, v3;
	v2 =	vor.u32 v1, v2  }
0x55f: {  	v4 =	vand.u32 $0x7F, v4;
	v6 =	vor.u32 v2, v3  }
0x560: {  	s28 =	simm.s32 $0x2;
	v4 =	vor.u32 v2, v4  }
0x561: {  	s29 =	simm.s32 $0x6;
	v8 =	vadd.s32 s28, v0  }
0x562: {  	v9 =	vadd.s32 s29, v0;
	v8 =	vand.u32 $0x7F, v8  }
0x563: {  	s10 =	simm.s32 $0x9;
	v5 =	vld [tilespmem:s1+$0x780];
	v9 =	vand.u32 $0x7F, v9;
	v8 =	vor.u32 v2, v8  }
0x564: {  	v19 =	vadd.s32 s10, v0;
	v9 =	vor.u32 v2, v9;
	v10 =	vld.idx.msk [tilespmem:v6+s22+$0x0], $0xffff  }
0x565: {  	v19 =	vand.u32 $0x7F, v19;
	v12 =	vld.idx.msk [tilespmem:v4+s22+$0x0], $0xffff  }
0x566: {  	v19 =	vor.u32 v2, v19;
	v14 =	vld.idx.msk [tilespmem:v6+s23+$0x0], $0xffff  }
0x567: {  	v4 =	vld.idx.msk [tilespmem:v4+s23+$0x0], $0xffff  }
0x568: {  	s16 =	simm.s32 $0x0;
	s31 =	simm.s32 $0x4;
	v3 =	vor.u32 v0, v2;
	v17 =	vld.idx.msk [tilespmem:v8+s22+$0x0], $0xffff  }
0x569: {  	s6 =	simm.s32 $0x5;
	v11 =	vadd.s32 s31, v0;
	v7 =	vor.u32 s16, v3;
	v18 =	vld.idx.msk [tilespmem:v9+s22+$0x0], $0xffff  }
0x56a: {  	v13 =	vadd.s32 s6, v0;
	v6 =	vand.u32 $0x7F, v11;
	v28 =	vld.idx.msk [tilespmem:v9+s23+$0x0], $0xffff  }
0x56b: {  	v11 =	vand.u32 $0x7F, v13;
	v31 =	vld.idx.msk [tilespmem:v19+s22+$0x0], $0xffff;
	v13 =	vor.u32 v2, v6  }
0x56c: {  	s8 =	simm.s32 $0x8;
	v8 =	vld.idx.msk [tilespmem:v8+s23+$0x0], $0xffff;
	v6 =	vor.u32 v2, v11  }
0x56d: {  	v34 =	vld.idx.msk [tilespmem:v19+s23+$0x0], $0xffff;
	v11 =	vadd.s32 s8, v0  }
0x56e: {  	s14 =	simm.s32 $0xB;
	v15 =	vld.idx.msk [tilespmem:v7+s22+$0x0], $0xffff;
	v11 =	vand.u32 $0x7F, v11  }
0x56f: {  	s9 =	simm.s32 $0x7;
	v25 =	vimm.f32 $0.0e+00;
	v20 =	vadd.s32 s14, v0;
	s16 =	simm.s32 $0xA;
	v7 =	vld.idx.msk [tilespmem:v7+s23+$0x0], $0xffff;
	v11 =	vor.u32 v2, v11  }
0x570: {  	v16 =	vadd.s32 s9, v0;
	v20 =	vand.u32 $0x7F, v20;
	v9 =	vadd.s32 s16, v0;
	v21 =	vld.idx.msk [tilespmem:v13+s23+$0x0], $0xffff  }
0x571: {  	v16 =	vand.u32 $0x7F, v16;
	v20 =	vor.u32 v2, v20;
	v9 =	vand.u32 $0x7F, v9;
	v22 =	vld.idx.msk [tilespmem:v6+s22+$0x0], $0xffff  }
0x572: {  	s13 =	simm.s32 $0xD;
	v16 =	vor.u32 v2, v16;
	v32 =	vor.u32 v2, v9;
	v30 =	vmul.f32 v10, v14;
	v23 =	vld.idx.msk [tilespmem:v6+s23+$0x0], $0xffff  }
0x573: {  	s28 =	simm.s32 $0xC;
	v10 =	vmul.f32 v4, v4;
	v14 =	vmul.f32 v14, v14;
	v6 =	vadd.s32 s13, v0;
	v36 =	vld.idx.msk [tilespmem:v13+s22+$0x0], $0xffff  }
0x574: {  	s29 =	simm.s32 $0xF;
	v4 =	vmul.f32 v12, v4;
	v12 =	vadd.s32 s28, v0;
	v6 =	vand.u32 $0x7F, v6;
	v27 =	vld.idx.msk [tilespmem:v11+s22+$0x0], $0xffff  }
0x575: {  	v9 =	vand.u32 $0x7F, v12;
	v12 =	vadd.s32 s29, v0;
	v29 =	vld.idx.msk [tilespmem:v11+s23+$0x0], $0xffff;
	v11 =	vor.u32 v2, v6  }
0x576: {  	v26 =	vmul.f32 v15, v7;
	v24 =	vmul.f32 v7, v7;
	v15 =	vand.u32 $0x7F, v12;
	v12 =	vld.idx.msk [tilespmem:v20+s23+$0x0], $0xffff  }
0x577: {  	v37 =	vmul.f32 v8, v8;
	v13 =	vmul.f32 v17, v8;
	v10 =	vadd.f32 v10, v25;
	v20 =	vld.idx.msk [tilespmem:v20+s22+$0x0], $0xffff  }
0x578: {  	s31 =	simm.s32 $0xE;
	v19 =	vor.u32 v2, v9;
	v9 =	vmul.f32 v18, v28;
	v18 =	vadd.f32 v24, v25;
	v24 =	vld.idx.msk [tilespmem:v16+s23+$0x0], $0xffff  }
0x579: {  	v4 =	vadd.f32 v4, v25;
	v6 =	vld.idx.msk [tilespmem:v16+s22+$0x0], $0xffff;
	v14 =	vadd.f32 v14, v10;
	v10 =	vadd.s32 s31, v0  }
0x57a: {  	v7 =	vor.u32 v2, v15;
	v8 =	vadd.f32 v26, v25;
	v10 =	vand.u32 $0x7F, v10;
	v33 =	vld.idx.msk [tilespmem:v11+s23+$0x0], $0xffff  }
0x57b: {  	v15 =	vmul.f32 v21, v21;
	v25 =	vor.u32 v2, v10;
	v35 =	vld.idx.msk [tilespmem:v11+s22+$0x0], $0xffff;
	v11 =	vmul.f32 v23, v23  }
0x57c: {  	v16 =	vld.idx.msk [tilespmem:v32+s22+$0x0], $0xffff;
	v4 =	vadd.f32 v30, v4;
	v10 =	vmul.f32 v29, v29;
	v23 =	vmul.f32 v22, v23  }
0x57d: {  	v17 =	vld.idx.msk [tilespmem:v19+s22+$0x0], $0xffff;
	v22 =	vmul.f32 v34, v34;
	v30 =	vmul.f32 v24, v24;
	v26 =	vadd.f32 v11, v14  }
0x57e: {  	v19 =	vld.idx.msk [tilespmem:v19+s23+$0x0], $0xffff;
	v14 =	vmul.f32 v28, v28;
	v28 =	vadd.f32 v13, v8;
	v8 =	vmul.f32 v27, v29  }
0x57f: {  	v13 =	vmul.f32 v31, v34;
	v27 =	vadd.f32 v37, v18;
	v29 =	vmul.f32 v36, v21;
	v18 =	vld.idx.msk [tilespmem:v32+s23+$0x0], $0xffff  }
0x580: {  	s6 =	simm.s32 $0x0;
	s8 =	simm.s32 $0x1F;
	v21 =	vadd.f32 v23, v4;
	v23 =	vld.idx.msk [tilespmem:v25+s23+$0x0], $0xffff;
	v11 =	vmul.f32 v33, v33;
	v4 =	vmul.f32 v35, v33  }
.LBB2_23:
0x581: {  	s1 =	sadd.s32 $0xFFFFFFF2, s8;
	s2 =	sadd.s32 $0xFFFFFFF4, s8;
	s9 =	sadd.s32 $0xFFFFFFF6, s8;
	v28 =	vadd.f32 v29, v28;
	v6 =	vmul.f32 v6, v24;
	v24 =	vmul.f32 v12, v12;
	v25 =	vld.idx.msk [tilespmem:v25+s22+$0x0], $0xffff  }
0x582: {  	s10 =	sadd.s32 $0xFFFFFFFA, s8;
	v12 =	vmul.f32 v20, v12;
	v29 =	vadd.s32 s1, v0;
	v31 =	vadd.s32 s2, v0;
	s2 =	sadd.s32 $0xFFFFFFF5, s8;
	s1 =	sadd.s32 $0xFFFFFFFE, s8;
	v20 =	vld.idx.msk [tilespmem:v7+s23+$0x0], $0xffff  }
0x583: {  	s13 =	sadd.s32 $0xFFFFFFF8, s8;
	s6 =	sadd.s32 $0x2, s6;
	v32 =	vmul.f32 v19, v19;
	v29 =	vand.u32 $0x7F, v29;
	v31 =	vand.u32 $0x7F, v31  }
0x584: {  	s14 =	sadd.s32 $0xFFFFFFF1, s8;
	s16 =	sadd.s32 $0xFFFFFFF3, s8;
	p0 =	slt.u32 s6, $0xE;
	v26 =	vadd.f32 v30, v26;
	v29 =	vor.u32 v2, v29;
	v31 =	vor.u32 v2, v31  }
0x585: {  	v30 =	vor.u32 s14, v3;
	v33 =	vadd.s32 s13, v0;
	v17 =	vmul.f32 v17, v19  }
0x586: {  	v19 =	vadd.s32 s16, v0;
	v34 =	vadd.s32 s2, v0;
	v35 =	vmul.f32 v23, v23  }
0x587: {  	v36 =	vadd.s32 s9, v0;
	s2 =	sadd.s32 $0xFFFFFFF7, s8;
	v33 =	vand.u32 $0x7F, v33;
	v37 =	vmul.f32 v18, v18  }
0x588: {  	v36 =	vand.u32 $0x7F, v36;
	v38 =	vadd.s32 s2, v0;
	v23 =	vmul.f32 v25, v23;
	v7 =	vld.idx.msk [tilespmem:v7+s22+$0x0], $0xffff  }
0x589: {  	v15 =	vadd.f32 v15, v27;
	v19 =	vand.u32 $0x7F, v19;
	v38 =	vand.u32 $0x7F, v38;
	v25 =	vld.idx.msk [tilespmem:v31+s22+$0x0], $0xffff  }
0x58a: {  	v6 =	vadd.f32 v6, v21;
	v19 =	vor.u32 v2, v19;
	v38 =	vor.u32 v2, v38;
	v27 =	vld.idx.msk [tilespmem:v29+s22+$0x0], $0xffff  }
0x58b: {  	v16 =	vmul.f32 v16, v18;
	v21 =	vld.idx.msk [tilespmem:v31+s23+$0x0], $0xffff;
	v31 =	vand.u32 $0x7F, v34;
	v34 =	vadd.s32 s10, v0  }
0x58c: {  	v9 =	vadd.f32 v9, v28;
	s2 =	sadd.s32 $0xFFFFFFF9, s8;
	v22 =	vadd.f32 v22, v26;
	v18 =	vld.idx.msk [tilespmem:v29+s23+$0x0], $0xffff;
	v29 =	vor.u32 v2, v31  }
0x58d: {  	v28 =	vor.u32 v2, v36;
	v6 =	vadd.f32 v13, v6;
	v31 =	vadd.s32 s2, v0;
	s2 =	sadd.s32 $0xFFFFFFFC, s8;
	v26 =	vld.idx.msk [tilespmem:v30+s22+$0x0], $0xffff  }
0x58e: {  	v22 =	vadd.f32 v24, v22;
	v31 =	vand.u32 $0x7F, v31;
	v13 =	vld.idx.msk [tilespmem:v30+s23+$0x0], $0xffff;
	v30 =	vor.u32 v2, v33  }
0x58f: {  	v36 =	vmul.f32 v20, v20;
	v31 =	vor.u32 v2, v31;
	v33 =	vadd.s32 s2, v0;
	v24 =	vld.idx.msk [tilespmem:v19+s22+$0x0], $0xffff  }
0x590: {  	v34 =	vand.u32 $0x7F, v34;
	v20 =	vmul.f32 v7, v20;
	v33 =	vand.u32 $0x7F, v33;
	v39 =	vld.idx.msk [tilespmem:v38+s22+$0x0], $0xffff  }
0x591: {  	v7 =	vadd.f32 v14, v15;
	v14 =	vadd.f32 v12, v6;
	v40 =	vmul.f32 v25, v21;
	v41 =	vld.idx.msk [tilespmem:v29+s23+$0x0], $0xffff  }
0x592: {  	v11 =	vadd.f32 v11, v22;
	v15 =	vor.u32 v2, v34;
	s2 =	sadd.s32 $0xFFFFFFFB, s8;
	v25 =	vor.u32 v2, v33;
	v42 =	vld.idx.msk [tilespmem:v28+s22+$0x0], $0xffff  }
0x593: {  	v8 =	vadd.f32 v8, v9;
	v6 =	vadd.s32 s1, v0;
	v12 =	vadd.s32 s2, v0;
	v22 =	vld.idx.msk [tilespmem:v28+s23+$0x0], $0xffff  }
0x594: {  	v6 =	vand.u32 $0x7F, v6;
	v7 =	vadd.f32 v10, v7;
	v9 =	vmul.f32 v18, v18;
	v33 =	vld.idx.msk [tilespmem:v31+s22+$0x0], $0xffff  }
0x595: {  	v8 =	vadd.f32 v16, v8;
	v10 =	vmul.f32 v21, v21;
	v28 =	vor.u32 v2, v6;
	v21 =	vld.idx.msk [tilespmem:v31+s23+$0x0], $0xffff  }
0x596: {  	v11 =	vadd.f32 v36, v11;
	s1 =	sadd.s32 $0xFFFFFFFD, s8;
	v16 =	vmul.f32 v27, v18;
	v7 =	vadd.f32 v37, v7;
	v6 =	vld.idx.msk [tilespmem:v30+s22+$0x0], $0xffff  }
0x597: {  	v8 =	vadd.f32 v17, v8;
	v12 =	vand.u32 $0x7F, v12;
	v27 =	vadd.s32 s1, v0;
	v18 =	vld.idx.msk [tilespmem:v38+s23+$0x0], $0xffff  }
0x598: {  	v34 =	vor.u32 v2, v12;
	v17 =	vand.u32 $0x7F, v27;
	v27 =	vadd.f32 v32, v7;
	v31 =	vld.idx.msk [tilespmem:v15+s22+$0x0], $0xffff  }
0x599: {  	v26 =	vmul.f32 v26, v13;
	v9 =	vadd.f32 v9, v11;
	v7 =	vadd.s32 s8, v0;
	v11 =	vld.idx.msk [tilespmem:v19+s23+$0x0], $0xffff  }
0x59a: {  	v8 =	vadd.f32 v23, v8;
	v13 =	vmul.f32 v13, v13;
	v7 =	vand.u32 $0x7F, v7;
	v32 =	vld.idx.msk [tilespmem:v28+s23+$0x0], $0xffff  }
0x59b: {  	v4 =	vadd.f32 v4, v14;
	s1 =	sadd.s32 $0xFFFFFFFF, s8;
	v7 =	vor.u32 v2, v7;
	v14 =	vadd.f32 v35, v27;
	v12 =	vld.idx.msk [tilespmem:v25+s23+$0x0], $0xffff  }
0x59c: {  	v27 =	vor.u32 v2, v17;
	v19 =	vadd.f32 v10, v9;
	v10 =	vadd.s32 s1, v0;
	v23 =	vld.idx.msk [tilespmem:v15+s23+$0x0], $0xffff  }
0x59d: {  	v4 =	vadd.f32 v20, v4;
	v15 =	vmul.f32 v41, v41;
	v9 =	vmul.f32 v39, v18;
	v35 =	vld.idx.msk [tilespmem:v28+s22+$0x0], $0xffff  }
0x59e: {  	v36 =	vadd.f32 v13, v14;
	v13 =	vmul.f32 v22, v22;
	v14 =	vand.u32 $0x7F, v10;
	v29 =	vld.idx.msk [tilespmem:v29+s22+$0x0], $0xffff  }
0x59f: {  	v4 =	vadd.f32 v16, v4;
	v16 =	vmul.f32 v24, v11;
	v37 =	vmul.f32 v11, v11;
	v24 =	vld.idx.msk [tilespmem:v30+s23+$0x0], $0xffff  }
0x5a0: {  	v8 =	vadd.f32 v26, v8;
	v10 =	vmul.f32 v21, v21;
	v20 =	vld.idx.msk [tilespmem:v25+s22+$0x0], $0xffff;
	v25 =	vor.u32 v2, v14  }
.Ltmp10:
0x5a1: {  	v26 =	vadd.f32 v13, v19;
	v11 =	vmul.f32 v32, v32;
	v14 =	vmul.f32 v18, v18;
	v17 =	vld.idx.msk [tilespmem:v27+s22+$0x0], $0xffff;
	(pc) =	sbr.rel @p0 .LBB2_23-.Ltmp10, $4  }
0x5a2: {  	v28 =	vadd.f32 v16, v8;
	v8 =	vmul.f32 v33, v21;
	v13 =	vmul.f32 v31, v23;
	v19 =	vld.idx.msk [tilespmem:v27+s23+$0x0], $0xffff  }
0x5a3: {  	v4 =	vadd.f32 v40, v4;
	v21 =	vmul.f32 v42, v22;
	v22 =	vmul.f32 v23, v23;
	v16 =	vld.idx.msk [tilespmem:v34+s22+$0x0], $0xffff  }
0x5a4: {  	v27 =	vadd.f32 v37, v36;
	v29 =	vmul.f32 v29, v41;
	v18 =	vld.idx.msk [tilespmem:v34+s23+$0x0], $0xffff  }
0x5a5: {  	s8 =	sadd.s32 $0x10, s8;
	v21 =	vadd.f32 v21, v4;
	v4 =	vmul.f32 v35, v32;
	v30 =	vmul.f32 v24, v24;
	v23 =	vld.idx.msk [tilespmem:v25+s23+$0x0], $0xffff  }
0x5a6: {  	_ = 	snop  }
0x5a7: {  	v15 =	vadd.f32 v15, v27;
	_ =	sdelay $0x1  }
0x5a8: {  	v26 =	vadd.f32 v30, v26;
	v14 =	vadd.f32 v14, v15  }
0x5a9: {  	v51 =	vmul.f32 v12, v12;
	v52 =	vld.idx.msk [tilespmem:v7+s23+$0x0], $0xffff  }
0x5aa: {  	v53 =	vmul.f32 v18, v18;
	v22 =	vadd.f32 v22, v26;
	v10 =	vadd.f32 v10, v14;
	_ =	sdelay $0x1  }
0x5ab: {  	v54 =	vmul.f32 v19, v19;
	v15 =	vadd.f32 v51, v22;
	v10 =	vadd.f32 v53, v10  }
0x5ac: {  	v55 =	vmul.f32 v23, v23  }
0x5ad: {  	v56 =	vmul.f32 v52, v52;
	v11 =	vadd.f32 v11, v15;
	v10 =	vadd.f32 v54, v10;
	_ =	sdelay $0x1  }
0x5ae: {  	v11 =	vadd.f32 v56, v11;
	v10 =	vadd.f32 v55, v10;
	_ =	sdelay $0x1  }
0x5af: {  	v10 =	vadd.f32 v11, v10;
	_ =	sdelay $0x1  }
0x5b0: {  	v11 =	vshrl.u32 v10, $0x1;
	v10 =	vmul.f32 $5.000000000e-01, v10  }
0x5b1: {  	v11 =	vsub.s32 $0x5F3759DF, v11  }
0x5b2: {  	v57 =	vmul.f32 v11, v10;
	_ =	sdelay $0x1  }
0x5b3: {  	v14 =	vmul.f32 v11, v57;
	_ =	sdelay $0x1  }
0x5b4: {  	v14 =	vsub.f32 $1.500000000e+00, v14;
	_ =	sdelay $0x1  }
0x5b5: {  	v11 =	vmul.f32 v11, v14;
	_ =	sdelay $0x1  }
0x5b6: {  	v14 =	vmul.f32 v11, v10  }
0x5b7: {  	v58 =	vadd.f32 v29, v28  }
0x5b8: {  	v6 =	vmul.f32 v6, v24;
	v14 =	vmul.f32 v14, v11  }
0x5b9: {  	v9 =	vadd.f32 v9, v58  }
0x5ba: {  	v59 =	vld.idx.msk [tilespmem:v25+s22+$0x0], $0xffff;
	v6 =	vadd.f32 v6, v21;
	v14 =	vsub.f32 $1.500000000e+00, v14  }
0x5bb: {  	v7 =	vld.idx.msk [tilespmem:v7+s22+$0x0], $0xffff;
	v16 =	vmul.f32 v16, v18;
	v8 =	vadd.f32 v8, v9  }
0x5bc: {  	v60 =	vmul.f32 v20, v12;
	v6 =	vadd.f32 v13, v6;
	v11 =	vmul.f32 v14, v11  }
0x5bd: {  	v61 =	vmul.f32 v17, v19;
	v8 =	vadd.f32 v16, v8  }
0x5be: {  	v6 =	vadd.f32 v60, v6;
	v62 =	vmul.f32 v11, v10  }
0x5bf: {  	v63 =	vmul.f32 v59, v23;
	v8 =	vadd.f32 v61, v8  }
0x5c0: {  	v7 =	vmul.f32 v7, v52;
	v4 =	vadd.f32 v4, v6;
	v6 =	vmul.f32 v62, v11  }
0x5c1: {  	v8 =	vadd.f32 v63, v8  }
0x5c2: {  	v4 =	vadd.f32 v7, v4;
	v6 =	vsub.f32 $1.500000000e+00, v6;
	_ =	sdelay $0x1  }
0x5c3: {  	v4 =	vadd.f32 v4, v8;
	v6 =	vmul.f32 v6, v11;
	_ =	sdelay $0x1  }
0x5c4: {  	v4 =	vmul.f32 v6, v4;
	_ =	sdelay $0x1  }
0x5c5: {  	v4 =	vmul.f32 $1.442695020e+00, v4;
	_ =	sdelay $0x1  }
0x5c6: {  	(erf) = vpow2.f32 v4;
	_ =	sdelay $0x8  }
0x5c7: {  	v4 =	vpop (erf)  }
0x5c8: {  	[tilespmem:v5+s5+$0x0] =	vst.idx.add.f32.msk $0x1, v4  }
0x5c9: {  	[tilespmem:v5+s5+$0x0] =	vst.idx.add.f32.msk vm0, v4  }
0x5ca: {  	[tilespmem:v5+s5+$0x0] =	vst.idx.add.f32.msk vm1, v4  }
0x5cb: {  	[tilespmem:v5+s5+$0x0] =	vst.idx.add.f32.msk vm2, v4  }
0x5cc: {  	[tilespmem:v5+s5+$0x0] =	vst.idx.add.f32.msk vm3, v4  }
0x5cd: {  	[tilespmem:v5+s5+$0x0] =	vst.idx.add.f32.msk vm4, v4  }
0x5ce: {  	[tilespmem:v5+s5+$0x0] =	vst.idx.add.f32.msk vm5, v4  }
0x5cf: {  	[tilespmem:v5+s5+$0x0] =	vst.idx.add.f32.msk vm6, v4  }
0x5d0: {  	[tilespmem:v5+s5+$0x0] =	vst.idx.add.f32.msk vm7, v4  }
0x5d1: {  	[tilespmem:v5+s5+$0x0] =	vst.idx.add.f32.msk vm8, v4  }
0x5d2: {  	s1 =	simm.s32 $0x0;
	[tilespmem:v5+s5+$0x0] =	vst.idx.add.f32.msk vm9, v4  }
0x5d3: {  	v6 =	vor.u32 s1, v3;
	[tilespmem:v5+s5+$0x0] =	vst.idx.add.f32.msk vm10, v4  }
0x5d4: {  	[tilespmem:v5+s5+$0x0] =	vst.idx.add.f32.msk vm11, v4  }
0x5d5: {  	[tilespmem:v5+s5+$0x0] =	vst.idx.add.f32.msk vm12, v4  }
0x5d6: {  	[tilespmem:v5+s5+$0x0] =	vst.idx.add.f32.msk vm13, v4  }
0x5d7: {  	[tilespmem:v5+s5+$0x0] =	vst.idx.add.f32.msk vm14, v4  }
0x5d8: {  	s14 =	simm.s32 $0x1;
	v5 =	vld.idx.msk [tilespmem:v6+s23+$0x0], $0xffff  }
0x5d9: {  	v7 =	vadd.s32 s14, v0  }
0x5da: {  	v7 =	vand.u32 $0x7F, v7  }
0x5db: {  	v7 =	vor.u32 v2, v7;
	_ =	sdelay $0x1  }
0x5dc: {  	v5 =	vmul.f32 v5, v4;
	_ =	sdelay $0x1  }
0x5dd: {  	[tilespmem:v6+s23+$0x0] =	vst.idx.msk $0xffff, v5  }
0x5de: {  	s16 =	simm.s32 $0x2;
	v5 =	vld.idx.msk [tilespmem:v7+s23+$0x0], $0xffff  }
0x5df: {  	v6 =	vadd.s32 s16, v0  }
0x5e0: {  	v6 =	vand.u32 $0x7F, v6  }
0x5e1: {  	v6 =	vor.u32 v2, v6;
	_ =	sdelay $0x1  }
0x5e2: {  	v5 =	vmul.f32 v5, v4;
	_ =	sdelay $0x1  }
0x5e3: {  	[tilespmem:v7+s23+$0x0] =	vst.idx.msk $0xffff, v5  }
0x5e4: {  	s28 =	simm.s32 $0x3;
	v5 =	vld.idx.msk [tilespmem:v6+s23+$0x0], $0xffff  }
0x5e5: {  	v7 =	vadd.s32 s28, v0  }
0x5e6: {  	v7 =	vand.u32 $0x7F, v7  }
0x5e7: {  	v7 =	vor.u32 v2, v7;
	_ =	sdelay $0x1  }
0x5e8: {  	v5 =	vmul.f32 v5, v4;
	_ =	sdelay $0x1  }
0x5e9: {  	[tilespmem:v6+s23+$0x0] =	vst.idx.msk $0xffff, v5  }
0x5ea: {  	s29 =	simm.s32 $0x4;
	v5 =	vld.idx.msk [tilespmem:v7+s23+$0x0], $0xffff  }
0x5eb: {  	v6 =	vadd.s32 s29, v0  }
0x5ec: {  	v6 =	vand.u32 $0x7F, v6  }
0x5ed: {  	v6 =	vor.u32 v2, v6;
	_ =	sdelay $0x1  }
0x5ee: {  	v5 =	vmul.f32 v5, v4;
	_ =	sdelay $0x1  }
0x5ef: {  	[tilespmem:v7+s23+$0x0] =	vst.idx.msk $0xffff, v5  }
0x5f0: {  	s31 =	simm.s32 $0x5;
	v5 =	vld.idx.msk [tilespmem:v6+s23+$0x0], $0xffff  }
0x5f1: {  	v7 =	vadd.s32 s31, v0  }
0x5f2: {  	v7 =	vand.u32 $0x7F, v7  }
0x5f3: {  	v7 =	vor.u32 v2, v7;
	_ =	sdelay $0x1  }
0x5f4: {  	v5 =	vmul.f32 v5, v4;
	_ =	sdelay $0x1  }
0x5f5: {  	[tilespmem:v6+s23+$0x0] =	vst.idx.msk $0xffff, v5  }
0x5f6: {  	s2 =	simm.s32 $0x6;
	v5 =	vld.idx.msk [tilespmem:v7+s23+$0x0], $0xffff  }
0x5f7: {  	v6 =	vadd.s32 s2, v0  }
0x5f8: {  	v6 =	vand.u32 $0x7F, v6  }
0x5f9: {  	v6 =	vor.u32 v2, v6;
	_ =	sdelay $0x1  }
0x5fa: {  	v5 =	vmul.f32 v5, v4;
	_ =	sdelay $0x1  }
0x5fb: {  	[tilespmem:v7+s23+$0x0] =	vst.idx.msk $0xffff, v5  }
0x5fc: {  	s6 =	simm.s32 $0x7;
	v5 =	vld.idx.msk [tilespmem:v6+s23+$0x0], $0xffff  }
0x5fd: {  	v7 =	vadd.s32 s6, v0  }
0x5fe: {  	v7 =	vand.u32 $0x7F, v7  }
0x5ff: {  	v7 =	vor.u32 v2, v7;
	_ =	sdelay $0x1  }
0x600: {  	v5 =	vmul.f32 v5, v4;
	_ =	sdelay $0x1  }
0x601: {  	[tilespmem:v6+s23+$0x0] =	vst.idx.msk $0xffff, v5  }
0x602: {  	s8 =	simm.s32 $0x8;
	v5 =	vld.idx.msk [tilespmem:v7+s23+$0x0], $0xffff  }
0x603: {  	v6 =	vadd.s32 s8, v0  }
0x604: {  	v6 =	vand.u32 $0x7F, v6  }
0x605: {  	v6 =	vor.u32 v2, v6;
	_ =	sdelay $0x1  }
0x606: {  	v5 =	vmul.f32 v5, v4;
	_ =	sdelay $0x1  }
0x607: {  	[tilespmem:v7+s23+$0x0] =	vst.idx.msk $0xffff, v5  }
0x608: {  	s9 =	simm.s32 $0x9;
	v5 =	vld.idx.msk [tilespmem:v6+s23+$0x0], $0xffff  }
0x609: {  	v7 =	vadd.s32 s9, v0  }
0x60a: {  	v7 =	vand.u32 $0x7F, v7  }
0x60b: {  	v7 =	vor.u32 v2, v7;
	_ =	sdelay $0x1  }
0x60c: {  	v5 =	vmul.f32 v5, v4;
	_ =	sdelay $0x1  }
0x60d: {  	[tilespmem:v6+s23+$0x0] =	vst.idx.msk $0xffff, v5  }
0x60e: {  	s10 =	simm.s32 $0xA;
	v5 =	vld.idx.msk [tilespmem:v7+s23+$0x0], $0xffff  }
0x60f: {  	v6 =	vadd.s32 s10, v0  }
0x610: {  	v6 =	vand.u32 $0x7F, v6  }
0x611: {  	v6 =	vor.u32 v2, v6;
	_ =	sdelay $0x1  }
0x612: {  	v5 =	vmul.f32 v5, v4;
	_ =	sdelay $0x1  }
0x613: {  	[tilespmem:v7+s23+$0x0] =	vst.idx.msk $0xffff, v5  }
0x614: {  	s13 =	simm.s32 $0xB;
	v5 =	vld.idx.msk [tilespmem:v6+s23+$0x0], $0xffff  }
0x615: {  	v7 =	vadd.s32 s13, v0  }
0x616: {  	v7 =	vand.u32 $0x7F, v7  }
0x617: {  	v7 =	vor.u32 v2, v7;
	_ =	sdelay $0x1  }
0x618: {  	v5 =	vmul.f32 v5, v4;
	_ =	sdelay $0x1  }
0x619: {  	[tilespmem:v6+s23+$0x0] =	vst.idx.msk $0xffff, v5  }
0x61a: {  	s14 =	simm.s32 $0xC;
	v5 =	vld.idx.msk [tilespmem:v7+s23+$0x0], $0xffff  }
0x61b: {  	v6 =	vadd.s32 s14, v0  }
0x61c: {  	v6 =	vand.u32 $0x7F, v6  }
0x61d: {  	v6 =	vor.u32 v2, v6;
	_ =	sdelay $0x1  }
0x61e: {  	v5 =	vmul.f32 v5, v4;
	_ =	sdelay $0x1  }
0x61f: {  	[tilespmem:v7+s23+$0x0] =	vst.idx.msk $0xffff, v5  }
0x620: {  	s16 =	simm.s32 $0xD;
	v5 =	vld.idx.msk [tilespmem:v6+s23+$0x0], $0xffff  }
0x621: {  	v7 =	vadd.s32 s16, v0  }
0x622: {  	v7 =	vand.u32 $0x7F, v7  }
0x623: {  	v7 =	vor.u32 v2, v7;
	_ =	sdelay $0x1  }
0x624: {  	v5 =	vmul.f32 v5, v4;
	_ =	sdelay $0x1  }
0x625: {  	[tilespmem:v6+s23+$0x0] =	vst.idx.msk $0xffff, v5  }
0x626: {  	s28 =	simm.s32 $0xE;
	v5 =	vld.idx.msk [tilespmem:v7+s23+$0x0], $0xffff  }
0x627: {  	v6 =	vadd.s32 s28, v0  }
0x628: {  	v6 =	vand.u32 $0x7F, v6  }
0x629: {  	v8 =	vor.u32 v2, v6;
	_ =	sdelay $0x1  }
0x62a: {  	v5 =	vmul.f32 v5, v4;
	_ =	sdelay $0x1  }
0x62b: {  	[tilespmem:v7+s23+$0x0] =	vst.idx.msk $0xffff, v5  }
0x62c: {  	s29 =	simm.s32 $0xF;
	v5 =	vld.idx.msk [tilespmem:v8+s23+$0x0], $0xffff  }
0x62d: {  	v6 =	vadd.s32 s29, v0  }
0x62e: {  	v6 =	vand.u32 $0x7F, v6  }
0x62f: {  	v6 =	vor.u32 v2, v6;
	_ =	sdelay $0x1  }
0x630: {  	v5 =	vmul.f32 v5, v4;
	_ =	sdelay $0x1  }
0x631: {  	[tilespmem:v8+s23+$0x0] =	vst.idx.msk $0xffff, v5  }
0x632: {  	v7 =	vld.idx.msk [tilespmem:v6+s23+$0x0], $0xffff;
	_ =	sdelay $0x1  }
0x633: {  	s31 =	simm.s32 $0x10  }
0x634: {  	v5 =	vor.u32 s31, v3;
	_ =	sdelay $0x1  }
0x635: {  	s6 =	simm.s32 $0x1F;
	s8 =	simm.s32 $0x2;
	v7 =	vmul.f32 v7, v4  }
.LBB2_25:
0x636: {  	_ = 	snop  }
0x637: {  	s8 =	sadd.s32 $0x2, s8;
	[tilespmem:v6+s23+$0x0] =	vst.idx.msk $0xffff, v7  }
0x638: {  	p0 =	slt.u32 s8, $0xE;
	v6 =	vld.idx.msk [tilespmem:v5+s23+$0x0], $0xffff  }
0x639: {  	s1 =	sadd.s32 $0xFFFFFFF2, s6  }
0x63a: {  	v7 =	vadd.s32 s1, v0  }
0x63b: {  	v7 =	vand.u32 $0x7F, v7  }
0x63c: {  	v7 =	vor.u32 v2, v7;
	_ =	sdelay $0x1  }
0x63d: {  	v6 =	vmul.f32 v6, v4;
	_ =	sdelay $0x1  }
0x63e: {  	[tilespmem:v5+s23+$0x0] =	vst.idx.msk $0xffff, v6  }
0x63f: {  	v5 =	vld.idx.msk [tilespmem:v7+s23+$0x0], $0xffff  }
0x640: {  	s1 =	sadd.s32 $0xFFFFFFF3, s6  }
0x641: {  	v6 =	vadd.s32 s1, v0  }
0x642: {  	v6 =	vand.u32 $0x7F, v6  }
0x643: {  	v6 =	vor.u32 v2, v6;
	_ =	sdelay $0x1  }
0x644: {  	v5 =	vmul.f32 v5, v4;
	_ =	sdelay $0x1  }
0x645: {  	[tilespmem:v7+s23+$0x0] =	vst.idx.msk $0xffff, v5  }
0x646: {  	v5 =	vld.idx.msk [tilespmem:v6+s23+$0x0], $0xffff  }
0x647: {  	s1 =	sadd.s32 $0xFFFFFFF4, s6  }
0x648: {  	v7 =	vadd.s32 s1, v0  }
0x649: {  	v7 =	vand.u32 $0x7F, v7  }
0x64a: {  	v7 =	vor.u32 v2, v7;
	_ =	sdelay $0x1  }
0x64b: {  	v5 =	vmul.f32 v5, v4;
	_ =	sdelay $0x1  }
0x64c: {  	[tilespmem:v6+s23+$0x0] =	vst.idx.msk $0xffff, v5  }
0x64d: {  	v5 =	vld.idx.msk [tilespmem:v7+s23+$0x0], $0xffff  }
0x64e: {  	s1 =	sadd.s32 $0xFFFFFFF5, s6  }
0x64f: {  	v6 =	vadd.s32 s1, v0  }
0x650: {  	v6 =	vand.u32 $0x7F, v6  }
0x651: {  	v6 =	vor.u32 v2, v6;
	_ =	sdelay $0x1  }
0x652: {  	v5 =	vmul.f32 v5, v4;
	_ =	sdelay $0x1  }
0x653: {  	[tilespmem:v7+s23+$0x0] =	vst.idx.msk $0xffff, v5  }
0x654: {  	v5 =	vld.idx.msk [tilespmem:v6+s23+$0x0], $0xffff  }
0x655: {  	s1 =	sadd.s32 $0xFFFFFFF6, s6  }
0x656: {  	v7 =	vadd.s32 s1, v0  }
0x657: {  	v7 =	vand.u32 $0x7F, v7  }
0x658: {  	v7 =	vor.u32 v2, v7;
	_ =	sdelay $0x1  }
0x659: {  	v5 =	vmul.f32 v5, v4;
	_ =	sdelay $0x1  }
0x65a: {  	[tilespmem:v6+s23+$0x0] =	vst.idx.msk $0xffff, v5  }
0x65b: {  	v5 =	vld.idx.msk [tilespmem:v7+s23+$0x0], $0xffff  }
0x65c: {  	s1 =	sadd.s32 $0xFFFFFFF7, s6  }
0x65d: {  	v6 =	vadd.s32 s1, v0  }
0x65e: {  	v6 =	vand.u32 $0x7F, v6  }
0x65f: {  	v6 =	vor.u32 v2, v6;
	_ =	sdelay $0x1  }
0x660: {  	v5 =	vmul.f32 v5, v4;
	_ =	sdelay $0x1  }
0x661: {  	[tilespmem:v7+s23+$0x0] =	vst.idx.msk $0xffff, v5  }
0x662: {  	v5 =	vld.idx.msk [tilespmem:v6+s23+$0x0], $0xffff  }
0x663: {  	s1 =	sadd.s32 $0xFFFFFFF8, s6  }
0x664: {  	v7 =	vadd.s32 s1, v0  }
0x665: {  	v7 =	vand.u32 $0x7F, v7  }
0x666: {  	v7 =	vor.u32 v2, v7;
	_ =	sdelay $0x1  }
0x667: {  	v5 =	vmul.f32 v5, v4;
	_ =	sdelay $0x1  }
0x668: {  	[tilespmem:v6+s23+$0x0] =	vst.idx.msk $0xffff, v5  }
0x669: {  	v5 =	vld.idx.msk [tilespmem:v7+s23+$0x0], $0xffff  }
0x66a: {  	s1 =	sadd.s32 $0xFFFFFFF9, s6  }
0x66b: {  	v6 =	vadd.s32 s1, v0  }
0x66c: {  	v6 =	vand.u32 $0x7F, v6  }
0x66d: {  	v6 =	vor.u32 v2, v6;
	_ =	sdelay $0x1  }
0x66e: {  	v5 =	vmul.f32 v5, v4;
	_ =	sdelay $0x1  }
0x66f: {  	[tilespmem:v7+s23+$0x0] =	vst.idx.msk $0xffff, v5  }
0x670: {  	v5 =	vld.idx.msk [tilespmem:v6+s23+$0x0], $0xffff  }
0x671: {  	s1 =	sadd.s32 $0xFFFFFFFA, s6  }
0x672: {  	v7 =	vadd.s32 s1, v0  }
0x673: {  	v7 =	vand.u32 $0x7F, v7  }
0x674: {  	v7 =	vor.u32 v2, v7;
	_ =	sdelay $0x1  }
0x675: {  	v5 =	vmul.f32 v5, v4;
	_ =	sdelay $0x1  }
0x676: {  	[tilespmem:v6+s23+$0x0] =	vst.idx.msk $0xffff, v5  }
0x677: {  	v5 =	vld.idx.msk [tilespmem:v7+s23+$0x0], $0xffff  }
0x678: {  	s1 =	sadd.s32 $0xFFFFFFFB, s6  }
0x679: {  	v6 =	vadd.s32 s1, v0  }
0x67a: {  	v6 =	vand.u32 $0x7F, v6  }
0x67b: {  	v6 =	vor.u32 v2, v6;
	_ =	sdelay $0x1  }
0x67c: {  	v5 =	vmul.f32 v5, v4;
	_ =	sdelay $0x1  }
0x67d: {  	[tilespmem:v7+s23+$0x0] =	vst.idx.msk $0xffff, v5  }
0x67e: {  	v5 =	vld.idx.msk [tilespmem:v6+s23+$0x0], $0xffff  }
0x67f: {  	s1 =	sadd.s32 $0xFFFFFFFC, s6  }
0x680: {  	v7 =	vadd.s32 s1, v0  }
0x681: {  	v7 =	vand.u32 $0x7F, v7  }
0x682: {  	v7 =	vor.u32 v2, v7;
	_ =	sdelay $0x1  }
0x683: {  	v5 =	vmul.f32 v5, v4;
	_ =	sdelay $0x1  }
0x684: {  	[tilespmem:v6+s23+$0x0] =	vst.idx.msk $0xffff, v5  }
0x685: {  	v5 =	vld.idx.msk [tilespmem:v7+s23+$0x0], $0xffff  }
0x686: {  	s1 =	sadd.s32 $0xFFFFFFFD, s6  }
0x687: {  	v6 =	vadd.s32 s1, v0  }
0x688: {  	v6 =	vand.u32 $0x7F, v6  }
0x689: {  	v6 =	vor.u32 v2, v6;
	_ =	sdelay $0x1  }
0x68a: {  	v5 =	vmul.f32 v5, v4;
	_ =	sdelay $0x1  }
0x68b: {  	[tilespmem:v7+s23+$0x0] =	vst.idx.msk $0xffff, v5  }
0x68c: {  	v5 =	vld.idx.msk [tilespmem:v6+s23+$0x0], $0xffff  }
0x68d: {  	s1 =	sadd.s32 $0xFFFFFFFE, s6  }
0x68e: {  	v7 =	vadd.s32 s1, v0  }
0x68f: {  	v7 =	vand.u32 $0x7F, v7  }
0x690: {  	v7 =	vor.u32 v2, v7;
	_ =	sdelay $0x1  }
0x691: {  	v5 =	vmul.f32 v5, v4;
	_ =	sdelay $0x1  }
0x692: {  	[tilespmem:v6+s23+$0x0] =	vst.idx.msk $0xffff, v5  }
0x693: {  	v5 =	vld.idx.msk [tilespmem:v7+s23+$0x0], $0xffff  }
0x694: {  	s1 =	sadd.s32 $0xFFFFFFFF, s6  }
0x695: {  	v6 =	vadd.s32 s1, v0  }
0x696: {  	v6 =	vand.u32 $0x7F, v6  }
0x697: {  	v8 =	vor.u32 v2, v6;
	_ =	sdelay $0x1  }
0x698: {  	v5 =	vmul.f32 v5, v4;
	_ =	sdelay $0x1  }
0x699: {  	[tilespmem:v7+s23+$0x0] =	vst.idx.msk $0xffff, v5  }
0x69a: {  	v5 =	vld.idx.msk [tilespmem:v8+s23+$0x0], $0xffff;
	_ =	sdelay $0x1  }
0x69b: {  	v6 =	vadd.s32 s6, v0  }
0x69c: {  	v6 =	vand.u32 $0x7F, v6  }
0x69d: {  	v6 =	vor.u32 v2, v6;
	_ =	sdelay $0x1  }
0x69e: {  	v5 =	vmul.f32 v5, v4;
	_ =	sdelay $0x1  }
0x69f: {  	[tilespmem:v8+s23+$0x0] =	vst.idx.msk $0xffff, v5  }
0x6a0: {  	v7 =	vld.idx.msk [tilespmem:v6+s23+$0x0], $0xffff;
	_ =	sdelay $0x1  }
.Ltmp11:
0x6a1: {  	s6 =	sadd.s32 $0x10, s6;
	(pc) =	sbr.rel @p0 .LBB2_25-.Ltmp11, $3  }
0x6a2: {  	s1 =	sadd.s32 $0xFFFFFFF1, s6  }
0x6a3: {  	v5 =	vor.u32 s1, v3;
	_ =	sdelay $0x1  }
0x6a4: {  	v7 =	vmul.f32 v7, v4  }
0x6a5: {  	_ =	sdelay $0x3  }
0x6a6: {  	[tilespmem:v6+s23+$0x0] =	vst.idx.msk $0xffff, v7  }
0x6a7: {  	s1 =	sadd.s32 $0xFFFFFFF2, s6;
	v3 =	vld.idx.msk [tilespmem:v5+s23+$0x0], $0xffff  }
0x6a8: {  	v49 =	vadd.s32 s1, v0  }
0x6a9: {  	v6 =	vand.u32 $0x7F, v49  }
0x6aa: {  	v6 =	vor.u32 v2, v6;
	_ =	sdelay $0x1  }
0x6ab: {  	v3 =	vmul.f32 v3, v4;
	_ =	sdelay $0x1  }
0x6ac: {  	[tilespmem:v5+s23+$0x0] =	vst.idx.msk $0xffff, v3  }
0x6ad: {  	s28 =	sadd.s32 $0xFFFFFFF3, s6;
	v3 =	vld.idx.msk [tilespmem:v6+s23+$0x0], $0xffff  }
0x6ae: {  	v50 =	vadd.s32 s28, v0  }
0x6af: {  	v5 =	vand.u32 $0x7F, v50  }
0x6b0: {  	v5 =	vor.u32 v2, v5;
	_ =	sdelay $0x1  }
0x6b1: {  	v3 =	vmul.f32 v3, v4;
	_ =	sdelay $0x1  }
0x6b2: {  	[tilespmem:v6+s23+$0x0] =	vst.idx.msk $0xffff, v3  }
0x6b3: {  	s29 =	sadd.s32 $0xFFFFFFF4, s6;
	v3 =	vld.idx.msk [tilespmem:v5+s23+$0x0], $0xffff  }
0x6b4: {  	v51 =	vadd.s32 s29, v0  }
0x6b5: {  	v6 =	vand.u32 $0x7F, v51  }
0x6b6: {  	v6 =	vor.u32 v2, v6;
	_ =	sdelay $0x1  }
0x6b7: {  	v3 =	vmul.f32 v3, v4;
	_ =	sdelay $0x1  }
0x6b8: {  	[tilespmem:v5+s23+$0x0] =	vst.idx.msk $0xffff, v3  }
0x6b9: {  	s31 =	sadd.s32 $0xFFFFFFF5, s6;
	v3 =	vld.idx.msk [tilespmem:v6+s23+$0x0], $0xffff  }
0x6ba: {  	v52 =	vadd.s32 s31, v0  }
0x6bb: {  	v5 =	vand.u32 $0x7F, v52  }
0x6bc: {  	v5 =	vor.u32 v2, v5;
	_ =	sdelay $0x1  }
0x6bd: {  	v3 =	vmul.f32 v3, v4;
	_ =	sdelay $0x1  }
0x6be: {  	[tilespmem:v6+s23+$0x0] =	vst.idx.msk $0xffff, v3  }
0x6bf: {  	s2 =	sadd.s32 $0xFFFFFFF6, s6;
	v3 =	vld.idx.msk [tilespmem:v5+s23+$0x0], $0xffff  }
0x6c0: {  	v53 =	vadd.s32 s2, v0  }
0x6c1: {  	v6 =	vand.u32 $0x7F, v53  }
0x6c2: {  	v6 =	vor.u32 v2, v6;
	_ =	sdelay $0x1  }
0x6c3: {  	v3 =	vmul.f32 v3, v4;
	_ =	sdelay $0x1  }
0x6c4: {  	[tilespmem:v5+s23+$0x0] =	vst.idx.msk $0xffff, v3  }
0x6c5: {  	s8 =	sadd.s32 $0xFFFFFFF7, s6;
	v3 =	vld.idx.msk [tilespmem:v6+s23+$0x0], $0xffff  }
0x6c6: {  	v54 =	vadd.s32 s8, v0  }
0x6c7: {  	v5 =	vand.u32 $0x7F, v54  }
0x6c8: {  	v5 =	vor.u32 v2, v5;
	_ =	sdelay $0x1  }
0x6c9: {  	v3 =	vmul.f32 v3, v4;
	_ =	sdelay $0x1  }
0x6ca: {  	[tilespmem:v6+s23+$0x0] =	vst.idx.msk $0xffff, v3  }
0x6cb: {  	s9 =	sadd.s32 $0xFFFFFFF8, s6;
	v3 =	vld.idx.msk [tilespmem:v5+s23+$0x0], $0xffff  }
0x6cc: {  	v55 =	vadd.s32 s9, v0  }
0x6cd: {  	v6 =	vand.u32 $0x7F, v55  }
0x6ce: {  	v6 =	vor.u32 v2, v6;
	_ =	sdelay $0x1  }
0x6cf: {  	v3 =	vmul.f32 v3, v4;
	_ =	sdelay $0x1  }
0x6d0: {  	[tilespmem:v5+s23+$0x0] =	vst.idx.msk $0xffff, v3  }
0x6d1: {  	s10 =	sadd.s32 $0xFFFFFFF9, s6;
	v3 =	vld.idx.msk [tilespmem:v6+s23+$0x0], $0xffff  }
0x6d2: {  	v56 =	vadd.s32 s10, v0  }
0x6d3: {  	v5 =	vand.u32 $0x7F, v56  }
0x6d4: {  	v5 =	vor.u32 v2, v5;
	_ =	sdelay $0x1  }
0x6d5: {  	v3 =	vmul.f32 v3, v4;
	_ =	sdelay $0x1  }
0x6d6: {  	[tilespmem:v6+s23+$0x0] =	vst.idx.msk $0xffff, v3  }
0x6d7: {  	s13 =	sadd.s32 $0xFFFFFFFA, s6;
	v3 =	vld.idx.msk [tilespmem:v5+s23+$0x0], $0xffff  }
0x6d8: {  	v57 =	vadd.s32 s13, v0  }
0x6d9: {  	v6 =	vand.u32 $0x7F, v57  }
0x6da: {  	v6 =	vor.u32 v2, v6;
	_ =	sdelay $0x1  }
0x6db: {  	v3 =	vmul.f32 v3, v4;
	_ =	sdelay $0x1  }
0x6dc: {  	[tilespmem:v5+s23+$0x0] =	vst.idx.msk $0xffff, v3  }
0x6dd: {  	s14 =	sadd.s32 $0xFFFFFFFB, s6;
	v3 =	vld.idx.msk [tilespmem:v6+s23+$0x0], $0xffff  }
0x6de: {  	v58 =	vadd.s32 s14, v0  }
0x6df: {  	v5 =	vand.u32 $0x7F, v58  }
0x6e0: {  	v5 =	vor.u32 v2, v5;
	_ =	sdelay $0x1  }
0x6e1: {  	v3 =	vmul.f32 v3, v4;
	_ =	sdelay $0x1  }
0x6e2: {  	[tilespmem:v6+s23+$0x0] =	vst.idx.msk $0xffff, v3  }
0x6e3: {  	s16 =	sadd.s32 $0xFFFFFFFC, s6;
	v3 =	vld.idx.msk [tilespmem:v5+s23+$0x0], $0xffff  }
0x6e4: {  	v59 =	vadd.s32 s16, v0  }
0x6e5: {  	v6 =	vand.u32 $0x7F, v59  }
0x6e6: {  	v6 =	vor.u32 v2, v6;
	_ =	sdelay $0x1  }
0x6e7: {  	v3 =	vmul.f32 v3, v4;
	_ =	sdelay $0x1  }
0x6e8: {  	[tilespmem:v5+s23+$0x0] =	vst.idx.msk $0xffff, v3  }
0x6e9: {  	s28 =	sadd.s32 $0xFFFFFFFD, s6;
	v3 =	vld.idx.msk [tilespmem:v6+s23+$0x0], $0xffff  }
0x6ea: {  	v60 =	vadd.s32 s28, v0  }
0x6eb: {  	v5 =	vand.u32 $0x7F, v60  }
0x6ec: {  	v5 =	vor.u32 v2, v5;
	_ =	sdelay $0x1  }
0x6ed: {  	v3 =	vmul.f32 v3, v4;
	_ =	sdelay $0x1  }
0x6ee: {  	[tilespmem:v6+s23+$0x0] =	vst.idx.msk $0xffff, v3  }
0x6ef: {  	s29 =	sadd.s32 $0xFFFFFFFE, s6;
	v3 =	vld.idx.msk [tilespmem:v5+s23+$0x0], $0xffff  }
0x6f0: {  	v61 =	vadd.s32 s29, v0  }
0x6f1: {  	v6 =	vand.u32 $0x7F, v61  }
0x6f2: {  	v6 =	vor.u32 v2, v6;
	_ =	sdelay $0x1  }
0x6f3: {  	v3 =	vmul.f32 v3, v4;
	_ =	sdelay $0x1  }
0x6f4: {  	[tilespmem:v5+s23+$0x0] =	vst.idx.msk $0xffff, v3  }
0x6f5: {  	s31 =	sadd.s32 $0xFFFFFFFF, s6;
	v3 =	vld.idx.msk [tilespmem:v6+s23+$0x0], $0xffff  }
0x6f6: {  	v62 =	vadd.s32 s31, v0  }
0x6f7: {  	v5 =	vand.u32 $0x7F, v62  }
0x6f8: {  	v5 =	vor.u32 v2, v5;
	_ =	sdelay $0x1  }
0x6f9: {  	v3 =	vmul.f32 v3, v4;
	_ =	sdelay $0x1  }
0x6fa: {  	[tilespmem:v6+s23+$0x0] =	vst.idx.msk $0xffff, v3  }
0x6fb: {  	v3 =	vld.idx.msk [tilespmem:v5+s23+$0x0], $0xffff  }
0x6fc: {  	v63 =	vadd.s32 s6, v0  }
0x6fd: {  	v6 =	vand.u32 $0x7F, v63  }
0x6fe: {  	v2 =	vor.u32 v2, v6;
	_ =	sdelay $0x1  }
0x6ff: {  	v3 =	vmul.f32 v3, v4;
	_ =	sdelay $0x1  }
0x700: {  	[tilespmem:v5+s23+$0x0] =	vst.idx.msk $0xffff, v3  }
0x701: {  	v3 =	vld.idx.msk [tilespmem:v2+s23+$0x0], $0xffff  }
0x702: {  	s0 =	sadd.s32 $0x1, s0  }
0x703: {  	p0 =	sne.s32 s0, $0x4  }
.Ltmp12:
0x704: {  	_ = 	snop;
	(pc) =	sbr.rel @p0 .LBB2_22-.Ltmp12, $3  }
0x705: {  	_ = 	snop  }
0x706: {  	v3 =	vmul.f32 v3, v4;
	_ =	sdelay $0x1  }
0x707: {  	[tilespmem:v2+s23+$0x0] =	vst.idx.msk $0xffff, v3  }
0x708: {  	s30 =	sadd.s32 $0x1, s30  }
0x709: {  	p0 =	sne.s32 s30, $0x29  }
.Ltmp13:
0x70a: {  	_ = 	snop;
	(pc) =	sbr.rel @p0 .LBB2_1-.Ltmp13, $4  }
0x70b: {  	[spmem:s3] =	stream.indirect.scatter.add.f32 [tilespmem:s23], [sflag:$0x5], $0x80, s26, s17, $0xb8;
	[tilespmem:$0x1F000] =	vst v63  }
0x70c: {  	_ =	swait.ge [sflag:s7], $0x2000  }
0x70d: {  	[sflag:s7] =	ssyncset.done $0x0  }
0x70e: {  	[sflag:s7] =	ssyncadd.s32 $0xFFFFE000  }
0x70f: {  	s0 =	rddreg [dreg:$0x4]  }
0x710: {  	s1 =	rddreg [dreg:$0x8];
	[bflag:$0x0] =	sbarrier.arrive $0xFFFF  }
0x711: {  	s4 =	stileid.u32;
	s26 =	rddreg [dreg:$0x5]  }
0x712: {  	s29 =	simm.s32 $0x5;
	s0 =	sadd.s32 s1, s0;
	s2 =	rddreg [dreg:$0x6]  }
0x713: {  	[hbm:s0], [sflag:s26] =	dma.local [spmem:s2], $0x2800  }
0x714: {  	s28 =	smul.u32 $0x500, s4;
	_ =	swait.ge [sflag:s29], $0x2800  }
0x715: {  	s31 =	simm.s32 $0x0;
	s30 =	rddreg [dreg:$0x7];
	[sflag:s29] =	ssyncset.done $0x0  }
0x716: {  	s3 =	simm.s32 $0x8800;
	s0 =	sadd.s32 s30, s28;
	[sflag:s29] =	ssyncadd.s32 $0xFFFFD800  }
0x717: {  	[hbm4b:s0+s31] =	stream.linear.scatter [tilespmem:s3], [sflag:$0x5], $0x2800, $0x38;
	[tilespmem:$0x1F000] =	vst v63  }
0x718: {  	_ =	swait.ge [sflag:s29], $0x2800  }
0x719: {  	[sflag:s29] =	ssyncset.done $0x0  }
0x71a: {  	[sflag:s29] =	ssyncadd.s32 $0xFFFFD800  }
0x71b: {  	_ =	sfence.sel $0x180000  }
0x71c: {  	[bflag:$0x0] =	sbarrier.arrive $0xFFFF  }
0x71d: {  	_ =	strace $0x90000047  }
0x71e: {  	[bflag:$0x2] =	sbarrier.arrive $0xFFFF  }
0x71f: {  	p0 =	sne.s32 s4, $0x0;
	s0 =	rddreg [dreg:$0x3]  }
0x720: {  	s0 =	sadd.s32 @!p0 $0x100000, s0  }
0x721: {  	[sflag:s0] =	ssyncadd.tile.s32 @!p0 $0x1;
	_ =	shalt  }
.Lfunc_end2:
_tile_overlayer_lowered:
.L_overlay_start_2:
0x722: {  	(tag) =	ssettag $0x2  }
0x723: {  	s0 =	rddreg [dreg:$0x0];
	s2 =	stileid.u32  }
0x724: {  	s1 =	rddreg [dreg:$0x1];
	p0 =	sne.s32 s2, $0x0  }
0x725: {  	s3 =	rddreg [dreg:$0x2];
	[bflag:$0x3] =	sbarrier.arrive $0xFFFF;
	s2 =	simm.s32 @!p0 $0x1C05  }
0x726: {  	[timem:s3], [sflag:s2] =	dma.local @!p0 [hbm:s0], s1  }
0x727: {  	s0 =	simm.s32 @!p0 $0x5  }
0x728: {  	_ =	swait.ge @!p0 [sflag:s0], s1  }
0x729: {  	s1 =	ssub.s32 @!p0 $0x0, s1;
	[sflag:s0] =	ssyncset.done @!p0 $0x0  }
0x72a: {  	[sflag:s0] =	ssyncadd.s32 @!p0 s1  }
0x72b: {  	[bflag:$0x3] =	sbarrier.arrive $0xFFFF  }
0x72c: {  	_ =	shalt  }

</sc_bundles>
